<compile_context>
chip_gen: v7x
topology: tpu7x:2x2x1
jax: 0.10.2.dev20260603
libtpu: 0.0.44.dev20260713+nightly
codegen_flags: <defaults>
</compile_context>

<pallas_src>
import functools

import jax
import jax.numpy as jnp
from jax import lax
from jax.experimental import pallas as pl
from jax.experimental.pallas import tpu as pltpu
from jax.experimental.pallas import tpu_sc as plsc

N_NODES = 10000
N_EDGES = 320000
D_LAT = 128

NC = 2
NS = 16
NW = NC * NS
CSZ = 128
NCHUNK = 80
EPW = NCHUNK * CSZ
E_PAD = NW * EPW
N_ACC = 10016
TRASH = N_NODES
RPT = 624
REM = N_ACC - NS * RPT
REM_OFF = NS * RPT

F32 = jnp.float32
BF16 = jnp.bfloat16


def _mesh():
    return plsc.VectorSubcoreMesh(
        core_axis_name="c", subcore_axis_name="s", num_cores=NC, num_subcores=NS
    )



@functools.cache
def _build_sc_gather(nchunk):
    epw = nchunk * CSZ
    ne = NW * epw

    @functools.partial(
        pl.kernel,
        out_type=jax.ShapeDtypeStruct((ne, D_LAT), F32),
        mesh=_mesh(),
        scratch_types=[
            pltpu.VMEM((nchunk, CSZ), jnp.int32),
            pltpu.VMEM((nchunk, CSZ), jnp.int32),
            pltpu.VMEM((CSZ, D_LAT), F32),
            pltpu.VMEM((CSZ, D_LAT), F32),
            pltpu.VMEM((CSZ, D_LAT), F32),
            pltpu.VMEM((CSZ, D_LAT), F32),
            pltpu.VMEM((CSZ, D_LAT), F32),
            pltpu.VMEM((CSZ, D_LAT), F32),
            pltpu.SemaphoreType.DMA,
            pltpu.SemaphoreType.DMA,
            pltpu.SemaphoreType.DMA,
            pltpu.SemaphoreType.DMA,
        ],
    )
    def gather(xd_hbm, xs_hbm, dst_hbm, src_hbm, g_hbm,
               idxd_v, idxs_v, r1a, r1b, r2a, r2b, sa, sb,
               gsa, gsb, wsa, wsb):
        wid = lax.axis_index("s") * NC + lax.axis_index("c")
        base = wid * epw
        R1 = (r1a, r1b)
        R2 = (r2a, r2b)
        S = (sa, sb)
        GS = (gsa, gsb)
        WS = (wsa, wsb)
        pltpu.sync_copy(dst_hbm.at[wid], idxd_v)
        pltpu.sync_copy(src_hbm.at[wid], idxs_v)

        def fire_gather(k, b):
            pltpu.async_copy(xd_hbm.at[idxd_v.at[k]], R1[b], GS[b])
            pltpu.async_copy(xs_hbm.at[idxs_v.at[k]], R2[b], GS[b])

        def drain_gather(b):
            pltpu.make_async_copy(xd_hbm.at[idxd_v.at[0]], R1[b], GS[b]).wait()
            pltpu.make_async_copy(xs_hbm.at[idxs_v.at[0]], R2[b], GS[b]).wait()

        def fire_write(k, b):
            off = base + k * CSZ
            pltpu.async_copy(S[b], g_hbm.at[pl.ds(off, CSZ)], WS[b])

        def drain_write(b):
            pltpu.make_async_copy(S[b], g_hbm.at[pl.ds(base, CSZ)], WS[b]).wait()

        def add_rows(b):
            r1 = R1[b]
            r2 = R2[b]
            sm = S[b]

            def row(r, carry):
                for cidx in range(D_LAT // 16):
                    sl = pl.ds(cidx * 16, 16)
                    sm[r, sl] = r1[r, sl] + r2[r, sl]
                return carry

            lax.fori_loop(0, CSZ, row, 0)

        fire_gather(0, 0)

        @pl.loop(0, nchunk, step=2)
        def _pair(j):
            for b in range(2):
                k = j + b
                o = 1 - b
                drain_gather(b)

                @pl.when(k + 1 < nchunk)
                def _():
                    fire_gather(k + 1, o)

                @pl.when(k > 1)
                def _():
                    drain_write(b)

                add_rows(b)
                fire_write(k, b)

        drain_write(0)
        drain_write(1)

    return gather


def _sc_gather(xd, xs, dstg3, srcg3):
    return _build_sc_gather(dstg3.shape[1])(xd, xs, dstg3, srcg3)


@functools.cache
def _build_sc_scatter(nchunk):
    epw = nchunk * CSZ

    @functools.partial(
        pl.kernel,
        out_type=jax.ShapeDtypeStruct((NC, N_ACC, D_LAT), F32),
        mesh=_mesh(),
        scratch_types=[
            pltpu.VMEM((nchunk, CSZ), jnp.int32),
            pltpu.VMEM((CSZ, D_LAT), F32),
            pltpu.VMEM((CSZ, D_LAT), F32),
            pltpu.VMEM_SHARED((N_ACC, D_LAT), F32),
            pltpu.SemaphoreType.DMA,
            pltpu.SemaphoreType.DMA,
            pltpu.SemaphoreType.DMA,
            pltpu.SemaphoreType.DMA,
        ],
    )
    def scatter(e_hbm, dst_hbm, z_hbm, out_hbm,
                idx_v, ra, rb, acc_sh, rsa, rsb, asa, asb):
        c = lax.axis_index("c")
        s = lax.axis_index("s")
        wid = s * NC + c
        base = wid * epw
        R = (ra, rb)
        RS = (rsa, rsb)
        AS = (asa, asb)

        def fire_read(k, b):
            pltpu.async_copy(e_hbm.at[pl.ds(base + k * CSZ, CSZ)], R[b], RS[b])

        def drain_read(b):
            pltpu.make_async_copy(e_hbm.at[pl.ds(base, CSZ)], R[b], RS[b]).wait()

        def fire_add(k, b):
            pltpu.async_copy(R[b], acc_sh.at[idx_v.at[k]], AS[b], add=True)

        def drain_add(b):
            pltpu.make_async_copy(R[b], acc_sh.at[idx_v.at[0]], AS[b]).wait()

        fire_read(0, 0)
        pltpu.sync_copy(dst_hbm.at[wid], idx_v)
        pltpu.sync_copy(z_hbm.at[pl.ds(s * RPT, RPT)],
                        acc_sh.at[pl.ds(s * RPT, RPT)])

        @pl.when(s == NS - 1)
        def _zero_rem():
            pltpu.sync_copy(z_hbm.at[pl.ds(REM_OFF, REM)],
                            acc_sh.at[pl.ds(REM_OFF, REM)])

        plsc.subcore_barrier()

        @pl.loop(0, nchunk, step=2)
        def _pair(j):
            for b in range(2):
                k = j + b
                o = 1 - b
                drain_read(b)

                @pl.when(k > 0)
                def _():
                    drain_add(o)

                @pl.when(k + 1 < nchunk)
                def _():
                    fire_read(k + 1, o)

                fire_add(k, b)

        drain_add((nchunk - 1) % 2)
        plsc.subcore_barrier()
        pltpu.sync_copy(acc_sh.at[pl.ds(s * RPT, RPT)],
                        out_hbm.at[c, pl.ds(s * RPT, RPT)])

        @pl.when(s == NS - 1)
        def _write_rem():
            pltpu.sync_copy(acc_sh.at[pl.ds(REM_OFF, REM)],
                            out_hbm.at[c, pl.ds(REM_OFF, REM)])

    return scatter


def _sc_scatter(e, dsts3, zeros_init):
    return _build_sc_scatter(dsts3.shape[1])(e, dsts3, zeros_init)



T_NODE = 2000
T_EDGE = 2048


def _dot(a, b):
    return jnp.dot(a, b, preferred_element_type=F32)


def _node_enc_body(nf, w1, b1, w2, b2, w3, b3, wd, ws, x_o, xd_o, xs_o):
    h = jnp.maximum(_dot(nf[...], w1[...]) + b1[...], 0.0)
    h = jnp.maximum(_dot(h, w2[...]) + b2[...], 0.0)
    x = _dot(h, w3[...]) + b3[...]
    x_o[...] = x
    xd_o[...] = _dot(x, wd[...])
    xs_o[...] = _dot(x, ws[...])


def _edge_enc_body(ef, w1, b1, w2, b2, w3, b3, e_o):
    h = jnp.maximum(_dot(ef[...], w1[...]) + b1[...], 0.0)
    h = jnp.maximum(_dot(h, w2[...]) + b2[...], 0.0)
    e_o[...] = _dot(h, w3[...]) + b3[...]


def _edge_mlp_body(g, e, we, b1, w2, b2, w3, b3, e_o):
    h = g[...] + _dot(e[...], we[...]) + b1[...]
    h = jnp.maximum(h, 0.0)
    h = jnp.maximum(_dot(h, w2[...]) + b2[...], 0.0)
    e_o[...] = _dot(h, w3[...]) + b3[...]


def _node_upd_proj_body(x, ag, ag2, wnx, wna, b1, w2, b2, w3, b3, wd, ws,
                        x_o, xd_o, xs_o):
    a = ag[0] + ag[1] + ag2[0] + ag2[1]
    h = jnp.maximum(_dot(x[...], wnx[...]) + _dot(a, wna[...]) + b1[...], 0.0)
    h = jnp.maximum(_dot(h, w2[...]) + b2[...], 0.0)
    xn = _dot(h, w3[...]) + b3[...]
    x_o[...] = xn
    xd_o[...] = _dot(xn, wd[...])
    xs_o[...] = _dot(xn, ws[...])


def _node_upd_dec_body(x, ag, ag2, wnx, wna, b1, w2, b2, w3, b3,
                       dw1, db1, dw2, db2, dw3, db3, out_o):
    a = ag[0] + ag[1] + ag2[0] + ag2[1]
    h = jnp.maximum(_dot(x[...], wnx[...]) + _dot(a, wna[...]) + b1[...], 0.0)
    h = jnp.maximum(_dot(h, w2[...]) + b2[...], 0.0)
    xn = _dot(h, w3[...]) + b3[...]
    d = jnp.maximum(_dot(xn, dw1[...]) + db1[...], 0.0)
    d = jnp.maximum(_dot(d, dw2[...]) + db2[...], 0.0)
    out_o[...] = _dot(d, dw3[...]) + db3[...]


def _row_spec(t, width):
    return pl.BlockSpec((t, width), lambda i: (i, 0))


def _w_spec(shape):
    nz = (0,) * len(shape)
    return pl.BlockSpec(shape, lambda i, _nz=nz: _nz)


def _tc_call(body, grid, in_specs, out_specs, out_shape):
    return pl.pallas_call(
        body,
        grid=(grid,),
        in_specs=in_specs,
        out_specs=out_specs,
        out_shape=out_shape,
    )



def _wb(layer):
    return layer["W"], layer["b"].reshape(1, -1)


def kernel(node_features, edge_features, edge_index, params):
    src = edge_index[0]
    dst = edge_index[1]
    npad = E_PAD - N_EDGES
    pad_ids = (jnp.arange(npad, dtype=jnp.int32) * 8) % N_NODES
    eh = E_PAD // 2
    nchunk_h = eh // NW // CSZ
    dstg = jnp.concatenate([dst, pad_ids])
    srcg = jnp.concatenate([src, pad_ids])
    dsts = jnp.concatenate([dst, jnp.full((npad,), TRASH, jnp.int32)])
    dstg3 = [dstg[h * eh:(h + 1) * eh].reshape(NW, nchunk_h, CSZ)
             for h in range(2)]
    srcg3 = [srcg[h * eh:(h + 1) * eh].reshape(NW, nchunk_h, CSZ)
             for h in range(2)]
    dsts3 = [dsts[h * eh:(h + 1) * eh].reshape(NW, nchunk_h, CSZ)
             for h in range(2)]
    ef_pad = jnp.pad(edge_features, ((0, npad), (0, 0)))
    ef_h = [ef_pad[h * eh:(h + 1) * eh] for h in range(2)]
    zeros_init = jnp.zeros((N_ACC, D_LAT), F32)

    en = params["enc_node"]
    ee = params["enc_edge"]
    proc = params["proc"]
    dec = params["dec"]

    def esplit(p):
        w1 = p[0]["W"]
        return w1[0:D_LAT], w1[D_LAT:2 * D_LAT], w1[2 * D_LAT:3 * D_LAT]

    def nsplit(p):
        w1 = p[0]["W"]
        return w1[0:D_LAT], w1[D_LAT:2 * D_LAT]

    wsp = _w_spec((D_LAT, D_LAT))
    bsp = _w_spec((1, D_LAT))

    wd0, ws0, _ = esplit(proc[0]["edge"])
    w1, b1 = _wb(en[0]); w2, b2 = _wb(en[1]); w3, b3 = _wb(en[2])
    ng = N_NODES // T_NODE
    x, xd, xs = _tc_call(
        _node_enc_body, ng,
        [_row_spec(T_NODE, D_LAT)] + [wsp, bsp] * 3 + [wsp, wsp],
        [_row_spec(T_NODE, D_LAT)] * 3,
        [jax.ShapeDtypeStruct((N_NODES, D_LAT), F32)] * 3,
    )(node_features, w1, b1, w2, b2, w3, b3, wd0, ws0)

    w1, b1 = _wb(ee[0]); w2, b2 = _wb(ee[1]); w3, b3 = _wb(ee[2])
    eg = eh // T_EDGE
    e_h = [
        _tc_call(
            _edge_enc_body, eg,
            [_row_spec(T_EDGE, 16), _w_spec((16, D_LAT)), bsp, wsp, bsp,
             wsp, bsp],
            _row_spec(T_EDGE, D_LAT),
            jax.ShapeDtypeStruct((eh, D_LAT), F32),
        )(ef_h[h], w1, b1, w2, b2, w3, b3)
        for h in range(2)
    ]

    n_steps = len(proc)
    out = None
    for i in range(n_steps):
        pe = proc[i]["edge"]
        pn = proc[i]["node"]
        _, _, we = esplit(pe)
        b1e = pe[0]["b"].reshape(1, -1)
        w2e, b2e = _wb(pe[1]); w3e, b3e = _wb(pe[2])

        g_h = [_sc_gather(xd, xs, dstg3[h], srcg3[h]) for h in range(2)]
        ag_h = []
        for h in range(2):
            e_h[h] = _tc_call(
                _edge_mlp_body, eg,
                [_row_spec(T_EDGE, D_LAT)] * 2 + [wsp, bsp, wsp, bsp, wsp,
                                                  bsp],
                _row_spec(T_EDGE, D_LAT),
                jax.ShapeDtypeStruct((eh, D_LAT), F32),
            )(g_h[h], e_h[h], we, b1e, w2e, b2e, w3e, b3e)
            ag_h.append(_sc_scatter(e_h[h], dsts3[h], zeros_init))

        wnx, wna = nsplit(pn)
        b1n = pn[0]["b"].reshape(1, -1)
        w2n, b2n = _wb(pn[1]); w3n, b3n = _wb(pn[2])
        agspec = pl.BlockSpec((NC, T_NODE, D_LAT), lambda i: (0, i, 0))

        if i + 1 < n_steps:
            wd1, ws1, _ = esplit(proc[i + 1]["edge"])
            x, xd, xs = _tc_call(
                _node_upd_proj_body, ng,
                [_row_spec(T_NODE, D_LAT), agspec, agspec,
                 wsp, wsp, bsp, wsp, bsp, wsp, bsp, wsp, wsp],
                [_row_spec(T_NODE, D_LAT)] * 3,
                [jax.ShapeDtypeStruct((N_NODES, D_LAT), F32)] * 3,
            )(x, ag_h[0], ag_h[1], wnx, wna, b1n, w2n, b2n, w3n, b3n,
              wd1, ws1)
        else:
            dw1, db1 = _wb(dec[0]); dw2, db2 = _wb(dec[1]); dw3, db3 = _wb(dec[2])
            out = _tc_call(
                _node_upd_dec_body, ng,
                [_row_spec(T_NODE, D_LAT), agspec, agspec,
                 wsp, wsp, bsp, wsp, bsp, wsp, bsp,
                 wsp, bsp, wsp, bsp, _w_spec((D_LAT, 3)), _w_spec((1, 3))],
                _row_spec(T_NODE, 3),
                jax.ShapeDtypeStruct((N_NODES, 3), F32),
            )(x, ag_h[0], ag_h[1], wnx, wna, b1n, w2n, b2n, w3n, b3n,
              dw1, db1, dw2, db2, dw3, db3)
    return out

# --- scband reference (transcript-rebuilt; emitter-appended) ---
"""Pipeline reference for scband-encoder-processor-decoder-55027120996925 (READ-ONLY COPY).

The authoritative reference and input builder live on the scoring server;
editing this copy changes nothing except your own understanding.
"""

import jax, jax.numpy as jnp
import numpy as np

N_NODES = 10000
N_EDGES = 320000
D_FEAT = 128
D_EDGE = 16
HIDDEN = 128
LATENT = 128
N_HIDDEN_LAYERS = 2
N_STEPS = 2


def _init_mlp(key, in_size, hidden, out_size, n_hidden):
    sizes = [in_size] + [hidden] * n_hidden + [out_size]
    layers = []
    for i in range(len(sizes) - 1):
        key, k1 = jax.random.split(key)
        W = jax.random.normal(k1, (sizes[i], sizes[i + 1]), jnp.float32) * (1.0 / np.sqrt(sizes[i]))
        b = jnp.zeros((sizes[i + 1],), jnp.float32)
        layers.append({"W": W, "b": b})
    return layers


def _mlp(layers, x):
    for l in layers[:-1]:
        x = jax.nn.relu(x @ l["W"] + l["b"])
    l = layers[-1]
    return x @ l["W"] + l["b"]


def setup_inputs(seed: int = 0) -> dict:
    key = jax.random.key(seed)
    k1, k2, k3 = jax.random.split(key, 3)
    node_features = jax.random.normal(k1, (N_NODES, D_FEAT), jnp.float32)
    edge_features = jax.random.normal(k2, (N_EDGES, D_EDGE), jnp.float32)
    edge_index = jax.random.randint(k3, (2, N_EDGES), 0, N_NODES, jnp.int32)

    pk = jax.random.key(1)
    keys = jax.random.split(pk, 3 + 2 * N_STEPS)
    params = {
        "enc_node": _init_mlp(keys[0], D_FEAT, HIDDEN, LATENT, N_HIDDEN_LAYERS),
        "enc_edge": _init_mlp(keys[1], D_EDGE, HIDDEN, LATENT, N_HIDDEN_LAYERS),
        "proc": [
            {
                "edge": _init_mlp(keys[2 + 2 * i], 3 * LATENT, HIDDEN, LATENT, N_HIDDEN_LAYERS),
                "node": _init_mlp(keys[3 + 2 * i], 2 * LATENT, HIDDEN, LATENT, N_HIDDEN_LAYERS),
            }
            for i in range(N_STEPS)
        ],
        "dec": _init_mlp(keys[2 + 2 * N_STEPS], LATENT, HIDDEN, 3, N_HIDDEN_LAYERS),
    }
    return {
        "node_features": node_features,
        "edge_features": edge_features,
        "edge_index": edge_index,
        "params": params,
    }


def reference(node_features, edge_features, edge_index, params):
    src = edge_index[0]
    dst = edge_index[1]
    # Encoder: independent MLPs on nodes and edges
    x = _mlp(params["enc_node"], node_features)
    e = _mlp(params["enc_edge"], edge_features)
    # Processor: message-passing steps
    for p in params["proc"]:
        # edge update: MLP(receiver_emb, sender_emb, edge_emb)
        e = _mlp(p["edge"], jnp.concatenate([x[dst], x[src], e], axis=-1))
        # aggregate messages (updated edge embeddings) into destination nodes, aggr='add'
        aggr = jax.ops.segment_sum(e, dst, num_segments=x.shape[0])
        # node update: MLP(node_emb, aggregated_messages)
        x = _mlp(p["node"], jnp.concatenate([x, aggr], axis=-1))
    # Decoder: per-node MLP -> 3-component accelerations
    accelerations = _mlp(params["dec"], x)
    return accelerations

if __name__ == "__main__":
    import jax
    _d = setup_inputs()
    print(jax.jit(kernel)(*tuple(_d.values())))

</pallas_src>

<mosaic_0001>
#map = affine_map<(d0, d1) -> (0, 0)>
#map1 = affine_map<(d0, d1) -> (0, 0, 0)>
module attributes {stable_mosaic.version = 14 : i64} {
  func.func @scatter(%arg0: i32, %arg1: i32, %arg2: memref<163840x128xf32, #tpu.memory_space<hbm>>, %arg3: memref<32x40x128xi32, #tpu.memory_space<hbm>>, %arg4: memref<10016x128xf32, #tpu.memory_space<hbm>>, %arg5: memref<2x10016x128xf32, #tpu.memory_space<hbm>>, %arg6: memref<40x128xi32, #tpu.memory_space<vmem>>, %arg7: memref<128x128xf32, #tpu.memory_space<vmem>>, %arg8: memref<128x128xf32, #tpu.memory_space<vmem>>, %arg9: memref<10016x128xf32, #tpu.memory_space<vmem_shared>>, %arg10: memref<!tpu.dma_semaphore, #tpu.memory_space<semaphore_mem>>, %arg11: memref<!tpu.dma_semaphore, #tpu.memory_space<semaphore_mem>>, %arg12: memref<!tpu.dma_semaphore, #tpu.memory_space<semaphore_mem>>, %arg13: memref<!tpu.dma_semaphore, #tpu.memory_space<semaphore_mem>>) attributes {dimension_semantics = [#tpu.dimension_semantics<core_parallel>, #tpu.dimension_semantics<subcore_parallel>], iteration_bounds = array<i64: 2, 16>, scalar_prefetch = 0 : i64, scratch_operands = 8 : i64, tpu.core_type = #tpu.core_type<sc_vector_subcore>, window_params = [{transform_indices = #map}, {transform_indices = #map1}, {transform_indices = #map}, {transform_indices = #map1}]} {
    %mul3A = arith.constant 2 : i32
    %mul3A_0 = arith.muli %arg1, %mul3A : i32
    %add3A = arith.addi %mul3A_0, %arg0 : i32
    %mul3A_1 = arith.constant 5120 : i32
    %mul3A_2 = arith.muli %add3A, %mul3A_1 : i32
    %add3A_3 = arith.constant 0 : i32
    %add3A_4 = arith.addi %mul3A_2, %add3A_3 : i32
    %dma_start3A = arith.constant 0 : i32
    %dma_start3A_5 = tpu.memref_slice %arg2[%add3A_4, %dma_start3A] : memref<163840x128xf32, #tpu.memory_space<hbm>> -> memref<128x128xf32, #tpu.memory_space<hbm>>
    %dma_start3A_6 = arith.constant 0 : i32
    %dma_start3A_7 = tpu.memref_slice %arg2[%add3A_4, %dma_start3A_6] : memref<163840x128xf32, #tpu.memory_space<hbm>> -> memref<128x128xf32, #tpu.memory_space<hbm>>
    tpu.enqueue_dma source(%dma_start3A_7 : memref<128x128xf32, #tpu.memory_space<hbm>>) target(%arg7 : memref<128x128xf32, #tpu.memory_space<vmem>>) target_semaphore(%arg10 : memref<!tpu.dma_semaphore, #tpu.memory_space<semaphore_mem>>)
    "tpu.region"() ({
      %run_scoped3A = tpu.sem_alloc : memref<!tpu.dma_semaphore, #tpu.memory_space<semaphore_mem>>
      %dma_start3A_34 = arith.constant 0 : i32
      %dma_start3A_35 = arith.constant 0 : i32
      %dma_start3A_36 = tpu.memref_slice %arg3[%add3A, %dma_start3A_34, %dma_start3A_35] : memref<32x40x128xi32, #tpu.memory_space<hbm>> -> memref<1x40x128xi32, #tpu.memory_space<hbm>>
      %dma_start3A_37 = tpu.memref_squeeze %dma_start3A_36 : memref<1x40x128xi32, #tpu.memory_space<hbm>> -> memref<40x128xi32, #tpu.memory_space<hbm>>
      %dma_start3A_38 = arith.constant 0 : i32
      %dma_start3A_39 = arith.constant 0 : i32
      %dma_start3A_40 = tpu.memref_slice %arg3[%add3A, %dma_start3A_38, %dma_start3A_39] : memref<32x40x128xi32, #tpu.memory_space<hbm>> -> memref<1x40x128xi32, #tpu.memory_space<hbm>>
      %dma_start3A_41 = tpu.memref_squeeze %dma_start3A_40 : memref<1x40x128xi32, #tpu.memory_space<hbm>> -> memref<40x128xi32, #tpu.memory_space<hbm>>
      tpu.enqueue_dma source(%dma_start3A_41 : memref<40x128xi32, #tpu.memory_space<hbm>>) target(%arg6 : memref<40x128xi32, #tpu.memory_space<vmem>>) target_semaphore(%run_scoped3A : memref<!tpu.dma_semaphore, #tpu.memory_space<semaphore_mem>>)
      %dma_wait3A_42 = arith.constant 0 : i32
      %dma_wait3A_43 = arith.constant 0 : i32
      %dma_wait3A_44 = tpu.memref_slice %arg3[%add3A, %dma_wait3A_42, %dma_wait3A_43] : memref<32x40x128xi32, #tpu.memory_space<hbm>> -> memref<1x40x128xi32, #tpu.memory_space<hbm>>
      %dma_wait3A_45 = tpu.memref_squeeze %dma_wait3A_44 : memref<1x40x128xi32, #tpu.memory_space<hbm>> -> memref<40x128xi32, #tpu.memory_space<hbm>>
      %dma_wait3A_46 = arith.constant 0 : i32
      %dma_wait3A_47 = arith.constant 0 : i32
      %dma_wait3A_48 = tpu.memref_slice %arg3[%add3A, %dma_wait3A_46, %dma_wait3A_47] : memref<32x40x128xi32, #tpu.memory_space<hbm>> -> memref<1x40x128xi32, #tpu.memory_space<hbm>>
      %dma_wait3A_49 = tpu.memref_squeeze %dma_wait3A_48 : memref<1x40x128xi32, #tpu.memory_space<hbm>> -> memref<40x128xi32, #tpu.memory_space<hbm>>
      tpu.wait_dma2 semaphore(%run_scoped3A : memref<!tpu.dma_semaphore, #tpu.memory_space<semaphore_mem>>) src(%dma_wait3A_49 : memref<40x128xi32, #tpu.memory_space<hbm>>) dst(%arg6 : memref<40x128xi32, #tpu.memory_space<vmem>>)
      tpu.yield
    }) : () -> ()
    %mul3A_8 = arith.constant 624 : i32
    %mul3A_9 = arith.muli %arg1, %mul3A_8 : i32
    %mul3A_10 = arith.constant 624 : i32
    %mul3A_11 = arith.muli %arg1, %mul3A_10 : i32
    "tpu.region"() ({
      %run_scoped3A = tpu.sem_alloc : memref<!tpu.dma_semaphore, #tpu.memory_space<semaphore_mem>>
      %dma_start3A_34 = arith.constant 0 : i32
      %dma_start3A_35 = tpu.memref_slice %arg9[%mul3A_11, %dma_start3A_34] : memref<10016x128xf32, #tpu.memory_space<vmem_shared>> -> memref<624x128xf32, #tpu.memory_space<vmem_shared>>
      %dma_start3A_36 = arith.constant 0 : i32
      %dma_start3A_37 = tpu.memref_slice %arg4[%mul3A_9, %dma_start3A_36] : memref<10016x128xf32, #tpu.memory_space<hbm>> -> memref<624x128xf32, #tpu.memory_space<hbm>>
      tpu.enqueue_dma source(%dma_start3A_37 : memref<624x128xf32, #tpu.memory_space<hbm>>) target(%dma_start3A_35 : memref<624x128xf32, #tpu.memory_space<vmem_shared>>) target_semaphore(%run_scoped3A : memref<!tpu.dma_semaphore, #tpu.memory_space<semaphore_mem>>)
      %dma_wait3A_38 = arith.constant 0 : i32
      %dma_wait3A_39 = tpu.memref_slice %arg9[%mul3A_11, %dma_wait3A_38] : memref<10016x128xf32, #tpu.memory_space<vmem_shared>> -> memref<624x128xf32, #tpu.memory_space<vmem_shared>>
      %dma_wait3A_40 = arith.constant 0 : i32
      %dma_wait3A_41 = tpu.memref_slice %arg4[%mul3A_9, %dma_wait3A_40] : memref<10016x128xf32, #tpu.memory_space<hbm>> -> memref<624x128xf32, #tpu.memory_space<hbm>>
      tpu.wait_dma2 semaphore(%run_scoped3A : memref<!tpu.dma_semaphore, #tpu.memory_space<semaphore_mem>>) src(%dma_wait3A_41 : memref<624x128xf32, #tpu.memory_space<hbm>>) dst(%dma_wait3A_39 : memref<624x128xf32, #tpu.memory_space<vmem_shared>>)
      tpu.yield
    }) : () -> ()
    %eq3A = arith.constant 15 : i32
    %eq3A_12 = arith.cmpi eq, %arg1, %eq3A : i32
    %convert_element_type3A = arith.extui %eq3A_12 : i1 to i32
    %cond3A = arith.constant 0 : i32
    %cond3A_13 = arith.cmpi ne, %convert_element_type3A, %cond3A : i32
    scf.if %cond3A_13 {
      "tpu.region"() ({
        %run_scoped3A = tpu.sem_alloc : memref<!tpu.dma_semaphore, #tpu.memory_space<semaphore_mem>>
        %dma_start3A_34 = arith.constant 9984 : i32
        %dma_start3A_35 = arith.constant 0 : i32
        %dma_start3A_36 = tpu.memref_slice %arg9[%dma_start3A_34, %dma_start3A_35] : memref<10016x128xf32, #tpu.memory_space<vmem_shared>> -> memref<32x128xf32, #tpu.memory_space<vmem_shared>>
        %dma_start3A_37 = arith.constant 9984 : i32
        %dma_start3A_38 = arith.constant 0 : i32
        %dma_start3A_39 = tpu.memref_slice %arg4[%dma_start3A_37, %dma_start3A_38] : memref<10016x128xf32, #tpu.memory_space<hbm>> -> memref<32x128xf32, #tpu.memory_space<hbm>>
        tpu.enqueue_dma source(%dma_start3A_39 : memref<32x128xf32, #tpu.memory_space<hbm>>) target(%dma_start3A_36 : memref<32x128xf32, #tpu.memory_space<vmem_shared>>) target_semaphore(%run_scoped3A : memref<!tpu.dma_semaphore, #tpu.memory_space<semaphore_mem>>)
        %dma_wait3A_40 = arith.constant 9984 : i32
        %dma_wait3A_41 = arith.constant 0 : i32
        %dma_wait3A_42 = tpu.memref_slice %arg9[%dma_wait3A_40, %dma_wait3A_41] : memref<10016x128xf32, #tpu.memory_space<vmem_shared>> -> memref<32x128xf32, #tpu.memory_space<vmem_shared>>
        %dma_wait3A_43 = arith.constant 9984 : i32
        %dma_wait3A_44 = arith.constant 0 : i32
        %dma_wait3A_45 = tpu.memref_slice %arg4[%dma_wait3A_43, %dma_wait3A_44] : memref<10016x128xf32, #tpu.memory_space<hbm>> -> memref<32x128xf32, #tpu.memory_space<hbm>>
        tpu.wait_dma2 semaphore(%run_scoped3A : memref<!tpu.dma_semaphore, #tpu.memory_space<semaphore_mem>>) src(%dma_wait3A_45 : memref<32x128xf32, #tpu.memory_space<hbm>>) dst(%dma_wait3A_42 : memref<32x128xf32, #tpu.memory_space<vmem_shared>>)
        tpu.yield
      }) : () -> ()
    } else {
    }
    %barrier3A = arith.constant 0 : index
    tpu.barrier barrier_id(%barrier3A)
    %scan3A = arith.constant 0 : i32
    %scan3A_14 = arith.constant 20 : i32
    %scan3A_15 = arith.addi %scan3A, %scan3A_14 : i32
    %scan3A_16 = arith.constant 1 : i32
    scf.for %scan3A_34 = %scan3A to %scan3A_15 step %scan3A_16  : i32 {
      %mul3A_35 = arith.constant 2 : i32
      %mul3A_36 = arith.muli %scan3A_34, %mul3A_35 : i32
      %add3A_37 = arith.constant 0 : i32
      %add3A_38 = arith.addi %add3A_37, %mul3A_36 : i32
      %add3A_39 = arith.constant 0 : i32
      %add3A_40 = arith.addi %add3A_38, %add3A_39 : i32
      %dma_wait3A_41 = arith.constant 0 : i32
      %dma_wait3A_42 = tpu.memref_slice %arg2[%mul3A_2, %dma_wait3A_41] : memref<163840x128xf32, #tpu.memory_space<hbm>> -> memref<128x128xf32, #tpu.memory_space<hbm>>
      %dma_wait3A_43 = arith.constant 0 : i32
      %dma_wait3A_44 = tpu.memref_slice %arg2[%mul3A_2, %dma_wait3A_43] : memref<163840x128xf32, #tpu.memory_space<hbm>> -> memref<128x128xf32, #tpu.memory_space<hbm>>
      tpu.wait_dma2 semaphore(%arg10 : memref<!tpu.dma_semaphore, #tpu.memory_space<semaphore_mem>>) src(%dma_wait3A_44 : memref<128x128xf32, #tpu.memory_space<hbm>>) dst(%arg7 : memref<128x128xf32, #tpu.memory_space<vmem>>)
      %gt3A = arith.constant 0 : i32
      %gt3A_45 = arith.cmpi sgt, %add3A_40, %gt3A : i32
      %convert_element_type3A_46 = arith.extui %gt3A_45 : i1 to i32
      %cond3A_47 = arith.constant 0 : i32
      %cond3A_48 = arith.cmpi ne, %convert_element_type3A_46, %cond3A_47 : i32
      scf.if %cond3A_48 {
        %dma_wait3A_85 = arith.constant 0 : i32
        %dma_wait3A_86 = arith.constant 0 : i32
        %dma_wait3A_87 = tpu.memref_slice %arg6[%dma_wait3A_85, %dma_wait3A_86] : memref<40x128xi32, #tpu.memory_space<vmem>> -> memref<1x128xi32, #tpu.memory_space<vmem>>
        %dma_wait3A_88 = tpu.memref_squeeze %dma_wait3A_87 : memref<1x128xi32, #tpu.memory_space<vmem>> -> memref<128xi32, #tpu.memory_space<vmem>>
        %dma_wait3A_89 = arith.constant 0 : i32
        %dma_wait3A_90 = arith.constant 0 : i32
        %dma_wait3A_91 = tpu.memref_slice %arg9[%dma_wait3A_89, %dma_wait3A_90] : memref<10016x128xf32, #tpu.memory_space<vmem_shared>> -> memref<10016x128xf32, #tpu.memory_space<vmem_shared>>
        tpu.wait_indirect_dma semaphore(%arg13 : memref<!tpu.dma_semaphore, #tpu.memory_space<semaphore_mem>>) src(%arg8 : memref<128x128xf32, #tpu.memory_space<vmem>>) dst(%dma_wait3A_91 : memref<10016x128xf32, #tpu.memory_space<vmem_shared>>)
      } else {
      }
      %add3A_49 = arith.constant 1 : i32
      %add3A_50 = arith.addi %add3A_40, %add3A_49 : i32
      %lt3A = arith.constant 40 : i32
      %lt3A_51 = arith.cmpi slt, %add3A_50, %lt3A : i32
      %convert_element_type3A_52 = arith.extui %lt3A_51 : i1 to i32
      %cond3A_53 = arith.constant 0 : i32
      %cond3A_54 = arith.cmpi ne, %convert_element_type3A_52, %cond3A_53 : i32
      scf.if %cond3A_54 {
        %add3A_85 = arith.constant 1 : i32
        %add3A_86 = arith.addi %add3A_40, %add3A_85 : i32
        %mul3A_87 = arith.constant 128 : i32
        %mul3A_88 = arith.muli %add3A_86, %mul3A_87 : i32
        %add3A_89 = arith.addi %mul3A_2, %mul3A_88 : i32
        %dma_start3A_90 = arith.constant 0 : i32
        %dma_start3A_91 = tpu.memref_slice %arg2[%add3A_89, %dma_start3A_90] : memref<163840x128xf32, #tpu.memory_space<hbm>> -> memref<128x128xf32, #tpu.memory_space<hbm>>
        %dma_start3A_92 = arith.constant 0 : i32
        %dma_start3A_93 = tpu.memref_slice %arg2[%add3A_89, %dma_start3A_92] : memref<163840x128xf32, #tpu.memory_space<hbm>> -> memref<128x128xf32, #tpu.memory_space<hbm>>
        tpu.enqueue_dma source(%dma_start3A_93 : memref<128x128xf32, #tpu.memory_space<hbm>>) target(%arg8 : memref<128x128xf32, #tpu.memory_space<vmem>>) target_semaphore(%arg11 : memref<!tpu.dma_semaphore, #tpu.memory_space<semaphore_mem>>)
      } else {
      }
      %dma_start3A_55 = arith.constant 0 : i32
      %dma_start3A_56 = tpu.memref_slice %arg6[%add3A_40, %dma_start3A_55] : memref<40x128xi32, #tpu.memory_space<vmem>> -> memref<1x128xi32, #tpu.memory_space<vmem>>
      %dma_start3A_57 = tpu.memref_squeeze %dma_start3A_56 : memref<1x128xi32, #tpu.memory_space<vmem>> -> memref<128xi32, #tpu.memory_space<vmem>>
      %dma_start3A_58 = arith.constant 0 : i32
      %dma_start3A_59 = arith.constant 0 : i32
      %dma_start3A_60 = tpu.memref_slice %arg9[%dma_start3A_58, %dma_start3A_59] : memref<10016x128xf32, #tpu.memory_space<vmem_shared>> -> memref<10016x128xf32, #tpu.memory_space<vmem_shared>>
      tpu.enqueue_indirect_dma source(%arg7 : memref<128x128xf32, #tpu.memory_space<vmem>>) target(%dma_start3A_60 : memref<10016x128xf32, #tpu.memory_space<vmem_shared>>) offsets(%dma_start3A_57 : memref<128xi32, #tpu.memory_space<vmem>>) semaphore(%arg12 : memref<!tpu.dma_semaphore, #tpu.memory_space<semaphore_mem>>) {add = true}
      %add3A_61 = arith.constant 1 : i32
      %add3A_62 = arith.addi %add3A_38, %add3A_61 : i32
      %dma_wait3A_63 = arith.constant 0 : i32
      %dma_wait3A_64 = tpu.memref_slice %arg2[%mul3A_2, %dma_wait3A_63] : memref<163840x128xf32, #tpu.memory_space<hbm>> -> memref<128x128xf32, #tpu.memory_space<hbm>>
      %dma_wait3A_65 = arith.constant 0 : i32
      %dma_wait3A_66 = tpu.memref_slice %arg2[%mul3A_2, %dma_wait3A_65] : memref<163840x128xf32, #tpu.memory_space<hbm>> -> memref<128x128xf32, #tpu.memory_space<hbm>>
      tpu.wait_dma2 semaphore(%arg11 : memref<!tpu.dma_semaphore, #tpu.memory_space<semaphore_mem>>) src(%dma_wait3A_66 : memref<128x128xf32, #tpu.memory_space<hbm>>) dst(%arg8 : memref<128x128xf32, #tpu.memory_space<vmem>>)
      %gt3A_67 = arith.constant 0 : i32
      %gt3A_68 = arith.cmpi sgt, %add3A_62, %gt3A_67 : i32
      %convert_element_type3A_69 = arith.extui %gt3A_68 : i1 to i32
      %cond3A_70 = arith.constant 0 : i32
      %cond3A_71 = arith.cmpi ne, %convert_element_type3A_69, %cond3A_70 : i32
      scf.if %cond3A_71 {
        %dma_wait3A_85 = arith.constant 0 : i32
        %dma_wait3A_86 = arith.constant 0 : i32
        %dma_wait3A_87 = tpu.memref_slice %arg6[%dma_wait3A_85, %dma_wait3A_86] : memref<40x128xi32, #tpu.memory_space<vmem>> -> memref<1x128xi32, #tpu.memory_space<vmem>>
        %dma_wait3A_88 = tpu.memref_squeeze %dma_wait3A_87 : memref<1x128xi32, #tpu.memory_space<vmem>> -> memref<128xi32, #tpu.memory_space<vmem>>
        %dma_wait3A_89 = arith.constant 0 : i32
        %dma_wait3A_90 = arith.constant 0 : i32
        %dma_wait3A_91 = tpu.memref_slice %arg9[%dma_wait3A_89, %dma_wait3A_90] : memref<10016x128xf32, #tpu.memory_space<vmem_shared>> -> memref<10016x128xf32, #tpu.memory_space<vmem_shared>>
        tpu.wait_indirect_dma semaphore(%arg12 : memref<!tpu.dma_semaphore, #tpu.memory_space<semaphore_mem>>) src(%arg7 : memref<128x128xf32, #tpu.memory_space<vmem>>) dst(%dma_wait3A_91 : memref<10016x128xf32, #tpu.memory_space<vmem_shared>>)
      } else {
      }
      %add3A_72 = arith.constant 1 : i32
      %add3A_73 = arith.addi %add3A_62, %add3A_72 : i32
      %lt3A_74 = arith.constant 40 : i32
      %lt3A_75 = arith.cmpi slt, %add3A_73, %lt3A_74 : i32
      %convert_element_type3A_76 = arith.extui %lt3A_75 : i1 to i32
      %cond3A_77 = arith.constant 0 : i32
      %cond3A_78 = arith.cmpi ne, %convert_element_type3A_76, %cond3A_77 : i32
      scf.if %cond3A_78 {
        %add3A_85 = arith.constant 1 : i32
        %add3A_86 = arith.addi %add3A_62, %add3A_85 : i32
        %mul3A_87 = arith.constant 128 : i32
        %mul3A_88 = arith.muli %add3A_86, %mul3A_87 : i32
        %add3A_89 = arith.addi %mul3A_2, %mul3A_88 : i32
        %dma_start3A_90 = arith.constant 0 : i32
        %dma_start3A_91 = tpu.memref_slice %arg2[%add3A_89, %dma_start3A_90] : memref<163840x128xf32, #tpu.memory_space<hbm>> -> memref<128x128xf32, #tpu.memory_space<hbm>>
        %dma_start3A_92 = arith.constant 0 : i32
        %dma_start3A_93 = tpu.memref_slice %arg2[%add3A_89, %dma_start3A_92] : memref<163840x128xf32, #tpu.memory_space<hbm>> -> memref<128x128xf32, #tpu.memory_space<hbm>>
        tpu.enqueue_dma source(%dma_start3A_93 : memref<128x128xf32, #tpu.memory_space<hbm>>) target(%arg7 : memref<128x128xf32, #tpu.memory_space<vmem>>) target_semaphore(%arg10 : memref<!tpu.dma_semaphore, #tpu.memory_space<semaphore_mem>>)
      } else {
      }
      %dma_start3A_79 = arith.constant 0 : i32
      %dma_start3A_80 = tpu.memref_slice %arg6[%add3A_62, %dma_start3A_79] : memref<40x128xi32, #tpu.memory_space<vmem>> -> memref<1x128xi32, #tpu.memory_space<vmem>>
      %dma_start3A_81 = tpu.memref_squeeze %dma_start3A_80 : memref<1x128xi32, #tpu.memory_space<vmem>> -> memref<128xi32, #tpu.memory_space<vmem>>
      %dma_start3A_82 = arith.constant 0 : i32
      %dma_start3A_83 = arith.constant 0 : i32
      %dma_start3A_84 = tpu.memref_slice %arg9[%dma_start3A_82, %dma_start3A_83] : memref<10016x128xf32, #tpu.memory_space<vmem_shared>> -> memref<10016x128xf32, #tpu.memory_space<vmem_shared>>
      tpu.enqueue_indirect_dma source(%arg8 : memref<128x128xf32, #tpu.memory_space<vmem>>) target(%dma_start3A_84 : memref<10016x128xf32, #tpu.memory_space<vmem_shared>>) offsets(%dma_start3A_81 : memref<128xi32, #tpu.memory_space<vmem>>) semaphore(%arg13 : memref<!tpu.dma_semaphore, #tpu.memory_space<semaphore_mem>>) {add = true}
    }
    %scan3A_17 = arith.constant 20 : i32
    %dma_wait3A = arith.constant 0 : i32
    %dma_wait3A_18 = arith.constant 0 : i32
    %dma_wait3A_19 = tpu.memref_slice %arg6[%dma_wait3A, %dma_wait3A_18] : memref<40x128xi32, #tpu.memory_space<vmem>> -> memref<1x128xi32, #tpu.memory_space<vmem>>
    %dma_wait3A_20 = tpu.memref_squeeze %dma_wait3A_19 : memref<1x128xi32, #tpu.memory_space<vmem>> -> memref<128xi32, #tpu.memory_space<vmem>>
    %dma_wait3A_21 = arith.constant 0 : i32
    %dma_wait3A_22 = arith.constant 0 : i32
    %dma_wait3A_23 = tpu.memref_slice %arg9[%dma_wait3A_21, %dma_wait3A_22] : memref<10016x128xf32, #tpu.memory_space<vmem_shared>> -> memref<10016x128xf32, #tpu.memory_space<vmem_shared>>
    tpu.wait_indirect_dma semaphore(%arg13 : memref<!tpu.dma_semaphore, #tpu.memory_space<semaphore_mem>>) src(%arg8 : memref<128x128xf32, #tpu.memory_space<vmem>>) dst(%dma_wait3A_23 : memref<10016x128xf32, #tpu.memory_space<vmem_shared>>)
    %barrier3A_24 = arith.constant 0 : index
    tpu.barrier barrier_id(%barrier3A_24)
    %mul3A_25 = arith.constant 624 : i32
    %mul3A_26 = arith.muli %arg1, %mul3A_25 : i32
    %mul3A_27 = arith.constant 624 : i32
    %mul3A_28 = arith.muli %arg1, %mul3A_27 : i32
    "tpu.region"() ({
      %run_scoped3A = tpu.sem_alloc : memref<!tpu.dma_semaphore, #tpu.memory_space<semaphore_mem>>
      %dma_start3A_34 = arith.constant 0 : i32
      %dma_start3A_35 = tpu.memref_slice %arg5[%arg0, %mul3A_28, %dma_start3A_34] : memref<2x10016x128xf32, #tpu.memory_space<hbm>> -> memref<1x624x128xf32, #tpu.memory_space<hbm>>
      %dma_start3A_36 = tpu.memref_squeeze %dma_start3A_35 : memref<1x624x128xf32, #tpu.memory_space<hbm>> -> memref<624x128xf32, #tpu.memory_space<hbm>>
      %dma_start3A_37 = arith.constant 0 : i32
      %dma_start3A_38 = tpu.memref_slice %arg9[%mul3A_26, %dma_start3A_37] : memref<10016x128xf32, #tpu.memory_space<vmem_shared>> -> memref<624x128xf32, #tpu.memory_space<vmem_shared>>
      tpu.enqueue_dma source(%dma_start3A_38 : memref<624x128xf32, #tpu.memory_space<vmem_shared>>) target(%dma_start3A_36 : memref<624x128xf32, #tpu.memory_space<hbm>>) target_semaphore(%run_scoped3A : memref<!tpu.dma_semaphore, #tpu.memory_space<semaphore_mem>>)
      %dma_wait3A_39 = arith.constant 0 : i32
      %dma_wait3A_40 = tpu.memref_slice %arg5[%arg0, %mul3A_28, %dma_wait3A_39] : memref<2x10016x128xf32, #tpu.memory_space<hbm>> -> memref<1x624x128xf32, #tpu.memory_space<hbm>>
      %dma_wait3A_41 = tpu.memref_squeeze %dma_wait3A_40 : memref<1x624x128xf32, #tpu.memory_space<hbm>> -> memref<624x128xf32, #tpu.memory_space<hbm>>
      %dma_wait3A_42 = arith.constant 0 : i32
      %dma_wait3A_43 = tpu.memref_slice %arg9[%mul3A_26, %dma_wait3A_42] : memref<10016x128xf32, #tpu.memory_space<vmem_shared>> -> memref<624x128xf32, #tpu.memory_space<vmem_shared>>
      tpu.wait_dma2 semaphore(%run_scoped3A : memref<!tpu.dma_semaphore, #tpu.memory_space<semaphore_mem>>) src(%dma_wait3A_43 : memref<624x128xf32, #tpu.memory_space<vmem_shared>>) dst(%dma_wait3A_41 : memref<624x128xf32, #tpu.memory_space<hbm>>)
      tpu.yield
    }) : () -> ()
    %eq3A_29 = arith.constant 15 : i32
    %eq3A_30 = arith.cmpi eq, %arg1, %eq3A_29 : i32
    %convert_element_type3A_31 = arith.extui %eq3A_30 : i1 to i32
    %cond3A_32 = arith.constant 0 : i32
    %cond3A_33 = arith.cmpi ne, %convert_element_type3A_31, %cond3A_32 : i32
    scf.if %cond3A_33 {
      "tpu.region"() ({
        %run_scoped3A = tpu.sem_alloc : memref<!tpu.dma_semaphore, #tpu.memory_space<semaphore_mem>>
        %dma_start3A_34 = arith.constant 9984 : i32
        %dma_start3A_35 = arith.constant 0 : i32
        %dma_start3A_36 = tpu.memref_slice %arg5[%arg0, %dma_start3A_34, %dma_start3A_35] : memref<2x10016x128xf32, #tpu.memory_space<hbm>> -> memref<1x32x128xf32, #tpu.memory_space<hbm>>
        %dma_start3A_37 = tpu.memref_squeeze %dma_start3A_36 : memref<1x32x128xf32, #tpu.memory_space<hbm>> -> memref<32x128xf32, #tpu.memory_space<hbm>>
        %dma_start3A_38 = arith.constant 9984 : i32
        %dma_start3A_39 = arith.constant 0 : i32
        %dma_start3A_40 = tpu.memref_slice %arg9[%dma_start3A_38, %dma_start3A_39] : memref<10016x128xf32, #tpu.memory_space<vmem_shared>> -> memref<32x128xf32, #tpu.memory_space<vmem_shared>>
        tpu.enqueue_dma source(%dma_start3A_40 : memref<32x128xf32, #tpu.memory_space<vmem_shared>>) target(%dma_start3A_37 : memref<32x128xf32, #tpu.memory_space<hbm>>) target_semaphore(%run_scoped3A : memref<!tpu.dma_semaphore, #tpu.memory_space<semaphore_mem>>)
        %dma_wait3A_41 = arith.constant 9984 : i32
        %dma_wait3A_42 = arith.constant 0 : i32
        %dma_wait3A_43 = tpu.memref_slice %arg5[%arg0, %dma_wait3A_41, %dma_wait3A_42] : memref<2x10016x128xf32, #tpu.memory_space<hbm>> -> memref<1x32x128xf32, #tpu.memory_space<hbm>>
        %dma_wait3A_44 = tpu.memref_squeeze %dma_wait3A_43 : memref<1x32x128xf32, #tpu.memory_space<hbm>> -> memref<32x128xf32, #tpu.memory_space<hbm>>
        %dma_wait3A_45 = arith.constant 9984 : i32
        %dma_wait3A_46 = arith.constant 0 : i32
        %dma_wait3A_47 = tpu.memref_slice %arg9[%dma_wait3A_45, %dma_wait3A_46] : memref<10016x128xf32, #tpu.memory_space<vmem_shared>> -> memref<32x128xf32, #tpu.memory_space<vmem_shared>>
        tpu.wait_dma2 semaphore(%run_scoped3A : memref<!tpu.dma_semaphore, #tpu.memory_space<semaphore_mem>>) src(%dma_wait3A_47 : memref<32x128xf32, #tpu.memory_space<vmem_shared>>) dst(%dma_wait3A_44 : memref<32x128xf32, #tpu.memory_space<hbm>>)
        tpu.yield
      }) : () -> ()
    } else {
    }
    return
  }
}

#map = affine_map<(d0, d1) -> (0, 0)>
#map1 = affine_map<(d0, d1) -> (0, 0, 0)>
module attributes {stable_mosaic.version = 14 : i64} {
  func.func @gather(%arg0: i32, %arg1: i32, %arg2: memref<10000x128xf32, #tpu.memory_space<hbm>>, %arg3: memref<10000x128xf32, #tpu.memory_space<hbm>>, %arg4: memref<32x40x128xi32, #tpu.memory_space<hbm>>, %arg5: memref<32x40x128xi32, #tpu.memory_space<hbm>>, %arg6: memref<163840x128xf32, #tpu.memory_space<hbm>>, %arg7: memref<40x128xi32, #tpu.memory_space<vmem>>, %arg8: memref<40x128xi32, #tpu.memory_space<vmem>>, %arg9: memref<128x128xf32, #tpu.memory_space<vmem>>, %arg10: memref<128x128xf32, #tpu.memory_space<vmem>>, %arg11: memref<128x128xf32, #tpu.memory_space<vmem>>, %arg12: memref<128x128xf32, #tpu.memory_space<vmem>>, %arg13: memref<128x128xf32, #tpu.memory_space<vmem>>, %arg14: memref<128x128xf32, #tpu.memory_space<vmem>>, %arg15: memref<!tpu.dma_semaphore, #tpu.memory_space<semaphore_mem>>, %arg16: memref<!tpu.dma_semaphore, #tpu.memory_space<semaphore_mem>>, %arg17: memref<!tpu.dma_semaphore, #tpu.memory_space<semaphore_mem>>, %arg18: memref<!tpu.dma_semaphore, #tpu.memory_space<semaphore_mem>>) attributes {dimension_semantics = [#tpu.dimension_semantics<core_parallel>, #tpu.dimension_semantics<subcore_parallel>], iteration_bounds = array<i64: 2, 16>, scalar_prefetch = 0 : i64, scratch_operands = 12 : i64, tpu.core_type = #tpu.core_type<sc_vector_subcore>, window_params = [{transform_indices = #map}, {transform_indices = #map}, {transform_indices = #map1}, {transform_indices = #map1}, {transform_indices = #map}]} {
    %mul3A = arith.constant 2 : i32
    %mul3A_0 = arith.muli %arg1, %mul3A : i32
    %add3A = arith.addi %mul3A_0, %arg0 : i32
    %mul3A_1 = arith.constant 5120 : i32
    %mul3A_2 = arith.muli %add3A, %mul3A_1 : i32
    "tpu.region"() ({
      %run_scoped3A = tpu.sem_alloc : memref<!tpu.dma_semaphore, #tpu.memory_space<semaphore_mem>>
      %dma_start3A_27 = arith.constant 0 : i32
      %dma_start3A_28 = arith.constant 0 : i32
      %dma_start3A_29 = tpu.memref_slice %arg4[%add3A, %dma_start3A_27, %dma_start3A_28] : memref<32x40x128xi32, #tpu.memory_space<hbm>> -> memref<1x40x128xi32, #tpu.memory_space<hbm>>
      %dma_start3A_30 = tpu.memref_squeeze %dma_start3A_29 : memref<1x40x128xi32, #tpu.memory_space<hbm>> -> memref<40x128xi32, #tpu.memory_space<hbm>>
      %dma_start3A_31 = arith.constant 0 : i32
      %dma_start3A_32 = arith.constant 0 : i32
      %dma_start3A_33 = tpu.memref_slice %arg4[%add3A, %dma_start3A_31, %dma_start3A_32] : memref<32x40x128xi32, #tpu.memory_space<hbm>> -> memref<1x40x128xi32, #tpu.memory_space<hbm>>
      %dma_start3A_34 = tpu.memref_squeeze %dma_start3A_33 : memref<1x40x128xi32, #tpu.memory_space<hbm>> -> memref<40x128xi32, #tpu.memory_space<hbm>>
      tpu.enqueue_dma source(%dma_start3A_34 : memref<40x128xi32, #tpu.memory_space<hbm>>) target(%arg7 : memref<40x128xi32, #tpu.memory_space<vmem>>) target_semaphore(%run_scoped3A : memref<!tpu.dma_semaphore, #tpu.memory_space<semaphore_mem>>)
      %dma_wait3A_35 = arith.constant 0 : i32
      %dma_wait3A_36 = arith.constant 0 : i32
      %dma_wait3A_37 = tpu.memref_slice %arg4[%add3A, %dma_wait3A_35, %dma_wait3A_36] : memref<32x40x128xi32, #tpu.memory_space<hbm>> -> memref<1x40x128xi32, #tpu.memory_space<hbm>>
      %dma_wait3A_38 = tpu.memref_squeeze %dma_wait3A_37 : memref<1x40x128xi32, #tpu.memory_space<hbm>> -> memref<40x128xi32, #tpu.memory_space<hbm>>
      %dma_wait3A_39 = arith.constant 0 : i32
      %dma_wait3A_40 = arith.constant 0 : i32
      %dma_wait3A_41 = tpu.memref_slice %arg4[%add3A, %dma_wait3A_39, %dma_wait3A_40] : memref<32x40x128xi32, #tpu.memory_space<hbm>> -> memref<1x40x128xi32, #tpu.memory_space<hbm>>
      %dma_wait3A_42 = tpu.memref_squeeze %dma_wait3A_41 : memref<1x40x128xi32, #tpu.memory_space<hbm>> -> memref<40x128xi32, #tpu.memory_space<hbm>>
      tpu.wait_dma2 semaphore(%run_scoped3A : memref<!tpu.dma_semaphore, #tpu.memory_space<semaphore_mem>>) src(%dma_wait3A_42 : memref<40x128xi32, #tpu.memory_space<hbm>>) dst(%arg7 : memref<40x128xi32, #tpu.memory_space<vmem>>)
      tpu.yield
    }) : () -> ()
    "tpu.region"() ({
      %run_scoped3A = tpu.sem_alloc : memref<!tpu.dma_semaphore, #tpu.memory_space<semaphore_mem>>
      %dma_start3A_27 = arith.constant 0 : i32
      %dma_start3A_28 = arith.constant 0 : i32
      %dma_start3A_29 = tpu.memref_slice %arg5[%add3A, %dma_start3A_27, %dma_start3A_28] : memref<32x40x128xi32, #tpu.memory_space<hbm>> -> memref<1x40x128xi32, #tpu.memory_space<hbm>>
      %dma_start3A_30 = tpu.memref_squeeze %dma_start3A_29 : memref<1x40x128xi32, #tpu.memory_space<hbm>> -> memref<40x128xi32, #tpu.memory_space<hbm>>
      %dma_start3A_31 = arith.constant 0 : i32
      %dma_start3A_32 = arith.constant 0 : i32
      %dma_start3A_33 = tpu.memref_slice %arg5[%add3A, %dma_start3A_31, %dma_start3A_32] : memref<32x40x128xi32, #tpu.memory_space<hbm>> -> memref<1x40x128xi32, #tpu.memory_space<hbm>>
      %dma_start3A_34 = tpu.memref_squeeze %dma_start3A_33 : memref<1x40x128xi32, #tpu.memory_space<hbm>> -> memref<40x128xi32, #tpu.memory_space<hbm>>
      tpu.enqueue_dma source(%dma_start3A_34 : memref<40x128xi32, #tpu.memory_space<hbm>>) target(%arg8 : memref<40x128xi32, #tpu.memory_space<vmem>>) target_semaphore(%run_scoped3A : memref<!tpu.dma_semaphore, #tpu.memory_space<semaphore_mem>>)
      %dma_wait3A_35 = arith.constant 0 : i32
      %dma_wait3A_36 = arith.constant 0 : i32
      %dma_wait3A_37 = tpu.memref_slice %arg5[%add3A, %dma_wait3A_35, %dma_wait3A_36] : memref<32x40x128xi32, #tpu.memory_space<hbm>> -> memref<1x40x128xi32, #tpu.memory_space<hbm>>
      %dma_wait3A_38 = tpu.memref_squeeze %dma_wait3A_37 : memref<1x40x128xi32, #tpu.memory_space<hbm>> -> memref<40x128xi32, #tpu.memory_space<hbm>>
      %dma_wait3A_39 = arith.constant 0 : i32
      %dma_wait3A_40 = arith.constant 0 : i32
      %dma_wait3A_41 = tpu.memref_slice %arg5[%add3A, %dma_wait3A_39, %dma_wait3A_40] : memref<32x40x128xi32, #tpu.memory_space<hbm>> -> memref<1x40x128xi32, #tpu.memory_space<hbm>>
      %dma_wait3A_42 = tpu.memref_squeeze %dma_wait3A_41 : memref<1x40x128xi32, #tpu.memory_space<hbm>> -> memref<40x128xi32, #tpu.memory_space<hbm>>
      tpu.wait_dma2 semaphore(%run_scoped3A : memref<!tpu.dma_semaphore, #tpu.memory_space<semaphore_mem>>) src(%dma_wait3A_42 : memref<40x128xi32, #tpu.memory_space<hbm>>) dst(%arg8 : memref<40x128xi32, #tpu.memory_space<vmem>>)
      tpu.yield
    }) : () -> ()
    %dma_start3A = arith.constant 0 : i32
    %dma_start3A_3 = arith.constant 0 : i32
    %dma_start3A_4 = tpu.memref_slice %arg7[%dma_start3A, %dma_start3A_3] : memref<40x128xi32, #tpu.memory_space<vmem>> -> memref<1x128xi32, #tpu.memory_space<vmem>>
    %dma_start3A_5 = tpu.memref_squeeze %dma_start3A_4 : memref<1x128xi32, #tpu.memory_space<vmem>> -> memref<128xi32, #tpu.memory_space<vmem>>
    %dma_start3A_6 = arith.constant 0 : i32
    %dma_start3A_7 = arith.constant 0 : i32
    %dma_start3A_8 = tpu.memref_slice %arg2[%dma_start3A_6, %dma_start3A_7] : memref<10000x128xf32, #tpu.memory_space<hbm>> -> memref<10000x128xf32, #tpu.memory_space<hbm>>
    tpu.enqueue_indirect_dma source(%dma_start3A_8 : memref<10000x128xf32, #tpu.memory_space<hbm>>) target(%arg9 : memref<128x128xf32, #tpu.memory_space<vmem>>) offsets(%dma_start3A_5 : memref<128xi32, #tpu.memory_space<vmem>>) semaphore(%arg15 : memref<!tpu.dma_semaphore, #tpu.memory_space<semaphore_mem>>)
    %dma_start3A_9 = arith.constant 0 : i32
    %dma_start3A_10 = arith.constant 0 : i32
    %dma_start3A_11 = tpu.memref_slice %arg8[%dma_start3A_9, %dma_start3A_10] : memref<40x128xi32, #tpu.memory_space<vmem>> -> memref<1x128xi32, #tpu.memory_space<vmem>>
    %dma_start3A_12 = tpu.memref_squeeze %dma_start3A_11 : memref<1x128xi32, #tpu.memory_space<vmem>> -> memref<128xi32, #tpu.memory_space<vmem>>
    %dma_start3A_13 = arith.constant 0 : i32
    %dma_start3A_14 = arith.constant 0 : i32
    %dma_start3A_15 = tpu.memref_slice %arg3[%dma_start3A_13, %dma_start3A_14] : memref<10000x128xf32, #tpu.memory_space<hbm>> -> memref<10000x128xf32, #tpu.memory_space<hbm>>
    tpu.enqueue_indirect_dma source(%dma_start3A_15 : memref<10000x128xf32, #tpu.memory_space<hbm>>) target(%arg11 : memref<128x128xf32, #tpu.memory_space<vmem>>) offsets(%dma_start3A_12 : memref<128xi32, #tpu.memory_space<vmem>>) semaphore(%arg15 : memref<!tpu.dma_semaphore, #tpu.memory_space<semaphore_mem>>)
    %scan3A = arith.constant 0 : i32
    %scan3A_16 = arith.constant 20 : i32
    %scan3A_17 = arith.addi %scan3A, %scan3A_16 : i32
    %scan3A_18 = arith.constant 1 : i32
    scf.for %scan3A_27 = %scan3A to %scan3A_17 step %scan3A_18  : i32 {
      %mul3A_28 = arith.constant 2 : i32
      %mul3A_29 = arith.muli %scan3A_27, %mul3A_28 : i32
      %add3A_30 = arith.constant 0 : i32
      %add3A_31 = arith.addi %add3A_30, %mul3A_29 : i32
      %add3A_32 = arith.constant 0 : i32
      %add3A_33 = arith.addi %add3A_31, %add3A_32 : i32
      %dma_wait3A_34 = arith.constant 0 : i32
      %dma_wait3A_35 = arith.constant 0 : i32
      %dma_wait3A_36 = tpu.memref_slice %arg7[%dma_wait3A_34, %dma_wait3A_35] : memref<40x128xi32, #tpu.memory_space<vmem>> -> memref<1x128xi32, #tpu.memory_space<vmem>>
      %dma_wait3A_37 = tpu.memref_squeeze %dma_wait3A_36 : memref<1x128xi32, #tpu.memory_space<vmem>> -> memref<128xi32, #tpu.memory_space<vmem>>
      %dma_wait3A_38 = arith.constant 0 : i32
      %dma_wait3A_39 = arith.constant 0 : i32
      %dma_wait3A_40 = tpu.memref_slice %arg2[%dma_wait3A_38, %dma_wait3A_39] : memref<10000x128xf32, #tpu.memory_space<hbm>> -> memref<10000x128xf32, #tpu.memory_space<hbm>>
      tpu.wait_indirect_dma semaphore(%arg15 : memref<!tpu.dma_semaphore, #tpu.memory_space<semaphore_mem>>) src(%dma_wait3A_40 : memref<10000x128xf32, #tpu.memory_space<hbm>>) dst(%arg9 : memref<128x128xf32, #tpu.memory_space<vmem>>)
      %dma_wait3A_41 = arith.constant 0 : i32
      %dma_wait3A_42 = arith.constant 0 : i32
      %dma_wait3A_43 = tpu.memref_slice %arg8[%dma_wait3A_41, %dma_wait3A_42] : memref<40x128xi32, #tpu.memory_space<vmem>> -> memref<1x128xi32, #tpu.memory_space<vmem>>
      %dma_wait3A_44 = tpu.memref_squeeze %dma_wait3A_43 : memref<1x128xi32, #tpu.memory_space<vmem>> -> memref<128xi32, #tpu.memory_space<vmem>>
      %dma_wait3A_45 = arith.constant 0 : i32
      %dma_wait3A_46 = arith.constant 0 : i32
      %dma_wait3A_47 = tpu.memref_slice %arg3[%dma_wait3A_45, %dma_wait3A_46] : memref<10000x128xf32, #tpu.memory_space<hbm>> -> memref<10000x128xf32, #tpu.memory_space<hbm>>
      tpu.wait_indirect_dma semaphore(%arg15 : memref<!tpu.dma_semaphore, #tpu.memory_space<semaphore_mem>>) src(%dma_wait3A_47 : memref<10000x128xf32, #tpu.memory_space<hbm>>) dst(%arg11 : memref<128x128xf32, #tpu.memory_space<vmem>>)
      %add3A_48 = arith.constant 1 : i32
      %add3A_49 = arith.addi %add3A_33, %add3A_48 : i32
      %lt3A = arith.constant 40 : i32
      %lt3A_50 = arith.cmpi slt, %add3A_49, %lt3A : i32
      %convert_element_type3A = arith.extui %lt3A_50 : i1 to i32
      %cond3A = arith.constant 0 : i32
      %cond3A_51 = arith.cmpi ne, %convert_element_type3A, %cond3A : i32
      scf.if %cond3A_51 {
        %add3A_110 = arith.constant 1 : i32
        %add3A_111 = arith.addi %add3A_33, %add3A_110 : i32
        %dma_start3A_112 = arith.constant 0 : i32
        %dma_start3A_113 = tpu.memref_slice %arg7[%add3A_111, %dma_start3A_112] : memref<40x128xi32, #tpu.memory_space<vmem>> -> memref<1x128xi32, #tpu.memory_space<vmem>>
        %dma_start3A_114 = tpu.memref_squeeze %dma_start3A_113 : memref<1x128xi32, #tpu.memory_space<vmem>> -> memref<128xi32, #tpu.memory_space<vmem>>
        %dma_start3A_115 = arith.constant 0 : i32
        %dma_start3A_116 = arith.constant 0 : i32
        %dma_start3A_117 = tpu.memref_slice %arg2[%dma_start3A_115, %dma_start3A_116] : memref<10000x128xf32, #tpu.memory_space<hbm>> -> memref<10000x128xf32, #tpu.memory_space<hbm>>
        tpu.enqueue_indirect_dma source(%dma_start3A_117 : memref<10000x128xf32, #tpu.memory_space<hbm>>) target(%arg10 : memref<128x128xf32, #tpu.memory_space<vmem>>) offsets(%dma_start3A_114 : memref<128xi32, #tpu.memory_space<vmem>>) semaphore(%arg16 : memref<!tpu.dma_semaphore, #tpu.memory_space<semaphore_mem>>)
        %dma_start3A_118 = arith.constant 0 : i32
        %dma_start3A_119 = tpu.memref_slice %arg8[%add3A_111, %dma_start3A_118] : memref<40x128xi32, #tpu.memory_space<vmem>> -> memref<1x128xi32, #tpu.memory_space<vmem>>
        %dma_start3A_120 = tpu.memref_squeeze %dma_start3A_119 : memref<1x128xi32, #tpu.memory_space<vmem>> -> memref<128xi32, #tpu.memory_space<vmem>>
        %dma_start3A_121 = arith.constant 0 : i32
        %dma_start3A_122 = arith.constant 0 : i32
        %dma_start3A_123 = tpu.memref_slice %arg3[%dma_start3A_121, %dma_start3A_122] : memref<10000x128xf32, #tpu.memory_space<hbm>> -> memref<10000x128xf32, #tpu.memory_space<hbm>>
        tpu.enqueue_indirect_dma source(%dma_start3A_123 : memref<10000x128xf32, #tpu.memory_space<hbm>>) target(%arg12 : memref<128x128xf32, #tpu.memory_space<vmem>>) offsets(%dma_start3A_120 : memref<128xi32, #tpu.memory_space<vmem>>) semaphore(%arg16 : memref<!tpu.dma_semaphore, #tpu.memory_space<semaphore_mem>>)
      } else {
      }
      %gt3A = arith.constant 1 : i32
      %gt3A_52 = arith.cmpi sgt, %add3A_33, %gt3A : i32
      %convert_element_type3A_53 = arith.extui %gt3A_52 : i1 to i32
      %cond3A_54 = arith.constant 0 : i32
      %cond3A_55 = arith.cmpi ne, %convert_element_type3A_53, %cond3A_54 : i32
      scf.if %cond3A_55 {
        %dma_wait3A_110 = arith.constant 0 : i32
        %dma_wait3A_111 = tpu.memref_slice %arg6[%mul3A_2, %dma_wait3A_110] : memref<163840x128xf32, #tpu.memory_space<hbm>> -> memref<128x128xf32, #tpu.memory_space<hbm>>
        %dma_wait3A_112 = arith.constant 0 : i32
        %dma_wait3A_113 = tpu.memref_slice %arg6[%mul3A_2, %dma_wait3A_112] : memref<163840x128xf32, #tpu.memory_space<hbm>> -> memref<128x128xf32, #tpu.memory_space<hbm>>
        tpu.wait_dma2 semaphore(%arg17 : memref<!tpu.dma_semaphore, #tpu.memory_space<semaphore_mem>>) src(%arg13 : memref<128x128xf32, #tpu.memory_space<vmem>>) dst(%dma_wait3A_113 : memref<128x128xf32, #tpu.memory_space<hbm>>)
      } else {
      }
      %scan3A_56 = arith.constant 0 : i32
      %scan3A_57 = arith.constant 0 : i32
      %scan3A_58 = arith.constant 128 : i32
      %scan3A_59 = arith.addi %scan3A_57, %scan3A_58 : i32
      %scan3A_60 = arith.constant 1 : i32
      scf.for %scan3A_110 = %scan3A_57 to %scan3A_59 step %scan3A_60  : i32 {
        %get3A = arith.index_cast %scan3A_110 : i32 to index
        %get3A_111 = arith.constant 0 : index
        %get3A_112 = tpu.vector_load %arg9[%get3A, %get3A_111] {strides = array<i32>} : memref<128x128xf32, #tpu.memory_space<vmem>>, vector<1x16xf32>,
        %get3A_113 = vector.shape_cast %get3A_112 : vector<1x16xf32> to vector<16xf32>
        %get3A_114 = arith.index_cast %scan3A_110 : i32 to index
        %get3A_115 = arith.constant 0 : index
        %get3A_116 = tpu.vector_load %arg11[%get3A_114, %get3A_115] {strides = array<i32>} : memref<128x128xf32, #tpu.memory_space<vmem>>, vector<1x16xf32>,
        %get3A_117 = vector.shape_cast %get3A_116 : vector<1x16xf32> to vector<16xf32>
        %add3A_118 = arith.addf %get3A_113, %get3A_117 : vector<16xf32>
        %swap3A = arith.index_cast %scan3A_110 : i32 to index
        %swap3A_119 = arith.constant 0 : index
        %swap3A_120 = tpu.vector_load %arg13[%swap3A, %swap3A_119] {strides = array<i32>} : memref<128x128xf32, #tpu.memory_space<vmem>>, vector<1x16xf32>,
        %swap3A_121 = vector.shape_cast %swap3A_120 : vector<1x16xf32> to vector<16xf32>
        %swap3A_122 = vector.shape_cast %add3A_118 : vector<16xf32> to vector<1x16xf32>
        tpu.vector_store %arg13[%swap3A, %swap3A_119], %swap3A_122 {strides = array<i32>} : memref<128x128xf32, #tpu.memory_space<vmem>>, vector<1x16xf32>,
        %get3A_123 = arith.index_cast %scan3A_110 : i32 to index
        %get3A_124 = arith.constant 16 : index
        %get3A_125 = tpu.vector_load %arg9[%get3A_123, %get3A_124] {strides = array<i32>} : memref<128x128xf32, #tpu.memory_space<vmem>>, vector<1x16xf32>,
        %get3A_126 = vector.shape_cast %get3A_125 : vector<1x16xf32> to vector<16xf32>
        %get3A_127 = arith.index_cast %scan3A_110 : i32 to index
        %get3A_128 = arith.constant 16 : index
        %get3A_129 = tpu.vector_load %arg11[%get3A_127, %get3A_128] {strides = array<i32>} : memref<128x128xf32, #tpu.memory_space<vmem>>, vector<1x16xf32>,
        %get3A_130 = vector.shape_cast %get3A_129 : vector<1x16xf32> to vector<16xf32>
        %add3A_131 = arith.addf %get3A_126, %get3A_130 : vector<16xf32>
        %swap3A_132 = arith.index_cast %scan3A_110 : i32 to index
        %swap3A_133 = arith.constant 16 : index
        %swap3A_134 = tpu.vector_load %arg13[%swap3A_132, %swap3A_133] {strides = array<i32>} : memref<128x128xf32, #tpu.memory_space<vmem>>, vector<1x16xf32>,
        %swap3A_135 = vector.shape_cast %swap3A_134 : vector<1x16xf32> to vector<16xf32>
        %swap3A_136 = vector.shape_cast %add3A_131 : vector<16xf32> to vector<1x16xf32>
        tpu.vector_store %arg13[%swap3A_132, %swap3A_133], %swap3A_136 {strides = array<i32>} : memref<128x128xf32, #tpu.memory_space<vmem>>, vector<1x16xf32>,
        %get3A_137 = arith.index_cast %scan3A_110 : i32 to index
        %get3A_138 = arith.constant 32 : index
        %get3A_139 = tpu.vector_load %arg9[%get3A_137, %get3A_138] {strides = array<i32>} : memref<128x128xf32, #tpu.memory_space<vmem>>, vector<1x16xf32>,
        %get3A_140 = vector.shape_cast %get3A_139 : vector<1x16xf32> to vector<16xf32>
        %get3A_141 = arith.index_cast %scan3A_110 : i32 to index
        %get3A_142 = arith.constant 32 : index
        %get3A_143 = tpu.vector_load %arg11[%get3A_141, %get3A_142] {strides = array<i32>} : memref<128x128xf32, #tpu.memory_space<vmem>>, vector<1x16xf32>,
        %get3A_144 = vector.shape_cast %get3A_143 : vector<1x16xf32> to vector<16xf32>
        %add3A_145 = arith.addf %get3A_140, %get3A_144 : vector<16xf32>
        %swap3A_146 = arith.index_cast %scan3A_110 : i32 to index
        %swap3A_147 = arith.constant 32 : index
        %swap3A_148 = tpu.vector_load %arg13[%swap3A_146, %swap3A_147] {strides = array<i32>} : memref<128x128xf32, #tpu.memory_space<vmem>>, vector<1x16xf32>,
        %swap3A_149 = vector.shape_cast %swap3A_148 : vector<1x16xf32> to vector<16xf32>
        %swap3A_150 = vector.shape_cast %add3A_145 : vector<16xf32> to vector<1x16xf32>
        tpu.vector_store %arg13[%swap3A_146, %swap3A_147], %swap3A_150 {strides = array<i32>} : memref<128x128xf32, #tpu.memory_space<vmem>>, vector<1x16xf32>,
        %get3A_151 = arith.index_cast %scan3A_110 : i32 to index
        %get3A_152 = arith.constant 48 : index
        %get3A_153 = tpu.vector_load %arg9[%get3A_151, %get3A_152] {strides = array<i32>} : memref<128x128xf32, #tpu.memory_space<vmem>>, vector<1x16xf32>,
        %get3A_154 = vector.shape_cast %get3A_153 : vector<1x16xf32> to vector<16xf32>
        %get3A_155 = arith.index_cast %scan3A_110 : i32 to index
        %get3A_156 = arith.constant 48 : index
        %get3A_157 = tpu.vector_load %arg11[%get3A_155, %get3A_156] {strides = array<i32>} : memref<128x128xf32, #tpu.memory_space<vmem>>, vector<1x16xf32>,
        %get3A_158 = vector.shape_cast %get3A_157 : vector<1x16xf32> to vector<16xf32>
        %add3A_159 = arith.addf %get3A_154, %get3A_158 : vector<16xf32>
        %swap3A_160 = arith.index_cast %scan3A_110 : i32 to index
        %swap3A_161 = arith.constant 48 : index
        %swap3A_162 = tpu.vector_load %arg13[%swap3A_160, %swap3A_161] {strides = array<i32>} : memref<128x128xf32, #tpu.memory_space<vmem>>, vector<1x16xf32>,
        %swap3A_163 = vector.shape_cast %swap3A_162 : vector<1x16xf32> to vector<16xf32>
        %swap3A_164 = vector.shape_cast %add3A_159 : vector<16xf32> to vector<1x16xf32>
        tpu.vector_store %arg13[%swap3A_160, %swap3A_161], %swap3A_164 {strides = array<i32>} : memref<128x128xf32, #tpu.memory_space<vmem>>, vector<1x16xf32>,
        %get3A_165 = arith.index_cast %scan3A_110 : i32 to index
        %get3A_166 = arith.constant 64 : index
        %get3A_167 = tpu.vector_load %arg9[%get3A_165, %get3A_166] {strides = array<i32>} : memref<128x128xf32, #tpu.memory_space<vmem>>, vector<1x16xf32>,
        %get3A_168 = vector.shape_cast %get3A_167 : vector<1x16xf32> to vector<16xf32>
        %get3A_169 = arith.index_cast %scan3A_110 : i32 to index
        %get3A_170 = arith.constant 64 : index
        %get3A_171 = tpu.vector_load %arg11[%get3A_169, %get3A_170] {strides = array<i32>} : memref<128x128xf32, #tpu.memory_space<vmem>>, vector<1x16xf32>,
        %get3A_172 = vector.shape_cast %get3A_171 : vector<1x16xf32> to vector<16xf32>
        %add3A_173 = arith.addf %get3A_168, %get3A_172 : vector<16xf32>
        %swap3A_174 = arith.index_cast %scan3A_110 : i32 to index
        %swap3A_175 = arith.constant 64 : index
        %swap3A_176 = tpu.vector_load %arg13[%swap3A_174, %swap3A_175] {strides = array<i32>} : memref<128x128xf32, #tpu.memory_space<vmem>>, vector<1x16xf32>,
        %swap3A_177 = vector.shape_cast %swap3A_176 : vector<1x16xf32> to vector<16xf32>
        %swap3A_178 = vector.shape_cast %add3A_173 : vector<16xf32> to vector<1x16xf32>
        tpu.vector_store %arg13[%swap3A_174, %swap3A_175], %swap3A_178 {strides = array<i32>} : memref<128x128xf32, #tpu.memory_space<vmem>>, vector<1x16xf32>,
        %get3A_179 = arith.index_cast %scan3A_110 : i32 to index
        %get3A_180 = arith.constant 80 : index
        %get3A_181 = tpu.vector_load %arg9[%get3A_179, %get3A_180] {strides = array<i32>} : memref<128x128xf32, #tpu.memory_space<vmem>>, vector<1x16xf32>,
        %get3A_182 = vector.shape_cast %get3A_181 : vector<1x16xf32> to vector<16xf32>
        %get3A_183 = arith.index_cast %scan3A_110 : i32 to index
        %get3A_184 = arith.constant 80 : index
        %get3A_185 = tpu.vector_load %arg11[%get3A_183, %get3A_184] {strides = array<i32>} : memref<128x128xf32, #tpu.memory_space<vmem>>, vector<1x16xf32>,
        %get3A_186 = vector.shape_cast %get3A_185 : vector<1x16xf32> to vector<16xf32>
        %add3A_187 = arith.addf %get3A_182, %get3A_186 : vector<16xf32>
        %swap3A_188 = arith.index_cast %scan3A_110 : i32 to index
        %swap3A_189 = arith.constant 80 : index
        %swap3A_190 = tpu.vector_load %arg13[%swap3A_188, %swap3A_189] {strides = array<i32>} : memref<128x128xf32, #tpu.memory_space<vmem>>, vector<1x16xf32>,
        %swap3A_191 = vector.shape_cast %swap3A_190 : vector<1x16xf32> to vector<16xf32>
        %swap3A_192 = vector.shape_cast %add3A_187 : vector<16xf32> to vector<1x16xf32>
        tpu.vector_store %arg13[%swap3A_188, %swap3A_189], %swap3A_192 {strides = array<i32>} : memref<128x128xf32, #tpu.memory_space<vmem>>, vector<1x16xf32>,
        %get3A_193 = arith.index_cast %scan3A_110 : i32 to index
        %get3A_194 = arith.constant 96 : index
        %get3A_195 = tpu.vector_load %arg9[%get3A_193, %get3A_194] {strides = array<i32>} : memref<128x128xf32, #tpu.memory_space<vmem>>, vector<1x16xf32>,
        %get3A_196 = vector.shape_cast %get3A_195 : vector<1x16xf32> to vector<16xf32>
        %get3A_197 = arith.index_cast %scan3A_110 : i32 to index
        %get3A_198 = arith.constant 96 : index
        %get3A_199 = tpu.vector_load %arg11[%get3A_197, %get3A_198] {strides = array<i32>} : memref<128x128xf32, #tpu.memory_space<vmem>>, vector<1x16xf32>,
        %get3A_200 = vector.shape_cast %get3A_199 : vector<1x16xf32> to vector<16xf32>
        %add3A_201 = arith.addf %get3A_196, %get3A_200 : vector<16xf32>
        %swap3A_202 = arith.index_cast %scan3A_110 : i32 to index
        %swap3A_203 = arith.constant 96 : index
        %swap3A_204 = tpu.vector_load %arg13[%swap3A_202, %swap3A_203] {strides = array<i32>} : memref<128x128xf32, #tpu.memory_space<vmem>>, vector<1x16xf32>,
        %swap3A_205 = vector.shape_cast %swap3A_204 : vector<1x16xf32> to vector<16xf32>
        %swap3A_206 = vector.shape_cast %add3A_201 : vector<16xf32> to vector<1x16xf32>
        tpu.vector_store %arg13[%swap3A_202, %swap3A_203], %swap3A_206 {strides = array<i32>} : memref<128x128xf32, #tpu.memory_space<vmem>>, vector<1x16xf32>,
        %get3A_207 = arith.index_cast %scan3A_110 : i32 to index
        %get3A_208 = arith.constant 112 : index
        %get3A_209 = tpu.vector_load %arg9[%get3A_207, %get3A_208] {strides = array<i32>} : memref<128x128xf32, #tpu.memory_space<vmem>>, vector<1x16xf32>,
        %get3A_210 = vector.shape_cast %get3A_209 : vector<1x16xf32> to vector<16xf32>
        %get3A_211 = arith.index_cast %scan3A_110 : i32 to index
        %get3A_212 = arith.constant 112 : index
        %get3A_213 = tpu.vector_load %arg11[%get3A_211, %get3A_212] {strides = array<i32>} : memref<128x128xf32, #tpu.memory_space<vmem>>, vector<1x16xf32>,
        %get3A_214 = vector.shape_cast %get3A_213 : vector<1x16xf32> to vector<16xf32>
        %add3A_215 = arith.addf %get3A_210, %get3A_214 : vector<16xf32>
        %swap3A_216 = arith.index_cast %scan3A_110 : i32 to index
        %swap3A_217 = arith.constant 112 : index
        %swap3A_218 = tpu.vector_load %arg13[%swap3A_216, %swap3A_217] {strides = array<i32>} : memref<128x128xf32, #tpu.memory_space<vmem>>, vector<1x16xf32>,
        %swap3A_219 = vector.shape_cast %swap3A_218 : vector<1x16xf32> to vector<16xf32>
        %swap3A_220 = vector.shape_cast %add3A_215 : vector<16xf32> to vector<1x16xf32>
        tpu.vector_store %arg13[%swap3A_216, %swap3A_217], %swap3A_220 {strides = array<i32>} : memref<128x128xf32, #tpu.memory_space<vmem>>, vector<1x16xf32>,
      }
      %scan3A_61 = arith.constant 128 : i32
      %mul3A_62 = arith.constant 128 : i32
      %mul3A_63 = arith.muli %add3A_33, %mul3A_62 : i32
      %add3A_64 = arith.addi %mul3A_2, %mul3A_63 : i32
      %dma_start3A_65 = arith.constant 0 : i32
      %dma_start3A_66 = tpu.memref_slice %arg6[%add3A_64, %dma_start3A_65] : memref<163840x128xf32, #tpu.memory_space<hbm>> -> memref<128x128xf32, #tpu.memory_space<hbm>>
      %dma_start3A_67 = arith.constant 0 : i32
      %dma_start3A_68 = tpu.memref_slice %arg6[%add3A_64, %dma_start3A_67] : memref<163840x128xf32, #tpu.memory_space<hbm>> -> memref<128x128xf32, #tpu.memory_space<hbm>>
      tpu.enqueue_dma source(%arg13 : memref<128x128xf32, #tpu.memory_space<vmem>>) target(%dma_start3A_68 : memref<128x128xf32, #tpu.memory_space<hbm>>) target_semaphore(%arg17 : memref<!tpu.dma_semaphore, #tpu.memory_space<semaphore_mem>>)
      %add3A_69 = arith.constant 1 : i32
      %add3A_70 = arith.addi %add3A_31, %add3A_69 : i32
      %dma_wait3A_71 = arith.constant 0 : i32
      %dma_wait3A_72 = arith.constant 0 : i32
      %dma_wait3A_73 = tpu.memref_slice %arg7[%dma_wait3A_71, %dma_wait3A_72] : memref<40x128xi32, #tpu.memory_space<vmem>> -> memref<1x128xi32, #tpu.memory_space<vmem>>
      %dma_wait3A_74 = tpu.memref_squeeze %dma_wait3A_73 : memref<1x128xi32, #tpu.memory_space<vmem>> -> memref<128xi32, #tpu.memory_space<vmem>>
      %dma_wait3A_75 = arith.constant 0 : i32
      %dma_wait3A_76 = arith.constant 0 : i32
      %dma_wait3A_77 = tpu.memref_slice %arg2[%dma_wait3A_75, %dma_wait3A_76] : memref<10000x128xf32, #tpu.memory_space<hbm>> -> memref<10000x128xf32, #tpu.memory_space<hbm>>
      tpu.wait_indirect_dma semaphore(%arg16 : memref<!tpu.dma_semaphore, #tpu.memory_space<semaphore_mem>>) src(%dma_wait3A_77 : memref<10000x128xf32, #tpu.memory_space<hbm>>) dst(%arg10 : memref<128x128xf32, #tpu.memory_space<vmem>>)
      %dma_wait3A_78 = arith.constant 0 : i32
      %dma_wait3A_79 = arith.constant 0 : i32
      %dma_wait3A_80 = tpu.memref_slice %arg8[%dma_wait3A_78, %dma_wait3A_79] : memref<40x128xi32, #tpu.memory_space<vmem>> -> memref<1x128xi32, #tpu.memory_space<vmem>>
      %dma_wait3A_81 = tpu.memref_squeeze %dma_wait3A_80 : memref<1x128xi32, #tpu.memory_space<vmem>> -> memref<128xi32, #tpu.memory_space<vmem>>
      %dma_wait3A_82 = arith.constant 0 : i32
      %dma_wait3A_83 = arith.constant 0 : i32
      %dma_wait3A_84 = tpu.memref_slice %arg3[%dma_wait3A_82, %dma_wait3A_83] : memref<10000x128xf32, #tpu.memory_space<hbm>> -> memref<10000x128xf32, #tpu.memory_space<hbm>>
      tpu.wait_indirect_dma semaphore(%arg16 : memref<!tpu.dma_semaphore, #tpu.memory_space<semaphore_mem>>) src(%dma_wait3A_84 : memref<10000x128xf32, #tpu.memory_space<hbm>>) dst(%arg12 : memref<128x128xf32, #tpu.memory_space<vmem>>)
      %add3A_85 = arith.constant 1 : i32
      %add3A_86 = arith.addi %add3A_70, %add3A_85 : i32
      %lt3A_87 = arith.constant 40 : i32
      %lt3A_88 = arith.cmpi slt, %add3A_86, %lt3A_87 : i32
      %convert_element_type3A_89 = arith.extui %lt3A_88 : i1 to i32
      %cond3A_90 = arith.constant 0 : i32
      %cond3A_91 = arith.cmpi ne, %convert_element_type3A_89, %cond3A_90 : i32
      scf.if %cond3A_91 {
        %add3A_110 = arith.constant 1 : i32
        %add3A_111 = arith.addi %add3A_70, %add3A_110 : i32
        %dma_start3A_112 = arith.constant 0 : i32
        %dma_start3A_113 = tpu.memref_slice %arg7[%add3A_111, %dma_start3A_112] : memref<40x128xi32, #tpu.memory_space<vmem>> -> memref<1x128xi32, #tpu.memory_space<vmem>>
        %dma_start3A_114 = tpu.memref_squeeze %dma_start3A_113 : memref<1x128xi32, #tpu.memory_space<vmem>> -> memref<128xi32, #tpu.memory_space<vmem>>
        %dma_start3A_115 = arith.constant 0 : i32
        %dma_start3A_116 = arith.constant 0 : i32
        %dma_start3A_117 = tpu.memref_slice %arg2[%dma_start3A_115, %dma_start3A_116] : memref<10000x128xf32, #tpu.memory_space<hbm>> -> memref<10000x128xf32, #tpu.memory_space<hbm>>
        tpu.enqueue_indirect_dma source(%dma_start3A_117 : memref<10000x128xf32, #tpu.memory_space<hbm>>) target(%arg9 : memref<128x128xf32, #tpu.memory_space<vmem>>) offsets(%dma_start3A_114 : memref<128xi32, #tpu.memory_space<vmem>>) semaphore(%arg15 : memref<!tpu.dma_semaphore, #tpu.memory_space<semaphore_mem>>)
        %dma_start3A_118 = arith.constant 0 : i32
        %dma_start3A_119 = tpu.memref_slice %arg8[%add3A_111, %dma_start3A_118] : memref<40x128xi32, #tpu.memory_space<vmem>> -> memref<1x128xi32, #tpu.memory_space<vmem>>
        %dma_start3A_120 = tpu.memref_squeeze %dma_start3A_119 : memref<1x128xi32, #tpu.memory_space<vmem>> -> memref<128xi32, #tpu.memory_space<vmem>>
        %dma_start3A_121 = arith.constant 0 : i32
        %dma_start3A_122 = arith.constant 0 : i32
        %dma_start3A_123 = tpu.memref_slice %arg3[%dma_start3A_121, %dma_start3A_122] : memref<10000x128xf32, #tpu.memory_space<hbm>> -> memref<10000x128xf32, #tpu.memory_space<hbm>>
        tpu.enqueue_indirect_dma source(%dma_start3A_123 : memref<10000x128xf32, #tpu.memory_space<hbm>>) target(%arg11 : memref<128x128xf32, #tpu.memory_space<vmem>>) offsets(%dma_start3A_120 : memref<128xi32, #tpu.memory_space<vmem>>) semaphore(%arg15 : memref<!tpu.dma_semaphore, #tpu.memory_space<semaphore_mem>>)
      } else {
      }
      %gt3A_92 = arith.constant 1 : i32
      %gt3A_93 = arith.cmpi sgt, %add3A_70, %gt3A_92 : i32
      %convert_element_type3A_94 = arith.extui %gt3A_93 : i1 to i32
      %cond3A_95 = arith.constant 0 : i32
      %cond3A_96 = arith.cmpi ne, %convert_element_type3A_94, %cond3A_95 : i32
      scf.if %cond3A_96 {
        %dma_wait3A_110 = arith.constant 0 : i32
        %dma_wait3A_111 = tpu.memref_slice %arg6[%mul3A_2, %dma_wait3A_110] : memref<163840x128xf32, #tpu.memory_space<hbm>> -> memref<128x128xf32, #tpu.memory_space<hbm>>
        %dma_wait3A_112 = arith.constant 0 : i32
        %dma_wait3A_113 = tpu.memref_slice %arg6[%mul3A_2, %dma_wait3A_112] : memref<163840x128xf32, #tpu.memory_space<hbm>> -> memref<128x128xf32, #tpu.memory_space<hbm>>
        tpu.wait_dma2 semaphore(%arg18 : memref<!tpu.dma_semaphore, #tpu.memory_space<semaphore_mem>>) src(%arg14 : memref<128x128xf32, #tpu.memory_space<vmem>>) dst(%dma_wait3A_113 : memref<128x128xf32, #tpu.memory_space<hbm>>)
      } else {
      }
      %scan3A_97 = arith.constant 0 : i32
      %scan3A_98 = arith.constant 0 : i32
      %scan3A_99 = arith.constant 128 : i32
      %scan3A_100 = arith.addi %scan3A_98, %scan3A_99 : i32
      %scan3A_101 = arith.constant 1 : i32
      scf.for %scan3A_110 = %scan3A_98 to %scan3A_100 step %scan3A_101  : i32 {
        %get3A = arith.index_cast %scan3A_110 : i32 to index
        %get3A_111 = arith.constant 0 : index
        %get3A_112 = tpu.vector_load %arg10[%get3A, %get3A_111] {strides = array<i32>} : memref<128x128xf32, #tpu.memory_space<vmem>>, vector<1x16xf32>,
        %get3A_113 = vector.shape_cast %get3A_112 : vector<1x16xf32> to vector<16xf32>
        %get3A_114 = arith.index_cast %scan3A_110 : i32 to index
        %get3A_115 = arith.constant 0 : index
        %get3A_116 = tpu.vector_load %arg12[%get3A_114, %get3A_115] {strides = array<i32>} : memref<128x128xf32, #tpu.memory_space<vmem>>, vector<1x16xf32>,
        %get3A_117 = vector.shape_cast %get3A_116 : vector<1x16xf32> to vector<16xf32>
        %add3A_118 = arith.addf %get3A_113, %get3A_117 : vector<16xf32>
        %swap3A = arith.index_cast %scan3A_110 : i32 to index
        %swap3A_119 = arith.constant 0 : index
        %swap3A_120 = tpu.vector_load %arg14[%swap3A, %swap3A_119] {strides = array<i32>} : memref<128x128xf32, #tpu.memory_space<vmem>>, vector<1x16xf32>,
        %swap3A_121 = vector.shape_cast %swap3A_120 : vector<1x16xf32> to vector<16xf32>
        %swap3A_122 = vector.shape_cast %add3A_118 : vector<16xf32> to vector<1x16xf32>
        tpu.vector_store %arg14[%swap3A, %swap3A_119], %swap3A_122 {strides = array<i32>} : memref<128x128xf32, #tpu.memory_space<vmem>>, vector<1x16xf32>,
        %get3A_123 = arith.index_cast %scan3A_110 : i32 to index
        %get3A_124 = arith.constant 16 : index
        %get3A_125 = tpu.vector_load %arg10[%get3A_123, %get3A_124] {strides = array<i32>} : memref<128x128xf32, #tpu.memory_space<vmem>>, vector<1x16xf32>,
        %get3A_126 = vector.shape_cast %get3A_125 : vector<1x16xf32> to vector<16xf32>
        %get3A_127 = arith.index_cast %scan3A_110 : i32 to index
        %get3A_128 = arith.constant 16 : index
        %get3A_129 = tpu.vector_load %arg12[%get3A_127, %get3A_128] {strides = array<i32>} : memref<128x128xf32, #tpu.memory_space<vmem>>, vector<1x16xf32>,
        %get3A_130 = vector.shape_cast %get3A_129 : vector<1x16xf32> to vector<16xf32>
        %add3A_131 = arith.addf %get3A_126, %get3A_130 : vector<16xf32>
        %swap3A_132 = arith.index_cast %scan3A_110 : i32 to index
        %swap3A_133 = arith.constant 16 : index
        %swap3A_134 = tpu.vector_load %arg14[%swap3A_132, %swap3A_133] {strides = array<i32>} : memref<128x128xf32, #tpu.memory_space<vmem>>, vector<1x16xf32>,
        %swap3A_135 = vector.shape_cast %swap3A_134 : vector<1x16xf32> to vector<16xf32>
        %swap3A_136 = vector.shape_cast %add3A_131 : vector<16xf32> to vector<1x16xf32>
        tpu.vector_store %arg14[%swap3A_132, %swap3A_133], %swap3A_136 {strides = array<i32>} : memref<128x128xf32, #tpu.memory_space<vmem>>, vector<1x16xf32>,
        %get3A_137 = arith.index_cast %scan3A_110 : i32 to index
        %get3A_138 = arith.constant 32 : index
        %get3A_139 = tpu.vector_load %arg10[%get3A_137, %get3A_138] {strides = array<i32>} : memref<128x128xf32, #tpu.memory_space<vmem>>, vector<1x16xf32>,
        %get3A_140 = vector.shape_cast %get3A_139 : vector<1x16xf32> to vector<16xf32>
        %get3A_141 = arith.index_cast %scan3A_110 : i32 to index
        %get3A_142 = arith.constant 32 : index
        %get3A_143 = tpu.vector_load %arg12[%get3A_141, %get3A_142] {strides = array<i32>} : memref<128x128xf32, #tpu.memory_space<vmem>>, vector<1x16xf32>,
        %get3A_144 = vector.shape_cast %get3A_143 : vector<1x16xf32> to vector<16xf32>
        %add3A_145 = arith.addf %get3A_140, %get3A_144 : vector<16xf32>
        %swap3A_146 = arith.index_cast %scan3A_110 : i32 to index
        %swap3A_147 = arith.constant 32 : index
        %swap3A_148 = tpu.vector_load %arg14[%swap3A_146, %swap3A_147] {strides = array<i32>} : memref<128x128xf32, #tpu.memory_space<vmem>>, vector<1x16xf32>,
        %swap3A_149 = vector.shape_cast %swap3A_148 : vector<1x16xf32> to vector<16xf32>
        %swap3A_150 = vector.shape_cast %add3A_145 : vector<16xf32> to vector<1x16xf32>
        tpu.vector_store %arg14[%swap3A_146, %swap3A_147], %swap3A_150 {strides = array<i32>} : memref<128x128xf32, #tpu.memory_space<vmem>>, vector<1x16xf32>,
        %get3A_151 = arith.index_cast %scan3A_110 : i32 to index
        %get3A_152 = arith.constant 48 : index
        %get3A_153 = tpu.vector_load %arg10[%get3A_151, %get3A_152] {strides = array<i32>} : memref<128x128xf32, #tpu.memory_space<vmem>>, vector<1x16xf32>,
        %get3A_154 = vector.shape_cast %get3A_153 : vector<1x16xf32> to vector<16xf32>
        %get3A_155 = arith.index_cast %scan3A_110 : i32 to index
        %get3A_156 = arith.constant 48 : index
        %get3A_157 = tpu.vector_load %arg12[%get3A_155, %get3A_156] {strides = array<i32>} : memref<128x128xf32, #tpu.memory_space<vmem>>, vector<1x16xf32>,
        %get3A_158 = vector.shape_cast %get3A_157 : vector<1x16xf32> to vector<16xf32>
        %add3A_159 = arith.addf %get3A_154, %get3A_158 : vector<16xf32>
        %swap3A_160 = arith.index_cast %scan3A_110 : i32 to index
        %swap3A_161 = arith.constant 48 : index
        %swap3A_162 = tpu.vector_load %arg14[%swap3A_160, %swap3A_161] {strides = array<i32>} : memref<128x128xf32, #tpu.memory_space<vmem>>, vector<1x16xf32>,
        %swap3A_163 = vector.shape_cast %swap3A_162 : vector<1x16xf32> to vector<16xf32>
        %swap3A_164 = vector.shape_cast %add3A_159 : vector<16xf32> to vector<1x16xf32>
        tpu.vector_store %arg14[%swap3A_160, %swap3A_161], %swap3A_164 {strides = array<i32>} : memref<128x128xf32, #tpu.memory_space<vmem>>, vector<1x16xf32>,
        %get3A_165 = arith.index_cast %scan3A_110 : i32 to index
        %get3A_166 = arith.constant 64 : index
        %get3A_167 = tpu.vector_load %arg10[%get3A_165, %get3A_166] {strides = array<i32>} : memref<128x128xf32, #tpu.memory_space<vmem>>, vector<1x16xf32>,
        %get3A_168 = vector.shape_cast %get3A_167 : vector<1x16xf32> to vector<16xf32>
        %get3A_169 = arith.index_cast %scan3A_110 : i32 to index
        %get3A_170 = arith.constant 64 : index
        %get3A_171 = tpu.vector_load %arg12[%get3A_169, %get3A_170] {strides = array<i32>} : memref<128x128xf32, #tpu.memory_space<vmem>>, vector<1x16xf32>,
        %get3A_172 = vector.shape_cast %get3A_171 : vector<1x16xf32> to vector<16xf32>
        %add3A_173 = arith.addf %get3A_168, %get3A_172 : vector<16xf32>
        %swap3A_174 = arith.index_cast %scan3A_110 : i32 to index
        %swap3A_175 = arith.constant 64 : index
        %swap3A_176 = tpu.vector_load %arg14[%swap3A_174, %swap3A_175] {strides = array<i32>} : memref<128x128xf32, #tpu.memory_space<vmem>>, vector<1x16xf32>,
        %swap3A_177 = vector.shape_cast %swap3A_176 : vector<1x16xf32> to vector<16xf32>
        %swap3A_178 = vector.shape_cast %add3A_173 : vector<16xf32> to vector<1x16xf32>
        tpu.vector_store %arg14[%swap3A_174, %swap3A_175], %swap3A_178 {strides = array<i32>} : memref<128x128xf32, #tpu.memory_space<vmem>>, vector<1x16xf32>,
        %get3A_179 = arith.index_cast %scan3A_110 : i32 to index
        %get3A_180 = arith.constant 80 : index
        %get3A_181 = tpu.vector_load %arg10[%get3A_179, %get3A_180] {strides = array<i32>} : memref<128x128xf32, #tpu.memory_space<vmem>>, vector<1x16xf32>,
        %get3A_182 = vector.shape_cast %get3A_181 : vector<1x16xf32> to vector<16xf32>
        %get3A_183 = arith.index_cast %scan3A_110 : i32 to index
        %get3A_184 = arith.constant 80 : index
        %get3A_185 = tpu.vector_load %arg12[%get3A_183, %get3A_184] {strides = array<i32>} : memref<128x128xf32, #tpu.memory_space<vmem>>, vector<1x16xf32>,
        %get3A_186 = vector.shape_cast %get3A_185 : vector<1x16xf32> to vector<16xf32>
        %add3A_187 = arith.addf %get3A_182, %get3A_186 : vector<16xf32>
        %swap3A_188 = arith.index_cast %scan3A_110 : i32 to index
        %swap3A_189 = arith.constant 80 : index
        %swap3A_190 = tpu.vector_load %arg14[%swap3A_188, %swap3A_189] {strides = array<i32>} : memref<128x128xf32, #tpu.memory_space<vmem>>, vector<1x16xf32>,
        %swap3A_191 = vector.shape_cast %swap3A_190 : vector<1x16xf32> to vector<16xf32>
        %swap3A_192 = vector.shape_cast %add3A_187 : vector<16xf32> to vector<1x16xf32>
        tpu.vector_store %arg14[%swap3A_188, %swap3A_189], %swap3A_192 {strides = array<i32>} : memref<128x128xf32, #tpu.memory_space<vmem>>, vector<1x16xf32>,
        %get3A_193 = arith.index_cast %scan3A_110 : i32 to index
        %get3A_194 = arith.constant 96 : index
        %get3A_195 = tpu.vector_load %arg10[%get3A_193, %get3A_194] {strides = array<i32>} : memref<128x128xf32, #tpu.memory_space<vmem>>, vector<1x16xf32>,
        %get3A_196 = vector.shape_cast %get3A_195 : vector<1x16xf32> to vector<16xf32>
        %get3A_197 = arith.index_cast %scan3A_110 : i32 to index
        %get3A_198 = arith.constant 96 : index
        %get3A_199 = tpu.vector_load %arg12[%get3A_197, %get3A_198] {strides = array<i32>} : memref<128x128xf32, #tpu.memory_space<vmem>>, vector<1x16xf32>,
        %get3A_200 = vector.shape_cast %get3A_199 : vector<1x16xf32> to vector<16xf32>
        %add3A_201 = arith.addf %get3A_196, %get3A_200 : vector<16xf32>
        %swap3A_202 = arith.index_cast %scan3A_110 : i32 to index
        %swap3A_203 = arith.constant 96 : index
        %swap3A_204 = tpu.vector_load %arg14[%swap3A_202, %swap3A_203] {strides = array<i32>} : memref<128x128xf32, #tpu.memory_space<vmem>>, vector<1x16xf32>,
        %swap3A_205 = vector.shape_cast %swap3A_204 : vector<1x16xf32> to vector<16xf32>
        %swap3A_206 = vector.shape_cast %add3A_201 : vector<16xf32> to vector<1x16xf32>
        tpu.vector_store %arg14[%swap3A_202, %swap3A_203], %swap3A_206 {strides = array<i32>} : memref<128x128xf32, #tpu.memory_space<vmem>>, vector<1x16xf32>,
        %get3A_207 = arith.index_cast %scan3A_110 : i32 to index
        %get3A_208 = arith.constant 112 : index
        %get3A_209 = tpu.vector_load %arg10[%get3A_207, %get3A_208] {strides = array<i32>} : memref<128x128xf32, #tpu.memory_space<vmem>>, vector<1x16xf32>,
        %get3A_210 = vector.shape_cast %get3A_209 : vector<1x16xf32> to vector<16xf32>
        %get3A_211 = arith.index_cast %scan3A_110 : i32 to index
        %get3A_212 = arith.constant 112 : index
        %get3A_213 = tpu.vector_load %arg12[%get3A_211, %get3A_212] {strides = array<i32>} : memref<128x128xf32, #tpu.memory_space<vmem>>, vector<1x16xf32>,
        %get3A_214 = vector.shape_cast %get3A_213 : vector<1x16xf32> to vector<16xf32>
        %add3A_215 = arith.addf %get3A_210, %get3A_214 : vector<16xf32>
        %swap3A_216 = arith.index_cast %scan3A_110 : i32 to index
        %swap3A_217 = arith.constant 112 : index
        %swap3A_218 = tpu.vector_load %arg14[%swap3A_216, %swap3A_217] {strides = array<i32>} : memref<128x128xf32, #tpu.memory_space<vmem>>, vector<1x16xf32>,
        %swap3A_219 = vector.shape_cast %swap3A_218 : vector<1x16xf32> to vector<16xf32>
        %swap3A_220 = vector.shape_cast %add3A_215 : vector<16xf32> to vector<1x16xf32>
        tpu.vector_store %arg14[%swap3A_216, %swap3A_217], %swap3A_220 {strides = array<i32>} : memref<128x128xf32, #tpu.memory_space<vmem>>, vector<1x16xf32>,
      }
      %scan3A_102 = arith.constant 128 : i32
      %mul3A_103 = arith.constant 128 : i32
      %mul3A_104 = arith.muli %add3A_70, %mul3A_103 : i32
      %add3A_105 = arith.addi %mul3A_2, %mul3A_104 : i32
      %dma_start3A_106 = arith.constant 0 : i32
      %dma_start3A_107 = tpu.memref_slice %arg6[%add3A_105, %dma_start3A_106] : memref<163840x128xf32, #tpu.memory_space<hbm>> -> memref<128x128xf32, #tpu.memory_space<hbm>>
      %dma_start3A_108 = arith.constant 0 : i32
      %dma_start3A_109 = tpu.memref_slice %arg6[%add3A_105, %dma_start3A_108] : memref<163840x128xf32, #tpu.memory_space<hbm>> -> memref<128x128xf32, #tpu.memory_space<hbm>>
      tpu.enqueue_dma source(%arg14 : memref<128x128xf32, #tpu.memory_space<vmem>>) target(%dma_start3A_109 : memref<128x128xf32, #tpu.memory_space<hbm>>) target_semaphore(%arg18 : memref<!tpu.dma_semaphore, #tpu.memory_space<semaphore_mem>>)
    }
    %scan3A_19 = arith.constant 20 : i32
    %dma_wait3A = arith.constant 0 : i32
    %dma_wait3A_20 = tpu.memref_slice %arg6[%mul3A_2, %dma_wait3A] : memref<163840x128xf32, #tpu.memory_space<hbm>> -> memref<128x128xf32, #tpu.memory_space<hbm>>
    %dma_wait3A_21 = arith.constant 0 : i32
    %dma_wait3A_22 = tpu.memref_slice %arg6[%mul3A_2, %dma_wait3A_21] : memref<163840x128xf32, #tpu.memory_space<hbm>> -> memref<128x128xf32, #tpu.memory_space<hbm>>
    tpu.wait_dma2 semaphore(%arg17 : memref<!tpu.dma_semaphore, #tpu.memory_space<semaphore_mem>>) src(%arg13 : memref<128x128xf32, #tpu.memory_space<vmem>>) dst(%dma_wait3A_22 : memref<128x128xf32, #tpu.memory_space<hbm>>)
    %dma_wait3A_23 = arith.constant 0 : i32
    %dma_wait3A_24 = tpu.memref_slice %arg6[%mul3A_2, %dma_wait3A_23] : memref<163840x128xf32, #tpu.memory_space<hbm>> -> memref<128x128xf32, #tpu.memory_space<hbm>>
    %dma_wait3A_25 = arith.constant 0 : i32
    %dma_wait3A_26 = tpu.memref_slice %arg6[%mul3A_2, %dma_wait3A_25] : memref<163840x128xf32, #tpu.memory_space<hbm>> -> memref<128x128xf32, #tpu.memory_space<hbm>>
    tpu.wait_dma2 semaphore(%arg18 : memref<!tpu.dma_semaphore, #tpu.memory_space<semaphore_mem>>) src(%arg14 : memref<128x128xf32, #tpu.memory_space<vmem>>) dst(%dma_wait3A_26 : memref<128x128xf32, #tpu.memory_space<hbm>>)
    return
  }
}

#map = affine_map<(d0, d1) -> (0, 0)>
#map1 = affine_map<(d0, d1) -> (0, 0, 0)>
module attributes {stable_mosaic.version = 14 : i64} {
  func.func @gather(%arg0: i32, %arg1: i32, %arg2: memref<10000x128xf32, #tpu.memory_space<hbm>>, %arg3: memref<10000x128xf32, #tpu.memory_space<hbm>>, %arg4: memref<32x40x128xi32, #tpu.memory_space<hbm>>, %arg5: memref<32x40x128xi32, #tpu.memory_space<hbm>>, %arg6: memref<163840x128xf32, #tpu.memory_space<hbm>>, %arg7: memref<40x128xi32, #tpu.memory_space<vmem>>, %arg8: memref<40x128xi32, #tpu.memory_space<vmem>>, %arg9: memref<128x128xf32, #tpu.memory_space<vmem>>, %arg10: memref<128x128xf32, #tpu.memory_space<vmem>>, %arg11: memref<128x128xf32, #tpu.memory_space<vmem>>, %arg12: memref<128x128xf32, #tpu.memory_space<vmem>>, %arg13: memref<128x128xf32, #tpu.memory_space<vmem>>, %arg14: memref<128x128xf32, #tpu.memory_space<vmem>>, %arg15: memref<!tpu.dma_semaphore, #tpu.memory_space<semaphore_mem>>, %arg16: memref<!tpu.dma_semaphore, #tpu.memory_space<semaphore_mem>>, %arg17: memref<!tpu.dma_semaphore, #tpu.memory_space<semaphore_mem>>, %arg18: memref<!tpu.dma_semaphore, #tpu.memory_space<semaphore_mem>>) attributes {dimension_semantics = [#tpu.dimension_semantics<core_parallel>, #tpu.dimension_semantics<subcore_parallel>], iteration_bounds = array<i64: 2, 16>, scalar_prefetch = 0 : i64, scratch_operands = 12 : i64, tpu.core_type = #tpu.core_type<sc_vector_subcore>, window_params = [{transform_indices = #map}, {transform_indices = #map}, {transform_indices = #map1}, {transform_indices = #map1}, {transform_indices = #map}]} {
    %mul3A = arith.constant 2 : i32
    %mul3A_0 = arith.muli %arg1, %mul3A : i32
    %add3A = arith.addi %mul3A_0, %arg0 : i32
    %mul3A_1 = arith.constant 5120 : i32
    %mul3A_2 = arith.muli %add3A, %mul3A_1 : i32
    "tpu.region"() ({
      %run_scoped3A = tpu.sem_alloc : memref<!tpu.dma_semaphore, #tpu.memory_space<semaphore_mem>>
      %dma_start3A_27 = arith.constant 0 : i32
      %dma_start3A_28 = arith.constant 0 : i32
      %dma_start3A_29 = tpu.memref_slice %arg4[%add3A, %dma_start3A_27, %dma_start3A_28] : memref<32x40x128xi32, #tpu.memory_space<hbm>> -> memref<1x40x128xi32, #tpu.memory_space<hbm>>
      %dma_start3A_30 = tpu.memref_squeeze %dma_start3A_29 : memref<1x40x128xi32, #tpu.memory_space<hbm>> -> memref<40x128xi32, #tpu.memory_space<hbm>>
      %dma_start3A_31 = arith.constant 0 : i32
      %dma_start3A_32 = arith.constant 0 : i32
      %dma_start3A_33 = tpu.memref_slice %arg4[%add3A, %dma_start3A_31, %dma_start3A_32] : memref<32x40x128xi32, #tpu.memory_space<hbm>> -> memref<1x40x128xi32, #tpu.memory_space<hbm>>
      %dma_start3A_34 = tpu.memref_squeeze %dma_start3A_33 : memref<1x40x128xi32, #tpu.memory_space<hbm>> -> memref<40x128xi32, #tpu.memory_space<hbm>>
      tpu.enqueue_dma source(%dma_start3A_34 : memref<40x128xi32, #tpu.memory_space<hbm>>) target(%arg7 : memref<40x128xi32, #tpu.memory_space<vmem>>) target_semaphore(%run_scoped3A : memref<!tpu.dma_semaphore, #tpu.memory_space<semaphore_mem>>)
      %dma_wait3A_35 = arith.constant 0 : i32
      %dma_wait3A_36 = arith.constant 0 : i32
      %dma_wait3A_37 = tpu.memref_slice %arg4[%add3A, %dma_wait3A_35, %dma_wait3A_36] : memref<32x40x128xi32, #tpu.memory_space<hbm>> -> memref<1x40x128xi32, #tpu.memory_space<hbm>>
      %dma_wait3A_38 = tpu.memref_squeeze %dma_wait3A_37 : memref<1x40x128xi32, #tpu.memory_space<hbm>> -> memref<40x128xi32, #tpu.memory_space<hbm>>
      %dma_wait3A_39 = arith.constant 0 : i32
      %dma_wait3A_40 = arith.constant 0 : i32
      %dma_wait3A_41 = tpu.memref_slice %arg4[%add3A, %dma_wait3A_39, %dma_wait3A_40] : memref<32x40x128xi32, #tpu.memory_space<hbm>> -> memref<1x40x128xi32, #tpu.memory_space<hbm>>
      %dma_wait3A_42 = tpu.memref_squeeze %dma_wait3A_41 : memref<1x40x128xi32, #tpu.memory_space<hbm>> -> memref<40x128xi32, #tpu.memory_space<hbm>>
      tpu.wait_dma2 semaphore(%run_scoped3A : memref<!tpu.dma_semaphore, #tpu.memory_space<semaphore_mem>>) src(%dma_wait3A_42 : memref<40x128xi32, #tpu.memory_space<hbm>>) dst(%arg7 : memref<40x128xi32, #tpu.memory_space<vmem>>)
      tpu.yield
    }) : () -> ()
    "tpu.region"() ({
      %run_scoped3A = tpu.sem_alloc : memref<!tpu.dma_semaphore, #tpu.memory_space<semaphore_mem>>
      %dma_start3A_27 = arith.constant 0 : i32
      %dma_start3A_28 = arith.constant 0 : i32
      %dma_start3A_29 = tpu.memref_slice %arg5[%add3A, %dma_start3A_27, %dma_start3A_28] : memref<32x40x128xi32, #tpu.memory_space<hbm>> -> memref<1x40x128xi32, #tpu.memory_space<hbm>>
      %dma_start3A_30 = tpu.memref_squeeze %dma_start3A_29 : memref<1x40x128xi32, #tpu.memory_space<hbm>> -> memref<40x128xi32, #tpu.memory_space<hbm>>
      %dma_start3A_31 = arith.constant 0 : i32
      %dma_start3A_32 = arith.constant 0 : i32
      %dma_start3A_33 = tpu.memref_slice %arg5[%add3A, %dma_start3A_31, %dma_start3A_32] : memref<32x40x128xi32, #tpu.memory_space<hbm>> -> memref<1x40x128xi32, #tpu.memory_space<hbm>>
      %dma_start3A_34 = tpu.memref_squeeze %dma_start3A_33 : memref<1x40x128xi32, #tpu.memory_space<hbm>> -> memref<40x128xi32, #tpu.memory_space<hbm>>
      tpu.enqueue_dma source(%dma_start3A_34 : memref<40x128xi32, #tpu.memory_space<hbm>>) target(%arg8 : memref<40x128xi32, #tpu.memory_space<vmem>>) target_semaphore(%run_scoped3A : memref<!tpu.dma_semaphore, #tpu.memory_space<semaphore_mem>>)
      %dma_wait3A_35 = arith.constant 0 : i32
      %dma_wait3A_36 = arith.constant 0 : i32
      %dma_wait3A_37 = tpu.memref_slice %arg5[%add3A, %dma_wait3A_35, %dma_wait3A_36] : memref<32x40x128xi32, #tpu.memory_space<hbm>> -> memref<1x40x128xi32, #tpu.memory_space<hbm>>
      %dma_wait3A_38 = tpu.memref_squeeze %dma_wait3A_37 : memref<1x40x128xi32, #tpu.memory_space<hbm>> -> memref<40x128xi32, #tpu.memory_space<hbm>>
      %dma_wait3A_39 = arith.constant 0 : i32
      %dma_wait3A_40 = arith.constant 0 : i32
      %dma_wait3A_41 = tpu.memref_slice %arg5[%add3A, %dma_wait3A_39, %dma_wait3A_40] : memref<32x40x128xi32, #tpu.memory_space<hbm>> -> memref<1x40x128xi32, #tpu.memory_space<hbm>>
      %dma_wait3A_42 = tpu.memref_squeeze %dma_wait3A_41 : memref<1x40x128xi32, #tpu.memory_space<hbm>> -> memref<40x128xi32, #tpu.memory_space<hbm>>
      tpu.wait_dma2 semaphore(%run_scoped3A : memref<!tpu.dma_semaphore, #tpu.memory_space<semaphore_mem>>) src(%dma_wait3A_42 : memref<40x128xi32, #tpu.memory_space<hbm>>) dst(%arg8 : memref<40x128xi32, #tpu.memory_space<vmem>>)
      tpu.yield
    }) : () -> ()
    %dma_start3A = arith.constant 0 : i32
    %dma_start3A_3 = arith.constant 0 : i32
    %dma_start3A_4 = tpu.memref_slice %arg7[%dma_start3A, %dma_start3A_3] : memref<40x128xi32, #tpu.memory_space<vmem>> -> memref<1x128xi32, #tpu.memory_space<vmem>>
    %dma_start3A_5 = tpu.memref_squeeze %dma_start3A_4 : memref<1x128xi32, #tpu.memory_space<vmem>> -> memref<128xi32, #tpu.memory_space<vmem>>
    %dma_start3A_6 = arith.constant 0 : i32
    %dma_start3A_7 = arith.constant 0 : i32
    %dma_start3A_8 = tpu.memref_slice %arg2[%dma_start3A_6, %dma_start3A_7] : memref<10000x128xf32, #tpu.memory_space<hbm>> -> memref<10000x128xf32, #tpu.memory_space<hbm>>
    tpu.enqueue_indirect_dma source(%dma_start3A_8 : memref<10000x128xf32, #tpu.memory_space<hbm>>) target(%arg9 : memref<128x128xf32, #tpu.memory_space<vmem>>) offsets(%dma_start3A_5 : memref<128xi32, #tpu.memory_space<vmem>>) semaphore(%arg15 : memref<!tpu.dma_semaphore, #tpu.memory_space<semaphore_mem>>)
    %dma_start3A_9 = arith.constant 0 : i32
    %dma_start3A_10 = arith.constant 0 : i32
    %dma_start3A_11 = tpu.memref_slice %arg8[%dma_start3A_9, %dma_start3A_10] : memref<40x128xi32, #tpu.memory_space<vmem>> -> memref<1x128xi32, #tpu.memory_space<vmem>>
    %dma_start3A_12 = tpu.memref_squeeze %dma_start3A_11 : memref<1x128xi32, #tpu.memory_space<vmem>> -> memref<128xi32, #tpu.memory_space<vmem>>
    %dma_start3A_13 = arith.constant 0 : i32
    %dma_start3A_14 = arith.constant 0 : i32
    %dma_start3A_15 = tpu.memref_slice %arg3[%dma_start3A_13, %dma_start3A_14] : memref<10000x128xf32, #tpu.memory_space<hbm>> -> memref<10000x128xf32, #tpu.memory_space<hbm>>
    tpu.enqueue_indirect_dma source(%dma_start3A_15 : memref<10000x128xf32, #tpu.memory_space<hbm>>) target(%arg11 : memref<128x128xf32, #tpu.memory_space<vmem>>) offsets(%dma_start3A_12 : memref<128xi32, #tpu.memory_space<vmem>>) semaphore(%arg15 : memref<!tpu.dma_semaphore, #tpu.memory_space<semaphore_mem>>)
    %scan3A = arith.constant 0 : i32
    %scan3A_16 = arith.constant 20 : i32
    %scan3A_17 = arith.addi %scan3A, %scan3A_16 : i32
    %scan3A_18 = arith.constant 1 : i32
    scf.for %scan3A_27 = %scan3A to %scan3A_17 step %scan3A_18  : i32 {
      %mul3A_28 = arith.constant 2 : i32
      %mul3A_29 = arith.muli %scan3A_27, %mul3A_28 : i32
      %add3A_30 = arith.constant 0 : i32
      %add3A_31 = arith.addi %add3A_30, %mul3A_29 : i32
      %add3A_32 = arith.constant 0 : i32
      %add3A_33 = arith.addi %add3A_31, %add3A_32 : i32
      %dma_wait3A_34 = arith.constant 0 : i32
      %dma_wait3A_35 = arith.constant 0 : i32
      %dma_wait3A_36 = tpu.memref_slice %arg7[%dma_wait3A_34, %dma_wait3A_35] : memref<40x128xi32, #tpu.memory_space<vmem>> -> memref<1x128xi32, #tpu.memory_space<vmem>>
      %dma_wait3A_37 = tpu.memref_squeeze %dma_wait3A_36 : memref<1x128xi32, #tpu.memory_space<vmem>> -> memref<128xi32, #tpu.memory_space<vmem>>
      %dma_wait3A_38 = arith.constant 0 : i32
      %dma_wait3A_39 = arith.constant 0 : i32
      %dma_wait3A_40 = tpu.memref_slice %arg2[%dma_wait3A_38, %dma_wait3A_39] : memref<10000x128xf32, #tpu.memory_space<hbm>> -> memref<10000x128xf32, #tpu.memory_space<hbm>>
      tpu.wait_indirect_dma semaphore(%arg15 : memref<!tpu.dma_semaphore, #tpu.memory_space<semaphore_mem>>) src(%dma_wait3A_40 : memref<10000x128xf32, #tpu.memory_space<hbm>>) dst(%arg9 : memref<128x128xf32, #tpu.memory_space<vmem>>)
      %dma_wait3A_41 = arith.constant 0 : i32
      %dma_wait3A_42 = arith.constant 0 : i32
      %dma_wait3A_43 = tpu.memref_slice %arg8[%dma_wait3A_41, %dma_wait3A_42] : memref<40x128xi32, #tpu.memory_space<vmem>> -> memref<1x128xi32, #tpu.memory_space<vmem>>
      %dma_wait3A_44 = tpu.memref_squeeze %dma_wait3A_43 : memref<1x128xi32, #tpu.memory_space<vmem>> -> memref<128xi32, #tpu.memory_space<vmem>>
      %dma_wait3A_45 = arith.constant 0 : i32
      %dma_wait3A_46 = arith.constant 0 : i32
      %dma_wait3A_47 = tpu.memref_slice %arg3[%dma_wait3A_45, %dma_wait3A_46] : memref<10000x128xf32, #tpu.memory_space<hbm>> -> memref<10000x128xf32, #tpu.memory_space<hbm>>
      tpu.wait_indirect_dma semaphore(%arg15 : memref<!tpu.dma_semaphore, #tpu.memory_space<semaphore_mem>>) src(%dma_wait3A_47 : memref<10000x128xf32, #tpu.memory_space<hbm>>) dst(%arg11 : memref<128x128xf32, #tpu.memory_space<vmem>>)
      %add3A_48 = arith.constant 1 : i32
      %add3A_49 = arith.addi %add3A_33, %add3A_48 : i32
      %lt3A = arith.constant 40 : i32
      %lt3A_50 = arith.cmpi slt, %add3A_49, %lt3A : i32
      %convert_element_type3A = arith.extui %lt3A_50 : i1 to i32
      %cond3A = arith.constant 0 : i32
      %cond3A_51 = arith.cmpi ne, %convert_element_type3A, %cond3A : i32
      scf.if %cond3A_51 {
        %add3A_110 = arith.constant 1 : i32
        %add3A_111 = arith.addi %add3A_33, %add3A_110 : i32
        %dma_start3A_112 = arith.constant 0 : i32
        %dma_start3A_113 = tpu.memref_slice %arg7[%add3A_111, %dma_start3A_112] : memref<40x128xi32, #tpu.memory_space<vmem>> -> memref<1x128xi32, #tpu.memory_space<vmem>>
        %dma_start3A_114 = tpu.memref_squeeze %dma_start3A_113 : memref<1x128xi32, #tpu.memory_space<vmem>> -> memref<128xi32, #tpu.memory_space<vmem>>
        %dma_start3A_115 = arith.constant 0 : i32
        %dma_start3A_116 = arith.constant 0 : i32
        %dma_start3A_117 = tpu.memref_slice %arg2[%dma_start3A_115, %dma_start3A_116] : memref<10000x128xf32, #tpu.memory_space<hbm>> -> memref<10000x128xf32, #tpu.memory_space<hbm>>
        tpu.enqueue_indirect_dma source(%dma_start3A_117 : memref<10000x128xf32, #tpu.memory_space<hbm>>) target(%arg10 : memref<128x128xf32, #tpu.memory_space<vmem>>) offsets(%dma_start3A_114 : memref<128xi32, #tpu.memory_space<vmem>>) semaphore(%arg16 : memref<!tpu.dma_semaphore, #tpu.memory_space<semaphore_mem>>)
        %dma_start3A_118 = arith.constant 0 : i32
        %dma_start3A_119 = tpu.memref_slice %arg8[%add3A_111, %dma_start3A_118] : memref<40x128xi32, #tpu.memory_space<vmem>> -> memref<1x128xi32, #tpu.memory_space<vmem>>
        %dma_start3A_120 = tpu.memref_squeeze %dma_start3A_119 : memref<1x128xi32, #tpu.memory_space<vmem>> -> memref<128xi32, #tpu.memory_space<vmem>>
        %dma_start3A_121 = arith.constant 0 : i32
        %dma_start3A_122 = arith.constant 0 : i32
        %dma_start3A_123 = tpu.memref_slice %arg3[%dma_start3A_121, %dma_start3A_122] : memref<10000x128xf32, #tpu.memory_space<hbm>> -> memref<10000x128xf32, #tpu.memory_space<hbm>>
        tpu.enqueue_indirect_dma source(%dma_start3A_123 : memref<10000x128xf32, #tpu.memory_space<hbm>>) target(%arg12 : memref<128x128xf32, #tpu.memory_space<vmem>>) offsets(%dma_start3A_120 : memref<128xi32, #tpu.memory_space<vmem>>) semaphore(%arg16 : memref<!tpu.dma_semaphore, #tpu.memory_space<semaphore_mem>>)
      } else {
      }
      %gt3A = arith.constant 1 : i32
      %gt3A_52 = arith.cmpi sgt, %add3A_33, %gt3A : i32
      %convert_element_type3A_53 = arith.extui %gt3A_52 : i1 to i32
      %cond3A_54 = arith.constant 0 : i32
      %cond3A_55 = arith.cmpi ne, %convert_element_type3A_53, %cond3A_54 : i32
      scf.if %cond3A_55 {
        %dma_wait3A_110 = arith.constant 0 : i32
        %dma_wait3A_111 = tpu.memref_slice %arg6[%mul3A_2, %dma_wait3A_110] : memref<163840x128xf32, #tpu.memory_space<hbm>> -> memref<128x128xf32, #tpu.memory_space<hbm>>
        %dma_wait3A_112 = arith.constant 0 : i32
        %dma_wait3A_113 = tpu.memref_slice %arg6[%mul3A_2, %dma_wait3A_112] : memref<163840x128xf32, #tpu.memory_space<hbm>> -> memref<128x128xf32, #tpu.memory_space<hbm>>
        tpu.wait_dma2 semaphore(%arg17 : memref<!tpu.dma_semaphore, #tpu.memory_space<semaphore_mem>>) src(%arg13 : memref<128x128xf32, #tpu.memory_space<vmem>>) dst(%dma_wait3A_113 : memref<128x128xf32, #tpu.memory_space<hbm>>)
      } else {
      }
      %scan3A_56 = arith.constant 0 : i32
      %scan3A_57 = arith.constant 0 : i32
      %scan3A_58 = arith.constant 128 : i32
      %scan3A_59 = arith.addi %scan3A_57, %scan3A_58 : i32
      %scan3A_60 = arith.constant 1 : i32
      scf.for %scan3A_110 = %scan3A_57 to %scan3A_59 step %scan3A_60  : i32 {
        %get3A = arith.index_cast %scan3A_110 : i32 to index
        %get3A_111 = arith.constant 0 : index
        %get3A_112 = tpu.vector_load %arg9[%get3A, %get3A_111] {strides = array<i32>} : memref<128x128xf32, #tpu.memory_space<vmem>>, vector<1x16xf32>,
        %get3A_113 = vector.shape_cast %get3A_112 : vector<1x16xf32> to vector<16xf32>
        %get3A_114 = arith.index_cast %scan3A_110 : i32 to index
        %get3A_115 = arith.constant 0 : index
        %get3A_116 = tpu.vector_load %arg11[%get3A_114, %get3A_115] {strides = array<i32>} : memref<128x128xf32, #tpu.memory_space<vmem>>, vector<1x16xf32>,
        %get3A_117 = vector.shape_cast %get3A_116 : vector<1x16xf32> to vector<16xf32>
        %add3A_118 = arith.addf %get3A_113, %get3A_117 : vector<16xf32>
        %swap3A = arith.index_cast %scan3A_110 : i32 to index
        %swap3A_119 = arith.constant 0 : index
        %swap3A_120 = tpu.vector_load %arg13[%swap3A, %swap3A_119] {strides = array<i32>} : memref<128x128xf32, #tpu.memory_space<vmem>>, vector<1x16xf32>,
        %swap3A_121 = vector.shape_cast %swap3A_120 : vector<1x16xf32> to vector<16xf32>
        %swap3A_122 = vector.shape_cast %add3A_118 : vector<16xf32> to vector<1x16xf32>
        tpu.vector_store %arg13[%swap3A, %swap3A_119], %swap3A_122 {strides = array<i32>} : memref<128x128xf32, #tpu.memory_space<vmem>>, vector<1x16xf32>,
        %get3A_123 = arith.index_cast %scan3A_110 : i32 to index
        %get3A_124 = arith.constant 16 : index
        %get3A_125 = tpu.vector_load %arg9[%get3A_123, %get3A_124] {strides = array<i32>} : memref<128x128xf32, #tpu.memory_space<vmem>>, vector<1x16xf32>,
        %get3A_126 = vector.shape_cast %get3A_125 : vector<1x16xf32> to vector<16xf32>
        %get3A_127 = arith.index_cast %scan3A_110 : i32 to index
        %get3A_128 = arith.constant 16 : index
        %get3A_129 = tpu.vector_load %arg11[%get3A_127, %get3A_128] {strides = array<i32>} : memref<128x128xf32, #tpu.memory_space<vmem>>, vector<1x16xf32>,
        %get3A_130 = vector.shape_cast %get3A_129 : vector<1x16xf32> to vector<16xf32>
        %add3A_131 = arith.addf %get3A_126, %get3A_130 : vector<16xf32>
        %swap3A_132 = arith.index_cast %scan3A_110 : i32 to index
        %swap3A_133 = arith.constant 16 : index
        %swap3A_134 = tpu.vector_load %arg13[%swap3A_132, %swap3A_133] {strides = array<i32>} : memref<128x128xf32, #tpu.memory_space<vmem>>, vector<1x16xf32>,
        %swap3A_135 = vector.shape_cast %swap3A_134 : vector<1x16xf32> to vector<16xf32>
        %swap3A_136 = vector.shape_cast %add3A_131 : vector<16xf32> to vector<1x16xf32>
        tpu.vector_store %arg13[%swap3A_132, %swap3A_133], %swap3A_136 {strides = array<i32>} : memref<128x128xf32, #tpu.memory_space<vmem>>, vector<1x16xf32>,
        %get3A_137 = arith.index_cast %scan3A_110 : i32 to index
        %get3A_138 = arith.constant 32 : index
        %get3A_139 = tpu.vector_load %arg9[%get3A_137, %get3A_138] {strides = array<i32>} : memref<128x128xf32, #tpu.memory_space<vmem>>, vector<1x16xf32>,
        %get3A_140 = vector.shape_cast %get3A_139 : vector<1x16xf32> to vector<16xf32>
        %get3A_141 = arith.index_cast %scan3A_110 : i32 to index
        %get3A_142 = arith.constant 32 : index
        %get3A_143 = tpu.vector_load %arg11[%get3A_141, %get3A_142] {strides = array<i32>} : memref<128x128xf32, #tpu.memory_space<vmem>>, vector<1x16xf32>,
        %get3A_144 = vector.shape_cast %get3A_143 : vector<1x16xf32> to vector<16xf32>
        %add3A_145 = arith.addf %get3A_140, %get3A_144 : vector<16xf32>
        %swap3A_146 = arith.index_cast %scan3A_110 : i32 to index
        %swap3A_147 = arith.constant 32 : index
        %swap3A_148 = tpu.vector_load %arg13[%swap3A_146, %swap3A_147] {strides = array<i32>} : memref<128x128xf32, #tpu.memory_space<vmem>>, vector<1x16xf32>,
        %swap3A_149 = vector.shape_cast %swap3A_148 : vector<1x16xf32> to vector<16xf32>
        %swap3A_150 = vector.shape_cast %add3A_145 : vector<16xf32> to vector<1x16xf32>
        tpu.vector_store %arg13[%swap3A_146, %swap3A_147], %swap3A_150 {strides = array<i32>} : memref<128x128xf32, #tpu.memory_space<vmem>>, vector<1x16xf32>,
        %get3A_151 = arith.index_cast %scan3A_110 : i32 to index
        %get3A_152 = arith.constant 48 : index
        %get3A_153 = tpu.vector_load %arg9[%get3A_151, %get3A_152] {strides = array<i32>} : memref<128x128xf32, #tpu.memory_space<vmem>>, vector<1x16xf32>,
        %get3A_154 = vector.shape_cast %get3A_153 : vector<1x16xf32> to vector<16xf32>
        %get3A_155 = arith.index_cast %scan3A_110 : i32 to index
        %get3A_156 = arith.constant 48 : index
        %get3A_157 = tpu.vector_load %arg11[%get3A_155, %get3A_156] {strides = array<i32>} : memref<128x128xf32, #tpu.memory_space<vmem>>, vector<1x16xf32>,
        %get3A_158 = vector.shape_cast %get3A_157 : vector<1x16xf32> to vector<16xf32>
        %add3A_159 = arith.addf %get3A_154, %get3A_158 : vector<16xf32>
        %swap3A_160 = arith.index_cast %scan3A_110 : i32 to index
        %swap3A_161 = arith.constant 48 : index
        %swap3A_162 = tpu.vector_load %arg13[%swap3A_160, %swap3A_161] {strides = array<i32>} : memref<128x128xf32, #tpu.memory_space<vmem>>, vector<1x16xf32>,
        %swap3A_163 = vector.shape_cast %swap3A_162 : vector<1x16xf32> to vector<16xf32>
        %swap3A_164 = vector.shape_cast %add3A_159 : vector<16xf32> to vector<1x16xf32>
        tpu.vector_store %arg13[%swap3A_160, %swap3A_161], %swap3A_164 {strides = array<i32>} : memref<128x128xf32, #tpu.memory_space<vmem>>, vector<1x16xf32>,
        %get3A_165 = arith.index_cast %scan3A_110 : i32 to index
        %get3A_166 = arith.constant 64 : index
        %get3A_167 = tpu.vector_load %arg9[%get3A_165, %get3A_166] {strides = array<i32>} : memref<128x128xf32, #tpu.memory_space<vmem>>, vector<1x16xf32>,
        %get3A_168 = vector.shape_cast %get3A_167 : vector<1x16xf32> to vector<16xf32>
        %get3A_169 = arith.index_cast %scan3A_110 : i32 to index
        %get3A_170 = arith.constant 64 : index
        %get3A_171 = tpu.vector_load %arg11[%get3A_169, %get3A_170] {strides = array<i32>} : memref<128x128xf32, #tpu.memory_space<vmem>>, vector<1x16xf32>,
        %get3A_172 = vector.shape_cast %get3A_171 : vector<1x16xf32> to vector<16xf32>
        %add3A_173 = arith.addf %get3A_168, %get3A_172 : vector<16xf32>
        %swap3A_174 = arith.index_cast %scan3A_110 : i32 to index
        %swap3A_175 = arith.constant 64 : index
        %swap3A_176 = tpu.vector_load %arg13[%swap3A_174, %swap3A_175] {strides = array<i32>} : memref<128x128xf32, #tpu.memory_space<vmem>>, vector<1x16xf32>,
        %swap3A_177 = vector.shape_cast %swap3A_176 : vector<1x16xf32> to vector<16xf32>
        %swap3A_178 = vector.shape_cast %add3A_173 : vector<16xf32> to vector<1x16xf32>
        tpu.vector_store %arg13[%swap3A_174, %swap3A_175], %swap3A_178 {strides = array<i32>} : memref<128x128xf32, #tpu.memory_space<vmem>>, vector<1x16xf32>,
        %get3A_179 = arith.index_cast %scan3A_110 : i32 to index
        %get3A_180 = arith.constant 80 : index
        %get3A_181 = tpu.vector_load %arg9[%get3A_179, %get3A_180] {strides = array<i32>} : memref<128x128xf32, #tpu.memory_space<vmem>>, vector<1x16xf32>,
        %get3A_182 = vector.shape_cast %get3A_181 : vector<1x16xf32> to vector<16xf32>
        %get3A_183 = arith.index_cast %scan3A_110 : i32 to index
        %get3A_184 = arith.constant 80 : index
        %get3A_185 = tpu.vector_load %arg11[%get3A_183, %get3A_184] {strides = array<i32>} : memref<128x128xf32, #tpu.memory_space<vmem>>, vector<1x16xf32>,
        %get3A_186 = vector.shape_cast %get3A_185 : vector<1x16xf32> to vector<16xf32>
        %add3A_187 = arith.addf %get3A_182, %get3A_186 : vector<16xf32>
        %swap3A_188 = arith.index_cast %scan3A_110 : i32 to index
        %swap3A_189 = arith.constant 80 : index
        %swap3A_190 = tpu.vector_load %arg13[%swap3A_188, %swap3A_189] {strides = array<i32>} : memref<128x128xf32, #tpu.memory_space<vmem>>, vector<1x16xf32>,
        %swap3A_191 = vector.shape_cast %swap3A_190 : vector<1x16xf32> to vector<16xf32>
        %swap3A_192 = vector.shape_cast %add3A_187 : vector<16xf32> to vector<1x16xf32>
        tpu.vector_store %arg13[%swap3A_188, %swap3A_189], %swap3A_192 {strides = array<i32>} : memref<128x128xf32, #tpu.memory_space<vmem>>, vector<1x16xf32>,
        %get3A_193 = arith.index_cast %scan3A_110 : i32 to index
        %get3A_194 = arith.constant 96 : index
        %get3A_195 = tpu.vector_load %arg9[%get3A_193, %get3A_194] {strides = array<i32>} : memref<128x128xf32, #tpu.memory_space<vmem>>, vector<1x16xf32>,
        %get3A_196 = vector.shape_cast %get3A_195 : vector<1x16xf32> to vector<16xf32>
        %get3A_197 = arith.index_cast %scan3A_110 : i32 to index
        %get3A_198 = arith.constant 96 : index
        %get3A_199 = tpu.vector_load %arg11[%get3A_197, %get3A_198] {strides = array<i32>} : memref<128x128xf32, #tpu.memory_space<vmem>>, vector<1x16xf32>,
        %get3A_200 = vector.shape_cast %get3A_199 : vector<1x16xf32> to vector<16xf32>
        %add3A_201 = arith.addf %get3A_196, %get3A_200 : vector<16xf32>
        %swap3A_202 = arith.index_cast %scan3A_110 : i32 to index
        %swap3A_203 = arith.constant 96 : index
        %swap3A_204 = tpu.vector_load %arg13[%swap3A_202, %swap3A_203] {strides = array<i32>} : memref<128x128xf32, #tpu.memory_space<vmem>>, vector<1x16xf32>,
        %swap3A_205 = vector.shape_cast %swap3A_204 : vector<1x16xf32> to vector<16xf32>
        %swap3A_206 = vector.shape_cast %add3A_201 : vector<16xf32> to vector<1x16xf32>
        tpu.vector_store %arg13[%swap3A_202, %swap3A_203], %swap3A_206 {strides = array<i32>} : memref<128x128xf32, #tpu.memory_space<vmem>>, vector<1x16xf32>,
        %get3A_207 = arith.index_cast %scan3A_110 : i32 to index
        %get3A_208 = arith.constant 112 : index
        %get3A_209 = tpu.vector_load %arg9[%get3A_207, %get3A_208] {strides = array<i32>} : memref<128x128xf32, #tpu.memory_space<vmem>>, vector<1x16xf32>,
        %get3A_210 = vector.shape_cast %get3A_209 : vector<1x16xf32> to vector<16xf32>
        %get3A_211 = arith.index_cast %scan3A_110 : i32 to index
        %get3A_212 = arith.constant 112 : index
        %get3A_213 = tpu.vector_load %arg11[%get3A_211, %get3A_212] {strides = array<i32>} : memref<128x128xf32, #tpu.memory_space<vmem>>, vector<1x16xf32>,
        %get3A_214 = vector.shape_cast %get3A_213 : vector<1x16xf32> to vector<16xf32>
        %add3A_215 = arith.addf %get3A_210, %get3A_214 : vector<16xf32>
        %swap3A_216 = arith.index_cast %scan3A_110 : i32 to index
        %swap3A_217 = arith.constant 112 : index
        %swap3A_218 = tpu.vector_load %arg13[%swap3A_216, %swap3A_217] {strides = array<i32>} : memref<128x128xf32, #tpu.memory_space<vmem>>, vector<1x16xf32>,
        %swap3A_219 = vector.shape_cast %swap3A_218 : vector<1x16xf32> to vector<16xf32>
        %swap3A_220 = vector.shape_cast %add3A_215 : vector<16xf32> to vector<1x16xf32>
        tpu.vector_store %arg13[%swap3A_216, %swap3A_217], %swap3A_220 {strides = array<i32>} : memref<128x128xf32, #tpu.memory_space<vmem>>, vector<1x16xf32>,
      }
      %scan3A_61 = arith.constant 128 : i32
      %mul3A_62 = arith.constant 128 : i32
      %mul3A_63 = arith.muli %add3A_33, %mul3A_62 : i32
      %add3A_64 = arith.addi %mul3A_2, %mul3A_63 : i32
      %dma_start3A_65 = arith.constant 0 : i32
      %dma_start3A_66 = tpu.memref_slice %arg6[%add3A_64, %dma_start3A_65] : memref<163840x128xf32, #tpu.memory_space<hbm>> -> memref<128x128xf32, #tpu.memory_space<hbm>>
      %dma_start3A_67 = arith.constant 0 : i32
      %dma_start3A_68 = tpu.memref_slice %arg6[%add3A_64, %dma_start3A_67] : memref<163840x128xf32, #tpu.memory_space<hbm>> -> memref<128x128xf32, #tpu.memory_space<hbm>>
      tpu.enqueue_dma source(%arg13 : memref<128x128xf32, #tpu.memory_space<vmem>>) target(%dma_start3A_68 : memref<128x128xf32, #tpu.memory_space<hbm>>) target_semaphore(%arg17 : memref<!tpu.dma_semaphore, #tpu.memory_space<semaphore_mem>>)
      %add3A_69 = arith.constant 1 : i32
      %add3A_70 = arith.addi %add3A_31, %add3A_69 : i32
      %dma_wait3A_71 = arith.constant 0 : i32
      %dma_wait3A_72 = arith.constant 0 : i32
      %dma_wait3A_73 = tpu.memref_slice %arg7[%dma_wait3A_71, %dma_wait3A_72] : memref<40x128xi32, #tpu.memory_space<vmem>> -> memref<1x128xi32, #tpu.memory_space<vmem>>
      %dma_wait3A_74 = tpu.memref_squeeze %dma_wait3A_73 : memref<1x128xi32, #tpu.memory_space<vmem>> -> memref<128xi32, #tpu.memory_space<vmem>>
      %dma_wait3A_75 = arith.constant 0 : i32
      %dma_wait3A_76 = arith.constant 0 : i32
      %dma_wait3A_77 = tpu.memref_slice %arg2[%dma_wait3A_75, %dma_wait3A_76] : memref<10000x128xf32, #tpu.memory_space<hbm>> -> memref<10000x128xf32, #tpu.memory_space<hbm>>
      tpu.wait_indirect_dma semaphore(%arg16 : memref<!tpu.dma_semaphore, #tpu.memory_space<semaphore_mem>>) src(%dma_wait3A_77 : memref<10000x128xf32, #tpu.memory_space<hbm>>) dst(%arg10 : memref<128x128xf32, #tpu.memory_space<vmem>>)
      %dma_wait3A_78 = arith.constant 0 : i32
      %dma_wait3A_79 = arith.constant 0 : i32
      %dma_wait3A_80 = tpu.memref_slice %arg8[%dma_wait3A_78, %dma_wait3A_79] : memref<40x128xi32, #tpu.memory_space<vmem>> -> memref<1x128xi32, #tpu.memory_space<vmem>>
      %dma_wait3A_81 = tpu.memref_squeeze %dma_wait3A_80 : memref<1x128xi32, #tpu.memory_space<vmem>> -> memref<128xi32, #tpu.memory_space<vmem>>
      %dma_wait3A_82 = arith.constant 0 : i32
      %dma_wait3A_83 = arith.constant 0 : i32
      %dma_wait3A_84 = tpu.memref_slice %arg3[%dma_wait3A_82, %dma_wait3A_83] : memref<10000x128xf32, #tpu.memory_space<hbm>> -> memref<10000x128xf32, #tpu.memory_space<hbm>>
      tpu.wait_indirect_dma semaphore(%arg16 : memref<!tpu.dma_semaphore, #tpu.memory_space<semaphore_mem>>) src(%dma_wait3A_84 : memref<10000x128xf32, #tpu.memory_space<hbm>>) dst(%arg12 : memref<128x128xf32, #tpu.memory_space<vmem>>)
      %add3A_85 = arith.constant 1 : i32
      %add3A_86 = arith.addi %add3A_70, %add3A_85 : i32
      %lt3A_87 = arith.constant 40 : i32
      %lt3A_88 = arith.cmpi slt, %add3A_86, %lt3A_87 : i32
      %convert_element_type3A_89 = arith.extui %lt3A_88 : i1 to i32
      %cond3A_90 = arith.constant 0 : i32
      %cond3A_91 = arith.cmpi ne, %convert_element_type3A_89, %cond3A_90 : i32
      scf.if %cond3A_91 {
        %add3A_110 = arith.constant 1 : i32
        %add3A_111 = arith.addi %add3A_70, %add3A_110 : i32
        %dma_start3A_112 = arith.constant 0 : i32
        %dma_start3A_113 = tpu.memref_slice %arg7[%add3A_111, %dma_start3A_112] : memref<40x128xi32, #tpu.memory_space<vmem>> -> memref<1x128xi32, #tpu.memory_space<vmem>>
        %dma_start3A_114 = tpu.memref_squeeze %dma_start3A_113 : memref<1x128xi32, #tpu.memory_space<vmem>> -> memref<128xi32, #tpu.memory_space<vmem>>
        %dma_start3A_115 = arith.constant 0 : i32
        %dma_start3A_116 = arith.constant 0 : i32
        %dma_start3A_117 = tpu.memref_slice %arg2[%dma_start3A_115, %dma_start3A_116] : memref<10000x128xf32, #tpu.memory_space<hbm>> -> memref<10000x128xf32, #tpu.memory_space<hbm>>
        tpu.enqueue_indirect_dma source(%dma_start3A_117 : memref<10000x128xf32, #tpu.memory_space<hbm>>) target(%arg9 : memref<128x128xf32, #tpu.memory_space<vmem>>) offsets(%dma_start3A_114 : memref<128xi32, #tpu.memory_space<vmem>>) semaphore(%arg15 : memref<!tpu.dma_semaphore, #tpu.memory_space<semaphore_mem>>)
        %dma_start3A_118 = arith.constant 0 : i32
        %dma_start3A_119 = tpu.memref_slice %arg8[%add3A_111, %dma_start3A_118] : memref<40x128xi32, #tpu.memory_space<vmem>> -> memref<1x128xi32, #tpu.memory_space<vmem>>
        %dma_start3A_120 = tpu.memref_squeeze %dma_start3A_119 : memref<1x128xi32, #tpu.memory_space<vmem>> -> memref<128xi32, #tpu.memory_space<vmem>>
        %dma_start3A_121 = arith.constant 0 : i32
        %dma_start3A_122 = arith.constant 0 : i32
        %dma_start3A_123 = tpu.memref_slice %arg3[%dma_start3A_121, %dma_start3A_122] : memref<10000x128xf32, #tpu.memory_space<hbm>> -> memref<10000x128xf32, #tpu.memory_space<hbm>>
        tpu.enqueue_indirect_dma source(%dma_start3A_123 : memref<10000x128xf32, #tpu.memory_space<hbm>>) target(%arg11 : memref<128x128xf32, #tpu.memory_space<vmem>>) offsets(%dma_start3A_120 : memref<128xi32, #tpu.memory_space<vmem>>) semaphore(%arg15 : memref<!tpu.dma_semaphore, #tpu.memory_space<semaphore_mem>>)
      } else {
      }
      %gt3A_92 = arith.constant 1 : i32
      %gt3A_93 = arith.cmpi sgt, %add3A_70, %gt3A_92 : i32
      %convert_element_type3A_94 = arith.extui %gt3A_93 : i1 to i32
      %cond3A_95 = arith.constant 0 : i32
      %cond3A_96 = arith.cmpi ne, %convert_element_type3A_94, %cond3A_95 : i32
      scf.if %cond3A_96 {
        %dma_wait3A_110 = arith.constant 0 : i32
        %dma_wait3A_111 = tpu.memref_slice %arg6[%mul3A_2, %dma_wait3A_110] : memref<163840x128xf32, #tpu.memory_space<hbm>> -> memref<128x128xf32, #tpu.memory_space<hbm>>
        %dma_wait3A_112 = arith.constant 0 : i32
        %dma_wait3A_113 = tpu.memref_slice %arg6[%mul3A_2, %dma_wait3A_112] : memref<163840x128xf32, #tpu.memory_space<hbm>> -> memref<128x128xf32, #tpu.memory_space<hbm>>
        tpu.wait_dma2 semaphore(%arg18 : memref<!tpu.dma_semaphore, #tpu.memory_space<semaphore_mem>>) src(%arg14 : memref<128x128xf32, #tpu.memory_space<vmem>>) dst(%dma_wait3A_113 : memref<128x128xf32, #tpu.memory_space<hbm>>)
      } else {
      }
      %scan3A_97 = arith.constant 0 : i32
      %scan3A_98 = arith.constant 0 : i32
      %scan3A_99 = arith.constant 128 : i32
      %scan3A_100 = arith.addi %scan3A_98, %scan3A_99 : i32
      %scan3A_101 = arith.constant 1 : i32
      scf.for %scan3A_110 = %scan3A_98 to %scan3A_100 step %scan3A_101  : i32 {
        %get3A = arith.index_cast %scan3A_110 : i32 to index
        %get3A_111 = arith.constant 0 : index
        %get3A_112 = tpu.vector_load %arg10[%get3A, %get3A_111] {strides = array<i32>} : memref<128x128xf32, #tpu.memory_space<vmem>>, vector<1x16xf32>,
        %get3A_113 = vector.shape_cast %get3A_112 : vector<1x16xf32> to vector<16xf32>
        %get3A_114 = arith.index_cast %scan3A_110 : i32 to index
        %get3A_115 = arith.constant 0 : index
        %get3A_116 = tpu.vector_load %arg12[%get3A_114, %get3A_115] {strides = array<i32>} : memref<128x128xf32, #tpu.memory_space<vmem>>, vector<1x16xf32>,
        %get3A_117 = vector.shape_cast %get3A_116 : vector<1x16xf32> to vector<16xf32>
        %add3A_118 = arith.addf %get3A_113, %get3A_117 : vector<16xf32>
        %swap3A = arith.index_cast %scan3A_110 : i32 to index
        %swap3A_119 = arith.constant 0 : index
        %swap3A_120 = tpu.vector_load %arg14[%swap3A, %swap3A_119] {strides = array<i32>} : memref<128x128xf32, #tpu.memory_space<vmem>>, vector<1x16xf32>,
        %swap3A_121 = vector.shape_cast %swap3A_120 : vector<1x16xf32> to vector<16xf32>
        %swap3A_122 = vector.shape_cast %add3A_118 : vector<16xf32> to vector<1x16xf32>
        tpu.vector_store %arg14[%swap3A, %swap3A_119], %swap3A_122 {strides = array<i32>} : memref<128x128xf32, #tpu.memory_space<vmem>>, vector<1x16xf32>,
        %get3A_123 = arith.index_cast %scan3A_110 : i32 to index
        %get3A_124 = arith.constant 16 : index
        %get3A_125 = tpu.vector_load %arg10[%get3A_123, %get3A_124] {strides = array<i32>} : memref<128x128xf32, #tpu.memory_space<vmem>>, vector<1x16xf32>,
        %get3A_126 = vector.shape_cast %get3A_125 : vector<1x16xf32> to vector<16xf32>
        %get3A_127 = arith.index_cast %scan3A_110 : i32 to index
        %get3A_128 = arith.constant 16 : index
        %get3A_129 = tpu.vector_load %arg12[%get3A_127, %get3A_128] {strides = array<i32>} : memref<128x128xf32, #tpu.memory_space<vmem>>, vector<1x16xf32>,
        %get3A_130 = vector.shape_cast %get3A_129 : vector<1x16xf32> to vector<16xf32>
        %add3A_131 = arith.addf %get3A_126, %get3A_130 : vector<16xf32>
        %swap3A_132 = arith.index_cast %scan3A_110 : i32 to index
        %swap3A_133 = arith.constant 16 : index
        %swap3A_134 = tpu.vector_load %arg14[%swap3A_132, %swap3A_133] {strides = array<i32>} : memref<128x128xf32, #tpu.memory_space<vmem>>, vector<1x16xf32>,
        %swap3A_135 = vector.shape_cast %swap3A_134 : vector<1x16xf32> to vector<16xf32>
        %swap3A_136 = vector.shape_cast %add3A_131 : vector<16xf32> to vector<1x16xf32>
        tpu.vector_store %arg14[%swap3A_132, %swap3A_133], %swap3A_136 {strides = array<i32>} : memref<128x128xf32, #tpu.memory_space<vmem>>, vector<1x16xf32>,
        %get3A_137 = arith.index_cast %scan3A_110 : i32 to index
        %get3A_138 = arith.constant 32 : index
        %get3A_139 = tpu.vector_load %arg10[%get3A_137, %get3A_138] {strides = array<i32>} : memref<128x128xf32, #tpu.memory_space<vmem>>, vector<1x16xf32>,
        %get3A_140 = vector.shape_cast %get3A_139 : vector<1x16xf32> to vector<16xf32>
        %get3A_141 = arith.index_cast %scan3A_110 : i32 to index
        %get3A_142 = arith.constant 32 : index
        %get3A_143 = tpu.vector_load %arg12[%get3A_141, %get3A_142] {strides = array<i32>} : memref<128x128xf32, #tpu.memory_space<vmem>>, vector<1x16xf32>,
        %get3A_144 = vector.shape_cast %get3A_143 : vector<1x16xf32> to vector<16xf32>
        %add3A_145 = arith.addf %get3A_140, %get3A_144 : vector<16xf32>
        %swap3A_146 = arith.index_cast %scan3A_110 : i32 to index
        %swap3A_147 = arith.constant 32 : index
        %swap3A_148 = tpu.vector_load %arg14[%swap3A_146, %swap3A_147] {strides = array<i32>} : memref<128x128xf32, #tpu.memory_space<vmem>>, vector<1x16xf32>,
        %swap3A_149 = vector.shape_cast %swap3A_148 : vector<1x16xf32> to vector<16xf32>
        %swap3A_150 = vector.shape_cast %add3A_145 : vector<16xf32> to vector<1x16xf32>
        tpu.vector_store %arg14[%swap3A_146, %swap3A_147], %swap3A_150 {strides = array<i32>} : memref<128x128xf32, #tpu.memory_space<vmem>>, vector<1x16xf32>,
        %get3A_151 = arith.index_cast %scan3A_110 : i32 to index
        %get3A_152 = arith.constant 48 : index
        %get3A_153 = tpu.vector_load %arg10[%get3A_151, %get3A_152] {strides = array<i32>} : memref<128x128xf32, #tpu.memory_space<vmem>>, vector<1x16xf32>,
        %get3A_154 = vector.shape_cast %get3A_153 : vector<1x16xf32> to vector<16xf32>
        %get3A_155 = arith.index_cast %scan3A_110 : i32 to index
        %get3A_156 = arith.constant 48 : index
        %get3A_157 = tpu.vector_load %arg12[%get3A_155, %get3A_156] {strides = array<i32>} : memref<128x128xf32, #tpu.memory_space<vmem>>, vector<1x16xf32>,
        %get3A_158 = vector.shape_cast %get3A_157 : vector<1x16xf32> to vector<16xf32>
        %add3A_159 = arith.addf %get3A_154, %get3A_158 : vector<16xf32>
        %swap3A_160 = arith.index_cast %scan3A_110 : i32 to index
        %swap3A_161 = arith.constant 48 : index
        %swap3A_162 = tpu.vector_load %arg14[%swap3A_160, %swap3A_161] {strides = array<i32>} : memref<128x128xf32, #tpu.memory_space<vmem>>, vector<1x16xf32>,
        %swap3A_163 = vector.shape_cast %swap3A_162 : vector<1x16xf32> to vector<16xf32>
        %swap3A_164 = vector.shape_cast %add3A_159 : vector<16xf32> to vector<1x16xf32>
        tpu.vector_store %arg14[%swap3A_160, %swap3A_161], %swap3A_164 {strides = array<i32>} : memref<128x128xf32, #tpu.memory_space<vmem>>, vector<1x16xf32>,
        %get3A_165 = arith.index_cast %scan3A_110 : i32 to index
        %get3A_166 = arith.constant 64 : index
        %get3A_167 = tpu.vector_load %arg10[%get3A_165, %get3A_166] {strides = array<i32>} : memref<128x128xf32, #tpu.memory_space<vmem>>, vector<1x16xf32>,
        %get3A_168 = vector.shape_cast %get3A_167 : vector<1x16xf32> to vector<16xf32>
        %get3A_169 = arith.index_cast %scan3A_110 : i32 to index
        %get3A_170 = arith.constant 64 : index
        %get3A_171 = tpu.vector_load %arg12[%get3A_169, %get3A_170] {strides = array<i32>} : memref<128x128xf32, #tpu.memory_space<vmem>>, vector<1x16xf32>,
        %get3A_172 = vector.shape_cast %get3A_171 : vector<1x16xf32> to vector<16xf32>
        %add3A_173 = arith.addf %get3A_168, %get3A_172 : vector<16xf32>
        %swap3A_174 = arith.index_cast %scan3A_110 : i32 to index
        %swap3A_175 = arith.constant 64 : index
        %swap3A_176 = tpu.vector_load %arg14[%swap3A_174, %swap3A_175] {strides = array<i32>} : memref<128x128xf32, #tpu.memory_space<vmem>>, vector<1x16xf32>,
        %swap3A_177 = vector.shape_cast %swap3A_176 : vector<1x16xf32> to vector<16xf32>
        %swap3A_178 = vector.shape_cast %add3A_173 : vector<16xf32> to vector<1x16xf32>
        tpu.vector_store %arg14[%swap3A_174, %swap3A_175], %swap3A_178 {strides = array<i32>} : memref<128x128xf32, #tpu.memory_space<vmem>>, vector<1x16xf32>,
        %get3A_179 = arith.index_cast %scan3A_110 : i32 to index
        %get3A_180 = arith.constant 80 : index
        %get3A_181 = tpu.vector_load %arg10[%get3A_179, %get3A_180] {strides = array<i32>} : memref<128x128xf32, #tpu.memory_space<vmem>>, vector<1x16xf32>,
        %get3A_182 = vector.shape_cast %get3A_181 : vector<1x16xf32> to vector<16xf32>
        %get3A_183 = arith.index_cast %scan3A_110 : i32 to index
        %get3A_184 = arith.constant 80 : index
        %get3A_185 = tpu.vector_load %arg12[%get3A_183, %get3A_184] {strides = array<i32>} : memref<128x128xf32, #tpu.memory_space<vmem>>, vector<1x16xf32>,
        %get3A_186 = vector.shape_cast %get3A_185 : vector<1x16xf32> to vector<16xf32>
        %add3A_187 = arith.addf %get3A_182, %get3A_186 : vector<16xf32>
        %swap3A_188 = arith.index_cast %scan3A_110 : i32 to index
        %swap3A_189 = arith.constant 80 : index
        %swap3A_190 = tpu.vector_load %arg14[%swap3A_188, %swap3A_189] {strides = array<i32>} : memref<128x128xf32, #tpu.memory_space<vmem>>, vector<1x16xf32>,
        %swap3A_191 = vector.shape_cast %swap3A_190 : vector<1x16xf32> to vector<16xf32>
        %swap3A_192 = vector.shape_cast %add3A_187 : vector<16xf32> to vector<1x16xf32>
        tpu.vector_store %arg14[%swap3A_188, %swap3A_189], %swap3A_192 {strides = array<i32>} : memref<128x128xf32, #tpu.memory_space<vmem>>, vector<1x16xf32>,
        %get3A_193 = arith.index_cast %scan3A_110 : i32 to index
        %get3A_194 = arith.constant 96 : index
        %get3A_195 = tpu.vector_load %arg10[%get3A_193, %get3A_194] {strides = array<i32>} : memref<128x128xf32, #tpu.memory_space<vmem>>, vector<1x16xf32>,
        %get3A_196 = vector.shape_cast %get3A_195 : vector<1x16xf32> to vector<16xf32>
        %get3A_197 = arith.index_cast %scan3A_110 : i32 to index
        %get3A_198 = arith.constant 96 : index
        %get3A_199 = tpu.vector_load %arg12[%get3A_197, %get3A_198] {strides = array<i32>} : memref<128x128xf32, #tpu.memory_space<vmem>>, vector<1x16xf32>,
        %get3A_200 = vector.shape_cast %get3A_199 : vector<1x16xf32> to vector<16xf32>
        %add3A_201 = arith.addf %get3A_196, %get3A_200 : vector<16xf32>
        %swap3A_202 = arith.index_cast %scan3A_110 : i32 to index
        %swap3A_203 = arith.constant 96 : index
        %swap3A_204 = tpu.vector_load %arg14[%swap3A_202, %swap3A_203] {strides = array<i32>} : memref<128x128xf32, #tpu.memory_space<vmem>>, vector<1x16xf32>,
        %swap3A_205 = vector.shape_cast %swap3A_204 : vector<1x16xf32> to vector<16xf32>
        %swap3A_206 = vector.shape_cast %add3A_201 : vector<16xf32> to vector<1x16xf32>
        tpu.vector_store %arg14[%swap3A_202, %swap3A_203], %swap3A_206 {strides = array<i32>} : memref<128x128xf32, #tpu.memory_space<vmem>>, vector<1x16xf32>,
        %get3A_207 = arith.index_cast %scan3A_110 : i32 to index
        %get3A_208 = arith.constant 112 : index
        %get3A_209 = tpu.vector_load %arg10[%get3A_207, %get3A_208] {strides = array<i32>} : memref<128x128xf32, #tpu.memory_space<vmem>>, vector<1x16xf32>,
        %get3A_210 = vector.shape_cast %get3A_209 : vector<1x16xf32> to vector<16xf32>
        %get3A_211 = arith.index_cast %scan3A_110 : i32 to index
        %get3A_212 = arith.constant 112 : index
        %get3A_213 = tpu.vector_load %arg12[%get3A_211, %get3A_212] {strides = array<i32>} : memref<128x128xf32, #tpu.memory_space<vmem>>, vector<1x16xf32>,
        %get3A_214 = vector.shape_cast %get3A_213 : vector<1x16xf32> to vector<16xf32>
        %add3A_215 = arith.addf %get3A_210, %get3A_214 : vector<16xf32>
        %swap3A_216 = arith.index_cast %scan3A_110 : i32 to index
        %swap3A_217 = arith.constant 112 : index
        %swap3A_218 = tpu.vector_load %arg14[%swap3A_216, %swap3A_217] {strides = array<i32>} : memref<128x128xf32, #tpu.memory_space<vmem>>, vector<1x16xf32>,
        %swap3A_219 = vector.shape_cast %swap3A_218 : vector<1x16xf32> to vector<16xf32>
        %swap3A_220 = vector.shape_cast %add3A_215 : vector<16xf32> to vector<1x16xf32>
        tpu.vector_store %arg14[%swap3A_216, %swap3A_217], %swap3A_220 {strides = array<i32>} : memref<128x128xf32, #tpu.memory_space<vmem>>, vector<1x16xf32>,
      }
      %scan3A_102 = arith.constant 128 : i32
      %mul3A_103 = arith.constant 128 : i32
      %mul3A_104 = arith.muli %add3A_70, %mul3A_103 : i32
      %add3A_105 = arith.addi %mul3A_2, %mul3A_104 : i32
      %dma_start3A_106 = arith.constant 0 : i32
      %dma_start3A_107 = tpu.memref_slice %arg6[%add3A_105, %dma_start3A_106] : memref<163840x128xf32, #tpu.memory_space<hbm>> -> memref<128x128xf32, #tpu.memory_space<hbm>>
      %dma_start3A_108 = arith.constant 0 : i32
      %dma_start3A_109 = tpu.memref_slice %arg6[%add3A_105, %dma_start3A_108] : memref<163840x128xf32, #tpu.memory_space<hbm>> -> memref<128x128xf32, #tpu.memory_space<hbm>>
      tpu.enqueue_dma source(%arg14 : memref<128x128xf32, #tpu.memory_space<vmem>>) target(%dma_start3A_109 : memref<128x128xf32, #tpu.memory_space<hbm>>) target_semaphore(%arg18 : memref<!tpu.dma_semaphore, #tpu.memory_space<semaphore_mem>>)
    }
    %scan3A_19 = arith.constant 20 : i32
    %dma_wait3A = arith.constant 0 : i32
    %dma_wait3A_20 = tpu.memref_slice %arg6[%mul3A_2, %dma_wait3A] : memref<163840x128xf32, #tpu.memory_space<hbm>> -> memref<128x128xf32, #tpu.memory_space<hbm>>
    %dma_wait3A_21 = arith.constant 0 : i32
    %dma_wait3A_22 = tpu.memref_slice %arg6[%mul3A_2, %dma_wait3A_21] : memref<163840x128xf32, #tpu.memory_space<hbm>> -> memref<128x128xf32, #tpu.memory_space<hbm>>
    tpu.wait_dma2 semaphore(%arg17 : memref<!tpu.dma_semaphore, #tpu.memory_space<semaphore_mem>>) src(%arg13 : memref<128x128xf32, #tpu.memory_space<vmem>>) dst(%dma_wait3A_22 : memref<128x128xf32, #tpu.memory_space<hbm>>)
    %dma_wait3A_23 = arith.constant 0 : i32
    %dma_wait3A_24 = tpu.memref_slice %arg6[%mul3A_2, %dma_wait3A_23] : memref<163840x128xf32, #tpu.memory_space<hbm>> -> memref<128x128xf32, #tpu.memory_space<hbm>>
    %dma_wait3A_25 = arith.constant 0 : i32
    %dma_wait3A_26 = tpu.memref_slice %arg6[%mul3A_2, %dma_wait3A_25] : memref<163840x128xf32, #tpu.memory_space<hbm>> -> memref<128x128xf32, #tpu.memory_space<hbm>>
    tpu.wait_dma2 semaphore(%arg18 : memref<!tpu.dma_semaphore, #tpu.memory_space<semaphore_mem>>) src(%arg14 : memref<128x128xf32, #tpu.memory_space<vmem>>) dst(%dma_wait3A_26 : memref<128x128xf32, #tpu.memory_space<hbm>>)
    return
  }
}

#map = affine_map<(d0, d1) -> (0, 0)>
#map1 = affine_map<(d0, d1) -> (0, 0, 0)>
module attributes {stable_mosaic.version = 14 : i64} {
  func.func @scatter(%arg0: i32, %arg1: i32, %arg2: memref<163840x128xf32, #tpu.memory_space<hbm>>, %arg3: memref<32x40x128xi32, #tpu.memory_space<hbm>>, %arg4: memref<10016x128xf32, #tpu.memory_space<hbm>>, %arg5: memref<2x10016x128xf32, #tpu.memory_space<hbm>>, %arg6: memref<40x128xi32, #tpu.memory_space<vmem>>, %arg7: memref<128x128xf32, #tpu.memory_space<vmem>>, %arg8: memref<128x128xf32, #tpu.memory_space<vmem>>, %arg9: memref<10016x128xf32, #tpu.memory_space<vmem_shared>>, %arg10: memref<!tpu.dma_semaphore, #tpu.memory_space<semaphore_mem>>, %arg11: memref<!tpu.dma_semaphore, #tpu.memory_space<semaphore_mem>>, %arg12: memref<!tpu.dma_semaphore, #tpu.memory_space<semaphore_mem>>, %arg13: memref<!tpu.dma_semaphore, #tpu.memory_space<semaphore_mem>>) attributes {dimension_semantics = [#tpu.dimension_semantics<core_parallel>, #tpu.dimension_semantics<subcore_parallel>], iteration_bounds = array<i64: 2, 16>, scalar_prefetch = 0 : i64, scratch_operands = 8 : i64, tpu.core_type = #tpu.core_type<sc_vector_subcore>, window_params = [{transform_indices = #map}, {transform_indices = #map1}, {transform_indices = #map}, {transform_indices = #map1}]} {
    %mul3A = arith.constant 2 : i32
    %mul3A_0 = arith.muli %arg1, %mul3A : i32
    %add3A = arith.addi %mul3A_0, %arg0 : i32
    %mul3A_1 = arith.constant 5120 : i32
    %mul3A_2 = arith.muli %add3A, %mul3A_1 : i32
    %add3A_3 = arith.constant 0 : i32
    %add3A_4 = arith.addi %mul3A_2, %add3A_3 : i32
    %dma_start3A = arith.constant 0 : i32
    %dma_start3A_5 = tpu.memref_slice %arg2[%add3A_4, %dma_start3A] : memref<163840x128xf32, #tpu.memory_space<hbm>> -> memref<128x128xf32, #tpu.memory_space<hbm>>
    %dma_start3A_6 = arith.constant 0 : i32
    %dma_start3A_7 = tpu.memref_slice %arg2[%add3A_4, %dma_start3A_6] : memref<163840x128xf32, #tpu.memory_space<hbm>> -> memref<128x128xf32, #tpu.memory_space<hbm>>
    tpu.enqueue_dma source(%dma_start3A_7 : memref<128x128xf32, #tpu.memory_space<hbm>>) target(%arg7 : memref<128x128xf32, #tpu.memory_space<vmem>>) target_semaphore(%arg10 : memref<!tpu.dma_semaphore, #tpu.memory_space<semaphore_mem>>)
    "tpu.region"() ({
      %run_scoped3A = tpu.sem_alloc : memref<!tpu.dma_semaphore, #tpu.memory_space<semaphore_mem>>
      %dma_start3A_34 = arith.constant 0 : i32
      %dma_start3A_35 = arith.constant 0 : i32
      %dma_start3A_36 = tpu.memref_slice %arg3[%add3A, %dma_start3A_34, %dma_start3A_35] : memref<32x40x128xi32, #tpu.memory_space<hbm>> -> memref<1x40x128xi32, #tpu.memory_space<hbm>>
      %dma_start3A_37 = tpu.memref_squeeze %dma_start3A_36 : memref<1x40x128xi32, #tpu.memory_space<hbm>> -> memref<40x128xi32, #tpu.memory_space<hbm>>
      %dma_start3A_38 = arith.constant 0 : i32
      %dma_start3A_39 = arith.constant 0 : i32
      %dma_start3A_40 = tpu.memref_slice %arg3[%add3A, %dma_start3A_38, %dma_start3A_39] : memref<32x40x128xi32, #tpu.memory_space<hbm>> -> memref<1x40x128xi32, #tpu.memory_space<hbm>>
      %dma_start3A_41 = tpu.memref_squeeze %dma_start3A_40 : memref<1x40x128xi32, #tpu.memory_space<hbm>> -> memref<40x128xi32, #tpu.memory_space<hbm>>
      tpu.enqueue_dma source(%dma_start3A_41 : memref<40x128xi32, #tpu.memory_space<hbm>>) target(%arg6 : memref<40x128xi32, #tpu.memory_space<vmem>>) target_semaphore(%run_scoped3A : memref<!tpu.dma_semaphore, #tpu.memory_space<semaphore_mem>>)
      %dma_wait3A_42 = arith.constant 0 : i32
      %dma_wait3A_43 = arith.constant 0 : i32
      %dma_wait3A_44 = tpu.memref_slice %arg3[%add3A, %dma_wait3A_42, %dma_wait3A_43] : memref<32x40x128xi32, #tpu.memory_space<hbm>> -> memref<1x40x128xi32, #tpu.memory_space<hbm>>
      %dma_wait3A_45 = tpu.memref_squeeze %dma_wait3A_44 : memref<1x40x128xi32, #tpu.memory_space<hbm>> -> memref<40x128xi32, #tpu.memory_space<hbm>>
      %dma_wait3A_46 = arith.constant 0 : i32
      %dma_wait3A_47 = arith.constant 0 : i32
      %dma_wait3A_48 = tpu.memref_slice %arg3[%add3A, %dma_wait3A_46, %dma_wait3A_47] : memref<32x40x128xi32, #tpu.memory_space<hbm>> -> memref<1x40x128xi32, #tpu.memory_space<hbm>>
      %dma_wait3A_49 = tpu.memref_squeeze %dma_wait3A_48 : memref<1x40x128xi32, #tpu.memory_space<hbm>> -> memref<40x128xi32, #tpu.memory_space<hbm>>
      tpu.wait_dma2 semaphore(%run_scoped3A : memref<!tpu.dma_semaphore, #tpu.memory_space<semaphore_mem>>) src(%dma_wait3A_49 : memref<40x128xi32, #tpu.memory_space<hbm>>) dst(%arg6 : memref<40x128xi32, #tpu.memory_space<vmem>>)
      tpu.yield
    }) : () -> ()
    %mul3A_8 = arith.constant 624 : i32
    %mul3A_9 = arith.muli %arg1, %mul3A_8 : i32
    %mul3A_10 = arith.constant 624 : i32
    %mul3A_11 = arith.muli %arg1, %mul3A_10 : i32
    "tpu.region"() ({
      %run_scoped3A = tpu.sem_alloc : memref<!tpu.dma_semaphore, #tpu.memory_space<semaphore_mem>>
      %dma_start3A_34 = arith.constant 0 : i32
      %dma_start3A_35 = tpu.memref_slice %arg9[%mul3A_11, %dma_start3A_34] : memref<10016x128xf32, #tpu.memory_space<vmem_shared>> -> memref<624x128xf32, #tpu.memory_space<vmem_shared>>
      %dma_start3A_36 = arith.constant 0 : i32
      %dma_start3A_37 = tpu.memref_slice %arg4[%mul3A_9, %dma_start3A_36] : memref<10016x128xf32, #tpu.memory_space<hbm>> -> memref<624x128xf32, #tpu.memory_space<hbm>>
      tpu.enqueue_dma source(%dma_start3A_37 : memref<624x128xf32, #tpu.memory_space<hbm>>) target(%dma_start3A_35 : memref<624x128xf32, #tpu.memory_space<vmem_shared>>) target_semaphore(%run_scoped3A : memref<!tpu.dma_semaphore, #tpu.memory_space<semaphore_mem>>)
      %dma_wait3A_38 = arith.constant 0 : i32
      %dma_wait3A_39 = tpu.memref_slice %arg9[%mul3A_11, %dma_wait3A_38] : memref<10016x128xf32, #tpu.memory_space<vmem_shared>> -> memref<624x128xf32, #tpu.memory_space<vmem_shared>>
      %dma_wait3A_40 = arith.constant 0 : i32
      %dma_wait3A_41 = tpu.memref_slice %arg4[%mul3A_9, %dma_wait3A_40] : memref<10016x128xf32, #tpu.memory_space<hbm>> -> memref<624x128xf32, #tpu.memory_space<hbm>>
      tpu.wait_dma2 semaphore(%run_scoped3A : memref<!tpu.dma_semaphore, #tpu.memory_space<semaphore_mem>>) src(%dma_wait3A_41 : memref<624x128xf32, #tpu.memory_space<hbm>>) dst(%dma_wait3A_39 : memref<624x128xf32, #tpu.memory_space<vmem_shared>>)
      tpu.yield
    }) : () -> ()
    %eq3A = arith.constant 15 : i32
    %eq3A_12 = arith.cmpi eq, %arg1, %eq3A : i32
    %convert_element_type3A = arith.extui %eq3A_12 : i1 to i32
    %cond3A = arith.constant 0 : i32
    %cond3A_13 = arith.cmpi ne, %convert_element_type3A, %cond3A : i32
    scf.if %cond3A_13 {
      "tpu.region"() ({
        %run_scoped3A = tpu.sem_alloc : memref<!tpu.dma_semaphore, #tpu.memory_space<semaphore_mem>>
        %dma_start3A_34 = arith.constant 9984 : i32
        %dma_start3A_35 = arith.constant 0 : i32
        %dma_start3A_36 = tpu.memref_slice %arg9[%dma_start3A_34, %dma_start3A_35] : memref<10016x128xf32, #tpu.memory_space<vmem_shared>> -> memref<32x128xf32, #tpu.memory_space<vmem_shared>>
        %dma_start3A_37 = arith.constant 9984 : i32
        %dma_start3A_38 = arith.constant 0 : i32
        %dma_start3A_39 = tpu.memref_slice %arg4[%dma_start3A_37, %dma_start3A_38] : memref<10016x128xf32, #tpu.memory_space<hbm>> -> memref<32x128xf32, #tpu.memory_space<hbm>>
        tpu.enqueue_dma source(%dma_start3A_39 : memref<32x128xf32, #tpu.memory_space<hbm>>) target(%dma_start3A_36 : memref<32x128xf32, #tpu.memory_space<vmem_shared>>) target_semaphore(%run_scoped3A : memref<!tpu.dma_semaphore, #tpu.memory_space<semaphore_mem>>)
        %dma_wait3A_40 = arith.constant 9984 : i32
        %dma_wait3A_41 = arith.constant 0 : i32
        %dma_wait3A_42 = tpu.memref_slice %arg9[%dma_wait3A_40, %dma_wait3A_41] : memref<10016x128xf32, #tpu.memory_space<vmem_shared>> -> memref<32x128xf32, #tpu.memory_space<vmem_shared>>
        %dma_wait3A_43 = arith.constant 9984 : i32
        %dma_wait3A_44 = arith.constant 0 : i32
        %dma_wait3A_45 = tpu.memref_slice %arg4[%dma_wait3A_43, %dma_wait3A_44] : memref<10016x128xf32, #tpu.memory_space<hbm>> -> memref<32x128xf32, #tpu.memory_space<hbm>>
        tpu.wait_dma2 semaphore(%run_scoped3A : memref<!tpu.dma_semaphore, #tpu.memory_space<semaphore_mem>>) src(%dma_wait3A_45 : memref<32x128xf32, #tpu.memory_space<hbm>>) dst(%dma_wait3A_42 : memref<32x128xf32, #tpu.memory_space<vmem_shared>>)
        tpu.yield
      }) : () -> ()
    } else {
    }
    %barrier3A = arith.constant 0 : index
    tpu.barrier barrier_id(%barrier3A)
    %scan3A = arith.constant 0 : i32
    %scan3A_14 = arith.constant 20 : i32
    %scan3A_15 = arith.addi %scan3A, %scan3A_14 : i32
    %scan3A_16 = arith.constant 1 : i32
    scf.for %scan3A_34 = %scan3A to %scan3A_15 step %scan3A_16  : i32 {
      %mul3A_35 = arith.constant 2 : i32
      %mul3A_36 = arith.muli %scan3A_34, %mul3A_35 : i32
      %add3A_37 = arith.constant 0 : i32
      %add3A_38 = arith.addi %add3A_37, %mul3A_36 : i32
      %add3A_39 = arith.constant 0 : i32
      %add3A_40 = arith.addi %add3A_38, %add3A_39 : i32
      %dma_wait3A_41 = arith.constant 0 : i32
      %dma_wait3A_42 = tpu.memref_slice %arg2[%mul3A_2, %dma_wait3A_41] : memref<163840x128xf32, #tpu.memory_space<hbm>> -> memref<128x128xf32, #tpu.memory_space<hbm>>
      %dma_wait3A_43 = arith.constant 0 : i32
      %dma_wait3A_44 = tpu.memref_slice %arg2[%mul3A_2, %dma_wait3A_43] : memref<163840x128xf32, #tpu.memory_space<hbm>> -> memref<128x128xf32, #tpu.memory_space<hbm>>
      tpu.wait_dma2 semaphore(%arg10 : memref<!tpu.dma_semaphore, #tpu.memory_space<semaphore_mem>>) src(%dma_wait3A_44 : memref<128x128xf32, #tpu.memory_space<hbm>>) dst(%arg7 : memref<128x128xf32, #tpu.memory_space<vmem>>)
      %gt3A = arith.constant 0 : i32
      %gt3A_45 = arith.cmpi sgt, %add3A_40, %gt3A : i32
      %convert_element_type3A_46 = arith.extui %gt3A_45 : i1 to i32
      %cond3A_47 = arith.constant 0 : i32
      %cond3A_48 = arith.cmpi ne, %convert_element_type3A_46, %cond3A_47 : i32
      scf.if %cond3A_48 {
        %dma_wait3A_85 = arith.constant 0 : i32
        %dma_wait3A_86 = arith.constant 0 : i32
        %dma_wait3A_87 = tpu.memref_slice %arg6[%dma_wait3A_85, %dma_wait3A_86] : memref<40x128xi32, #tpu.memory_space<vmem>> -> memref<1x128xi32, #tpu.memory_space<vmem>>
        %dma_wait3A_88 = tpu.memref_squeeze %dma_wait3A_87 : memref<1x128xi32, #tpu.memory_space<vmem>> -> memref<128xi32, #tpu.memory_space<vmem>>
        %dma_wait3A_89 = arith.constant 0 : i32
        %dma_wait3A_90 = arith.constant 0 : i32
        %dma_wait3A_91 = tpu.memref_slice %arg9[%dma_wait3A_89, %dma_wait3A_90] : memref<10016x128xf32, #tpu.memory_space<vmem_shared>> -> memref<10016x128xf32, #tpu.memory_space<vmem_shared>>
        tpu.wait_indirect_dma semaphore(%arg13 : memref<!tpu.dma_semaphore, #tpu.memory_space<semaphore_mem>>) src(%arg8 : memref<128x128xf32, #tpu.memory_space<vmem>>) dst(%dma_wait3A_91 : memref<10016x128xf32, #tpu.memory_space<vmem_shared>>)
      } else {
      }
      %add3A_49 = arith.constant 1 : i32
      %add3A_50 = arith.addi %add3A_40, %add3A_49 : i32
      %lt3A = arith.constant 40 : i32
      %lt3A_51 = arith.cmpi slt, %add3A_50, %lt3A : i32
      %convert_element_type3A_52 = arith.extui %lt3A_51 : i1 to i32
      %cond3A_53 = arith.constant 0 : i32
      %cond3A_54 = arith.cmpi ne, %convert_element_type3A_52, %cond3A_53 : i32
      scf.if %cond3A_54 {
        %add3A_85 = arith.constant 1 : i32
        %add3A_86 = arith.addi %add3A_40, %add3A_85 : i32
        %mul3A_87 = arith.constant 128 : i32
        %mul3A_88 = arith.muli %add3A_86, %mul3A_87 : i32
        %add3A_89 = arith.addi %mul3A_2, %mul3A_88 : i32
        %dma_start3A_90 = arith.constant 0 : i32
        %dma_start3A_91 = tpu.memref_slice %arg2[%add3A_89, %dma_start3A_90] : memref<163840x128xf32, #tpu.memory_space<hbm>> -> memref<128x128xf32, #tpu.memory_space<hbm>>
        %dma_start3A_92 = arith.constant 0 : i32
        %dma_start3A_93 = tpu.memref_slice %arg2[%add3A_89, %dma_start3A_92] : memref<163840x128xf32, #tpu.memory_space<hbm>> -> memref<128x128xf32, #tpu.memory_space<hbm>>
        tpu.enqueue_dma source(%dma_start3A_93 : memref<128x128xf32, #tpu.memory_space<hbm>>) target(%arg8 : memref<128x128xf32, #tpu.memory_space<vmem>>) target_semaphore(%arg11 : memref<!tpu.dma_semaphore, #tpu.memory_space<semaphore_mem>>)
      } else {
      }
      %dma_start3A_55 = arith.constant 0 : i32
      %dma_start3A_56 = tpu.memref_slice %arg6[%add3A_40, %dma_start3A_55] : memref<40x128xi32, #tpu.memory_space<vmem>> -> memref<1x128xi32, #tpu.memory_space<vmem>>
      %dma_start3A_57 = tpu.memref_squeeze %dma_start3A_56 : memref<1x128xi32, #tpu.memory_space<vmem>> -> memref<128xi32, #tpu.memory_space<vmem>>
      %dma_start3A_58 = arith.constant 0 : i32
      %dma_start3A_59 = arith.constant 0 : i32
      %dma_start3A_60 = tpu.memref_slice %arg9[%dma_start3A_58, %dma_start3A_59] : memref<10016x128xf32, #tpu.memory_space<vmem_shared>> -> memref<10016x128xf32, #tpu.memory_space<vmem_shared>>
      tpu.enqueue_indirect_dma source(%arg7 : memref<128x128xf32, #tpu.memory_space<vmem>>) target(%dma_start3A_60 : memref<10016x128xf32, #tpu.memory_space<vmem_shared>>) offsets(%dma_start3A_57 : memref<128xi32, #tpu.memory_space<vmem>>) semaphore(%arg12 : memref<!tpu.dma_semaphore, #tpu.memory_space<semaphore_mem>>) {add = true}
      %add3A_61 = arith.constant 1 : i32
      %add3A_62 = arith.addi %add3A_38, %add3A_61 : i32
      %dma_wait3A_63 = arith.constant 0 : i32
      %dma_wait3A_64 = tpu.memref_slice %arg2[%mul3A_2, %dma_wait3A_63] : memref<163840x128xf32, #tpu.memory_space<hbm>> -> memref<128x128xf32, #tpu.memory_space<hbm>>
      %dma_wait3A_65 = arith.constant 0 : i32
      %dma_wait3A_66 = tpu.memref_slice %arg2[%mul3A_2, %dma_wait3A_65] : memref<163840x128xf32, #tpu.memory_space<hbm>> -> memref<128x128xf32, #tpu.memory_space<hbm>>
      tpu.wait_dma2 semaphore(%arg11 : memref<!tpu.dma_semaphore, #tpu.memory_space<semaphore_mem>>) src(%dma_wait3A_66 : memref<128x128xf32, #tpu.memory_space<hbm>>) dst(%arg8 : memref<128x128xf32, #tpu.memory_space<vmem>>)
      %gt3A_67 = arith.constant 0 : i32
      %gt3A_68 = arith.cmpi sgt, %add3A_62, %gt3A_67 : i32
      %convert_element_type3A_69 = arith.extui %gt3A_68 : i1 to i32
      %cond3A_70 = arith.constant 0 : i32
      %cond3A_71 = arith.cmpi ne, %convert_element_type3A_69, %cond3A_70 : i32
      scf.if %cond3A_71 {
        %dma_wait3A_85 = arith.constant 0 : i32
        %dma_wait3A_86 = arith.constant 0 : i32
        %dma_wait3A_87 = tpu.memref_slice %arg6[%dma_wait3A_85, %dma_wait3A_86] : memref<40x128xi32, #tpu.memory_space<vmem>> -> memref<1x128xi32, #tpu.memory_space<vmem>>
        %dma_wait3A_88 = tpu.memref_squeeze %dma_wait3A_87 : memref<1x128xi32, #tpu.memory_space<vmem>> -> memref<128xi32, #tpu.memory_space<vmem>>
        %dma_wait3A_89 = arith.constant 0 : i32
        %dma_wait3A_90 = arith.constant 0 : i32
        %dma_wait3A_91 = tpu.memref_slice %arg9[%dma_wait3A_89, %dma_wait3A_90] : memref<10016x128xf32, #tpu.memory_space<vmem_shared>> -> memref<10016x128xf32, #tpu.memory_space<vmem_shared>>
        tpu.wait_indirect_dma semaphore(%arg12 : memref<!tpu.dma_semaphore, #tpu.memory_space<semaphore_mem>>) src(%arg7 : memref<128x128xf32, #tpu.memory_space<vmem>>) dst(%dma_wait3A_91 : memref<10016x128xf32, #tpu.memory_space<vmem_shared>>)
      } else {
      }
      %add3A_72 = arith.constant 1 : i32
      %add3A_73 = arith.addi %add3A_62, %add3A_72 : i32
      %lt3A_74 = arith.constant 40 : i32
      %lt3A_75 = arith.cmpi slt, %add3A_73, %lt3A_74 : i32
      %convert_element_type3A_76 = arith.extui %lt3A_75 : i1 to i32
      %cond3A_77 = arith.constant 0 : i32
      %cond3A_78 = arith.cmpi ne, %convert_element_type3A_76, %cond3A_77 : i32
      scf.if %cond3A_78 {
        %add3A_85 = arith.constant 1 : i32
        %add3A_86 = arith.addi %add3A_62, %add3A_85 : i32
        %mul3A_87 = arith.constant 128 : i32
        %mul3A_88 = arith.muli %add3A_86, %mul3A_87 : i32
        %add3A_89 = arith.addi %mul3A_2, %mul3A_88 : i32
        %dma_start3A_90 = arith.constant 0 : i32
        %dma_start3A_91 = tpu.memref_slice %arg2[%add3A_89, %dma_start3A_90] : memref<163840x128xf32, #tpu.memory_space<hbm>> -> memref<128x128xf32, #tpu.memory_space<hbm>>
        %dma_start3A_92 = arith.constant 0 : i32
        %dma_start3A_93 = tpu.memref_slice %arg2[%add3A_89, %dma_start3A_92] : memref<163840x128xf32, #tpu.memory_space<hbm>> -> memref<128x128xf32, #tpu.memory_space<hbm>>
        tpu.enqueue_dma source(%dma_start3A_93 : memref<128x128xf32, #tpu.memory_space<hbm>>) target(%arg7 : memref<128x128xf32, #tpu.memory_space<vmem>>) target_semaphore(%arg10 : memref<!tpu.dma_semaphore, #tpu.memory_space<semaphore_mem>>)
      } else {
      }
      %dma_start3A_79 = arith.constant 0 : i32
      %dma_start3A_80 = tpu.memref_slice %arg6[%add3A_62, %dma_start3A_79] : memref<40x128xi32, #tpu.memory_space<vmem>> -> memref<1x128xi32, #tpu.memory_space<vmem>>
      %dma_start3A_81 = tpu.memref_squeeze %dma_start3A_80 : memref<1x128xi32, #tpu.memory_space<vmem>> -> memref<128xi32, #tpu.memory_space<vmem>>
      %dma_start3A_82 = arith.constant 0 : i32
      %dma_start3A_83 = arith.constant 0 : i32
      %dma_start3A_84 = tpu.memref_slice %arg9[%dma_start3A_82, %dma_start3A_83] : memref<10016x128xf32, #tpu.memory_space<vmem_shared>> -> memref<10016x128xf32, #tpu.memory_space<vmem_shared>>
      tpu.enqueue_indirect_dma source(%arg8 : memref<128x128xf32, #tpu.memory_space<vmem>>) target(%dma_start3A_84 : memref<10016x128xf32, #tpu.memory_space<vmem_shared>>) offsets(%dma_start3A_81 : memref<128xi32, #tpu.memory_space<vmem>>) semaphore(%arg13 : memref<!tpu.dma_semaphore, #tpu.memory_space<semaphore_mem>>) {add = true}
    }
    %scan3A_17 = arith.constant 20 : i32
    %dma_wait3A = arith.constant 0 : i32
    %dma_wait3A_18 = arith.constant 0 : i32
    %dma_wait3A_19 = tpu.memref_slice %arg6[%dma_wait3A, %dma_wait3A_18] : memref<40x128xi32, #tpu.memory_space<vmem>> -> memref<1x128xi32, #tpu.memory_space<vmem>>
    %dma_wait3A_20 = tpu.memref_squeeze %dma_wait3A_19 : memref<1x128xi32, #tpu.memory_space<vmem>> -> memref<128xi32, #tpu.memory_space<vmem>>
    %dma_wait3A_21 = arith.constant 0 : i32
    %dma_wait3A_22 = arith.constant 0 : i32
    %dma_wait3A_23 = tpu.memref_slice %arg9[%dma_wait3A_21, %dma_wait3A_22] : memref<10016x128xf32, #tpu.memory_space<vmem_shared>> -> memref<10016x128xf32, #tpu.memory_space<vmem_shared>>
    tpu.wait_indirect_dma semaphore(%arg13 : memref<!tpu.dma_semaphore, #tpu.memory_space<semaphore_mem>>) src(%arg8 : memref<128x128xf32, #tpu.memory_space<vmem>>) dst(%dma_wait3A_23 : memref<10016x128xf32, #tpu.memory_space<vmem_shared>>)
    %barrier3A_24 = arith.constant 0 : index
    tpu.barrier barrier_id(%barrier3A_24)
    %mul3A_25 = arith.constant 624 : i32
    %mul3A_26 = arith.muli %arg1, %mul3A_25 : i32
    %mul3A_27 = arith.constant 624 : i32
    %mul3A_28 = arith.muli %arg1, %mul3A_27 : i32
    "tpu.region"() ({
      %run_scoped3A = tpu.sem_alloc : memref<!tpu.dma_semaphore, #tpu.memory_space<semaphore_mem>>
      %dma_start3A_34 = arith.constant 0 : i32
      %dma_start3A_35 = tpu.memref_slice %arg5[%arg0, %mul3A_28, %dma_start3A_34] : memref<2x10016x128xf32, #tpu.memory_space<hbm>> -> memref<1x624x128xf32, #tpu.memory_space<hbm>>
      %dma_start3A_36 = tpu.memref_squeeze %dma_start3A_35 : memref<1x624x128xf32, #tpu.memory_space<hbm>> -> memref<624x128xf32, #tpu.memory_space<hbm>>
      %dma_start3A_37 = arith.constant 0 : i32
      %dma_start3A_38 = tpu.memref_slice %arg9[%mul3A_26, %dma_start3A_37] : memref<10016x128xf32, #tpu.memory_space<vmem_shared>> -> memref<624x128xf32, #tpu.memory_space<vmem_shared>>
      tpu.enqueue_dma source(%dma_start3A_38 : memref<624x128xf32, #tpu.memory_space<vmem_shared>>) target(%dma_start3A_36 : memref<624x128xf32, #tpu.memory_space<hbm>>) target_semaphore(%run_scoped3A : memref<!tpu.dma_semaphore, #tpu.memory_space<semaphore_mem>>)
      %dma_wait3A_39 = arith.constant 0 : i32
      %dma_wait3A_40 = tpu.memref_slice %arg5[%arg0, %mul3A_28, %dma_wait3A_39] : memref<2x10016x128xf32, #tpu.memory_space<hbm>> -> memref<1x624x128xf32, #tpu.memory_space<hbm>>
      %dma_wait3A_41 = tpu.memref_squeeze %dma_wait3A_40 : memref<1x624x128xf32, #tpu.memory_space<hbm>> -> memref<624x128xf32, #tpu.memory_space<hbm>>
      %dma_wait3A_42 = arith.constant 0 : i32
      %dma_wait3A_43 = tpu.memref_slice %arg9[%mul3A_26, %dma_wait3A_42] : memref<10016x128xf32, #tpu.memory_space<vmem_shared>> -> memref<624x128xf32, #tpu.memory_space<vmem_shared>>
      tpu.wait_dma2 semaphore(%run_scoped3A : memref<!tpu.dma_semaphore, #tpu.memory_space<semaphore_mem>>) src(%dma_wait3A_43 : memref<624x128xf32, #tpu.memory_space<vmem_shared>>) dst(%dma_wait3A_41 : memref<624x128xf32, #tpu.memory_space<hbm>>)
      tpu.yield
    }) : () -> ()
    %eq3A_29 = arith.constant 15 : i32
    %eq3A_30 = arith.cmpi eq, %arg1, %eq3A_29 : i32
    %convert_element_type3A_31 = arith.extui %eq3A_30 : i1 to i32
    %cond3A_32 = arith.constant 0 : i32
    %cond3A_33 = arith.cmpi ne, %convert_element_type3A_31, %cond3A_32 : i32
    scf.if %cond3A_33 {
      "tpu.region"() ({
        %run_scoped3A = tpu.sem_alloc : memref<!tpu.dma_semaphore, #tpu.memory_space<semaphore_mem>>
        %dma_start3A_34 = arith.constant 9984 : i32
        %dma_start3A_35 = arith.constant 0 : i32
        %dma_start3A_36 = tpu.memref_slice %arg5[%arg0, %dma_start3A_34, %dma_start3A_35] : memref<2x10016x128xf32, #tpu.memory_space<hbm>> -> memref<1x32x128xf32, #tpu.memory_space<hbm>>
        %dma_start3A_37 = tpu.memref_squeeze %dma_start3A_36 : memref<1x32x128xf32, #tpu.memory_space<hbm>> -> memref<32x128xf32, #tpu.memory_space<hbm>>
        %dma_start3A_38 = arith.constant 9984 : i32
        %dma_start3A_39 = arith.constant 0 : i32
        %dma_start3A_40 = tpu.memref_slice %arg9[%dma_start3A_38, %dma_start3A_39] : memref<10016x128xf32, #tpu.memory_space<vmem_shared>> -> memref<32x128xf32, #tpu.memory_space<vmem_shared>>
        tpu.enqueue_dma source(%dma_start3A_40 : memref<32x128xf32, #tpu.memory_space<vmem_shared>>) target(%dma_start3A_37 : memref<32x128xf32, #tpu.memory_space<hbm>>) target_semaphore(%run_scoped3A : memref<!tpu.dma_semaphore, #tpu.memory_space<semaphore_mem>>)
        %dma_wait3A_41 = arith.constant 9984 : i32
        %dma_wait3A_42 = arith.constant 0 : i32
        %dma_wait3A_43 = tpu.memref_slice %arg5[%arg0, %dma_wait3A_41, %dma_wait3A_42] : memref<2x10016x128xf32, #tpu.memory_space<hbm>> -> memref<1x32x128xf32, #tpu.memory_space<hbm>>
        %dma_wait3A_44 = tpu.memref_squeeze %dma_wait3A_43 : memref<1x32x128xf32, #tpu.memory_space<hbm>> -> memref<32x128xf32, #tpu.memory_space<hbm>>
        %dma_wait3A_45 = arith.constant 9984 : i32
        %dma_wait3A_46 = arith.constant 0 : i32
        %dma_wait3A_47 = tpu.memref_slice %arg9[%dma_wait3A_45, %dma_wait3A_46] : memref<10016x128xf32, #tpu.memory_space<vmem_shared>> -> memref<32x128xf32, #tpu.memory_space<vmem_shared>>
        tpu.wait_dma2 semaphore(%run_scoped3A : memref<!tpu.dma_semaphore, #tpu.memory_space<semaphore_mem>>) src(%dma_wait3A_47 : memref<32x128xf32, #tpu.memory_space<vmem_shared>>) dst(%dma_wait3A_44 : memref<32x128xf32, #tpu.memory_space<hbm>>)
        tpu.yield
      }) : () -> ()
    } else {
    }
    return
  }
}

#map = affine_map<(d0, d1) -> (0, 0)>
#map1 = affine_map<(d0, d1) -> (0, 0, 0)>
module attributes {stable_mosaic.version = 14 : i64} {
  func.func @gather(%arg0: i32, %arg1: i32, %arg2: memref<10000x128xf32, #tpu.memory_space<hbm>>, %arg3: memref<10000x128xf32, #tpu.memory_space<hbm>>, %arg4: memref<32x40x128xi32, #tpu.memory_space<hbm>>, %arg5: memref<32x40x128xi32, #tpu.memory_space<hbm>>, %arg6: memref<163840x128xf32, #tpu.memory_space<hbm>>, %arg7: memref<40x128xi32, #tpu.memory_space<vmem>>, %arg8: memref<40x128xi32, #tpu.memory_space<vmem>>, %arg9: memref<128x128xf32, #tpu.memory_space<vmem>>, %arg10: memref<128x128xf32, #tpu.memory_space<vmem>>, %arg11: memref<128x128xf32, #tpu.memory_space<vmem>>, %arg12: memref<128x128xf32, #tpu.memory_space<vmem>>, %arg13: memref<128x128xf32, #tpu.memory_space<vmem>>, %arg14: memref<128x128xf32, #tpu.memory_space<vmem>>, %arg15: memref<!tpu.dma_semaphore, #tpu.memory_space<semaphore_mem>>, %arg16: memref<!tpu.dma_semaphore, #tpu.memory_space<semaphore_mem>>, %arg17: memref<!tpu.dma_semaphore, #tpu.memory_space<semaphore_mem>>, %arg18: memref<!tpu.dma_semaphore, #tpu.memory_space<semaphore_mem>>) attributes {dimension_semantics = [#tpu.dimension_semantics<core_parallel>, #tpu.dimension_semantics<subcore_parallel>], iteration_bounds = array<i64: 2, 16>, scalar_prefetch = 0 : i64, scratch_operands = 12 : i64, tpu.core_type = #tpu.core_type<sc_vector_subcore>, window_params = [{transform_indices = #map}, {transform_indices = #map}, {transform_indices = #map1}, {transform_indices = #map1}, {transform_indices = #map}]} {
    %mul3A = arith.constant 2 : i32
    %mul3A_0 = arith.muli %arg1, %mul3A : i32
    %add3A = arith.addi %mul3A_0, %arg0 : i32
    %mul3A_1 = arith.constant 5120 : i32
    %mul3A_2 = arith.muli %add3A, %mul3A_1 : i32
    "tpu.region"() ({
      %run_scoped3A = tpu.sem_alloc : memref<!tpu.dma_semaphore, #tpu.memory_space<semaphore_mem>>
      %dma_start3A_27 = arith.constant 0 : i32
      %dma_start3A_28 = arith.constant 0 : i32
      %dma_start3A_29 = tpu.memref_slice %arg4[%add3A, %dma_start3A_27, %dma_start3A_28] : memref<32x40x128xi32, #tpu.memory_space<hbm>> -> memref<1x40x128xi32, #tpu.memory_space<hbm>>
      %dma_start3A_30 = tpu.memref_squeeze %dma_start3A_29 : memref<1x40x128xi32, #tpu.memory_space<hbm>> -> memref<40x128xi32, #tpu.memory_space<hbm>>
      %dma_start3A_31 = arith.constant 0 : i32
      %dma_start3A_32 = arith.constant 0 : i32
      %dma_start3A_33 = tpu.memref_slice %arg4[%add3A, %dma_start3A_31, %dma_start3A_32] : memref<32x40x128xi32, #tpu.memory_space<hbm>> -> memref<1x40x128xi32, #tpu.memory_space<hbm>>
      %dma_start3A_34 = tpu.memref_squeeze %dma_start3A_33 : memref<1x40x128xi32, #tpu.memory_space<hbm>> -> memref<40x128xi32, #tpu.memory_space<hbm>>
      tpu.enqueue_dma source(%dma_start3A_34 : memref<40x128xi32, #tpu.memory_space<hbm>>) target(%arg7 : memref<40x128xi32, #tpu.memory_space<vmem>>) target_semaphore(%run_scoped3A : memref<!tpu.dma_semaphore, #tpu.memory_space<semaphore_mem>>)
      %dma_wait3A_35 = arith.constant 0 : i32
      %dma_wait3A_36 = arith.constant 0 : i32
      %dma_wait3A_37 = tpu.memref_slice %arg4[%add3A, %dma_wait3A_35, %dma_wait3A_36] : memref<32x40x128xi32, #tpu.memory_space<hbm>> -> memref<1x40x128xi32, #tpu.memory_space<hbm>>
      %dma_wait3A_38 = tpu.memref_squeeze %dma_wait3A_37 : memref<1x40x128xi32, #tpu.memory_space<hbm>> -> memref<40x128xi32, #tpu.memory_space<hbm>>
      %dma_wait3A_39 = arith.constant 0 : i32
      %dma_wait3A_40 = arith.constant 0 : i32
      %dma_wait3A_41 = tpu.memref_slice %arg4[%add3A, %dma_wait3A_39, %dma_wait3A_40] : memref<32x40x128xi32, #tpu.memory_space<hbm>> -> memref<1x40x128xi32, #tpu.memory_space<hbm>>
      %dma_wait3A_42 = tpu.memref_squeeze %dma_wait3A_41 : memref<1x40x128xi32, #tpu.memory_space<hbm>> -> memref<40x128xi32, #tpu.memory_space<hbm>>
      tpu.wait_dma2 semaphore(%run_scoped3A : memref<!tpu.dma_semaphore, #tpu.memory_space<semaphore_mem>>) src(%dma_wait3A_42 : memref<40x128xi32, #tpu.memory_space<hbm>>) dst(%arg7 : memref<40x128xi32, #tpu.memory_space<vmem>>)
      tpu.yield
    }) : () -> ()
    "tpu.region"() ({
      %run_scoped3A = tpu.sem_alloc : memref<!tpu.dma_semaphore, #tpu.memory_space<semaphore_mem>>
      %dma_start3A_27 = arith.constant 0 : i32
      %dma_start3A_28 = arith.constant 0 : i32
      %dma_start3A_29 = tpu.memref_slice %arg5[%add3A, %dma_start3A_27, %dma_start3A_28] : memref<32x40x128xi32, #tpu.memory_space<hbm>> -> memref<1x40x128xi32, #tpu.memory_space<hbm>>
      %dma_start3A_30 = tpu.memref_squeeze %dma_start3A_29 : memref<1x40x128xi32, #tpu.memory_space<hbm>> -> memref<40x128xi32, #tpu.memory_space<hbm>>
      %dma_start3A_31 = arith.constant 0 : i32
      %dma_start3A_32 = arith.constant 0 : i32
      %dma_start3A_33 = tpu.memref_slice %arg5[%add3A, %dma_start3A_31, %dma_start3A_32] : memref<32x40x128xi32, #tpu.memory_space<hbm>> -> memref<1x40x128xi32, #tpu.memory_space<hbm>>
      %dma_start3A_34 = tpu.memref_squeeze %dma_start3A_33 : memref<1x40x128xi32, #tpu.memory_space<hbm>> -> memref<40x128xi32, #tpu.memory_space<hbm>>
      tpu.enqueue_dma source(%dma_start3A_34 : memref<40x128xi32, #tpu.memory_space<hbm>>) target(%arg8 : memref<40x128xi32, #tpu.memory_space<vmem>>) target_semaphore(%run_scoped3A : memref<!tpu.dma_semaphore, #tpu.memory_space<semaphore_mem>>)
      %dma_wait3A_35 = arith.constant 0 : i32
      %dma_wait3A_36 = arith.constant 0 : i32
      %dma_wait3A_37 = tpu.memref_slice %arg5[%add3A, %dma_wait3A_35, %dma_wait3A_36] : memref<32x40x128xi32, #tpu.memory_space<hbm>> -> memref<1x40x128xi32, #tpu.memory_space<hbm>>
      %dma_wait3A_38 = tpu.memref_squeeze %dma_wait3A_37 : memref<1x40x128xi32, #tpu.memory_space<hbm>> -> memref<40x128xi32, #tpu.memory_space<hbm>>
      %dma_wait3A_39 = arith.constant 0 : i32
      %dma_wait3A_40 = arith.constant 0 : i32
      %dma_wait3A_41 = tpu.memref_slice %arg5[%add3A, %dma_wait3A_39, %dma_wait3A_40] : memref<32x40x128xi32, #tpu.memory_space<hbm>> -> memref<1x40x128xi32, #tpu.memory_space<hbm>>
      %dma_wait3A_42 = tpu.memref_squeeze %dma_wait3A_41 : memref<1x40x128xi32, #tpu.memory_space<hbm>> -> memref<40x128xi32, #tpu.memory_space<hbm>>
      tpu.wait_dma2 semaphore(%run_scoped3A : memref<!tpu.dma_semaphore, #tpu.memory_space<semaphore_mem>>) src(%dma_wait3A_42 : memref<40x128xi32, #tpu.memory_space<hbm>>) dst(%arg8 : memref<40x128xi32, #tpu.memory_space<vmem>>)
      tpu.yield
    }) : () -> ()
    %dma_start3A = arith.constant 0 : i32
    %dma_start3A_3 = arith.constant 0 : i32
    %dma_start3A_4 = tpu.memref_slice %arg7[%dma_start3A, %dma_start3A_3] : memref<40x128xi32, #tpu.memory_space<vmem>> -> memref<1x128xi32, #tpu.memory_space<vmem>>
    %dma_start3A_5 = tpu.memref_squeeze %dma_start3A_4 : memref<1x128xi32, #tpu.memory_space<vmem>> -> memref<128xi32, #tpu.memory_space<vmem>>
    %dma_start3A_6 = arith.constant 0 : i32
    %dma_start3A_7 = arith.constant 0 : i32
    %dma_start3A_8 = tpu.memref_slice %arg2[%dma_start3A_6, %dma_start3A_7] : memref<10000x128xf32, #tpu.memory_space<hbm>> -> memref<10000x128xf32, #tpu.memory_space<hbm>>
    tpu.enqueue_indirect_dma source(%dma_start3A_8 : memref<10000x128xf32, #tpu.memory_space<hbm>>) target(%arg9 : memref<128x128xf32, #tpu.memory_space<vmem>>) offsets(%dma_start3A_5 : memref<128xi32, #tpu.memory_space<vmem>>) semaphore(%arg15 : memref<!tpu.dma_semaphore, #tpu.memory_space<semaphore_mem>>)
    %dma_start3A_9 = arith.constant 0 : i32
    %dma_start3A_10 = arith.constant 0 : i32
    %dma_start3A_11 = tpu.memref_slice %arg8[%dma_start3A_9, %dma_start3A_10] : memref<40x128xi32, #tpu.memory_space<vmem>> -> memref<1x128xi32, #tpu.memory_space<vmem>>
    %dma_start3A_12 = tpu.memref_squeeze %dma_start3A_11 : memref<1x128xi32, #tpu.memory_space<vmem>> -> memref<128xi32, #tpu.memory_space<vmem>>
    %dma_start3A_13 = arith.constant 0 : i32
    %dma_start3A_14 = arith.constant 0 : i32
    %dma_start3A_15 = tpu.memref_slice %arg3[%dma_start3A_13, %dma_start3A_14] : memref<10000x128xf32, #tpu.memory_space<hbm>> -> memref<10000x128xf32, #tpu.memory_space<hbm>>
    tpu.enqueue_indirect_dma source(%dma_start3A_15 : memref<10000x128xf32, #tpu.memory_space<hbm>>) target(%arg11 : memref<128x128xf32, #tpu.memory_space<vmem>>) offsets(%dma_start3A_12 : memref<128xi32, #tpu.memory_space<vmem>>) semaphore(%arg15 : memref<!tpu.dma_semaphore, #tpu.memory_space<semaphore_mem>>)
    %scan3A = arith.constant 0 : i32
    %scan3A_16 = arith.constant 20 : i32
    %scan3A_17 = arith.addi %scan3A, %scan3A_16 : i32
    %scan3A_18 = arith.constant 1 : i32
    scf.for %scan3A_27 = %scan3A to %scan3A_17 step %scan3A_18  : i32 {
      %mul3A_28 = arith.constant 2 : i32
      %mul3A_29 = arith.muli %scan3A_27, %mul3A_28 : i32
      %add3A_30 = arith.constant 0 : i32
      %add3A_31 = arith.addi %add3A_30, %mul3A_29 : i32
      %add3A_32 = arith.constant 0 : i32
      %add3A_33 = arith.addi %add3A_31, %add3A_32 : i32
      %dma_wait3A_34 = arith.constant 0 : i32
      %dma_wait3A_35 = arith.constant 0 : i32
      %dma_wait3A_36 = tpu.memref_slice %arg7[%dma_wait3A_34, %dma_wait3A_35] : memref<40x128xi32, #tpu.memory_space<vmem>> -> memref<1x128xi32, #tpu.memory_space<vmem>>
      %dma_wait3A_37 = tpu.memref_squeeze %dma_wait3A_36 : memref<1x128xi32, #tpu.memory_space<vmem>> -> memref<128xi32, #tpu.memory_space<vmem>>
      %dma_wait3A_38 = arith.constant 0 : i32
      %dma_wait3A_39 = arith.constant 0 : i32
      %dma_wait3A_40 = tpu.memref_slice %arg2[%dma_wait3A_38, %dma_wait3A_39] : memref<10000x128xf32, #tpu.memory_space<hbm>> -> memref<10000x128xf32, #tpu.memory_space<hbm>>
      tpu.wait_indirect_dma semaphore(%arg15 : memref<!tpu.dma_semaphore, #tpu.memory_space<semaphore_mem>>) src(%dma_wait3A_40 : memref<10000x128xf32, #tpu.memory_space<hbm>>) dst(%arg9 : memref<128x128xf32, #tpu.memory_space<vmem>>)
      %dma_wait3A_41 = arith.constant 0 : i32
      %dma_wait3A_42 = arith.constant 0 : i32
      %dma_wait3A_43 = tpu.memref_slice %arg8[%dma_wait3A_41, %dma_wait3A_42] : memref<40x128xi32, #tpu.memory_space<vmem>> -> memref<1x128xi32, #tpu.memory_space<vmem>>
      %dma_wait3A_44 = tpu.memref_squeeze %dma_wait3A_43 : memref<1x128xi32, #tpu.memory_space<vmem>> -> memref<128xi32, #tpu.memory_space<vmem>>
      %dma_wait3A_45 = arith.constant 0 : i32
      %dma_wait3A_46 = arith.constant 0 : i32
      %dma_wait3A_47 = tpu.memref_slice %arg3[%dma_wait3A_45, %dma_wait3A_46] : memref<10000x128xf32, #tpu.memory_space<hbm>> -> memref<10000x128xf32, #tpu.memory_space<hbm>>
      tpu.wait_indirect_dma semaphore(%arg15 : memref<!tpu.dma_semaphore, #tpu.memory_space<semaphore_mem>>) src(%dma_wait3A_47 : memref<10000x128xf32, #tpu.memory_space<hbm>>) dst(%arg11 : memref<128x128xf32, #tpu.memory_space<vmem>>)
      %add3A_48 = arith.constant 1 : i32
      %add3A_49 = arith.addi %add3A_33, %add3A_48 : i32
      %lt3A = arith.constant 40 : i32
      %lt3A_50 = arith.cmpi slt, %add3A_49, %lt3A : i32
      %convert_element_type3A = arith.extui %lt3A_50 : i1 to i32
      %cond3A = arith.constant 0 : i32
      %cond3A_51 = arith.cmpi ne, %convert_element_type3A, %cond3A : i32
      scf.if %cond3A_51 {
        %add3A_110 = arith.constant 1 : i32
        %add3A_111 = arith.addi %add3A_33, %add3A_110 : i32
        %dma_start3A_112 = arith.constant 0 : i32
        %dma_start3A_113 = tpu.memref_slice %arg7[%add3A_111, %dma_start3A_112] : memref<40x128xi32, #tpu.memory_space<vmem>> -> memref<1x128xi32, #tpu.memory_space<vmem>>
        %dma_start3A_114 = tpu.memref_squeeze %dma_start3A_113 : memref<1x128xi32, #tpu.memory_space<vmem>> -> memref<128xi32, #tpu.memory_space<vmem>>
        %dma_start3A_115 = arith.constant 0 : i32
        %dma_start3A_116 = arith.constant 0 : i32
        %dma_start3A_117 = tpu.memref_slice %arg2[%dma_start3A_115, %dma_start3A_116] : memref<10000x128xf32, #tpu.memory_space<hbm>> -> memref<10000x128xf32, #tpu.memory_space<hbm>>
        tpu.enqueue_indirect_dma source(%dma_start3A_117 : memref<10000x128xf32, #tpu.memory_space<hbm>>) target(%arg10 : memref<128x128xf32, #tpu.memory_space<vmem>>) offsets(%dma_start3A_114 : memref<128xi32, #tpu.memory_space<vmem>>) semaphore(%arg16 : memref<!tpu.dma_semaphore, #tpu.memory_space<semaphore_mem>>)
        %dma_start3A_118 = arith.constant 0 : i32
        %dma_start3A_119 = tpu.memref_slice %arg8[%add3A_111, %dma_start3A_118] : memref<40x128xi32, #tpu.memory_space<vmem>> -> memref<1x128xi32, #tpu.memory_space<vmem>>
        %dma_start3A_120 = tpu.memref_squeeze %dma_start3A_119 : memref<1x128xi32, #tpu.memory_space<vmem>> -> memref<128xi32, #tpu.memory_space<vmem>>
        %dma_start3A_121 = arith.constant 0 : i32
        %dma_start3A_122 = arith.constant 0 : i32
        %dma_start3A_123 = tpu.memref_slice %arg3[%dma_start3A_121, %dma_start3A_122] : memref<10000x128xf32, #tpu.memory_space<hbm>> -> memref<10000x128xf32, #tpu.memory_space<hbm>>
        tpu.enqueue_indirect_dma source(%dma_start3A_123 : memref<10000x128xf32, #tpu.memory_space<hbm>>) target(%arg12 : memref<128x128xf32, #tpu.memory_space<vmem>>) offsets(%dma_start3A_120 : memref<128xi32, #tpu.memory_space<vmem>>) semaphore(%arg16 : memref<!tpu.dma_semaphore, #tpu.memory_space<semaphore_mem>>)
      } else {
      }
      %gt3A = arith.constant 1 : i32
      %gt3A_52 = arith.cmpi sgt, %add3A_33, %gt3A : i32
      %convert_element_type3A_53 = arith.extui %gt3A_52 : i1 to i32
      %cond3A_54 = arith.constant 0 : i32
      %cond3A_55 = arith.cmpi ne, %convert_element_type3A_53, %cond3A_54 : i32
      scf.if %cond3A_55 {
        %dma_wait3A_110 = arith.constant 0 : i32
        %dma_wait3A_111 = tpu.memref_slice %arg6[%mul3A_2, %dma_wait3A_110] : memref<163840x128xf32, #tpu.memory_space<hbm>> -> memref<128x128xf32, #tpu.memory_space<hbm>>
        %dma_wait3A_112 = arith.constant 0 : i32
        %dma_wait3A_113 = tpu.memref_slice %arg6[%mul3A_2, %dma_wait3A_112] : memref<163840x128xf32, #tpu.memory_space<hbm>> -> memref<128x128xf32, #tpu.memory_space<hbm>>
        tpu.wait_dma2 semaphore(%arg17 : memref<!tpu.dma_semaphore, #tpu.memory_space<semaphore_mem>>) src(%arg13 : memref<128x128xf32, #tpu.memory_space<vmem>>) dst(%dma_wait3A_113 : memref<128x128xf32, #tpu.memory_space<hbm>>)
      } else {
      }
      %scan3A_56 = arith.constant 0 : i32
      %scan3A_57 = arith.constant 0 : i32
      %scan3A_58 = arith.constant 128 : i32
      %scan3A_59 = arith.addi %scan3A_57, %scan3A_58 : i32
      %scan3A_60 = arith.constant 1 : i32
      scf.for %scan3A_110 = %scan3A_57 to %scan3A_59 step %scan3A_60  : i32 {
        %get3A = arith.index_cast %scan3A_110 : i32 to index
        %get3A_111 = arith.constant 0 : index
        %get3A_112 = tpu.vector_load %arg9[%get3A, %get3A_111] {strides = array<i32>} : memref<128x128xf32, #tpu.memory_space<vmem>>, vector<1x16xf32>,
        %get3A_113 = vector.shape_cast %get3A_112 : vector<1x16xf32> to vector<16xf32>
        %get3A_114 = arith.index_cast %scan3A_110 : i32 to index
        %get3A_115 = arith.constant 0 : index
        %get3A_116 = tpu.vector_load %arg11[%get3A_114, %get3A_115] {strides = array<i32>} : memref<128x128xf32, #tpu.memory_space<vmem>>, vector<1x16xf32>,
        %get3A_117 = vector.shape_cast %get3A_116 : vector<1x16xf32> to vector<16xf32>
        %add3A_118 = arith.addf %get3A_113, %get3A_117 : vector<16xf32>
        %swap3A = arith.index_cast %scan3A_110 : i32 to index
        %swap3A_119 = arith.constant 0 : index
        %swap3A_120 = tpu.vector_load %arg13[%swap3A, %swap3A_119] {strides = array<i32>} : memref<128x128xf32, #tpu.memory_space<vmem>>, vector<1x16xf32>,
        %swap3A_121 = vector.shape_cast %swap3A_120 : vector<1x16xf32> to vector<16xf32>
        %swap3A_122 = vector.shape_cast %add3A_118 : vector<16xf32> to vector<1x16xf32>
        tpu.vector_store %arg13[%swap3A, %swap3A_119], %swap3A_122 {strides = array<i32>} : memref<128x128xf32, #tpu.memory_space<vmem>>, vector<1x16xf32>,
        %get3A_123 = arith.index_cast %scan3A_110 : i32 to index
        %get3A_124 = arith.constant 16 : index
        %get3A_125 = tpu.vector_load %arg9[%get3A_123, %get3A_124] {strides = array<i32>} : memref<128x128xf32, #tpu.memory_space<vmem>>, vector<1x16xf32>,
        %get3A_126 = vector.shape_cast %get3A_125 : vector<1x16xf32> to vector<16xf32>
        %get3A_127 = arith.index_cast %scan3A_110 : i32 to index
        %get3A_128 = arith.constant 16 : index
        %get3A_129 = tpu.vector_load %arg11[%get3A_127, %get3A_128] {strides = array<i32>} : memref<128x128xf32, #tpu.memory_space<vmem>>, vector<1x16xf32>,
        %get3A_130 = vector.shape_cast %get3A_129 : vector<1x16xf32> to vector<16xf32>
        %add3A_131 = arith.addf %get3A_126, %get3A_130 : vector<16xf32>
        %swap3A_132 = arith.index_cast %scan3A_110 : i32 to index
        %swap3A_133 = arith.constant 16 : index
        %swap3A_134 = tpu.vector_load %arg13[%swap3A_132, %swap3A_133] {strides = array<i32>} : memref<128x128xf32, #tpu.memory_space<vmem>>, vector<1x16xf32>,
        %swap3A_135 = vector.shape_cast %swap3A_134 : vector<1x16xf32> to vector<16xf32>
        %swap3A_136 = vector.shape_cast %add3A_131 : vector<16xf32> to vector<1x16xf32>
        tpu.vector_store %arg13[%swap3A_132, %swap3A_133], %swap3A_136 {strides = array<i32>} : memref<128x128xf32, #tpu.memory_space<vmem>>, vector<1x16xf32>,
        %get3A_137 = arith.index_cast %scan3A_110 : i32 to index
        %get3A_138 = arith.constant 32 : index
        %get3A_139 = tpu.vector_load %arg9[%get3A_137, %get3A_138] {strides = array<i32>} : memref<128x128xf32, #tpu.memory_space<vmem>>, vector<1x16xf32>,
        %get3A_140 = vector.shape_cast %get3A_139 : vector<1x16xf32> to vector<16xf32>
        %get3A_141 = arith.index_cast %scan3A_110 : i32 to index
        %get3A_142 = arith.constant 32 : index
        %get3A_143 = tpu.vector_load %arg11[%get3A_141, %get3A_142] {strides = array<i32>} : memref<128x128xf32, #tpu.memory_space<vmem>>, vector<1x16xf32>,
        %get3A_144 = vector.shape_cast %get3A_143 : vector<1x16xf32> to vector<16xf32>
        %add3A_145 = arith.addf %get3A_140, %get3A_144 : vector<16xf32>
        %swap3A_146 = arith.index_cast %scan3A_110 : i32 to index
        %swap3A_147 = arith.constant 32 : index
        %swap3A_148 = tpu.vector_load %arg13[%swap3A_146, %swap3A_147] {strides = array<i32>} : memref<128x128xf32, #tpu.memory_space<vmem>>, vector<1x16xf32>,
        %swap3A_149 = vector.shape_cast %swap3A_148 : vector<1x16xf32> to vector<16xf32>
        %swap3A_150 = vector.shape_cast %add3A_145 : vector<16xf32> to vector<1x16xf32>
        tpu.vector_store %arg13[%swap3A_146, %swap3A_147], %swap3A_150 {strides = array<i32>} : memref<128x128xf32, #tpu.memory_space<vmem>>, vector<1x16xf32>,
        %get3A_151 = arith.index_cast %scan3A_110 : i32 to index
        %get3A_152 = arith.constant 48 : index
        %get3A_153 = tpu.vector_load %arg9[%get3A_151, %get3A_152] {strides = array<i32>} : memref<128x128xf32, #tpu.memory_space<vmem>>, vector<1x16xf32>,
        %get3A_154 = vector.shape_cast %get3A_153 : vector<1x16xf32> to vector<16xf32>
        %get3A_155 = arith.index_cast %scan3A_110 : i32 to index
        %get3A_156 = arith.constant 48 : index
        %get3A_157 = tpu.vector_load %arg11[%get3A_155, %get3A_156] {strides = array<i32>} : memref<128x128xf32, #tpu.memory_space<vmem>>, vector<1x16xf32>,
        %get3A_158 = vector.shape_cast %get3A_157 : vector<1x16xf32> to vector<16xf32>
        %add3A_159 = arith.addf %get3A_154, %get3A_158 : vector<16xf32>
        %swap3A_160 = arith.index_cast %scan3A_110 : i32 to index
        %swap3A_161 = arith.constant 48 : index
        %swap3A_162 = tpu.vector_load %arg13[%swap3A_160, %swap3A_161] {strides = array<i32>} : memref<128x128xf32, #tpu.memory_space<vmem>>, vector<1x16xf32>,
        %swap3A_163 = vector.shape_cast %swap3A_162 : vector<1x16xf32> to vector<16xf32>
        %swap3A_164 = vector.shape_cast %add3A_159 : vector<16xf32> to vector<1x16xf32>
        tpu.vector_store %arg13[%swap3A_160, %swap3A_161], %swap3A_164 {strides = array<i32>} : memref<128x128xf32, #tpu.memory_space<vmem>>, vector<1x16xf32>,
        %get3A_165 = arith.index_cast %scan3A_110 : i32 to index
        %get3A_166 = arith.constant 64 : index
        %get3A_167 = tpu.vector_load %arg9[%get3A_165, %get3A_166] {strides = array<i32>} : memref<128x128xf32, #tpu.memory_space<vmem>>, vector<1x16xf32>,
        %get3A_168 = vector.shape_cast %get3A_167 : vector<1x16xf32> to vector<16xf32>
        %get3A_169 = arith.index_cast %scan3A_110 : i32 to index
        %get3A_170 = arith.constant 64 : index
        %get3A_171 = tpu.vector_load %arg11[%get3A_169, %get3A_170] {strides = array<i32>} : memref<128x128xf32, #tpu.memory_space<vmem>>, vector<1x16xf32>,
        %get3A_172 = vector.shape_cast %get3A_171 : vector<1x16xf32> to vector<16xf32>
        %add3A_173 = arith.addf %get3A_168, %get3A_172 : vector<16xf32>
        %swap3A_174 = arith.index_cast %scan3A_110 : i32 to index
        %swap3A_175 = arith.constant 64 : index
        %swap3A_176 = tpu.vector_load %arg13[%swap3A_174, %swap3A_175] {strides = array<i32>} : memref<128x128xf32, #tpu.memory_space<vmem>>, vector<1x16xf32>,
        %swap3A_177 = vector.shape_cast %swap3A_176 : vector<1x16xf32> to vector<16xf32>
        %swap3A_178 = vector.shape_cast %add3A_173 : vector<16xf32> to vector<1x16xf32>
        tpu.vector_store %arg13[%swap3A_174, %swap3A_175], %swap3A_178 {strides = array<i32>} : memref<128x128xf32, #tpu.memory_space<vmem>>, vector<1x16xf32>,
        %get3A_179 = arith.index_cast %scan3A_110 : i32 to index
        %get3A_180 = arith.constant 80 : index
        %get3A_181 = tpu.vector_load %arg9[%get3A_179, %get3A_180] {strides = array<i32>} : memref<128x128xf32, #tpu.memory_space<vmem>>, vector<1x16xf32>,
        %get3A_182 = vector.shape_cast %get3A_181 : vector<1x16xf32> to vector<16xf32>
        %get3A_183 = arith.index_cast %scan3A_110 : i32 to index
        %get3A_184 = arith.constant 80 : index
        %get3A_185 = tpu.vector_load %arg11[%get3A_183, %get3A_184] {strides = array<i32>} : memref<128x128xf32, #tpu.memory_space<vmem>>, vector<1x16xf32>,
        %get3A_186 = vector.shape_cast %get3A_185 : vector<1x16xf32> to vector<16xf32>
        %add3A_187 = arith.addf %get3A_182, %get3A_186 : vector<16xf32>
        %swap3A_188 = arith.index_cast %scan3A_110 : i32 to index
        %swap3A_189 = arith.constant 80 : index
        %swap3A_190 = tpu.vector_load %arg13[%swap3A_188, %swap3A_189] {strides = array<i32>} : memref<128x128xf32, #tpu.memory_space<vmem>>, vector<1x16xf32>,
        %swap3A_191 = vector.shape_cast %swap3A_190 : vector<1x16xf32> to vector<16xf32>
        %swap3A_192 = vector.shape_cast %add3A_187 : vector<16xf32> to vector<1x16xf32>
        tpu.vector_store %arg13[%swap3A_188, %swap3A_189], %swap3A_192 {strides = array<i32>} : memref<128x128xf32, #tpu.memory_space<vmem>>, vector<1x16xf32>,
        %get3A_193 = arith.index_cast %scan3A_110 : i32 to index
        %get3A_194 = arith.constant 96 : index
        %get3A_195 = tpu.vector_load %arg9[%get3A_193, %get3A_194] {strides = array<i32>} : memref<128x128xf32, #tpu.memory_space<vmem>>, vector<1x16xf32>,
        %get3A_196 = vector.shape_cast %get3A_195 : vector<1x16xf32> to vector<16xf32>
        %get3A_197 = arith.index_cast %scan3A_110 : i32 to index
        %get3A_198 = arith.constant 96 : index
        %get3A_199 = tpu.vector_load %arg11[%get3A_197, %get3A_198] {strides = array<i32>} : memref<128x128xf32, #tpu.memory_space<vmem>>, vector<1x16xf32>,
        %get3A_200 = vector.shape_cast %get3A_199 : vector<1x16xf32> to vector<16xf32>
        %add3A_201 = arith.addf %get3A_196, %get3A_200 : vector<16xf32>
        %swap3A_202 = arith.index_cast %scan3A_110 : i32 to index
        %swap3A_203 = arith.constant 96 : index
        %swap3A_204 = tpu.vector_load %arg13[%swap3A_202, %swap3A_203] {strides = array<i32>} : memref<128x128xf32, #tpu.memory_space<vmem>>, vector<1x16xf32>,
        %swap3A_205 = vector.shape_cast %swap3A_204 : vector<1x16xf32> to vector<16xf32>
        %swap3A_206 = vector.shape_cast %add3A_201 : vector<16xf32> to vector<1x16xf32>
        tpu.vector_store %arg13[%swap3A_202, %swap3A_203], %swap3A_206 {strides = array<i32>} : memref<128x128xf32, #tpu.memory_space<vmem>>, vector<1x16xf32>,
        %get3A_207 = arith.index_cast %scan3A_110 : i32 to index
        %get3A_208 = arith.constant 112 : index
        %get3A_209 = tpu.vector_load %arg9[%get3A_207, %get3A_208] {strides = array<i32>} : memref<128x128xf32, #tpu.memory_space<vmem>>, vector<1x16xf32>,
        %get3A_210 = vector.shape_cast %get3A_209 : vector<1x16xf32> to vector<16xf32>
        %get3A_211 = arith.index_cast %scan3A_110 : i32 to index
        %get3A_212 = arith.constant 112 : index
        %get3A_213 = tpu.vector_load %arg11[%get3A_211, %get3A_212] {strides = array<i32>} : memref<128x128xf32, #tpu.memory_space<vmem>>, vector<1x16xf32>,
        %get3A_214 = vector.shape_cast %get3A_213 : vector<1x16xf32> to vector<16xf32>
        %add3A_215 = arith.addf %get3A_210, %get3A_214 : vector<16xf32>
        %swap3A_216 = arith.index_cast %scan3A_110 : i32 to index
        %swap3A_217 = arith.constant 112 : index
        %swap3A_218 = tpu.vector_load %arg13[%swap3A_216, %swap3A_217] {strides = array<i32>} : memref<128x128xf32, #tpu.memory_space<vmem>>, vector<1x16xf32>,
        %swap3A_219 = vector.shape_cast %swap3A_218 : vector<1x16xf32> to vector<16xf32>
        %swap3A_220 = vector.shape_cast %add3A_215 : vector<16xf32> to vector<1x16xf32>
        tpu.vector_store %arg13[%swap3A_216, %swap3A_217], %swap3A_220 {strides = array<i32>} : memref<128x128xf32, #tpu.memory_space<vmem>>, vector<1x16xf32>,
      }
      %scan3A_61 = arith.constant 128 : i32
      %mul3A_62 = arith.constant 128 : i32
      %mul3A_63 = arith.muli %add3A_33, %mul3A_62 : i32
      %add3A_64 = arith.addi %mul3A_2, %mul3A_63 : i32
      %dma_start3A_65 = arith.constant 0 : i32
      %dma_start3A_66 = tpu.memref_slice %arg6[%add3A_64, %dma_start3A_65] : memref<163840x128xf32, #tpu.memory_space<hbm>> -> memref<128x128xf32, #tpu.memory_space<hbm>>
      %dma_start3A_67 = arith.constant 0 : i32
      %dma_start3A_68 = tpu.memref_slice %arg6[%add3A_64, %dma_start3A_67] : memref<163840x128xf32, #tpu.memory_space<hbm>> -> memref<128x128xf32, #tpu.memory_space<hbm>>
      tpu.enqueue_dma source(%arg13 : memref<128x128xf32, #tpu.memory_space<vmem>>) target(%dma_start3A_68 : memref<128x128xf32, #tpu.memory_space<hbm>>) target_semaphore(%arg17 : memref<!tpu.dma_semaphore, #tpu.memory_space<semaphore_mem>>)
      %add3A_69 = arith.constant 1 : i32
      %add3A_70 = arith.addi %add3A_31, %add3A_69 : i32
      %dma_wait3A_71 = arith.constant 0 : i32
      %dma_wait3A_72 = arith.constant 0 : i32
      %dma_wait3A_73 = tpu.memref_slice %arg7[%dma_wait3A_71, %dma_wait3A_72] : memref<40x128xi32, #tpu.memory_space<vmem>> -> memref<1x128xi32, #tpu.memory_space<vmem>>
      %dma_wait3A_74 = tpu.memref_squeeze %dma_wait3A_73 : memref<1x128xi32, #tpu.memory_space<vmem>> -> memref<128xi32, #tpu.memory_space<vmem>>
      %dma_wait3A_75 = arith.constant 0 : i32
      %dma_wait3A_76 = arith.constant 0 : i32
      %dma_wait3A_77 = tpu.memref_slice %arg2[%dma_wait3A_75, %dma_wait3A_76] : memref<10000x128xf32, #tpu.memory_space<hbm>> -> memref<10000x128xf32, #tpu.memory_space<hbm>>
      tpu.wait_indirect_dma semaphore(%arg16 : memref<!tpu.dma_semaphore, #tpu.memory_space<semaphore_mem>>) src(%dma_wait3A_77 : memref<10000x128xf32, #tpu.memory_space<hbm>>) dst(%arg10 : memref<128x128xf32, #tpu.memory_space<vmem>>)
      %dma_wait3A_78 = arith.constant 0 : i32
      %dma_wait3A_79 = arith.constant 0 : i32
      %dma_wait3A_80 = tpu.memref_slice %arg8[%dma_wait3A_78, %dma_wait3A_79] : memref<40x128xi32, #tpu.memory_space<vmem>> -> memref<1x128xi32, #tpu.memory_space<vmem>>
      %dma_wait3A_81 = tpu.memref_squeeze %dma_wait3A_80 : memref<1x128xi32, #tpu.memory_space<vmem>> -> memref<128xi32, #tpu.memory_space<vmem>>
      %dma_wait3A_82 = arith.constant 0 : i32
      %dma_wait3A_83 = arith.constant 0 : i32
      %dma_wait3A_84 = tpu.memref_slice %arg3[%dma_wait3A_82, %dma_wait3A_83] : memref<10000x128xf32, #tpu.memory_space<hbm>> -> memref<10000x128xf32, #tpu.memory_space<hbm>>
      tpu.wait_indirect_dma semaphore(%arg16 : memref<!tpu.dma_semaphore, #tpu.memory_space<semaphore_mem>>) src(%dma_wait3A_84 : memref<10000x128xf32, #tpu.memory_space<hbm>>) dst(%arg12 : memref<128x128xf32, #tpu.memory_space<vmem>>)
      %add3A_85 = arith.constant 1 : i32
      %add3A_86 = arith.addi %add3A_70, %add3A_85 : i32
      %lt3A_87 = arith.constant 40 : i32
      %lt3A_88 = arith.cmpi slt, %add3A_86, %lt3A_87 : i32
      %convert_element_type3A_89 = arith.extui %lt3A_88 : i1 to i32
      %cond3A_90 = arith.constant 0 : i32
      %cond3A_91 = arith.cmpi ne, %convert_element_type3A_89, %cond3A_90 : i32
      scf.if %cond3A_91 {
        %add3A_110 = arith.constant 1 : i32
        %add3A_111 = arith.addi %add3A_70, %add3A_110 : i32
        %dma_start3A_112 = arith.constant 0 : i32
        %dma_start3A_113 = tpu.memref_slice %arg7[%add3A_111, %dma_start3A_112] : memref<40x128xi32, #tpu.memory_space<vmem>> -> memref<1x128xi32, #tpu.memory_space<vmem>>
        %dma_start3A_114 = tpu.memref_squeeze %dma_start3A_113 : memref<1x128xi32, #tpu.memory_space<vmem>> -> memref<128xi32, #tpu.memory_space<vmem>>
        %dma_start3A_115 = arith.constant 0 : i32
        %dma_start3A_116 = arith.constant 0 : i32
        %dma_start3A_117 = tpu.memref_slice %arg2[%dma_start3A_115, %dma_start3A_116] : memref<10000x128xf32, #tpu.memory_space<hbm>> -> memref<10000x128xf32, #tpu.memory_space<hbm>>
        tpu.enqueue_indirect_dma source(%dma_start3A_117 : memref<10000x128xf32, #tpu.memory_space<hbm>>) target(%arg9 : memref<128x128xf32, #tpu.memory_space<vmem>>) offsets(%dma_start3A_114 : memref<128xi32, #tpu.memory_space<vmem>>) semaphore(%arg15 : memref<!tpu.dma_semaphore, #tpu.memory_space<semaphore_mem>>)
        %dma_start3A_118 = arith.constant 0 : i32
        %dma_start3A_119 = tpu.memref_slice %arg8[%add3A_111, %dma_start3A_118] : memref<40x128xi32, #tpu.memory_space<vmem>> -> memref<1x128xi32, #tpu.memory_space<vmem>>
        %dma_start3A_120 = tpu.memref_squeeze %dma_start3A_119 : memref<1x128xi32, #tpu.memory_space<vmem>> -> memref<128xi32, #tpu.memory_space<vmem>>
        %dma_start3A_121 = arith.constant 0 : i32
        %dma_start3A_122 = arith.constant 0 : i32
        %dma_start3A_123 = tpu.memref_slice %arg3[%dma_start3A_121, %dma_start3A_122] : memref<10000x128xf32, #tpu.memory_space<hbm>> -> memref<10000x128xf32, #tpu.memory_space<hbm>>
        tpu.enqueue_indirect_dma source(%dma_start3A_123 : memref<10000x128xf32, #tpu.memory_space<hbm>>) target(%arg11 : memref<128x128xf32, #tpu.memory_space<vmem>>) offsets(%dma_start3A_120 : memref<128xi32, #tpu.memory_space<vmem>>) semaphore(%arg15 : memref<!tpu.dma_semaphore, #tpu.memory_space<semaphore_mem>>)
      } else {
      }
      %gt3A_92 = arith.constant 1 : i32
      %gt3A_93 = arith.cmpi sgt, %add3A_70, %gt3A_92 : i32
      %convert_element_type3A_94 = arith.extui %gt3A_93 : i1 to i32
      %cond3A_95 = arith.constant 0 : i32
      %cond3A_96 = arith.cmpi ne, %convert_element_type3A_94, %cond3A_95 : i32
      scf.if %cond3A_96 {
        %dma_wait3A_110 = arith.constant 0 : i32
        %dma_wait3A_111 = tpu.memref_slice %arg6[%mul3A_2, %dma_wait3A_110] : memref<163840x128xf32, #tpu.memory_space<hbm>> -> memref<128x128xf32, #tpu.memory_space<hbm>>
        %dma_wait3A_112 = arith.constant 0 : i32
        %dma_wait3A_113 = tpu.memref_slice %arg6[%mul3A_2, %dma_wait3A_112] : memref<163840x128xf32, #tpu.memory_space<hbm>> -> memref<128x128xf32, #tpu.memory_space<hbm>>
        tpu.wait_dma2 semaphore(%arg18 : memref<!tpu.dma_semaphore, #tpu.memory_space<semaphore_mem>>) src(%arg14 : memref<128x128xf32, #tpu.memory_space<vmem>>) dst(%dma_wait3A_113 : memref<128x128xf32, #tpu.memory_space<hbm>>)
      } else {
      }
      %scan3A_97 = arith.constant 0 : i32
      %scan3A_98 = arith.constant 0 : i32
      %scan3A_99 = arith.constant 128 : i32
      %scan3A_100 = arith.addi %scan3A_98, %scan3A_99 : i32
      %scan3A_101 = arith.constant 1 : i32
      scf.for %scan3A_110 = %scan3A_98 to %scan3A_100 step %scan3A_101  : i32 {
        %get3A = arith.index_cast %scan3A_110 : i32 to index
        %get3A_111 = arith.constant 0 : index
        %get3A_112 = tpu.vector_load %arg10[%get3A, %get3A_111] {strides = array<i32>} : memref<128x128xf32, #tpu.memory_space<vmem>>, vector<1x16xf32>,
        %get3A_113 = vector.shape_cast %get3A_112 : vector<1x16xf32> to vector<16xf32>
        %get3A_114 = arith.index_cast %scan3A_110 : i32 to index
        %get3A_115 = arith.constant 0 : index
        %get3A_116 = tpu.vector_load %arg12[%get3A_114, %get3A_115] {strides = array<i32>} : memref<128x128xf32, #tpu.memory_space<vmem>>, vector<1x16xf32>,
        %get3A_117 = vector.shape_cast %get3A_116 : vector<1x16xf32> to vector<16xf32>
        %add3A_118 = arith.addf %get3A_113, %get3A_117 : vector<16xf32>
        %swap3A = arith.index_cast %scan3A_110 : i32 to index
        %swap3A_119 = arith.constant 0 : index
        %swap3A_120 = tpu.vector_load %arg14[%swap3A, %swap3A_119] {strides = array<i32>} : memref<128x128xf32, #tpu.memory_space<vmem>>, vector<1x16xf32>,
        %swap3A_121 = vector.shape_cast %swap3A_120 : vector<1x16xf32> to vector<16xf32>
        %swap3A_122 = vector.shape_cast %add3A_118 : vector<16xf32> to vector<1x16xf32>
        tpu.vector_store %arg14[%swap3A, %swap3A_119], %swap3A_122 {strides = array<i32>} : memref<128x128xf32, #tpu.memory_space<vmem>>, vector<1x16xf32>,
        %get3A_123 = arith.index_cast %scan3A_110 : i32 to index
        %get3A_124 = arith.constant 16 : index
        %get3A_125 = tpu.vector_load %arg10[%get3A_123, %get3A_124] {strides = array<i32>} : memref<128x128xf32, #tpu.memory_space<vmem>>, vector<1x16xf32>,
        %get3A_126 = vector.shape_cast %get3A_125 : vector<1x16xf32> to vector<16xf32>
        %get3A_127 = arith.index_cast %scan3A_110 : i32 to index
        %get3A_128 = arith.constant 16 : index
        %get3A_129 = tpu.vector_load %arg12[%get3A_127, %get3A_128] {strides = array<i32>} : memref<128x128xf32, #tpu.memory_space<vmem>>, vector<1x16xf32>,
        %get3A_130 = vector.shape_cast %get3A_129 : vector<1x16xf32> to vector<16xf32>
        %add3A_131 = arith.addf %get3A_126, %get3A_130 : vector<16xf32>
        %swap3A_132 = arith.index_cast %scan3A_110 : i32 to index
        %swap3A_133 = arith.constant 16 : index
        %swap3A_134 = tpu.vector_load %arg14[%swap3A_132, %swap3A_133] {strides = array<i32>} : memref<128x128xf32, #tpu.memory_space<vmem>>, vector<1x16xf32>,
        %swap3A_135 = vector.shape_cast %swap3A_134 : vector<1x16xf32> to vector<16xf32>
        %swap3A_136 = vector.shape_cast %add3A_131 : vector<16xf32> to vector<1x16xf32>
        tpu.vector_store %arg14[%swap3A_132, %swap3A_133], %swap3A_136 {strides = array<i32>} : memref<128x128xf32, #tpu.memory_space<vmem>>, vector<1x16xf32>,
        %get3A_137 = arith.index_cast %scan3A_110 : i32 to index
        %get3A_138 = arith.constant 32 : index
        %get3A_139 = tpu.vector_load %arg10[%get3A_137, %get3A_138] {strides = array<i32>} : memref<128x128xf32, #tpu.memory_space<vmem>>, vector<1x16xf32>,
        %get3A_140 = vector.shape_cast %get3A_139 : vector<1x16xf32> to vector<16xf32>
        %get3A_141 = arith.index_cast %scan3A_110 : i32 to index
        %get3A_142 = arith.constant 32 : index
        %get3A_143 = tpu.vector_load %arg12[%get3A_141, %get3A_142] {strides = array<i32>} : memref<128x128xf32, #tpu.memory_space<vmem>>, vector<1x16xf32>,
        %get3A_144 = vector.shape_cast %get3A_143 : vector<1x16xf32> to vector<16xf32>
        %add3A_145 = arith.addf %get3A_140, %get3A_144 : vector<16xf32>
        %swap3A_146 = arith.index_cast %scan3A_110 : i32 to index
        %swap3A_147 = arith.constant 32 : index
        %swap3A_148 = tpu.vector_load %arg14[%swap3A_146, %swap3A_147] {strides = array<i32>} : memref<128x128xf32, #tpu.memory_space<vmem>>, vector<1x16xf32>,
        %swap3A_149 = vector.shape_cast %swap3A_148 : vector<1x16xf32> to vector<16xf32>
        %swap3A_150 = vector.shape_cast %add3A_145 : vector<16xf32> to vector<1x16xf32>
        tpu.vector_store %arg14[%swap3A_146, %swap3A_147], %swap3A_150 {strides = array<i32>} : memref<128x128xf32, #tpu.memory_space<vmem>>, vector<1x16xf32>,
        %get3A_151 = arith.index_cast %scan3A_110 : i32 to index
        %get3A_152 = arith.constant 48 : index
        %get3A_153 = tpu.vector_load %arg10[%get3A_151, %get3A_152] {strides = array<i32>} : memref<128x128xf32, #tpu.memory_space<vmem>>, vector<1x16xf32>,
        %get3A_154 = vector.shape_cast %get3A_153 : vector<1x16xf32> to vector<16xf32>
        %get3A_155 = arith.index_cast %scan3A_110 : i32 to index
        %get3A_156 = arith.constant 48 : index
        %get3A_157 = tpu.vector_load %arg12[%get3A_155, %get3A_156] {strides = array<i32>} : memref<128x128xf32, #tpu.memory_space<vmem>>, vector<1x16xf32>,
        %get3A_158 = vector.shape_cast %get3A_157 : vector<1x16xf32> to vector<16xf32>
        %add3A_159 = arith.addf %get3A_154, %get3A_158 : vector<16xf32>
        %swap3A_160 = arith.index_cast %scan3A_110 : i32 to index
        %swap3A_161 = arith.constant 48 : index
        %swap3A_162 = tpu.vector_load %arg14[%swap3A_160, %swap3A_161] {strides = array<i32>} : memref<128x128xf32, #tpu.memory_space<vmem>>, vector<1x16xf32>,
        %swap3A_163 = vector.shape_cast %swap3A_162 : vector<1x16xf32> to vector<16xf32>
        %swap3A_164 = vector.shape_cast %add3A_159 : vector<16xf32> to vector<1x16xf32>
        tpu.vector_store %arg14[%swap3A_160, %swap3A_161], %swap3A_164 {strides = array<i32>} : memref<128x128xf32, #tpu.memory_space<vmem>>, vector<1x16xf32>,
        %get3A_165 = arith.index_cast %scan3A_110 : i32 to index
        %get3A_166 = arith.constant 64 : index
        %get3A_167 = tpu.vector_load %arg10[%get3A_165, %get3A_166] {strides = array<i32>} : memref<128x128xf32, #tpu.memory_space<vmem>>, vector<1x16xf32>,
        %get3A_168 = vector.shape_cast %get3A_167 : vector<1x16xf32> to vector<16xf32>
        %get3A_169 = arith.index_cast %scan3A_110 : i32 to index
        %get3A_170 = arith.constant 64 : index
        %get3A_171 = tpu.vector_load %arg12[%get3A_169, %get3A_170] {strides = array<i32>} : memref<128x128xf32, #tpu.memory_space<vmem>>, vector<1x16xf32>,
        %get3A_172 = vector.shape_cast %get3A_171 : vector<1x16xf32> to vector<16xf32>
        %add3A_173 = arith.addf %get3A_168, %get3A_172 : vector<16xf32>
        %swap3A_174 = arith.index_cast %scan3A_110 : i32 to index
        %swap3A_175 = arith.constant 64 : index
        %swap3A_176 = tpu.vector_load %arg14[%swap3A_174, %swap3A_175] {strides = array<i32>} : memref<128x128xf32, #tpu.memory_space<vmem>>, vector<1x16xf32>,
        %swap3A_177 = vector.shape_cast %swap3A_176 : vector<1x16xf32> to vector<16xf32>
        %swap3A_178 = vector.shape_cast %add3A_173 : vector<16xf32> to vector<1x16xf32>
        tpu.vector_store %arg14[%swap3A_174, %swap3A_175], %swap3A_178 {strides = array<i32>} : memref<128x128xf32, #tpu.memory_space<vmem>>, vector<1x16xf32>,
        %get3A_179 = arith.index_cast %scan3A_110 : i32 to index
        %get3A_180 = arith.constant 80 : index
        %get3A_181 = tpu.vector_load %arg10[%get3A_179, %get3A_180] {strides = array<i32>} : memref<128x128xf32, #tpu.memory_space<vmem>>, vector<1x16xf32>,
        %get3A_182 = vector.shape_cast %get3A_181 : vector<1x16xf32> to vector<16xf32>
        %get3A_183 = arith.index_cast %scan3A_110 : i32 to index
        %get3A_184 = arith.constant 80 : index
        %get3A_185 = tpu.vector_load %arg12[%get3A_183, %get3A_184] {strides = array<i32>} : memref<128x128xf32, #tpu.memory_space<vmem>>, vector<1x16xf32>,
        %get3A_186 = vector.shape_cast %get3A_185 : vector<1x16xf32> to vector<16xf32>
        %add3A_187 = arith.addf %get3A_182, %get3A_186 : vector<16xf32>
        %swap3A_188 = arith.index_cast %scan3A_110 : i32 to index
        %swap3A_189 = arith.constant 80 : index
        %swap3A_190 = tpu.vector_load %arg14[%swap3A_188, %swap3A_189] {strides = array<i32>} : memref<128x128xf32, #tpu.memory_space<vmem>>, vector<1x16xf32>,
        %swap3A_191 = vector.shape_cast %swap3A_190 : vector<1x16xf32> to vector<16xf32>
        %swap3A_192 = vector.shape_cast %add3A_187 : vector<16xf32> to vector<1x16xf32>
        tpu.vector_store %arg14[%swap3A_188, %swap3A_189], %swap3A_192 {strides = array<i32>} : memref<128x128xf32, #tpu.memory_space<vmem>>, vector<1x16xf32>,
        %get3A_193 = arith.index_cast %scan3A_110 : i32 to index
        %get3A_194 = arith.constant 96 : index
        %get3A_195 = tpu.vector_load %arg10[%get3A_193, %get3A_194] {strides = array<i32>} : memref<128x128xf32, #tpu.memory_space<vmem>>, vector<1x16xf32>,
        %get3A_196 = vector.shape_cast %get3A_195 : vector<1x16xf32> to vector<16xf32>
        %get3A_197 = arith.index_cast %scan3A_110 : i32 to index
        %get3A_198 = arith.constant 96 : index
        %get3A_199 = tpu.vector_load %arg12[%get3A_197, %get3A_198] {strides = array<i32>} : memref<128x128xf32, #tpu.memory_space<vmem>>, vector<1x16xf32>,
        %get3A_200 = vector.shape_cast %get3A_199 : vector<1x16xf32> to vector<16xf32>
        %add3A_201 = arith.addf %get3A_196, %get3A_200 : vector<16xf32>
        %swap3A_202 = arith.index_cast %scan3A_110 : i32 to index
        %swap3A_203 = arith.constant 96 : index
        %swap3A_204 = tpu.vector_load %arg14[%swap3A_202, %swap3A_203] {strides = array<i32>} : memref<128x128xf32, #tpu.memory_space<vmem>>, vector<1x16xf32>,
        %swap3A_205 = vector.shape_cast %swap3A_204 : vector<1x16xf32> to vector<16xf32>
        %swap3A_206 = vector.shape_cast %add3A_201 : vector<16xf32> to vector<1x16xf32>
        tpu.vector_store %arg14[%swap3A_202, %swap3A_203], %swap3A_206 {strides = array<i32>} : memref<128x128xf32, #tpu.memory_space<vmem>>, vector<1x16xf32>,
        %get3A_207 = arith.index_cast %scan3A_110 : i32 to index
        %get3A_208 = arith.constant 112 : index
        %get3A_209 = tpu.vector_load %arg10[%get3A_207, %get3A_208] {strides = array<i32>} : memref<128x128xf32, #tpu.memory_space<vmem>>, vector<1x16xf32>,
        %get3A_210 = vector.shape_cast %get3A_209 : vector<1x16xf32> to vector<16xf32>
        %get3A_211 = arith.index_cast %scan3A_110 : i32 to index
        %get3A_212 = arith.constant 112 : index
        %get3A_213 = tpu.vector_load %arg12[%get3A_211, %get3A_212] {strides = array<i32>} : memref<128x128xf32, #tpu.memory_space<vmem>>, vector<1x16xf32>,
        %get3A_214 = vector.shape_cast %get3A_213 : vector<1x16xf32> to vector<16xf32>
        %add3A_215 = arith.addf %get3A_210, %get3A_214 : vector<16xf32>
        %swap3A_216 = arith.index_cast %scan3A_110 : i32 to index
        %swap3A_217 = arith.constant 112 : index
        %swap3A_218 = tpu.vector_load %arg14[%swap3A_216, %swap3A_217] {strides = array<i32>} : memref<128x128xf32, #tpu.memory_space<vmem>>, vector<1x16xf32>,
        %swap3A_219 = vector.shape_cast %swap3A_218 : vector<1x16xf32> to vector<16xf32>
        %swap3A_220 = vector.shape_cast %add3A_215 : vector<16xf32> to vector<1x16xf32>
        tpu.vector_store %arg14[%swap3A_216, %swap3A_217], %swap3A_220 {strides = array<i32>} : memref<128x128xf32, #tpu.memory_space<vmem>>, vector<1x16xf32>,
      }
      %scan3A_102 = arith.constant 128 : i32
      %mul3A_103 = arith.constant 128 : i32
      %mul3A_104 = arith.muli %add3A_70, %mul3A_103 : i32
      %add3A_105 = arith.addi %mul3A_2, %mul3A_104 : i32
      %dma_start3A_106 = arith.constant 0 : i32
      %dma_start3A_107 = tpu.memref_slice %arg6[%add3A_105, %dma_start3A_106] : memref<163840x128xf32, #tpu.memory_space<hbm>> -> memref<128x128xf32, #tpu.memory_space<hbm>>
      %dma_start3A_108 = arith.constant 0 : i32
      %dma_start3A_109 = tpu.memref_slice %arg6[%add3A_105, %dma_start3A_108] : memref<163840x128xf32, #tpu.memory_space<hbm>> -> memref<128x128xf32, #tpu.memory_space<hbm>>
      tpu.enqueue_dma source(%arg14 : memref<128x128xf32, #tpu.memory_space<vmem>>) target(%dma_start3A_109 : memref<128x128xf32, #tpu.memory_space<hbm>>) target_semaphore(%arg18 : memref<!tpu.dma_semaphore, #tpu.memory_space<semaphore_mem>>)
    }
    %scan3A_19 = arith.constant 20 : i32
    %dma_wait3A = arith.constant 0 : i32
    %dma_wait3A_20 = tpu.memref_slice %arg6[%mul3A_2, %dma_wait3A] : memref<163840x128xf32, #tpu.memory_space<hbm>> -> memref<128x128xf32, #tpu.memory_space<hbm>>
    %dma_wait3A_21 = arith.constant 0 : i32
    %dma_wait3A_22 = tpu.memref_slice %arg6[%mul3A_2, %dma_wait3A_21] : memref<163840x128xf32, #tpu.memory_space<hbm>> -> memref<128x128xf32, #tpu.memory_space<hbm>>
    tpu.wait_dma2 semaphore(%arg17 : memref<!tpu.dma_semaphore, #tpu.memory_space<semaphore_mem>>) src(%arg13 : memref<128x128xf32, #tpu.memory_space<vmem>>) dst(%dma_wait3A_22 : memref<128x128xf32, #tpu.memory_space<hbm>>)
    %dma_wait3A_23 = arith.constant 0 : i32
    %dma_wait3A_24 = tpu.memref_slice %arg6[%mul3A_2, %dma_wait3A_23] : memref<163840x128xf32, #tpu.memory_space<hbm>> -> memref<128x128xf32, #tpu.memory_space<hbm>>
    %dma_wait3A_25 = arith.constant 0 : i32
    %dma_wait3A_26 = tpu.memref_slice %arg6[%mul3A_2, %dma_wait3A_25] : memref<163840x128xf32, #tpu.memory_space<hbm>> -> memref<128x128xf32, #tpu.memory_space<hbm>>
    tpu.wait_dma2 semaphore(%arg18 : memref<!tpu.dma_semaphore, #tpu.memory_space<semaphore_mem>>) src(%arg14 : memref<128x128xf32, #tpu.memory_space<vmem>>) dst(%dma_wait3A_26 : memref<128x128xf32, #tpu.memory_space<hbm>>)
    return
  }
}

#map = affine_map<(d0, d1) -> (0, 0)>
#map1 = affine_map<(d0, d1) -> (0, 0, 0)>
module attributes {stable_mosaic.version = 14 : i64} {
  func.func @gather(%arg0: i32, %arg1: i32, %arg2: memref<10000x128xf32, #tpu.memory_space<hbm>>, %arg3: memref<10000x128xf32, #tpu.memory_space<hbm>>, %arg4: memref<32x40x128xi32, #tpu.memory_space<hbm>>, %arg5: memref<32x40x128xi32, #tpu.memory_space<hbm>>, %arg6: memref<163840x128xf32, #tpu.memory_space<hbm>>, %arg7: memref<40x128xi32, #tpu.memory_space<vmem>>, %arg8: memref<40x128xi32, #tpu.memory_space<vmem>>, %arg9: memref<128x128xf32, #tpu.memory_space<vmem>>, %arg10: memref<128x128xf32, #tpu.memory_space<vmem>>, %arg11: memref<128x128xf32, #tpu.memory_space<vmem>>, %arg12: memref<128x128xf32, #tpu.memory_space<vmem>>, %arg13: memref<128x128xf32, #tpu.memory_space<vmem>>, %arg14: memref<128x128xf32, #tpu.memory_space<vmem>>, %arg15: memref<!tpu.dma_semaphore, #tpu.memory_space<semaphore_mem>>, %arg16: memref<!tpu.dma_semaphore, #tpu.memory_space<semaphore_mem>>, %arg17: memref<!tpu.dma_semaphore, #tpu.memory_space<semaphore_mem>>, %arg18: memref<!tpu.dma_semaphore, #tpu.memory_space<semaphore_mem>>) attributes {dimension_semantics = [#tpu.dimension_semantics<core_parallel>, #tpu.dimension_semantics<subcore_parallel>], iteration_bounds = array<i64: 2, 16>, scalar_prefetch = 0 : i64, scratch_operands = 12 : i64, tpu.core_type = #tpu.core_type<sc_vector_subcore>, window_params = [{transform_indices = #map}, {transform_indices = #map}, {transform_indices = #map1}, {transform_indices = #map1}, {transform_indices = #map}]} {
    %mul3A = arith.constant 2 : i32
    %mul3A_0 = arith.muli %arg1, %mul3A : i32
    %add3A = arith.addi %mul3A_0, %arg0 : i32
    %mul3A_1 = arith.constant 5120 : i32
    %mul3A_2 = arith.muli %add3A, %mul3A_1 : i32
    "tpu.region"() ({
      %run_scoped3A = tpu.sem_alloc : memref<!tpu.dma_semaphore, #tpu.memory_space<semaphore_mem>>
      %dma_start3A_27 = arith.constant 0 : i32
      %dma_start3A_28 = arith.constant 0 : i32
      %dma_start3A_29 = tpu.memref_slice %arg4[%add3A, %dma_start3A_27, %dma_start3A_28] : memref<32x40x128xi32, #tpu.memory_space<hbm>> -> memref<1x40x128xi32, #tpu.memory_space<hbm>>
      %dma_start3A_30 = tpu.memref_squeeze %dma_start3A_29 : memref<1x40x128xi32, #tpu.memory_space<hbm>> -> memref<40x128xi32, #tpu.memory_space<hbm>>
      %dma_start3A_31 = arith.constant 0 : i32
      %dma_start3A_32 = arith.constant 0 : i32
      %dma_start3A_33 = tpu.memref_slice %arg4[%add3A, %dma_start3A_31, %dma_start3A_32] : memref<32x40x128xi32, #tpu.memory_space<hbm>> -> memref<1x40x128xi32, #tpu.memory_space<hbm>>
      %dma_start3A_34 = tpu.memref_squeeze %dma_start3A_33 : memref<1x40x128xi32, #tpu.memory_space<hbm>> -> memref<40x128xi32, #tpu.memory_space<hbm>>
      tpu.enqueue_dma source(%dma_start3A_34 : memref<40x128xi32, #tpu.memory_space<hbm>>) target(%arg7 : memref<40x128xi32, #tpu.memory_space<vmem>>) target_semaphore(%run_scoped3A : memref<!tpu.dma_semaphore, #tpu.memory_space<semaphore_mem>>)
      %dma_wait3A_35 = arith.constant 0 : i32
      %dma_wait3A_36 = arith.constant 0 : i32
      %dma_wait3A_37 = tpu.memref_slice %arg4[%add3A, %dma_wait3A_35, %dma_wait3A_36] : memref<32x40x128xi32, #tpu.memory_space<hbm>> -> memref<1x40x128xi32, #tpu.memory_space<hbm>>
      %dma_wait3A_38 = tpu.memref_squeeze %dma_wait3A_37 : memref<1x40x128xi32, #tpu.memory_space<hbm>> -> memref<40x128xi32, #tpu.memory_space<hbm>>
      %dma_wait3A_39 = arith.constant 0 : i32
      %dma_wait3A_40 = arith.constant 0 : i32
      %dma_wait3A_41 = tpu.memref_slice %arg4[%add3A, %dma_wait3A_39, %dma_wait3A_40] : memref<32x40x128xi32, #tpu.memory_space<hbm>> -> memref<1x40x128xi32, #tpu.memory_space<hbm>>
      %dma_wait3A_42 = tpu.memref_squeeze %dma_wait3A_41 : memref<1x40x128xi32, #tpu.memory_space<hbm>> -> memref<40x128xi32, #tpu.memory_space<hbm>>
      tpu.wait_dma2 semaphore(%run_scoped3A : memref<!tpu.dma_semaphore, #tpu.memory_space<semaphore_mem>>) src(%dma_wait3A_42 : memref<40x128xi32, #tpu.memory_space<hbm>>) dst(%arg7 : memref<40x128xi32, #tpu.memory_space<vmem>>)
      tpu.yield
    }) : () -> ()
    "tpu.region"() ({
      %run_scoped3A = tpu.sem_alloc : memref<!tpu.dma_semaphore, #tpu.memory_space<semaphore_mem>>
      %dma_start3A_27 = arith.constant 0 : i32
      %dma_start3A_28 = arith.constant 0 : i32
      %dma_start3A_29 = tpu.memref_slice %arg5[%add3A, %dma_start3A_27, %dma_start3A_28] : memref<32x40x128xi32, #tpu.memory_space<hbm>> -> memref<1x40x128xi32, #tpu.memory_space<hbm>>
      %dma_start3A_30 = tpu.memref_squeeze %dma_start3A_29 : memref<1x40x128xi32, #tpu.memory_space<hbm>> -> memref<40x128xi32, #tpu.memory_space<hbm>>
      %dma_start3A_31 = arith.constant 0 : i32
      %dma_start3A_32 = arith.constant 0 : i32
      %dma_start3A_33 = tpu.memref_slice %arg5[%add3A, %dma_start3A_31, %dma_start3A_32] : memref<32x40x128xi32, #tpu.memory_space<hbm>> -> memref<1x40x128xi32, #tpu.memory_space<hbm>>
      %dma_start3A_34 = tpu.memref_squeeze %dma_start3A_33 : memref<1x40x128xi32, #tpu.memory_space<hbm>> -> memref<40x128xi32, #tpu.memory_space<hbm>>
      tpu.enqueue_dma source(%dma_start3A_34 : memref<40x128xi32, #tpu.memory_space<hbm>>) target(%arg8 : memref<40x128xi32, #tpu.memory_space<vmem>>) target_semaphore(%run_scoped3A : memref<!tpu.dma_semaphore, #tpu.memory_space<semaphore_mem>>)
      %dma_wait3A_35 = arith.constant 0 : i32
      %dma_wait3A_36 = arith.constant 0 : i32
      %dma_wait3A_37 = tpu.memref_slice %arg5[%add3A, %dma_wait3A_35, %dma_wait3A_36] : memref<32x40x128xi32, #tpu.memory_space<hbm>> -> memref<1x40x128xi32, #tpu.memory_space<hbm>>
      %dma_wait3A_38 = tpu.memref_squeeze %dma_wait3A_37 : memref<1x40x128xi32, #tpu.memory_space<hbm>> -> memref<40x128xi32, #tpu.memory_space<hbm>>
      %dma_wait3A_39 = arith.constant 0 : i32
      %dma_wait3A_40 = arith.constant 0 : i32
      %dma_wait3A_41 = tpu.memref_slice %arg5[%add3A, %dma_wait3A_39, %dma_wait3A_40] : memref<32x40x128xi32, #tpu.memory_space<hbm>> -> memref<1x40x128xi32, #tpu.memory_space<hbm>>
      %dma_wait3A_42 = tpu.memref_squeeze %dma_wait3A_41 : memref<1x40x128xi32, #tpu.memory_space<hbm>> -> memref<40x128xi32, #tpu.memory_space<hbm>>
      tpu.wait_dma2 semaphore(%run_scoped3A : memref<!tpu.dma_semaphore, #tpu.memory_space<semaphore_mem>>) src(%dma_wait3A_42 : memref<40x128xi32, #tpu.memory_space<hbm>>) dst(%arg8 : memref<40x128xi32, #tpu.memory_space<vmem>>)
      tpu.yield
    }) : () -> ()
    %dma_start3A = arith.constant 0 : i32
    %dma_start3A_3 = arith.constant 0 : i32
    %dma_start3A_4 = tpu.memref_slice %arg7[%dma_start3A, %dma_start3A_3] : memref<40x128xi32, #tpu.memory_space<vmem>> -> memref<1x128xi32, #tpu.memory_space<vmem>>
    %dma_start3A_5 = tpu.memref_squeeze %dma_start3A_4 : memref<1x128xi32, #tpu.memory_space<vmem>> -> memref<128xi32, #tpu.memory_space<vmem>>
    %dma_start3A_6 = arith.constant 0 : i32
    %dma_start3A_7 = arith.constant 0 : i32
    %dma_start3A_8 = tpu.memref_slice %arg2[%dma_start3A_6, %dma_start3A_7] : memref<10000x128xf32, #tpu.memory_space<hbm>> -> memref<10000x128xf32, #tpu.memory_space<hbm>>
    tpu.enqueue_indirect_dma source(%dma_start3A_8 : memref<10000x128xf32, #tpu.memory_space<hbm>>) target(%arg9 : memref<128x128xf32, #tpu.memory_space<vmem>>) offsets(%dma_start3A_5 : memref<128xi32, #tpu.memory_space<vmem>>) semaphore(%arg15 : memref<!tpu.dma_semaphore, #tpu.memory_space<semaphore_mem>>)
    %dma_start3A_9 = arith.constant 0 : i32
    %dma_start3A_10 = arith.constant 0 : i32
    %dma_start3A_11 = tpu.memref_slice %arg8[%dma_start3A_9, %dma_start3A_10] : memref<40x128xi32, #tpu.memory_space<vmem>> -> memref<1x128xi32, #tpu.memory_space<vmem>>
    %dma_start3A_12 = tpu.memref_squeeze %dma_start3A_11 : memref<1x128xi32, #tpu.memory_space<vmem>> -> memref<128xi32, #tpu.memory_space<vmem>>
    %dma_start3A_13 = arith.constant 0 : i32
    %dma_start3A_14 = arith.constant 0 : i32
    %dma_start3A_15 = tpu.memref_slice %arg3[%dma_start3A_13, %dma_start3A_14] : memref<10000x128xf32, #tpu.memory_space<hbm>> -> memref<10000x128xf32, #tpu.memory_space<hbm>>
    tpu.enqueue_indirect_dma source(%dma_start3A_15 : memref<10000x128xf32, #tpu.memory_space<hbm>>) target(%arg11 : memref<128x128xf32, #tpu.memory_space<vmem>>) offsets(%dma_start3A_12 : memref<128xi32, #tpu.memory_space<vmem>>) semaphore(%arg15 : memref<!tpu.dma_semaphore, #tpu.memory_space<semaphore_mem>>)
    %scan3A = arith.constant 0 : i32
    %scan3A_16 = arith.constant 20 : i32
    %scan3A_17 = arith.addi %scan3A, %scan3A_16 : i32
    %scan3A_18 = arith.constant 1 : i32
    scf.for %scan3A_27 = %scan3A to %scan3A_17 step %scan3A_18  : i32 {
      %mul3A_28 = arith.constant 2 : i32
      %mul3A_29 = arith.muli %scan3A_27, %mul3A_28 : i32
      %add3A_30 = arith.constant 0 : i32
      %add3A_31 = arith.addi %add3A_30, %mul3A_29 : i32
      %add3A_32 = arith.constant 0 : i32
      %add3A_33 = arith.addi %add3A_31, %add3A_32 : i32
      %dma_wait3A_34 = arith.constant 0 : i32
      %dma_wait3A_35 = arith.constant 0 : i32
      %dma_wait3A_36 = tpu.memref_slice %arg7[%dma_wait3A_34, %dma_wait3A_35] : memref<40x128xi32, #tpu.memory_space<vmem>> -> memref<1x128xi32, #tpu.memory_space<vmem>>
      %dma_wait3A_37 = tpu.memref_squeeze %dma_wait3A_36 : memref<1x128xi32, #tpu.memory_space<vmem>> -> memref<128xi32, #tpu.memory_space<vmem>>
      %dma_wait3A_38 = arith.constant 0 : i32
      %dma_wait3A_39 = arith.constant 0 : i32
      %dma_wait3A_40 = tpu.memref_slice %arg2[%dma_wait3A_38, %dma_wait3A_39] : memref<10000x128xf32, #tpu.memory_space<hbm>> -> memref<10000x128xf32, #tpu.memory_space<hbm>>
      tpu.wait_indirect_dma semaphore(%arg15 : memref<!tpu.dma_semaphore, #tpu.memory_space<semaphore_mem>>) src(%dma_wait3A_40 : memref<10000x128xf32, #tpu.memory_space<hbm>>) dst(%arg9 : memref<128x128xf32, #tpu.memory_space<vmem>>)
      %dma_wait3A_41 = arith.constant 0 : i32
      %dma_wait3A_42 = arith.constant 0 : i32
      %dma_wait3A_43 = tpu.memref_slice %arg8[%dma_wait3A_41, %dma_wait3A_42] : memref<40x128xi32, #tpu.memory_space<vmem>> -> memref<1x128xi32, #tpu.memory_space<vmem>>
      %dma_wait3A_44 = tpu.memref_squeeze %dma_wait3A_43 : memref<1x128xi32, #tpu.memory_space<vmem>> -> memref<128xi32, #tpu.memory_space<vmem>>
      %dma_wait3A_45 = arith.constant 0 : i32
      %dma_wait3A_46 = arith.constant 0 : i32
      %dma_wait3A_47 = tpu.memref_slice %arg3[%dma_wait3A_45, %dma_wait3A_46] : memref<10000x128xf32, #tpu.memory_space<hbm>> -> memref<10000x128xf32, #tpu.memory_space<hbm>>
      tpu.wait_indirect_dma semaphore(%arg15 : memref<!tpu.dma_semaphore, #tpu.memory_space<semaphore_mem>>) src(%dma_wait3A_47 : memref<10000x128xf32, #tpu.memory_space<hbm>>) dst(%arg11 : memref<128x128xf32, #tpu.memory_space<vmem>>)
      %add3A_48 = arith.constant 1 : i32
      %add3A_49 = arith.addi %add3A_33, %add3A_48 : i32
      %lt3A = arith.constant 40 : i32
      %lt3A_50 = arith.cmpi slt, %add3A_49, %lt3A : i32
      %convert_element_type3A = arith.extui %lt3A_50 : i1 to i32
      %cond3A = arith.constant 0 : i32
      %cond3A_51 = arith.cmpi ne, %convert_element_type3A, %cond3A : i32
      scf.if %cond3A_51 {
        %add3A_110 = arith.constant 1 : i32
        %add3A_111 = arith.addi %add3A_33, %add3A_110 : i32
        %dma_start3A_112 = arith.constant 0 : i32
        %dma_start3A_113 = tpu.memref_slice %arg7[%add3A_111, %dma_start3A_112] : memref<40x128xi32, #tpu.memory_space<vmem>> -> memref<1x128xi32, #tpu.memory_space<vmem>>
        %dma_start3A_114 = tpu.memref_squeeze %dma_start3A_113 : memref<1x128xi32, #tpu.memory_space<vmem>> -> memref<128xi32, #tpu.memory_space<vmem>>
        %dma_start3A_115 = arith.constant 0 : i32
        %dma_start3A_116 = arith.constant 0 : i32
        %dma_start3A_117 = tpu.memref_slice %arg2[%dma_start3A_115, %dma_start3A_116] : memref<10000x128xf32, #tpu.memory_space<hbm>> -> memref<10000x128xf32, #tpu.memory_space<hbm>>
        tpu.enqueue_indirect_dma source(%dma_start3A_117 : memref<10000x128xf32, #tpu.memory_space<hbm>>) target(%arg10 : memref<128x128xf32, #tpu.memory_space<vmem>>) offsets(%dma_start3A_114 : memref<128xi32, #tpu.memory_space<vmem>>) semaphore(%arg16 : memref<!tpu.dma_semaphore, #tpu.memory_space<semaphore_mem>>)
        %dma_start3A_118 = arith.constant 0 : i32
        %dma_start3A_119 = tpu.memref_slice %arg8[%add3A_111, %dma_start3A_118] : memref<40x128xi32, #tpu.memory_space<vmem>> -> memref<1x128xi32, #tpu.memory_space<vmem>>
        %dma_start3A_120 = tpu.memref_squeeze %dma_start3A_119 : memref<1x128xi32, #tpu.memory_space<vmem>> -> memref<128xi32, #tpu.memory_space<vmem>>
        %dma_start3A_121 = arith.constant 0 : i32
        %dma_start3A_122 = arith.constant 0 : i32
        %dma_start3A_123 = tpu.memref_slice %arg3[%dma_start3A_121, %dma_start3A_122] : memref<10000x128xf32, #tpu.memory_space<hbm>> -> memref<10000x128xf32, #tpu.memory_space<hbm>>
        tpu.enqueue_indirect_dma source(%dma_start3A_123 : memref<10000x128xf32, #tpu.memory_space<hbm>>) target(%arg12 : memref<128x128xf32, #tpu.memory_space<vmem>>) offsets(%dma_start3A_120 : memref<128xi32, #tpu.memory_space<vmem>>) semaphore(%arg16 : memref<!tpu.dma_semaphore, #tpu.memory_space<semaphore_mem>>)
      } else {
      }
      %gt3A = arith.constant 1 : i32
      %gt3A_52 = arith.cmpi sgt, %add3A_33, %gt3A : i32
      %convert_element_type3A_53 = arith.extui %gt3A_52 : i1 to i32
      %cond3A_54 = arith.constant 0 : i32
      %cond3A_55 = arith.cmpi ne, %convert_element_type3A_53, %cond3A_54 : i32
      scf.if %cond3A_55 {
        %dma_wait3A_110 = arith.constant 0 : i32
        %dma_wait3A_111 = tpu.memref_slice %arg6[%mul3A_2, %dma_wait3A_110] : memref<163840x128xf32, #tpu.memory_space<hbm>> -> memref<128x128xf32, #tpu.memory_space<hbm>>
        %dma_wait3A_112 = arith.constant 0 : i32
        %dma_wait3A_113 = tpu.memref_slice %arg6[%mul3A_2, %dma_wait3A_112] : memref<163840x128xf32, #tpu.memory_space<hbm>> -> memref<128x128xf32, #tpu.memory_space<hbm>>
        tpu.wait_dma2 semaphore(%arg17 : memref<!tpu.dma_semaphore, #tpu.memory_space<semaphore_mem>>) src(%arg13 : memref<128x128xf32, #tpu.memory_space<vmem>>) dst(%dma_wait3A_113 : memref<128x128xf32, #tpu.memory_space<hbm>>)
      } else {
      }
      %scan3A_56 = arith.constant 0 : i32
      %scan3A_57 = arith.constant 0 : i32
      %scan3A_58 = arith.constant 128 : i32
      %scan3A_59 = arith.addi %scan3A_57, %scan3A_58 : i32
      %scan3A_60 = arith.constant 1 : i32
      scf.for %scan3A_110 = %scan3A_57 to %scan3A_59 step %scan3A_60  : i32 {
        %get3A = arith.index_cast %scan3A_110 : i32 to index
        %get3A_111 = arith.constant 0 : index
        %get3A_112 = tpu.vector_load %arg9[%get3A, %get3A_111] {strides = array<i32>} : memref<128x128xf32, #tpu.memory_space<vmem>>, vector<1x16xf32>,
        %get3A_113 = vector.shape_cast %get3A_112 : vector<1x16xf32> to vector<16xf32>
        %get3A_114 = arith.index_cast %scan3A_110 : i32 to index
        %get3A_115 = arith.constant 0 : index
        %get3A_116 = tpu.vector_load %arg11[%get3A_114, %get3A_115] {strides = array<i32>} : memref<128x128xf32, #tpu.memory_space<vmem>>, vector<1x16xf32>,
        %get3A_117 = vector.shape_cast %get3A_116 : vector<1x16xf32> to vector<16xf32>
        %add3A_118 = arith.addf %get3A_113, %get3A_117 : vector<16xf32>
        %swap3A = arith.index_cast %scan3A_110 : i32 to index
        %swap3A_119 = arith.constant 0 : index
        %swap3A_120 = tpu.vector_load %arg13[%swap3A, %swap3A_119] {strides = array<i32>} : memref<128x128xf32, #tpu.memory_space<vmem>>, vector<1x16xf32>,
        %swap3A_121 = vector.shape_cast %swap3A_120 : vector<1x16xf32> to vector<16xf32>
        %swap3A_122 = vector.shape_cast %add3A_118 : vector<16xf32> to vector<1x16xf32>
        tpu.vector_store %arg13[%swap3A, %swap3A_119], %swap3A_122 {strides = array<i32>} : memref<128x128xf32, #tpu.memory_space<vmem>>, vector<1x16xf32>,
        %get3A_123 = arith.index_cast %scan3A_110 : i32 to index
        %get3A_124 = arith.constant 16 : index
        %get3A_125 = tpu.vector_load %arg9[%get3A_123, %get3A_124] {strides = array<i32>} : memref<128x128xf32, #tpu.memory_space<vmem>>, vector<1x16xf32>,
        %get3A_126 = vector.shape_cast %get3A_125 : vector<1x16xf32> to vector<16xf32>
        %get3A_127 = arith.index_cast %scan3A_110 : i32 to index
        %get3A_128 = arith.constant 16 : index
        %get3A_129 = tpu.vector_load %arg11[%get3A_127, %get3A_128] {strides = array<i32>} : memref<128x128xf32, #tpu.memory_space<vmem>>, vector<1x16xf32>,
        %get3A_130 = vector.shape_cast %get3A_129 : vector<1x16xf32> to vector<16xf32>
        %add3A_131 = arith.addf %get3A_126, %get3A_130 : vector<16xf32>
        %swap3A_132 = arith.index_cast %scan3A_110 : i32 to index
        %swap3A_133 = arith.constant 16 : index
        %swap3A_134 = tpu.vector_load %arg13[%swap3A_132, %swap3A_133] {strides = array<i32>} : memref<128x128xf32, #tpu.memory_space<vmem>>, vector<1x16xf32>,
        %swap3A_135 = vector.shape_cast %swap3A_134 : vector<1x16xf32> to vector<16xf32>
        %swap3A_136 = vector.shape_cast %add3A_131 : vector<16xf32> to vector<1x16xf32>
        tpu.vector_store %arg13[%swap3A_132, %swap3A_133], %swap3A_136 {strides = array<i32>} : memref<128x128xf32, #tpu.memory_space<vmem>>, vector<1x16xf32>,
        %get3A_137 = arith.index_cast %scan3A_110 : i32 to index
        %get3A_138 = arith.constant 32 : index
        %get3A_139 = tpu.vector_load %arg9[%get3A_137, %get3A_138] {strides = array<i32>} : memref<128x128xf32, #tpu.memory_space<vmem>>, vector<1x16xf32>,
        %get3A_140 = vector.shape_cast %get3A_139 : vector<1x16xf32> to vector<16xf32>
        %get3A_141 = arith.index_cast %scan3A_110 : i32 to index
        %get3A_142 = arith.constant 32 : index
        %get3A_143 = tpu.vector_load %arg11[%get3A_141, %get3A_142] {strides = array<i32>} : memref<128x128xf32, #tpu.memory_space<vmem>>, vector<1x16xf32>,
        %get3A_144 = vector.shape_cast %get3A_143 : vector<1x16xf32> to vector<16xf32>
        %add3A_145 = arith.addf %get3A_140, %get3A_144 : vector<16xf32>
        %swap3A_146 = arith.index_cast %scan3A_110 : i32 to index
        %swap3A_147 = arith.constant 32 : index
        %swap3A_148 = tpu.vector_load %arg13[%swap3A_146, %swap3A_147] {strides = array<i32>} : memref<128x128xf32, #tpu.memory_space<vmem>>, vector<1x16xf32>,
        %swap3A_149 = vector.shape_cast %swap3A_148 : vector<1x16xf32> to vector<16xf32>
        %swap3A_150 = vector.shape_cast %add3A_145 : vector<16xf32> to vector<1x16xf32>
        tpu.vector_store %arg13[%swap3A_146, %swap3A_147], %swap3A_150 {strides = array<i32>} : memref<128x128xf32, #tpu.memory_space<vmem>>, vector<1x16xf32>,
        %get3A_151 = arith.index_cast %scan3A_110 : i32 to index
        %get3A_152 = arith.constant 48 : index
        %get3A_153 = tpu.vector_load %arg9[%get3A_151, %get3A_152] {strides = array<i32>} : memref<128x128xf32, #tpu.memory_space<vmem>>, vector<1x16xf32>,
        %get3A_154 = vector.shape_cast %get3A_153 : vector<1x16xf32> to vector<16xf32>
        %get3A_155 = arith.index_cast %scan3A_110 : i32 to index
        %get3A_156 = arith.constant 48 : index
        %get3A_157 = tpu.vector_load %arg11[%get3A_155, %get3A_156] {strides = array<i32>} : memref<128x128xf32, #tpu.memory_space<vmem>>, vector<1x16xf32>,
        %get3A_158 = vector.shape_cast %get3A_157 : vector<1x16xf32> to vector<16xf32>
        %add3A_159 = arith.addf %get3A_154, %get3A_158 : vector<16xf32>
        %swap3A_160 = arith.index_cast %scan3A_110 : i32 to index
        %swap3A_161 = arith.constant 48 : index
        %swap3A_162 = tpu.vector_load %arg13[%swap3A_160, %swap3A_161] {strides = array<i32>} : memref<128x128xf32, #tpu.memory_space<vmem>>, vector<1x16xf32>,
        %swap3A_163 = vector.shape_cast %swap3A_162 : vector<1x16xf32> to vector<16xf32>
        %swap3A_164 = vector.shape_cast %add3A_159 : vector<16xf32> to vector<1x16xf32>
        tpu.vector_store %arg13[%swap3A_160, %swap3A_161], %swap3A_164 {strides = array<i32>} : memref<128x128xf32, #tpu.memory_space<vmem>>, vector<1x16xf32>,
        %get3A_165 = arith.index_cast %scan3A_110 : i32 to index
        %get3A_166 = arith.constant 64 : index
        %get3A_167 = tpu.vector_load %arg9[%get3A_165, %get3A_166] {strides = array<i32>} : memref<128x128xf32, #tpu.memory_space<vmem>>, vector<1x16xf32>,
        %get3A_168 = vector.shape_cast %get3A_167 : vector<1x16xf32> to vector<16xf32>
        %get3A_169 = arith.index_cast %scan3A_110 : i32 to index
        %get3A_170 = arith.constant 64 : index
        %get3A_171 = tpu.vector_load %arg11[%get3A_169, %get3A_170] {strides = array<i32>} : memref<128x128xf32, #tpu.memory_space<vmem>>, vector<1x16xf32>,
        %get3A_172 = vector.shape_cast %get3A_171 : vector<1x16xf32> to vector<16xf32>
        %add3A_173 = arith.addf %get3A_168, %get3A_172 : vector<16xf32>
        %swap3A_174 = arith.index_cast %scan3A_110 : i32 to index
        %swap3A_175 = arith.constant 64 : index
        %swap3A_176 = tpu.vector_load %arg13[%swap3A_174, %swap3A_175] {strides = array<i32>} : memref<128x128xf32, #tpu.memory_space<vmem>>, vector<1x16xf32>,
        %swap3A_177 = vector.shape_cast %swap3A_176 : vector<1x16xf32> to vector<16xf32>
        %swap3A_178 = vector.shape_cast %add3A_173 : vector<16xf32> to vector<1x16xf32>
        tpu.vector_store %arg13[%swap3A_174, %swap3A_175], %swap3A_178 {strides = array<i32>} : memref<128x128xf32, #tpu.memory_space<vmem>>, vector<1x16xf32>,
        %get3A_179 = arith.index_cast %scan3A_110 : i32 to index
        %get3A_180 = arith.constant 80 : index
        %get3A_181 = tpu.vector_load %arg9[%get3A_179, %get3A_180] {strides = array<i32>} : memref<128x128xf32, #tpu.memory_space<vmem>>, vector<1x16xf32>,
        %get3A_182 = vector.shape_cast %get3A_181 : vector<1x16xf32> to vector<16xf32>
        %get3A_183 = arith.index_cast %scan3A_110 : i32 to index
        %get3A_184 = arith.constant 80 : index
        %get3A_185 = tpu.vector_load %arg11[%get3A_183, %get3A_184] {strides = array<i32>} : memref<128x128xf32, #tpu.memory_space<vmem>>, vector<1x16xf32>,
        %get3A_186 = vector.shape_cast %get3A_185 : vector<1x16xf32> to vector<16xf32>
        %add3A_187 = arith.addf %get3A_182, %get3A_186 : vector<16xf32>
        %swap3A_188 = arith.index_cast %scan3A_110 : i32 to index
        %swap3A_189 = arith.constant 80 : index
        %swap3A_190 = tpu.vector_load %arg13[%swap3A_188, %swap3A_189] {strides = array<i32>} : memref<128x128xf32, #tpu.memory_space<vmem>>, vector<1x16xf32>,
        %swap3A_191 = vector.shape_cast %swap3A_190 : vector<1x16xf32> to vector<16xf32>
        %swap3A_192 = vector.shape_cast %add3A_187 : vector<16xf32> to vector<1x16xf32>
        tpu.vector_store %arg13[%swap3A_188, %swap3A_189], %swap3A_192 {strides = array<i32>} : memref<128x128xf32, #tpu.memory_space<vmem>>, vector<1x16xf32>,
        %get3A_193 = arith.index_cast %scan3A_110 : i32 to index
        %get3A_194 = arith.constant 96 : index
        %get3A_195 = tpu.vector_load %arg9[%get3A_193, %get3A_194] {strides = array<i32>} : memref<128x128xf32, #tpu.memory_space<vmem>>, vector<1x16xf32>,
        %get3A_196 = vector.shape_cast %get3A_195 : vector<1x16xf32> to vector<16xf32>
        %get3A_197 = arith.index_cast %scan3A_110 : i32 to index
        %get3A_198 = arith.constant 96 : index
        %get3A_199 = tpu.vector_load %arg11[%get3A_197, %get3A_198] {strides = array<i32>} : memref<128x128xf32, #tpu.memory_space<vmem>>, vector<1x16xf32>,
        %get3A_200 = vector.shape_cast %get3A_199 : vector<1x16xf32> to vector<16xf32>
        %add3A_201 = arith.addf %get3A_196, %get3A_200 : vector<16xf32>
        %swap3A_202 = arith.index_cast %scan3A_110 : i32 to index
        %swap3A_203 = arith.constant 96 : index
        %swap3A_204 = tpu.vector_load %arg13[%swap3A_202, %swap3A_203] {strides = array<i32>} : memref<128x128xf32, #tpu.memory_space<vmem>>, vector<1x16xf32>,
        %swap3A_205 = vector.shape_cast %swap3A_204 : vector<1x16xf32> to vector<16xf32>
        %swap3A_206 = vector.shape_cast %add3A_201 : vector<16xf32> to vector<1x16xf32>
        tpu.vector_store %arg13[%swap3A_202, %swap3A_203], %swap3A_206 {strides = array<i32>} : memref<128x128xf32, #tpu.memory_space<vmem>>, vector<1x16xf32>,
        %get3A_207 = arith.index_cast %scan3A_110 : i32 to index
        %get3A_208 = arith.constant 112 : index
        %get3A_209 = tpu.vector_load %arg9[%get3A_207, %get3A_208] {strides = array<i32>} : memref<128x128xf32, #tpu.memory_space<vmem>>, vector<1x16xf32>,
        %get3A_210 = vector.shape_cast %get3A_209 : vector<1x16xf32> to vector<16xf32>
        %get3A_211 = arith.index_cast %scan3A_110 : i32 to index
        %get3A_212 = arith.constant 112 : index
        %get3A_213 = tpu.vector_load %arg11[%get3A_211, %get3A_212] {strides = array<i32>} : memref<128x128xf32, #tpu.memory_space<vmem>>, vector<1x16xf32>,
        %get3A_214 = vector.shape_cast %get3A_213 : vector<1x16xf32> to vector<16xf32>
        %add3A_215 = arith.addf %get3A_210, %get3A_214 : vector<16xf32>
        %swap3A_216 = arith.index_cast %scan3A_110 : i32 to index
        %swap3A_217 = arith.constant 112 : index
        %swap3A_218 = tpu.vector_load %arg13[%swap3A_216, %swap3A_217] {strides = array<i32>} : memref<128x128xf32, #tpu.memory_space<vmem>>, vector<1x16xf32>,
        %swap3A_219 = vector.shape_cast %swap3A_218 : vector<1x16xf32> to vector<16xf32>
        %swap3A_220 = vector.shape_cast %add3A_215 : vector<16xf32> to vector<1x16xf32>
        tpu.vector_store %arg13[%swap3A_216, %swap3A_217], %swap3A_220 {strides = array<i32>} : memref<128x128xf32, #tpu.memory_space<vmem>>, vector<1x16xf32>,
      }
      %scan3A_61 = arith.constant 128 : i32
      %mul3A_62 = arith.constant 128 : i32
      %mul3A_63 = arith.muli %add3A_33, %mul3A_62 : i32
      %add3A_64 = arith.addi %mul3A_2, %mul3A_63 : i32
      %dma_start3A_65 = arith.constant 0 : i32
      %dma_start3A_66 = tpu.memref_slice %arg6[%add3A_64, %dma_start3A_65] : memref<163840x128xf32, #tpu.memory_space<hbm>> -> memref<128x128xf32, #tpu.memory_space<hbm>>
      %dma_start3A_67 = arith.constant 0 : i32
      %dma_start3A_68 = tpu.memref_slice %arg6[%add3A_64, %dma_start3A_67] : memref<163840x128xf32, #tpu.memory_space<hbm>> -> memref<128x128xf32, #tpu.memory_space<hbm>>
      tpu.enqueue_dma source(%arg13 : memref<128x128xf32, #tpu.memory_space<vmem>>) target(%dma_start3A_68 : memref<128x128xf32, #tpu.memory_space<hbm>>) target_semaphore(%arg17 : memref<!tpu.dma_semaphore, #tpu.memory_space<semaphore_mem>>)
      %add3A_69 = arith.constant 1 : i32
      %add3A_70 = arith.addi %add3A_31, %add3A_69 : i32
      %dma_wait3A_71 = arith.constant 0 : i32
      %dma_wait3A_72 = arith.constant 0 : i32
      %dma_wait3A_73 = tpu.memref_slice %arg7[%dma_wait3A_71, %dma_wait3A_72] : memref<40x128xi32, #tpu.memory_space<vmem>> -> memref<1x128xi32, #tpu.memory_space<vmem>>
      %dma_wait3A_74 = tpu.memref_squeeze %dma_wait3A_73 : memref<1x128xi32, #tpu.memory_space<vmem>> -> memref<128xi32, #tpu.memory_space<vmem>>
      %dma_wait3A_75 = arith.constant 0 : i32
      %dma_wait3A_76 = arith.constant 0 : i32
      %dma_wait3A_77 = tpu.memref_slice %arg2[%dma_wait3A_75, %dma_wait3A_76] : memref<10000x128xf32, #tpu.memory_space<hbm>> -> memref<10000x128xf32, #tpu.memory_space<hbm>>
      tpu.wait_indirect_dma semaphore(%arg16 : memref<!tpu.dma_semaphore, #tpu.memory_space<semaphore_mem>>) src(%dma_wait3A_77 : memref<10000x128xf32, #tpu.memory_space<hbm>>) dst(%arg10 : memref<128x128xf32, #tpu.memory_space<vmem>>)
      %dma_wait3A_78 = arith.constant 0 : i32
      %dma_wait3A_79 = arith.constant 0 : i32
      %dma_wait3A_80 = tpu.memref_slice %arg8[%dma_wait3A_78, %dma_wait3A_79] : memref<40x128xi32, #tpu.memory_space<vmem>> -> memref<1x128xi32, #tpu.memory_space<vmem>>
      %dma_wait3A_81 = tpu.memref_squeeze %dma_wait3A_80 : memref<1x128xi32, #tpu.memory_space<vmem>> -> memref<128xi32, #tpu.memory_space<vmem>>
      %dma_wait3A_82 = arith.constant 0 : i32
      %dma_wait3A_83 = arith.constant 0 : i32
      %dma_wait3A_84 = tpu.memref_slice %arg3[%dma_wait3A_82, %dma_wait3A_83] : memref<10000x128xf32, #tpu.memory_space<hbm>> -> memref<10000x128xf32, #tpu.memory_space<hbm>>
      tpu.wait_indirect_dma semaphore(%arg16 : memref<!tpu.dma_semaphore, #tpu.memory_space<semaphore_mem>>) src(%dma_wait3A_84 : memref<10000x128xf32, #tpu.memory_space<hbm>>) dst(%arg12 : memref<128x128xf32, #tpu.memory_space<vmem>>)
      %add3A_85 = arith.constant 1 : i32
      %add3A_86 = arith.addi %add3A_70, %add3A_85 : i32
      %lt3A_87 = arith.constant 40 : i32
      %lt3A_88 = arith.cmpi slt, %add3A_86, %lt3A_87 : i32
      %convert_element_type3A_89 = arith.extui %lt3A_88 : i1 to i32
      %cond3A_90 = arith.constant 0 : i32
      %cond3A_91 = arith.cmpi ne, %convert_element_type3A_89, %cond3A_90 : i32
      scf.if %cond3A_91 {
        %add3A_110 = arith.constant 1 : i32
        %add3A_111 = arith.addi %add3A_70, %add3A_110 : i32
        %dma_start3A_112 = arith.constant 0 : i32
        %dma_start3A_113 = tpu.memref_slice %arg7[%add3A_111, %dma_start3A_112] : memref<40x128xi32, #tpu.memory_space<vmem>> -> memref<1x128xi32, #tpu.memory_space<vmem>>
        %dma_start3A_114 = tpu.memref_squeeze %dma_start3A_113 : memref<1x128xi32, #tpu.memory_space<vmem>> -> memref<128xi32, #tpu.memory_space<vmem>>
        %dma_start3A_115 = arith.constant 0 : i32
        %dma_start3A_116 = arith.constant 0 : i32
        %dma_start3A_117 = tpu.memref_slice %arg2[%dma_start3A_115, %dma_start3A_116] : memref<10000x128xf32, #tpu.memory_space<hbm>> -> memref<10000x128xf32, #tpu.memory_space<hbm>>
        tpu.enqueue_indirect_dma source(%dma_start3A_117 : memref<10000x128xf32, #tpu.memory_space<hbm>>) target(%arg9 : memref<128x128xf32, #tpu.memory_space<vmem>>) offsets(%dma_start3A_114 : memref<128xi32, #tpu.memory_space<vmem>>) semaphore(%arg15 : memref<!tpu.dma_semaphore, #tpu.memory_space<semaphore_mem>>)
        %dma_start3A_118 = arith.constant 0 : i32
        %dma_start3A_119 = tpu.memref_slice %arg8[%add3A_111, %dma_start3A_118] : memref<40x128xi32, #tpu.memory_space<vmem>> -> memref<1x128xi32, #tpu.memory_space<vmem>>
        %dma_start3A_120 = tpu.memref_squeeze %dma_start3A_119 : memref<1x128xi32, #tpu.memory_space<vmem>> -> memref<128xi32, #tpu.memory_space<vmem>>
        %dma_start3A_121 = arith.constant 0 : i32
        %dma_start3A_122 = arith.constant 0 : i32
        %dma_start3A_123 = tpu.memref_slice %arg3[%dma_start3A_121, %dma_start3A_122] : memref<10000x128xf32, #tpu.memory_space<hbm>> -> memref<10000x128xf32, #tpu.memory_space<hbm>>
        tpu.enqueue_indirect_dma source(%dma_start3A_123 : memref<10000x128xf32, #tpu.memory_space<hbm>>) target(%arg11 : memref<128x128xf32, #tpu.memory_space<vmem>>) offsets(%dma_start3A_120 : memref<128xi32, #tpu.memory_space<vmem>>) semaphore(%arg15 : memref<!tpu.dma_semaphore, #tpu.memory_space<semaphore_mem>>)
      } else {
      }
      %gt3A_92 = arith.constant 1 : i32
      %gt3A_93 = arith.cmpi sgt, %add3A_70, %gt3A_92 : i32
      %convert_element_type3A_94 = arith.extui %gt3A_93 : i1 to i32
      %cond3A_95 = arith.constant 0 : i32
      %cond3A_96 = arith.cmpi ne, %convert_element_type3A_94, %cond3A_95 : i32
      scf.if %cond3A_96 {
        %dma_wait3A_110 = arith.constant 0 : i32
        %dma_wait3A_111 = tpu.memref_slice %arg6[%mul3A_2, %dma_wait3A_110] : memref<163840x128xf32, #tpu.memory_space<hbm>> -> memref<128x128xf32, #tpu.memory_space<hbm>>
        %dma_wait3A_112 = arith.constant 0 : i32
        %dma_wait3A_113 = tpu.memref_slice %arg6[%mul3A_2, %dma_wait3A_112] : memref<163840x128xf32, #tpu.memory_space<hbm>> -> memref<128x128xf32, #tpu.memory_space<hbm>>
        tpu.wait_dma2 semaphore(%arg18 : memref<!tpu.dma_semaphore, #tpu.memory_space<semaphore_mem>>) src(%arg14 : memref<128x128xf32, #tpu.memory_space<vmem>>) dst(%dma_wait3A_113 : memref<128x128xf32, #tpu.memory_space<hbm>>)
      } else {
      }
      %scan3A_97 = arith.constant 0 : i32
      %scan3A_98 = arith.constant 0 : i32
      %scan3A_99 = arith.constant 128 : i32
      %scan3A_100 = arith.addi %scan3A_98, %scan3A_99 : i32
      %scan3A_101 = arith.constant 1 : i32
      scf.for %scan3A_110 = %scan3A_98 to %scan3A_100 step %scan3A_101  : i32 {
        %get3A = arith.index_cast %scan3A_110 : i32 to index
        %get3A_111 = arith.constant 0 : index
        %get3A_112 = tpu.vector_load %arg10[%get3A, %get3A_111] {strides = array<i32>} : memref<128x128xf32, #tpu.memory_space<vmem>>, vector<1x16xf32>,
        %get3A_113 = vector.shape_cast %get3A_112 : vector<1x16xf32> to vector<16xf32>
        %get3A_114 = arith.index_cast %scan3A_110 : i32 to index
        %get3A_115 = arith.constant 0 : index
        %get3A_116 = tpu.vector_load %arg12[%get3A_114, %get3A_115] {strides = array<i32>} : memref<128x128xf32, #tpu.memory_space<vmem>>, vector<1x16xf32>,
        %get3A_117 = vector.shape_cast %get3A_116 : vector<1x16xf32> to vector<16xf32>
        %add3A_118 = arith.addf %get3A_113, %get3A_117 : vector<16xf32>
        %swap3A = arith.index_cast %scan3A_110 : i32 to index
        %swap3A_119 = arith.constant 0 : index
        %swap3A_120 = tpu.vector_load %arg14[%swap3A, %swap3A_119] {strides = array<i32>} : memref<128x128xf32, #tpu.memory_space<vmem>>, vector<1x16xf32>,
        %swap3A_121 = vector.shape_cast %swap3A_120 : vector<1x16xf32> to vector<16xf32>
        %swap3A_122 = vector.shape_cast %add3A_118 : vector<16xf32> to vector<1x16xf32>
        tpu.vector_store %arg14[%swap3A, %swap3A_119], %swap3A_122 {strides = array<i32>} : memref<128x128xf32, #tpu.memory_space<vmem>>, vector<1x16xf32>,
        %get3A_123 = arith.index_cast %scan3A_110 : i32 to index
        %get3A_124 = arith.constant 16 : index
        %get3A_125 = tpu.vector_load %arg10[%get3A_123, %get3A_124] {strides = array<i32>} : memref<128x128xf32, #tpu.memory_space<vmem>>, vector<1x16xf32>,
        %get3A_126 = vector.shape_cast %get3A_125 : vector<1x16xf32> to vector<16xf32>
        %get3A_127 = arith.index_cast %scan3A_110 : i32 to index
        %get3A_128 = arith.constant 16 : index
        %get3A_129 = tpu.vector_load %arg12[%get3A_127, %get3A_128] {strides = array<i32>} : memref<128x128xf32, #tpu.memory_space<vmem>>, vector<1x16xf32>,
        %get3A_130 = vector.shape_cast %get3A_129 : vector<1x16xf32> to vector<16xf32>
        %add3A_131 = arith.addf %get3A_126, %get3A_130 : vector<16xf32>
        %swap3A_132 = arith.index_cast %scan3A_110 : i32 to index
        %swap3A_133 = arith.constant 16 : index
        %swap3A_134 = tpu.vector_load %arg14[%swap3A_132, %swap3A_133] {strides = array<i32>} : memref<128x128xf32, #tpu.memory_space<vmem>>, vector<1x16xf32>,
        %swap3A_135 = vector.shape_cast %swap3A_134 : vector<1x16xf32> to vector<16xf32>
        %swap3A_136 = vector.shape_cast %add3A_131 : vector<16xf32> to vector<1x16xf32>
        tpu.vector_store %arg14[%swap3A_132, %swap3A_133], %swap3A_136 {strides = array<i32>} : memref<128x128xf32, #tpu.memory_space<vmem>>, vector<1x16xf32>,
        %get3A_137 = arith.index_cast %scan3A_110 : i32 to index
        %get3A_138 = arith.constant 32 : index
        %get3A_139 = tpu.vector_load %arg10[%get3A_137, %get3A_138] {strides = array<i32>} : memref<128x128xf32, #tpu.memory_space<vmem>>, vector<1x16xf32>,
        %get3A_140 = vector.shape_cast %get3A_139 : vector<1x16xf32> to vector<16xf32>
        %get3A_141 = arith.index_cast %scan3A_110 : i32 to index
        %get3A_142 = arith.constant 32 : index
        %get3A_143 = tpu.vector_load %arg12[%get3A_141, %get3A_142] {strides = array<i32>} : memref<128x128xf32, #tpu.memory_space<vmem>>, vector<1x16xf32>,
        %get3A_144 = vector.shape_cast %get3A_143 : vector<1x16xf32> to vector<16xf32>
        %add3A_145 = arith.addf %get3A_140, %get3A_144 : vector<16xf32>
        %swap3A_146 = arith.index_cast %scan3A_110 : i32 to index
        %swap3A_147 = arith.constant 32 : index
        %swap3A_148 = tpu.vector_load %arg14[%swap3A_146, %swap3A_147] {strides = array<i32>} : memref<128x128xf32, #tpu.memory_space<vmem>>, vector<1x16xf32>,
        %swap3A_149 = vector.shape_cast %swap3A_148 : vector<1x16xf32> to vector<16xf32>
        %swap3A_150 = vector.shape_cast %add3A_145 : vector<16xf32> to vector<1x16xf32>
        tpu.vector_store %arg14[%swap3A_146, %swap3A_147], %swap3A_150 {strides = array<i32>} : memref<128x128xf32, #tpu.memory_space<vmem>>, vector<1x16xf32>,
        %get3A_151 = arith.index_cast %scan3A_110 : i32 to index
        %get3A_152 = arith.constant 48 : index
        %get3A_153 = tpu.vector_load %arg10[%get3A_151, %get3A_152] {strides = array<i32>} : memref<128x128xf32, #tpu.memory_space<vmem>>, vector<1x16xf32>,
        %get3A_154 = vector.shape_cast %get3A_153 : vector<1x16xf32> to vector<16xf32>
        %get3A_155 = arith.index_cast %scan3A_110 : i32 to index
        %get3A_156 = arith.constant 48 : index
        %get3A_157 = tpu.vector_load %arg12[%get3A_155, %get3A_156] {strides = array<i32>} : memref<128x128xf32, #tpu.memory_space<vmem>>, vector<1x16xf32>,
        %get3A_158 = vector.shape_cast %get3A_157 : vector<1x16xf32> to vector<16xf32>
        %add3A_159 = arith.addf %get3A_154, %get3A_158 : vector<16xf32>
        %swap3A_160 = arith.index_cast %scan3A_110 : i32 to index
        %swap3A_161 = arith.constant 48 : index
        %swap3A_162 = tpu.vector_load %arg14[%swap3A_160, %swap3A_161] {strides = array<i32>} : memref<128x128xf32, #tpu.memory_space<vmem>>, vector<1x16xf32>,
        %swap3A_163 = vector.shape_cast %swap3A_162 : vector<1x16xf32> to vector<16xf32>
        %swap3A_164 = vector.shape_cast %add3A_159 : vector<16xf32> to vector<1x16xf32>
        tpu.vector_store %arg14[%swap3A_160, %swap3A_161], %swap3A_164 {strides = array<i32>} : memref<128x128xf32, #tpu.memory_space<vmem>>, vector<1x16xf32>,
        %get3A_165 = arith.index_cast %scan3A_110 : i32 to index
        %get3A_166 = arith.constant 64 : index
        %get3A_167 = tpu.vector_load %arg10[%get3A_165, %get3A_166] {strides = array<i32>} : memref<128x128xf32, #tpu.memory_space<vmem>>, vector<1x16xf32>,
        %get3A_168 = vector.shape_cast %get3A_167 : vector<1x16xf32> to vector<16xf32>
        %get3A_169 = arith.index_cast %scan3A_110 : i32 to index
        %get3A_170 = arith.constant 64 : index
        %get3A_171 = tpu.vector_load %arg12[%get3A_169, %get3A_170] {strides = array<i32>} : memref<128x128xf32, #tpu.memory_space<vmem>>, vector<1x16xf32>,
        %get3A_172 = vector.shape_cast %get3A_171 : vector<1x16xf32> to vector<16xf32>
        %add3A_173 = arith.addf %get3A_168, %get3A_172 : vector<16xf32>
        %swap3A_174 = arith.index_cast %scan3A_110 : i32 to index
        %swap3A_175 = arith.constant 64 : index
        %swap3A_176 = tpu.vector_load %arg14[%swap3A_174, %swap3A_175] {strides = array<i32>} : memref<128x128xf32, #tpu.memory_space<vmem>>, vector<1x16xf32>,
        %swap3A_177 = vector.shape_cast %swap3A_176 : vector<1x16xf32> to vector<16xf32>
        %swap3A_178 = vector.shape_cast %add3A_173 : vector<16xf32> to vector<1x16xf32>
        tpu.vector_store %arg14[%swap3A_174, %swap3A_175], %swap3A_178 {strides = array<i32>} : memref<128x128xf32, #tpu.memory_space<vmem>>, vector<1x16xf32>,
        %get3A_179 = arith.index_cast %scan3A_110 : i32 to index
        %get3A_180 = arith.constant 80 : index
        %get3A_181 = tpu.vector_load %arg10[%get3A_179, %get3A_180] {strides = array<i32>} : memref<128x128xf32, #tpu.memory_space<vmem>>, vector<1x16xf32>,
        %get3A_182 = vector.shape_cast %get3A_181 : vector<1x16xf32> to vector<16xf32>
        %get3A_183 = arith.index_cast %scan3A_110 : i32 to index
        %get3A_184 = arith.constant 80 : index
        %get3A_185 = tpu.vector_load %arg12[%get3A_183, %get3A_184] {strides = array<i32>} : memref<128x128xf32, #tpu.memory_space<vmem>>, vector<1x16xf32>,
        %get3A_186 = vector.shape_cast %get3A_185 : vector<1x16xf32> to vector<16xf32>
        %add3A_187 = arith.addf %get3A_182, %get3A_186 : vector<16xf32>
        %swap3A_188 = arith.index_cast %scan3A_110 : i32 to index
        %swap3A_189 = arith.constant 80 : index
        %swap3A_190 = tpu.vector_load %arg14[%swap3A_188, %swap3A_189] {strides = array<i32>} : memref<128x128xf32, #tpu.memory_space<vmem>>, vector<1x16xf32>,
        %swap3A_191 = vector.shape_cast %swap3A_190 : vector<1x16xf32> to vector<16xf32>
        %swap3A_192 = vector.shape_cast %add3A_187 : vector<16xf32> to vector<1x16xf32>
        tpu.vector_store %arg14[%swap3A_188, %swap3A_189], %swap3A_192 {strides = array<i32>} : memref<128x128xf32, #tpu.memory_space<vmem>>, vector<1x16xf32>,
        %get3A_193 = arith.index_cast %scan3A_110 : i32 to index
        %get3A_194 = arith.constant 96 : index
        %get3A_195 = tpu.vector_load %arg10[%get3A_193, %get3A_194] {strides = array<i32>} : memref<128x128xf32, #tpu.memory_space<vmem>>, vector<1x16xf32>,
        %get3A_196 = vector.shape_cast %get3A_195 : vector<1x16xf32> to vector<16xf32>
        %get3A_197 = arith.index_cast %scan3A_110 : i32 to index
        %get3A_198 = arith.constant 96 : index
        %get3A_199 = tpu.vector_load %arg12[%get3A_197, %get3A_198] {strides = array<i32>} : memref<128x128xf32, #tpu.memory_space<vmem>>, vector<1x16xf32>,
        %get3A_200 = vector.shape_cast %get3A_199 : vector<1x16xf32> to vector<16xf32>
        %add3A_201 = arith.addf %get3A_196, %get3A_200 : vector<16xf32>
        %swap3A_202 = arith.index_cast %scan3A_110 : i32 to index
        %swap3A_203 = arith.constant 96 : index
        %swap3A_204 = tpu.vector_load %arg14[%swap3A_202, %swap3A_203] {strides = array<i32>} : memref<128x128xf32, #tpu.memory_space<vmem>>, vector<1x16xf32>,
        %swap3A_205 = vector.shape_cast %swap3A_204 : vector<1x16xf32> to vector<16xf32>
        %swap3A_206 = vector.shape_cast %add3A_201 : vector<16xf32> to vector<1x16xf32>
        tpu.vector_store %arg14[%swap3A_202, %swap3A_203], %swap3A_206 {strides = array<i32>} : memref<128x128xf32, #tpu.memory_space<vmem>>, vector<1x16xf32>,
        %get3A_207 = arith.index_cast %scan3A_110 : i32 to index
        %get3A_208 = arith.constant 112 : index
        %get3A_209 = tpu.vector_load %arg10[%get3A_207, %get3A_208] {strides = array<i32>} : memref<128x128xf32, #tpu.memory_space<vmem>>, vector<1x16xf32>,
        %get3A_210 = vector.shape_cast %get3A_209 : vector<1x16xf32> to vector<16xf32>
        %get3A_211 = arith.index_cast %scan3A_110 : i32 to index
        %get3A_212 = arith.constant 112 : index
        %get3A_213 = tpu.vector_load %arg12[%get3A_211, %get3A_212] {strides = array<i32>} : memref<128x128xf32, #tpu.memory_space<vmem>>, vector<1x16xf32>,
        %get3A_214 = vector.shape_cast %get3A_213 : vector<1x16xf32> to vector<16xf32>
        %add3A_215 = arith.addf %get3A_210, %get3A_214 : vector<16xf32>
        %swap3A_216 = arith.index_cast %scan3A_110 : i32 to index
        %swap3A_217 = arith.constant 112 : index
        %swap3A_218 = tpu.vector_load %arg14[%swap3A_216, %swap3A_217] {strides = array<i32>} : memref<128x128xf32, #tpu.memory_space<vmem>>, vector<1x16xf32>,
        %swap3A_219 = vector.shape_cast %swap3A_218 : vector<1x16xf32> to vector<16xf32>
        %swap3A_220 = vector.shape_cast %add3A_215 : vector<16xf32> to vector<1x16xf32>
        tpu.vector_store %arg14[%swap3A_216, %swap3A_217], %swap3A_220 {strides = array<i32>} : memref<128x128xf32, #tpu.memory_space<vmem>>, vector<1x16xf32>,
      }
      %scan3A_102 = arith.constant 128 : i32
      %mul3A_103 = arith.constant 128 : i32
      %mul3A_104 = arith.muli %add3A_70, %mul3A_103 : i32
      %add3A_105 = arith.addi %mul3A_2, %mul3A_104 : i32
      %dma_start3A_106 = arith.constant 0 : i32
      %dma_start3A_107 = tpu.memref_slice %arg6[%add3A_105, %dma_start3A_106] : memref<163840x128xf32, #tpu.memory_space<hbm>> -> memref<128x128xf32, #tpu.memory_space<hbm>>
      %dma_start3A_108 = arith.constant 0 : i32
      %dma_start3A_109 = tpu.memref_slice %arg6[%add3A_105, %dma_start3A_108] : memref<163840x128xf32, #tpu.memory_space<hbm>> -> memref<128x128xf32, #tpu.memory_space<hbm>>
      tpu.enqueue_dma source(%arg14 : memref<128x128xf32, #tpu.memory_space<vmem>>) target(%dma_start3A_109 : memref<128x128xf32, #tpu.memory_space<hbm>>) target_semaphore(%arg18 : memref<!tpu.dma_semaphore, #tpu.memory_space<semaphore_mem>>)
    }
    %scan3A_19 = arith.constant 20 : i32
    %dma_wait3A = arith.constant 0 : i32
    %dma_wait3A_20 = tpu.memref_slice %arg6[%mul3A_2, %dma_wait3A] : memref<163840x128xf32, #tpu.memory_space<hbm>> -> memref<128x128xf32, #tpu.memory_space<hbm>>
    %dma_wait3A_21 = arith.constant 0 : i32
    %dma_wait3A_22 = tpu.memref_slice %arg6[%mul3A_2, %dma_wait3A_21] : memref<163840x128xf32, #tpu.memory_space<hbm>> -> memref<128x128xf32, #tpu.memory_space<hbm>>
    tpu.wait_dma2 semaphore(%arg17 : memref<!tpu.dma_semaphore, #tpu.memory_space<semaphore_mem>>) src(%arg13 : memref<128x128xf32, #tpu.memory_space<vmem>>) dst(%dma_wait3A_22 : memref<128x128xf32, #tpu.memory_space<hbm>>)
    %dma_wait3A_23 = arith.constant 0 : i32
    %dma_wait3A_24 = tpu.memref_slice %arg6[%mul3A_2, %dma_wait3A_23] : memref<163840x128xf32, #tpu.memory_space<hbm>> -> memref<128x128xf32, #tpu.memory_space<hbm>>
    %dma_wait3A_25 = arith.constant 0 : i32
    %dma_wait3A_26 = tpu.memref_slice %arg6[%mul3A_2, %dma_wait3A_25] : memref<163840x128xf32, #tpu.memory_space<hbm>> -> memref<128x128xf32, #tpu.memory_space<hbm>>
    tpu.wait_dma2 semaphore(%arg18 : memref<!tpu.dma_semaphore, #tpu.memory_space<semaphore_mem>>) src(%arg14 : memref<128x128xf32, #tpu.memory_space<vmem>>) dst(%dma_wait3A_26 : memref<128x128xf32, #tpu.memory_space<hbm>>)
    return
  }
}

#map = affine_map<(d0, d1) -> (0, 0)>
#map1 = affine_map<(d0, d1) -> (0, 0, 0)>
module attributes {stable_mosaic.version = 14 : i64} {
  func.func @scatter(%arg0: i32, %arg1: i32, %arg2: memref<163840x128xf32, #tpu.memory_space<hbm>>, %arg3: memref<32x40x128xi32, #tpu.memory_space<hbm>>, %arg4: memref<10016x128xf32, #tpu.memory_space<hbm>>, %arg5: memref<2x10016x128xf32, #tpu.memory_space<hbm>>, %arg6: memref<40x128xi32, #tpu.memory_space<vmem>>, %arg7: memref<128x128xf32, #tpu.memory_space<vmem>>, %arg8: memref<128x128xf32, #tpu.memory_space<vmem>>, %arg9: memref<10016x128xf32, #tpu.memory_space<vmem_shared>>, %arg10: memref<!tpu.dma_semaphore, #tpu.memory_space<semaphore_mem>>, %arg11: memref<!tpu.dma_semaphore, #tpu.memory_space<semaphore_mem>>, %arg12: memref<!tpu.dma_semaphore, #tpu.memory_space<semaphore_mem>>, %arg13: memref<!tpu.dma_semaphore, #tpu.memory_space<semaphore_mem>>) attributes {dimension_semantics = [#tpu.dimension_semantics<core_parallel>, #tpu.dimension_semantics<subcore_parallel>], iteration_bounds = array<i64: 2, 16>, scalar_prefetch = 0 : i64, scratch_operands = 8 : i64, tpu.core_type = #tpu.core_type<sc_vector_subcore>, window_params = [{transform_indices = #map}, {transform_indices = #map1}, {transform_indices = #map}, {transform_indices = #map1}]} {
    %mul3A = arith.constant 2 : i32
    %mul3A_0 = arith.muli %arg1, %mul3A : i32
    %add3A = arith.addi %mul3A_0, %arg0 : i32
    %mul3A_1 = arith.constant 5120 : i32
    %mul3A_2 = arith.muli %add3A, %mul3A_1 : i32
    %add3A_3 = arith.constant 0 : i32
    %add3A_4 = arith.addi %mul3A_2, %add3A_3 : i32
    %dma_start3A = arith.constant 0 : i32
    %dma_start3A_5 = tpu.memref_slice %arg2[%add3A_4, %dma_start3A] : memref<163840x128xf32, #tpu.memory_space<hbm>> -> memref<128x128xf32, #tpu.memory_space<hbm>>
    %dma_start3A_6 = arith.constant 0 : i32
    %dma_start3A_7 = tpu.memref_slice %arg2[%add3A_4, %dma_start3A_6] : memref<163840x128xf32, #tpu.memory_space<hbm>> -> memref<128x128xf32, #tpu.memory_space<hbm>>
    tpu.enqueue_dma source(%dma_start3A_7 : memref<128x128xf32, #tpu.memory_space<hbm>>) target(%arg7 : memref<128x128xf32, #tpu.memory_space<vmem>>) target_semaphore(%arg10 : memref<!tpu.dma_semaphore, #tpu.memory_space<semaphore_mem>>)
    "tpu.region"() ({
      %run_scoped3A = tpu.sem_alloc : memref<!tpu.dma_semaphore, #tpu.memory_space<semaphore_mem>>
      %dma_start3A_34 = arith.constant 0 : i32
      %dma_start3A_35 = arith.constant 0 : i32
      %dma_start3A_36 = tpu.memref_slice %arg3[%add3A, %dma_start3A_34, %dma_start3A_35] : memref<32x40x128xi32, #tpu.memory_space<hbm>> -> memref<1x40x128xi32, #tpu.memory_space<hbm>>
      %dma_start3A_37 = tpu.memref_squeeze %dma_start3A_36 : memref<1x40x128xi32, #tpu.memory_space<hbm>> -> memref<40x128xi32, #tpu.memory_space<hbm>>
      %dma_start3A_38 = arith.constant 0 : i32
      %dma_start3A_39 = arith.constant 0 : i32
      %dma_start3A_40 = tpu.memref_slice %arg3[%add3A, %dma_start3A_38, %dma_start3A_39] : memref<32x40x128xi32, #tpu.memory_space<hbm>> -> memref<1x40x128xi32, #tpu.memory_space<hbm>>
      %dma_start3A_41 = tpu.memref_squeeze %dma_start3A_40 : memref<1x40x128xi32, #tpu.memory_space<hbm>> -> memref<40x128xi32, #tpu.memory_space<hbm>>
      tpu.enqueue_dma source(%dma_start3A_41 : memref<40x128xi32, #tpu.memory_space<hbm>>) target(%arg6 : memref<40x128xi32, #tpu.memory_space<vmem>>) target_semaphore(%run_scoped3A : memref<!tpu.dma_semaphore, #tpu.memory_space<semaphore_mem>>)
      %dma_wait3A_42 = arith.constant 0 : i32
      %dma_wait3A_43 = arith.constant 0 : i32
      %dma_wait3A_44 = tpu.memref_slice %arg3[%add3A, %dma_wait3A_42, %dma_wait3A_43] : memref<32x40x128xi32, #tpu.memory_space<hbm>> -> memref<1x40x128xi32, #tpu.memory_space<hbm>>
      %dma_wait3A_45 = tpu.memref_squeeze %dma_wait3A_44 : memref<1x40x128xi32, #tpu.memory_space<hbm>> -> memref<40x128xi32, #tpu.memory_space<hbm>>
      %dma_wait3A_46 = arith.constant 0 : i32
      %dma_wait3A_47 = arith.constant 0 : i32
      %dma_wait3A_48 = tpu.memref_slice %arg3[%add3A, %dma_wait3A_46, %dma_wait3A_47] : memref<32x40x128xi32, #tpu.memory_space<hbm>> -> memref<1x40x128xi32, #tpu.memory_space<hbm>>
      %dma_wait3A_49 = tpu.memref_squeeze %dma_wait3A_48 : memref<1x40x128xi32, #tpu.memory_space<hbm>> -> memref<40x128xi32, #tpu.memory_space<hbm>>
      tpu.wait_dma2 semaphore(%run_scoped3A : memref<!tpu.dma_semaphore, #tpu.memory_space<semaphore_mem>>) src(%dma_wait3A_49 : memref<40x128xi32, #tpu.memory_space<hbm>>) dst(%arg6 : memref<40x128xi32, #tpu.memory_space<vmem>>)
      tpu.yield
    }) : () -> ()
    %mul3A_8 = arith.constant 624 : i32
    %mul3A_9 = arith.muli %arg1, %mul3A_8 : i32
    %mul3A_10 = arith.constant 624 : i32
    %mul3A_11 = arith.muli %arg1, %mul3A_10 : i32
    "tpu.region"() ({
      %run_scoped3A = tpu.sem_alloc : memref<!tpu.dma_semaphore, #tpu.memory_space<semaphore_mem>>
      %dma_start3A_34 = arith.constant 0 : i32
      %dma_start3A_35 = tpu.memref_slice %arg9[%mul3A_11, %dma_start3A_34] : memref<10016x128xf32, #tpu.memory_space<vmem_shared>> -> memref<624x128xf32, #tpu.memory_space<vmem_shared>>
      %dma_start3A_36 = arith.constant 0 : i32
      %dma_start3A_37 = tpu.memref_slice %arg4[%mul3A_9, %dma_start3A_36] : memref<10016x128xf32, #tpu.memory_space<hbm>> -> memref<624x128xf32, #tpu.memory_space<hbm>>
      tpu.enqueue_dma source(%dma_start3A_37 : memref<624x128xf32, #tpu.memory_space<hbm>>) target(%dma_start3A_35 : memref<624x128xf32, #tpu.memory_space<vmem_shared>>) target_semaphore(%run_scoped3A : memref<!tpu.dma_semaphore, #tpu.memory_space<semaphore_mem>>)
      %dma_wait3A_38 = arith.constant 0 : i32
      %dma_wait3A_39 = tpu.memref_slice %arg9[%mul3A_11, %dma_wait3A_38] : memref<10016x128xf32, #tpu.memory_space<vmem_shared>> -> memref<624x128xf32, #tpu.memory_space<vmem_shared>>
      %dma_wait3A_40 = arith.constant 0 : i32
      %dma_wait3A_41 = tpu.memref_slice %arg4[%mul3A_9, %dma_wait3A_40] : memref<10016x128xf32, #tpu.memory_space<hbm>> -> memref<624x128xf32, #tpu.memory_space<hbm>>
      tpu.wait_dma2 semaphore(%run_scoped3A : memref<!tpu.dma_semaphore, #tpu.memory_space<semaphore_mem>>) src(%dma_wait3A_41 : memref<624x128xf32, #tpu.memory_space<hbm>>) dst(%dma_wait3A_39 : memref<624x128xf32, #tpu.memory_space<vmem_shared>>)
      tpu.yield
    }) : () -> ()
    %eq3A = arith.constant 15 : i32
    %eq3A_12 = arith.cmpi eq, %arg1, %eq3A : i32
    %convert_element_type3A = arith.extui %eq3A_12 : i1 to i32
    %cond3A = arith.constant 0 : i32
    %cond3A_13 = arith.cmpi ne, %convert_element_type3A, %cond3A : i32
    scf.if %cond3A_13 {
      "tpu.region"() ({
        %run_scoped3A = tpu.sem_alloc : memref<!tpu.dma_semaphore, #tpu.memory_space<semaphore_mem>>
        %dma_start3A_34 = arith.constant 9984 : i32
        %dma_start3A_35 = arith.constant 0 : i32
        %dma_start3A_36 = tpu.memref_slice %arg9[%dma_start3A_34, %dma_start3A_35] : memref<10016x128xf32, #tpu.memory_space<vmem_shared>> -> memref<32x128xf32, #tpu.memory_space<vmem_shared>>
        %dma_start3A_37 = arith.constant 9984 : i32
        %dma_start3A_38 = arith.constant 0 : i32
        %dma_start3A_39 = tpu.memref_slice %arg4[%dma_start3A_37, %dma_start3A_38] : memref<10016x128xf32, #tpu.memory_space<hbm>> -> memref<32x128xf32, #tpu.memory_space<hbm>>
        tpu.enqueue_dma source(%dma_start3A_39 : memref<32x128xf32, #tpu.memory_space<hbm>>) target(%dma_start3A_36 : memref<32x128xf32, #tpu.memory_space<vmem_shared>>) target_semaphore(%run_scoped3A : memref<!tpu.dma_semaphore, #tpu.memory_space<semaphore_mem>>)
        %dma_wait3A_40 = arith.constant 9984 : i32
        %dma_wait3A_41 = arith.constant 0 : i32
        %dma_wait3A_42 = tpu.memref_slice %arg9[%dma_wait3A_40, %dma_wait3A_41] : memref<10016x128xf32, #tpu.memory_space<vmem_shared>> -> memref<32x128xf32, #tpu.memory_space<vmem_shared>>
        %dma_wait3A_43 = arith.constant 9984 : i32
        %dma_wait3A_44 = arith.constant 0 : i32
        %dma_wait3A_45 = tpu.memref_slice %arg4[%dma_wait3A_43, %dma_wait3A_44] : memref<10016x128xf32, #tpu.memory_space<hbm>> -> memref<32x128xf32, #tpu.memory_space<hbm>>
        tpu.wait_dma2 semaphore(%run_scoped3A : memref<!tpu.dma_semaphore, #tpu.memory_space<semaphore_mem>>) src(%dma_wait3A_45 : memref<32x128xf32, #tpu.memory_space<hbm>>) dst(%dma_wait3A_42 : memref<32x128xf32, #tpu.memory_space<vmem_shared>>)
        tpu.yield
      }) : () -> ()
    } else {
    }
    %barrier3A = arith.constant 0 : index
    tpu.barrier barrier_id(%barrier3A)
    %scan3A = arith.constant 0 : i32
    %scan3A_14 = arith.constant 20 : i32
    %scan3A_15 = arith.addi %scan3A, %scan3A_14 : i32
    %scan3A_16 = arith.constant 1 : i32
    scf.for %scan3A_34 = %scan3A to %scan3A_15 step %scan3A_16  : i32 {
      %mul3A_35 = arith.constant 2 : i32
      %mul3A_36 = arith.muli %scan3A_34, %mul3A_35 : i32
      %add3A_37 = arith.constant 0 : i32
      %add3A_38 = arith.addi %add3A_37, %mul3A_36 : i32
      %add3A_39 = arith.constant 0 : i32
      %add3A_40 = arith.addi %add3A_38, %add3A_39 : i32
      %dma_wait3A_41 = arith.constant 0 : i32
      %dma_wait3A_42 = tpu.memref_slice %arg2[%mul3A_2, %dma_wait3A_41] : memref<163840x128xf32, #tpu.memory_space<hbm>> -> memref<128x128xf32, #tpu.memory_space<hbm>>
      %dma_wait3A_43 = arith.constant 0 : i32
      %dma_wait3A_44 = tpu.memref_slice %arg2[%mul3A_2, %dma_wait3A_43] : memref<163840x128xf32, #tpu.memory_space<hbm>> -> memref<128x128xf32, #tpu.memory_space<hbm>>
      tpu.wait_dma2 semaphore(%arg10 : memref<!tpu.dma_semaphore, #tpu.memory_space<semaphore_mem>>) src(%dma_wait3A_44 : memref<128x128xf32, #tpu.memory_space<hbm>>) dst(%arg7 : memref<128x128xf32, #tpu.memory_space<vmem>>)
      %gt3A = arith.constant 0 : i32
      %gt3A_45 = arith.cmpi sgt, %add3A_40, %gt3A : i32
      %convert_element_type3A_46 = arith.extui %gt3A_45 : i1 to i32
      %cond3A_47 = arith.constant 0 : i32
      %cond3A_48 = arith.cmpi ne, %convert_element_type3A_46, %cond3A_47 : i32
      scf.if %cond3A_48 {
        %dma_wait3A_85 = arith.constant 0 : i32
        %dma_wait3A_86 = arith.constant 0 : i32
        %dma_wait3A_87 = tpu.memref_slice %arg6[%dma_wait3A_85, %dma_wait3A_86] : memref<40x128xi32, #tpu.memory_space<vmem>> -> memref<1x128xi32, #tpu.memory_space<vmem>>
        %dma_wait3A_88 = tpu.memref_squeeze %dma_wait3A_87 : memref<1x128xi32, #tpu.memory_space<vmem>> -> memref<128xi32, #tpu.memory_space<vmem>>
        %dma_wait3A_89 = arith.constant 0 : i32
        %dma_wait3A_90 = arith.constant 0 : i32
        %dma_wait3A_91 = tpu.memref_slice %arg9[%dma_wait3A_89, %dma_wait3A_90] : memref<10016x128xf32, #tpu.memory_space<vmem_shared>> -> memref<10016x128xf32, #tpu.memory_space<vmem_shared>>
        tpu.wait_indirect_dma semaphore(%arg13 : memref<!tpu.dma_semaphore, #tpu.memory_space<semaphore_mem>>) src(%arg8 : memref<128x128xf32, #tpu.memory_space<vmem>>) dst(%dma_wait3A_91 : memref<10016x128xf32, #tpu.memory_space<vmem_shared>>)
      } else {
      }
      %add3A_49 = arith.constant 1 : i32
      %add3A_50 = arith.addi %add3A_40, %add3A_49 : i32
      %lt3A = arith.constant 40 : i32
      %lt3A_51 = arith.cmpi slt, %add3A_50, %lt3A : i32
      %convert_element_type3A_52 = arith.extui %lt3A_51 : i1 to i32
      %cond3A_53 = arith.constant 0 : i32
      %cond3A_54 = arith.cmpi ne, %convert_element_type3A_52, %cond3A_53 : i32
      scf.if %cond3A_54 {
        %add3A_85 = arith.constant 1 : i32
        %add3A_86 = arith.addi %add3A_40, %add3A_85 : i32
        %mul3A_87 = arith.constant 128 : i32
        %mul3A_88 = arith.muli %add3A_86, %mul3A_87 : i32
        %add3A_89 = arith.addi %mul3A_2, %mul3A_88 : i32
        %dma_start3A_90 = arith.constant 0 : i32
        %dma_start3A_91 = tpu.memref_slice %arg2[%add3A_89, %dma_start3A_90] : memref<163840x128xf32, #tpu.memory_space<hbm>> -> memref<128x128xf32, #tpu.memory_space<hbm>>
        %dma_start3A_92 = arith.constant 0 : i32
        %dma_start3A_93 = tpu.memref_slice %arg2[%add3A_89, %dma_start3A_92] : memref<163840x128xf32, #tpu.memory_space<hbm>> -> memref<128x128xf32, #tpu.memory_space<hbm>>
        tpu.enqueue_dma source(%dma_start3A_93 : memref<128x128xf32, #tpu.memory_space<hbm>>) target(%arg8 : memref<128x128xf32, #tpu.memory_space<vmem>>) target_semaphore(%arg11 : memref<!tpu.dma_semaphore, #tpu.memory_space<semaphore_mem>>)
      } else {
      }
      %dma_start3A_55 = arith.constant 0 : i32
      %dma_start3A_56 = tpu.memref_slice %arg6[%add3A_40, %dma_start3A_55] : memref<40x128xi32, #tpu.memory_space<vmem>> -> memref<1x128xi32, #tpu.memory_space<vmem>>
      %dma_start3A_57 = tpu.memref_squeeze %dma_start3A_56 : memref<1x128xi32, #tpu.memory_space<vmem>> -> memref<128xi32, #tpu.memory_space<vmem>>
      %dma_start3A_58 = arith.constant 0 : i32
      %dma_start3A_59 = arith.constant 0 : i32
      %dma_start3A_60 = tpu.memref_slice %arg9[%dma_start3A_58, %dma_start3A_59] : memref<10016x128xf32, #tpu.memory_space<vmem_shared>> -> memref<10016x128xf32, #tpu.memory_space<vmem_shared>>
      tpu.enqueue_indirect_dma source(%arg7 : memref<128x128xf32, #tpu.memory_space<vmem>>) target(%dma_start3A_60 : memref<10016x128xf32, #tpu.memory_space<vmem_shared>>) offsets(%dma_start3A_57 : memref<128xi32, #tpu.memory_space<vmem>>) semaphore(%arg12 : memref<!tpu.dma_semaphore, #tpu.memory_space<semaphore_mem>>) {add = true}
      %add3A_61 = arith.constant 1 : i32
      %add3A_62 = arith.addi %add3A_38, %add3A_61 : i32
      %dma_wait3A_63 = arith.constant 0 : i32
      %dma_wait3A_64 = tpu.memref_slice %arg2[%mul3A_2, %dma_wait3A_63] : memref<163840x128xf32, #tpu.memory_space<hbm>> -> memref<128x128xf32, #tpu.memory_space<hbm>>
      %dma_wait3A_65 = arith.constant 0 : i32
      %dma_wait3A_66 = tpu.memref_slice %arg2[%mul3A_2, %dma_wait3A_65] : memref<163840x128xf32, #tpu.memory_space<hbm>> -> memref<128x128xf32, #tpu.memory_space<hbm>>
      tpu.wait_dma2 semaphore(%arg11 : memref<!tpu.dma_semaphore, #tpu.memory_space<semaphore_mem>>) src(%dma_wait3A_66 : memref<128x128xf32, #tpu.memory_space<hbm>>) dst(%arg8 : memref<128x128xf32, #tpu.memory_space<vmem>>)
      %gt3A_67 = arith.constant 0 : i32
      %gt3A_68 = arith.cmpi sgt, %add3A_62, %gt3A_67 : i32
      %convert_element_type3A_69 = arith.extui %gt3A_68 : i1 to i32
      %cond3A_70 = arith.constant 0 : i32
      %cond3A_71 = arith.cmpi ne, %convert_element_type3A_69, %cond3A_70 : i32
      scf.if %cond3A_71 {
        %dma_wait3A_85 = arith.constant 0 : i32
        %dma_wait3A_86 = arith.constant 0 : i32
        %dma_wait3A_87 = tpu.memref_slice %arg6[%dma_wait3A_85, %dma_wait3A_86] : memref<40x128xi32, #tpu.memory_space<vmem>> -> memref<1x128xi32, #tpu.memory_space<vmem>>
        %dma_wait3A_88 = tpu.memref_squeeze %dma_wait3A_87 : memref<1x128xi32, #tpu.memory_space<vmem>> -> memref<128xi32, #tpu.memory_space<vmem>>
        %dma_wait3A_89 = arith.constant 0 : i32
        %dma_wait3A_90 = arith.constant 0 : i32
        %dma_wait3A_91 = tpu.memref_slice %arg9[%dma_wait3A_89, %dma_wait3A_90] : memref<10016x128xf32, #tpu.memory_space<vmem_shared>> -> memref<10016x128xf32, #tpu.memory_space<vmem_shared>>
        tpu.wait_indirect_dma semaphore(%arg12 : memref<!tpu.dma_semaphore, #tpu.memory_space<semaphore_mem>>) src(%arg7 : memref<128x128xf32, #tpu.memory_space<vmem>>) dst(%dma_wait3A_91 : memref<10016x128xf32, #tpu.memory_space<vmem_shared>>)
      } else {
      }
      %add3A_72 = arith.constant 1 : i32
      %add3A_73 = arith.addi %add3A_62, %add3A_72 : i32
      %lt3A_74 = arith.constant 40 : i32
      %lt3A_75 = arith.cmpi slt, %add3A_73, %lt3A_74 : i32
      %convert_element_type3A_76 = arith.extui %lt3A_75 : i1 to i32
      %cond3A_77 = arith.constant 0 : i32
      %cond3A_78 = arith.cmpi ne, %convert_element_type3A_76, %cond3A_77 : i32
      scf.if %cond3A_78 {
        %add3A_85 = arith.constant 1 : i32
        %add3A_86 = arith.addi %add3A_62, %add3A_85 : i32
        %mul3A_87 = arith.constant 128 : i32
        %mul3A_88 = arith.muli %add3A_86, %mul3A_87 : i32
        %add3A_89 = arith.addi %mul3A_2, %mul3A_88 : i32
        %dma_start3A_90 = arith.constant 0 : i32
        %dma_start3A_91 = tpu.memref_slice %arg2[%add3A_89, %dma_start3A_90] : memref<163840x128xf32, #tpu.memory_space<hbm>> -> memref<128x128xf32, #tpu.memory_space<hbm>>
        %dma_start3A_92 = arith.constant 0 : i32
        %dma_start3A_93 = tpu.memref_slice %arg2[%add3A_89, %dma_start3A_92] : memref<163840x128xf32, #tpu.memory_space<hbm>> -> memref<128x128xf32, #tpu.memory_space<hbm>>
        tpu.enqueue_dma source(%dma_start3A_93 : memref<128x128xf32, #tpu.memory_space<hbm>>) target(%arg7 : memref<128x128xf32, #tpu.memory_space<vmem>>) target_semaphore(%arg10 : memref<!tpu.dma_semaphore, #tpu.memory_space<semaphore_mem>>)
      } else {
      }
      %dma_start3A_79 = arith.constant 0 : i32
      %dma_start3A_80 = tpu.memref_slice %arg6[%add3A_62, %dma_start3A_79] : memref<40x128xi32, #tpu.memory_space<vmem>> -> memref<1x128xi32, #tpu.memory_space<vmem>>
      %dma_start3A_81 = tpu.memref_squeeze %dma_start3A_80 : memref<1x128xi32, #tpu.memory_space<vmem>> -> memref<128xi32, #tpu.memory_space<vmem>>
      %dma_start3A_82 = arith.constant 0 : i32
      %dma_start3A_83 = arith.constant 0 : i32
      %dma_start3A_84 = tpu.memref_slice %arg9[%dma_start3A_82, %dma_start3A_83] : memref<10016x128xf32, #tpu.memory_space<vmem_shared>> -> memref<10016x128xf32, #tpu.memory_space<vmem_shared>>
      tpu.enqueue_indirect_dma source(%arg8 : memref<128x128xf32, #tpu.memory_space<vmem>>) target(%dma_start3A_84 : memref<10016x128xf32, #tpu.memory_space<vmem_shared>>) offsets(%dma_start3A_81 : memref<128xi32, #tpu.memory_space<vmem>>) semaphore(%arg13 : memref<!tpu.dma_semaphore, #tpu.memory_space<semaphore_mem>>) {add = true}
    }
    %scan3A_17 = arith.constant 20 : i32
    %dma_wait3A = arith.constant 0 : i32
    %dma_wait3A_18 = arith.constant 0 : i32
    %dma_wait3A_19 = tpu.memref_slice %arg6[%dma_wait3A, %dma_wait3A_18] : memref<40x128xi32, #tpu.memory_space<vmem>> -> memref<1x128xi32, #tpu.memory_space<vmem>>
    %dma_wait3A_20 = tpu.memref_squeeze %dma_wait3A_19 : memref<1x128xi32, #tpu.memory_space<vmem>> -> memref<128xi32, #tpu.memory_space<vmem>>
    %dma_wait3A_21 = arith.constant 0 : i32
    %dma_wait3A_22 = arith.constant 0 : i32
    %dma_wait3A_23 = tpu.memref_slice %arg9[%dma_wait3A_21, %dma_wait3A_22] : memref<10016x128xf32, #tpu.memory_space<vmem_shared>> -> memref<10016x128xf32, #tpu.memory_space<vmem_shared>>
    tpu.wait_indirect_dma semaphore(%arg13 : memref<!tpu.dma_semaphore, #tpu.memory_space<semaphore_mem>>) src(%arg8 : memref<128x128xf32, #tpu.memory_space<vmem>>) dst(%dma_wait3A_23 : memref<10016x128xf32, #tpu.memory_space<vmem_shared>>)
    %barrier3A_24 = arith.constant 0 : index
    tpu.barrier barrier_id(%barrier3A_24)
    %mul3A_25 = arith.constant 624 : i32
    %mul3A_26 = arith.muli %arg1, %mul3A_25 : i32
    %mul3A_27 = arith.constant 624 : i32
    %mul3A_28 = arith.muli %arg1, %mul3A_27 : i32
    "tpu.region"() ({
      %run_scoped3A = tpu.sem_alloc : memref<!tpu.dma_semaphore, #tpu.memory_space<semaphore_mem>>
      %dma_start3A_34 = arith.constant 0 : i32
      %dma_start3A_35 = tpu.memref_slice %arg5[%arg0, %mul3A_28, %dma_start3A_34] : memref<2x10016x128xf32, #tpu.memory_space<hbm>> -> memref<1x624x128xf32, #tpu.memory_space<hbm>>
      %dma_start3A_36 = tpu.memref_squeeze %dma_start3A_35 : memref<1x624x128xf32, #tpu.memory_space<hbm>> -> memref<624x128xf32, #tpu.memory_space<hbm>>
      %dma_start3A_37 = arith.constant 0 : i32
      %dma_start3A_38 = tpu.memref_slice %arg9[%mul3A_26, %dma_start3A_37] : memref<10016x128xf32, #tpu.memory_space<vmem_shared>> -> memref<624x128xf32, #tpu.memory_space<vmem_shared>>
      tpu.enqueue_dma source(%dma_start3A_38 : memref<624x128xf32, #tpu.memory_space<vmem_shared>>) target(%dma_start3A_36 : memref<624x128xf32, #tpu.memory_space<hbm>>) target_semaphore(%run_scoped3A : memref<!tpu.dma_semaphore, #tpu.memory_space<semaphore_mem>>)
      %dma_wait3A_39 = arith.constant 0 : i32
      %dma_wait3A_40 = tpu.memref_slice %arg5[%arg0, %mul3A_28, %dma_wait3A_39] : memref<2x10016x128xf32, #tpu.memory_space<hbm>> -> memref<1x624x128xf32, #tpu.memory_space<hbm>>
      %dma_wait3A_41 = tpu.memref_squeeze %dma_wait3A_40 : memref<1x624x128xf32, #tpu.memory_space<hbm>> -> memref<624x128xf32, #tpu.memory_space<hbm>>
      %dma_wait3A_42 = arith.constant 0 : i32
      %dma_wait3A_43 = tpu.memref_slice %arg9[%mul3A_26, %dma_wait3A_42] : memref<10016x128xf32, #tpu.memory_space<vmem_shared>> -> memref<624x128xf32, #tpu.memory_space<vmem_shared>>
      tpu.wait_dma2 semaphore(%run_scoped3A : memref<!tpu.dma_semaphore, #tpu.memory_space<semaphore_mem>>) src(%dma_wait3A_43 : memref<624x128xf32, #tpu.memory_space<vmem_shared>>) dst(%dma_wait3A_41 : memref<624x128xf32, #tpu.memory_space<hbm>>)
      tpu.yield
    }) : () -> ()
    %eq3A_29 = arith.constant 15 : i32
    %eq3A_30 = arith.cmpi eq, %arg1, %eq3A_29 : i32
    %convert_element_type3A_31 = arith.extui %eq3A_30 : i1 to i32
    %cond3A_32 = arith.constant 0 : i32
    %cond3A_33 = arith.cmpi ne, %convert_element_type3A_31, %cond3A_32 : i32
    scf.if %cond3A_33 {
      "tpu.region"() ({
        %run_scoped3A = tpu.sem_alloc : memref<!tpu.dma_semaphore, #tpu.memory_space<semaphore_mem>>
        %dma_start3A_34 = arith.constant 9984 : i32
        %dma_start3A_35 = arith.constant 0 : i32
        %dma_start3A_36 = tpu.memref_slice %arg5[%arg0, %dma_start3A_34, %dma_start3A_35] : memref<2x10016x128xf32, #tpu.memory_space<hbm>> -> memref<1x32x128xf32, #tpu.memory_space<hbm>>
        %dma_start3A_37 = tpu.memref_squeeze %dma_start3A_36 : memref<1x32x128xf32, #tpu.memory_space<hbm>> -> memref<32x128xf32, #tpu.memory_space<hbm>>
        %dma_start3A_38 = arith.constant 9984 : i32
        %dma_start3A_39 = arith.constant 0 : i32
        %dma_start3A_40 = tpu.memref_slice %arg9[%dma_start3A_38, %dma_start3A_39] : memref<10016x128xf32, #tpu.memory_space<vmem_shared>> -> memref<32x128xf32, #tpu.memory_space<vmem_shared>>
        tpu.enqueue_dma source(%dma_start3A_40 : memref<32x128xf32, #tpu.memory_space<vmem_shared>>) target(%dma_start3A_37 : memref<32x128xf32, #tpu.memory_space<hbm>>) target_semaphore(%run_scoped3A : memref<!tpu.dma_semaphore, #tpu.memory_space<semaphore_mem>>)
        %dma_wait3A_41 = arith.constant 9984 : i32
        %dma_wait3A_42 = arith.constant 0 : i32
        %dma_wait3A_43 = tpu.memref_slice %arg5[%arg0, %dma_wait3A_41, %dma_wait3A_42] : memref<2x10016x128xf32, #tpu.memory_space<hbm>> -> memref<1x32x128xf32, #tpu.memory_space<hbm>>
        %dma_wait3A_44 = tpu.memref_squeeze %dma_wait3A_43 : memref<1x32x128xf32, #tpu.memory_space<hbm>> -> memref<32x128xf32, #tpu.memory_space<hbm>>
        %dma_wait3A_45 = arith.constant 9984 : i32
        %dma_wait3A_46 = arith.constant 0 : i32
        %dma_wait3A_47 = tpu.memref_slice %arg9[%dma_wait3A_45, %dma_wait3A_46] : memref<10016x128xf32, #tpu.memory_space<vmem_shared>> -> memref<32x128xf32, #tpu.memory_space<vmem_shared>>
        tpu.wait_dma2 semaphore(%run_scoped3A : memref<!tpu.dma_semaphore, #tpu.memory_space<semaphore_mem>>) src(%dma_wait3A_47 : memref<32x128xf32, #tpu.memory_space<vmem_shared>>) dst(%dma_wait3A_44 : memref<32x128xf32, #tpu.memory_space<hbm>>)
        tpu.yield
      }) : () -> ()
    } else {
    }
    return
  }
}

#map = affine_map<(d0, d1) -> (0, 0)>
#map1 = affine_map<(d0, d1) -> (0, 0, 0)>
module attributes {stable_mosaic.version = 14 : i64} {
  func.func @scatter(%arg0: i32, %arg1: i32, %arg2: memref<163840x128xf32, #tpu.memory_space<hbm>>, %arg3: memref<32x40x128xi32, #tpu.memory_space<hbm>>, %arg4: memref<10016x128xf32, #tpu.memory_space<hbm>>, %arg5: memref<2x10016x128xf32, #tpu.memory_space<hbm>>, %arg6: memref<40x128xi32, #tpu.memory_space<vmem>>, %arg7: memref<128x128xf32, #tpu.memory_space<vmem>>, %arg8: memref<128x128xf32, #tpu.memory_space<vmem>>, %arg9: memref<10016x128xf32, #tpu.memory_space<vmem_shared>>, %arg10: memref<!tpu.dma_semaphore, #tpu.memory_space<semaphore_mem>>, %arg11: memref<!tpu.dma_semaphore, #tpu.memory_space<semaphore_mem>>, %arg12: memref<!tpu.dma_semaphore, #tpu.memory_space<semaphore_mem>>, %arg13: memref<!tpu.dma_semaphore, #tpu.memory_space<semaphore_mem>>) attributes {dimension_semantics = [#tpu.dimension_semantics<core_parallel>, #tpu.dimension_semantics<subcore_parallel>], iteration_bounds = array<i64: 2, 16>, scalar_prefetch = 0 : i64, scratch_operands = 8 : i64, tpu.core_type = #tpu.core_type<sc_vector_subcore>, window_params = [{transform_indices = #map}, {transform_indices = #map1}, {transform_indices = #map}, {transform_indices = #map1}]} {
    %mul3A = arith.constant 2 : i32
    %mul3A_0 = arith.muli %arg1, %mul3A : i32
    %add3A = arith.addi %mul3A_0, %arg0 : i32
    %mul3A_1 = arith.constant 5120 : i32
    %mul3A_2 = arith.muli %add3A, %mul3A_1 : i32
    %add3A_3 = arith.constant 0 : i32
    %add3A_4 = arith.addi %mul3A_2, %add3A_3 : i32
    %dma_start3A = arith.constant 0 : i32
    %dma_start3A_5 = tpu.memref_slice %arg2[%add3A_4, %dma_start3A] : memref<163840x128xf32, #tpu.memory_space<hbm>> -> memref<128x128xf32, #tpu.memory_space<hbm>>
    %dma_start3A_6 = arith.constant 0 : i32
    %dma_start3A_7 = tpu.memref_slice %arg2[%add3A_4, %dma_start3A_6] : memref<163840x128xf32, #tpu.memory_space<hbm>> -> memref<128x128xf32, #tpu.memory_space<hbm>>
    tpu.enqueue_dma source(%dma_start3A_7 : memref<128x128xf32, #tpu.memory_space<hbm>>) target(%arg7 : memref<128x128xf32, #tpu.memory_space<vmem>>) target_semaphore(%arg10 : memref<!tpu.dma_semaphore, #tpu.memory_space<semaphore_mem>>)
    "tpu.region"() ({
      %run_scoped3A = tpu.sem_alloc : memref<!tpu.dma_semaphore, #tpu.memory_space<semaphore_mem>>
      %dma_start3A_34 = arith.constant 0 : i32
      %dma_start3A_35 = arith.constant 0 : i32
      %dma_start3A_36 = tpu.memref_slice %arg3[%add3A, %dma_start3A_34, %dma_start3A_35] : memref<32x40x128xi32, #tpu.memory_space<hbm>> -> memref<1x40x128xi32, #tpu.memory_space<hbm>>
      %dma_start3A_37 = tpu.memref_squeeze %dma_start3A_36 : memref<1x40x128xi32, #tpu.memory_space<hbm>> -> memref<40x128xi32, #tpu.memory_space<hbm>>
      %dma_start3A_38 = arith.constant 0 : i32
      %dma_start3A_39 = arith.constant 0 : i32
      %dma_start3A_40 = tpu.memref_slice %arg3[%add3A, %dma_start3A_38, %dma_start3A_39] : memref<32x40x128xi32, #tpu.memory_space<hbm>> -> memref<1x40x128xi32, #tpu.memory_space<hbm>>
      %dma_start3A_41 = tpu.memref_squeeze %dma_start3A_40 : memref<1x40x128xi32, #tpu.memory_space<hbm>> -> memref<40x128xi32, #tpu.memory_space<hbm>>
      tpu.enqueue_dma source(%dma_start3A_41 : memref<40x128xi32, #tpu.memory_space<hbm>>) target(%arg6 : memref<40x128xi32, #tpu.memory_space<vmem>>) target_semaphore(%run_scoped3A : memref<!tpu.dma_semaphore, #tpu.memory_space<semaphore_mem>>)
      %dma_wait3A_42 = arith.constant 0 : i32
      %dma_wait3A_43 = arith.constant 0 : i32
      %dma_wait3A_44 = tpu.memref_slice %arg3[%add3A, %dma_wait3A_42, %dma_wait3A_43] : memref<32x40x128xi32, #tpu.memory_space<hbm>> -> memref<1x40x128xi32, #tpu.memory_space<hbm>>
      %dma_wait3A_45 = tpu.memref_squeeze %dma_wait3A_44 : memref<1x40x128xi32, #tpu.memory_space<hbm>> -> memref<40x128xi32, #tpu.memory_space<hbm>>
      %dma_wait3A_46 = arith.constant 0 : i32
      %dma_wait3A_47 = arith.constant 0 : i32
      %dma_wait3A_48 = tpu.memref_slice %arg3[%add3A, %dma_wait3A_46, %dma_wait3A_47] : memref<32x40x128xi32, #tpu.memory_space<hbm>> -> memref<1x40x128xi32, #tpu.memory_space<hbm>>
      %dma_wait3A_49 = tpu.memref_squeeze %dma_wait3A_48 : memref<1x40x128xi32, #tpu.memory_space<hbm>> -> memref<40x128xi32, #tpu.memory_space<hbm>>
      tpu.wait_dma2 semaphore(%run_scoped3A : memref<!tpu.dma_semaphore, #tpu.memory_space<semaphore_mem>>) src(%dma_wait3A_49 : memref<40x128xi32, #tpu.memory_space<hbm>>) dst(%arg6 : memref<40x128xi32, #tpu.memory_space<vmem>>)
      tpu.yield
    }) : () -> ()
    %mul3A_8 = arith.constant 624 : i32
    %mul3A_9 = arith.muli %arg1, %mul3A_8 : i32
    %mul3A_10 = arith.constant 624 : i32
    %mul3A_11 = arith.muli %arg1, %mul3A_10 : i32
    "tpu.region"() ({
      %run_scoped3A = tpu.sem_alloc : memref<!tpu.dma_semaphore, #tpu.memory_space<semaphore_mem>>
      %dma_start3A_34 = arith.constant 0 : i32
      %dma_start3A_35 = tpu.memref_slice %arg9[%mul3A_11, %dma_start3A_34] : memref<10016x128xf32, #tpu.memory_space<vmem_shared>> -> memref<624x128xf32, #tpu.memory_space<vmem_shared>>
      %dma_start3A_36 = arith.constant 0 : i32
      %dma_start3A_37 = tpu.memref_slice %arg4[%mul3A_9, %dma_start3A_36] : memref<10016x128xf32, #tpu.memory_space<hbm>> -> memref<624x128xf32, #tpu.memory_space<hbm>>
      tpu.enqueue_dma source(%dma_start3A_37 : memref<624x128xf32, #tpu.memory_space<hbm>>) target(%dma_start3A_35 : memref<624x128xf32, #tpu.memory_space<vmem_shared>>) target_semaphore(%run_scoped3A : memref<!tpu.dma_semaphore, #tpu.memory_space<semaphore_mem>>)
      %dma_wait3A_38 = arith.constant 0 : i32
      %dma_wait3A_39 = tpu.memref_slice %arg9[%mul3A_11, %dma_wait3A_38] : memref<10016x128xf32, #tpu.memory_space<vmem_shared>> -> memref<624x128xf32, #tpu.memory_space<vmem_shared>>
      %dma_wait3A_40 = arith.constant 0 : i32
      %dma_wait3A_41 = tpu.memref_slice %arg4[%mul3A_9, %dma_wait3A_40] : memref<10016x128xf32, #tpu.memory_space<hbm>> -> memref<624x128xf32, #tpu.memory_space<hbm>>
      tpu.wait_dma2 semaphore(%run_scoped3A : memref<!tpu.dma_semaphore, #tpu.memory_space<semaphore_mem>>) src(%dma_wait3A_41 : memref<624x128xf32, #tpu.memory_space<hbm>>) dst(%dma_wait3A_39 : memref<624x128xf32, #tpu.memory_space<vmem_shared>>)
      tpu.yield
    }) : () -> ()
    %eq3A = arith.constant 15 : i32
    %eq3A_12 = arith.cmpi eq, %arg1, %eq3A : i32
    %convert_element_type3A = arith.extui %eq3A_12 : i1 to i32
    %cond3A = arith.constant 0 : i32
    %cond3A_13 = arith.cmpi ne, %convert_element_type3A, %cond3A : i32
    scf.if %cond3A_13 {
      "tpu.region"() ({
        %run_scoped3A = tpu.sem_alloc : memref<!tpu.dma_semaphore, #tpu.memory_space<semaphore_mem>>
        %dma_start3A_34 = arith.constant 9984 : i32
        %dma_start3A_35 = arith.constant 0 : i32
        %dma_start3A_36 = tpu.memref_slice %arg9[%dma_start3A_34, %dma_start3A_35] : memref<10016x128xf32, #tpu.memory_space<vmem_shared>> -> memref<32x128xf32, #tpu.memory_space<vmem_shared>>
        %dma_start3A_37 = arith.constant 9984 : i32
        %dma_start3A_38 = arith.constant 0 : i32
        %dma_start3A_39 = tpu.memref_slice %arg4[%dma_start3A_37, %dma_start3A_38] : memref<10016x128xf32, #tpu.memory_space<hbm>> -> memref<32x128xf32, #tpu.memory_space<hbm>>
        tpu.enqueue_dma source(%dma_start3A_39 : memref<32x128xf32, #tpu.memory_space<hbm>>) target(%dma_start3A_36 : memref<32x128xf32, #tpu.memory_space<vmem_shared>>) target_semaphore(%run_scoped3A : memref<!tpu.dma_semaphore, #tpu.memory_space<semaphore_mem>>)
        %dma_wait3A_40 = arith.constant 9984 : i32
        %dma_wait3A_41 = arith.constant 0 : i32
        %dma_wait3A_42 = tpu.memref_slice %arg9[%dma_wait3A_40, %dma_wait3A_41] : memref<10016x128xf32, #tpu.memory_space<vmem_shared>> -> memref<32x128xf32, #tpu.memory_space<vmem_shared>>
        %dma_wait3A_43 = arith.constant 9984 : i32
        %dma_wait3A_44 = arith.constant 0 : i32
        %dma_wait3A_45 = tpu.memref_slice %arg4[%dma_wait3A_43, %dma_wait3A_44] : memref<10016x128xf32, #tpu.memory_space<hbm>> -> memref<32x128xf32, #tpu.memory_space<hbm>>
        tpu.wait_dma2 semaphore(%run_scoped3A : memref<!tpu.dma_semaphore, #tpu.memory_space<semaphore_mem>>) src(%dma_wait3A_45 : memref<32x128xf32, #tpu.memory_space<hbm>>) dst(%dma_wait3A_42 : memref<32x128xf32, #tpu.memory_space<vmem_shared>>)
        tpu.yield
      }) : () -> ()
    } else {
    }
    %barrier3A = arith.constant 0 : index
    tpu.barrier barrier_id(%barrier3A)
    %scan3A = arith.constant 0 : i32
    %scan3A_14 = arith.constant 20 : i32
    %scan3A_15 = arith.addi %scan3A, %scan3A_14 : i32
    %scan3A_16 = arith.constant 1 : i32
    scf.for %scan3A_34 = %scan3A to %scan3A_15 step %scan3A_16  : i32 {
      %mul3A_35 = arith.constant 2 : i32
      %mul3A_36 = arith.muli %scan3A_34, %mul3A_35 : i32
      %add3A_37 = arith.constant 0 : i32
      %add3A_38 = arith.addi %add3A_37, %mul3A_36 : i32
      %add3A_39 = arith.constant 0 : i32
      %add3A_40 = arith.addi %add3A_38, %add3A_39 : i32
      %dma_wait3A_41 = arith.constant 0 : i32
      %dma_wait3A_42 = tpu.memref_slice %arg2[%mul3A_2, %dma_wait3A_41] : memref<163840x128xf32, #tpu.memory_space<hbm>> -> memref<128x128xf32, #tpu.memory_space<hbm>>
      %dma_wait3A_43 = arith.constant 0 : i32
      %dma_wait3A_44 = tpu.memref_slice %arg2[%mul3A_2, %dma_wait3A_43] : memref<163840x128xf32, #tpu.memory_space<hbm>> -> memref<128x128xf32, #tpu.memory_space<hbm>>
      tpu.wait_dma2 semaphore(%arg10 : memref<!tpu.dma_semaphore, #tpu.memory_space<semaphore_mem>>) src(%dma_wait3A_44 : memref<128x128xf32, #tpu.memory_space<hbm>>) dst(%arg7 : memref<128x128xf32, #tpu.memory_space<vmem>>)
      %gt3A = arith.constant 0 : i32
      %gt3A_45 = arith.cmpi sgt, %add3A_40, %gt3A : i32
      %convert_element_type3A_46 = arith.extui %gt3A_45 : i1 to i32
      %cond3A_47 = arith.constant 0 : i32
      %cond3A_48 = arith.cmpi ne, %convert_element_type3A_46, %cond3A_47 : i32
      scf.if %cond3A_48 {
        %dma_wait3A_85 = arith.constant 0 : i32
        %dma_wait3A_86 = arith.constant 0 : i32
        %dma_wait3A_87 = tpu.memref_slice %arg6[%dma_wait3A_85, %dma_wait3A_86] : memref<40x128xi32, #tpu.memory_space<vmem>> -> memref<1x128xi32, #tpu.memory_space<vmem>>
        %dma_wait3A_88 = tpu.memref_squeeze %dma_wait3A_87 : memref<1x128xi32, #tpu.memory_space<vmem>> -> memref<128xi32, #tpu.memory_space<vmem>>
        %dma_wait3A_89 = arith.constant 0 : i32
        %dma_wait3A_90 = arith.constant 0 : i32
        %dma_wait3A_91 = tpu.memref_slice %arg9[%dma_wait3A_89, %dma_wait3A_90] : memref<10016x128xf32, #tpu.memory_space<vmem_shared>> -> memref<10016x128xf32, #tpu.memory_space<vmem_shared>>
        tpu.wait_indirect_dma semaphore(%arg13 : memref<!tpu.dma_semaphore, #tpu.memory_space<semaphore_mem>>) src(%arg8 : memref<128x128xf32, #tpu.memory_space<vmem>>) dst(%dma_wait3A_91 : memref<10016x128xf32, #tpu.memory_space<vmem_shared>>)
      } else {
      }
      %add3A_49 = arith.constant 1 : i32
      %add3A_50 = arith.addi %add3A_40, %add3A_49 : i32
      %lt3A = arith.constant 40 : i32
      %lt3A_51 = arith.cmpi slt, %add3A_50, %lt3A : i32
      %convert_element_type3A_52 = arith.extui %lt3A_51 : i1 to i32
      %cond3A_53 = arith.constant 0 : i32
      %cond3A_54 = arith.cmpi ne, %convert_element_type3A_52, %cond3A_53 : i32
      scf.if %cond3A_54 {
        %add3A_85 = arith.constant 1 : i32
        %add3A_86 = arith.addi %add3A_40, %add3A_85 : i32
        %mul3A_87 = arith.constant 128 : i32
        %mul3A_88 = arith.muli %add3A_86, %mul3A_87 : i32
        %add3A_89 = arith.addi %mul3A_2, %mul3A_88 : i32
        %dma_start3A_90 = arith.constant 0 : i32
        %dma_start3A_91 = tpu.memref_slice %arg2[%add3A_89, %dma_start3A_90] : memref<163840x128xf32, #tpu.memory_space<hbm>> -> memref<128x128xf32, #tpu.memory_space<hbm>>
        %dma_start3A_92 = arith.constant 0 : i32
        %dma_start3A_93 = tpu.memref_slice %arg2[%add3A_89, %dma_start3A_92] : memref<163840x128xf32, #tpu.memory_space<hbm>> -> memref<128x128xf32, #tpu.memory_space<hbm>>
        tpu.enqueue_dma source(%dma_start3A_93 : memref<128x128xf32, #tpu.memory_space<hbm>>) target(%arg8 : memref<128x128xf32, #tpu.memory_space<vmem>>) target_semaphore(%arg11 : memref<!tpu.dma_semaphore, #tpu.memory_space<semaphore_mem>>)
      } else {
      }
      %dma_start3A_55 = arith.constant 0 : i32
      %dma_start3A_56 = tpu.memref_slice %arg6[%add3A_40, %dma_start3A_55] : memref<40x128xi32, #tpu.memory_space<vmem>> -> memref<1x128xi32, #tpu.memory_space<vmem>>
      %dma_start3A_57 = tpu.memref_squeeze %dma_start3A_56 : memref<1x128xi32, #tpu.memory_space<vmem>> -> memref<128xi32, #tpu.memory_space<vmem>>
      %dma_start3A_58 = arith.constant 0 : i32
      %dma_start3A_59 = arith.constant 0 : i32
      %dma_start3A_60 = tpu.memref_slice %arg9[%dma_start3A_58, %dma_start3A_59] : memref<10016x128xf32, #tpu.memory_space<vmem_shared>> -> memref<10016x128xf32, #tpu.memory_space<vmem_shared>>
      tpu.enqueue_indirect_dma source(%arg7 : memref<128x128xf32, #tpu.memory_space<vmem>>) target(%dma_start3A_60 : memref<10016x128xf32, #tpu.memory_space<vmem_shared>>) offsets(%dma_start3A_57 : memref<128xi32, #tpu.memory_space<vmem>>) semaphore(%arg12 : memref<!tpu.dma_semaphore, #tpu.memory_space<semaphore_mem>>) {add = true}
      %add3A_61 = arith.constant 1 : i32
      %add3A_62 = arith.addi %add3A_38, %add3A_61 : i32
      %dma_wait3A_63 = arith.constant 0 : i32
      %dma_wait3A_64 = tpu.memref_slice %arg2[%mul3A_2, %dma_wait3A_63] : memref<163840x128xf32, #tpu.memory_space<hbm>> -> memref<128x128xf32, #tpu.memory_space<hbm>>
      %dma_wait3A_65 = arith.constant 0 : i32
      %dma_wait3A_66 = tpu.memref_slice %arg2[%mul3A_2, %dma_wait3A_65] : memref<163840x128xf32, #tpu.memory_space<hbm>> -> memref<128x128xf32, #tpu.memory_space<hbm>>
      tpu.wait_dma2 semaphore(%arg11 : memref<!tpu.dma_semaphore, #tpu.memory_space<semaphore_mem>>) src(%dma_wait3A_66 : memref<128x128xf32, #tpu.memory_space<hbm>>) dst(%arg8 : memref<128x128xf32, #tpu.memory_space<vmem>>)
      %gt3A_67 = arith.constant 0 : i32
      %gt3A_68 = arith.cmpi sgt, %add3A_62, %gt3A_67 : i32
      %convert_element_type3A_69 = arith.extui %gt3A_68 : i1 to i32
      %cond3A_70 = arith.constant 0 : i32
      %cond3A_71 = arith.cmpi ne, %convert_element_type3A_69, %cond3A_70 : i32
      scf.if %cond3A_71 {
        %dma_wait3A_85 = arith.constant 0 : i32
        %dma_wait3A_86 = arith.constant 0 : i32
        %dma_wait3A_87 = tpu.memref_slice %arg6[%dma_wait3A_85, %dma_wait3A_86] : memref<40x128xi32, #tpu.memory_space<vmem>> -> memref<1x128xi32, #tpu.memory_space<vmem>>
        %dma_wait3A_88 = tpu.memref_squeeze %dma_wait3A_87 : memref<1x128xi32, #tpu.memory_space<vmem>> -> memref<128xi32, #tpu.memory_space<vmem>>
        %dma_wait3A_89 = arith.constant 0 : i32
        %dma_wait3A_90 = arith.constant 0 : i32
        %dma_wait3A_91 = tpu.memref_slice %arg9[%dma_wait3A_89, %dma_wait3A_90] : memref<10016x128xf32, #tpu.memory_space<vmem_shared>> -> memref<10016x128xf32, #tpu.memory_space<vmem_shared>>
        tpu.wait_indirect_dma semaphore(%arg12 : memref<!tpu.dma_semaphore, #tpu.memory_space<semaphore_mem>>) src(%arg7 : memref<128x128xf32, #tpu.memory_space<vmem>>) dst(%dma_wait3A_91 : memref<10016x128xf32, #tpu.memory_space<vmem_shared>>)
      } else {
      }
      %add3A_72 = arith.constant 1 : i32
      %add3A_73 = arith.addi %add3A_62, %add3A_72 : i32
      %lt3A_74 = arith.constant 40 : i32
      %lt3A_75 = arith.cmpi slt, %add3A_73, %lt3A_74 : i32
      %convert_element_type3A_76 = arith.extui %lt3A_75 : i1 to i32
      %cond3A_77 = arith.constant 0 : i32
      %cond3A_78 = arith.cmpi ne, %convert_element_type3A_76, %cond3A_77 : i32
      scf.if %cond3A_78 {
        %add3A_85 = arith.constant 1 : i32
        %add3A_86 = arith.addi %add3A_62, %add3A_85 : i32
        %mul3A_87 = arith.constant 128 : i32
        %mul3A_88 = arith.muli %add3A_86, %mul3A_87 : i32
        %add3A_89 = arith.addi %mul3A_2, %mul3A_88 : i32
        %dma_start3A_90 = arith.constant 0 : i32
        %dma_start3A_91 = tpu.memref_slice %arg2[%add3A_89, %dma_start3A_90] : memref<163840x128xf32, #tpu.memory_space<hbm>> -> memref<128x128xf32, #tpu.memory_space<hbm>>
        %dma_start3A_92 = arith.constant 0 : i32
        %dma_start3A_93 = tpu.memref_slice %arg2[%add3A_89, %dma_start3A_92] : memref<163840x128xf32, #tpu.memory_space<hbm>> -> memref<128x128xf32, #tpu.memory_space<hbm>>
        tpu.enqueue_dma source(%dma_start3A_93 : memref<128x128xf32, #tpu.memory_space<hbm>>) target(%arg7 : memref<128x128xf32, #tpu.memory_space<vmem>>) target_semaphore(%arg10 : memref<!tpu.dma_semaphore, #tpu.memory_space<semaphore_mem>>)
      } else {
      }
      %dma_start3A_79 = arith.constant 0 : i32
      %dma_start3A_80 = tpu.memref_slice %arg6[%add3A_62, %dma_start3A_79] : memref<40x128xi32, #tpu.memory_space<vmem>> -> memref<1x128xi32, #tpu.memory_space<vmem>>
      %dma_start3A_81 = tpu.memref_squeeze %dma_start3A_80 : memref<1x128xi32, #tpu.memory_space<vmem>> -> memref<128xi32, #tpu.memory_space<vmem>>
      %dma_start3A_82 = arith.constant 0 : i32
      %dma_start3A_83 = arith.constant 0 : i32
      %dma_start3A_84 = tpu.memref_slice %arg9[%dma_start3A_82, %dma_start3A_83] : memref<10016x128xf32, #tpu.memory_space<vmem_shared>> -> memref<10016x128xf32, #tpu.memory_space<vmem_shared>>
      tpu.enqueue_indirect_dma source(%arg8 : memref<128x128xf32, #tpu.memory_space<vmem>>) target(%dma_start3A_84 : memref<10016x128xf32, #tpu.memory_space<vmem_shared>>) offsets(%dma_start3A_81 : memref<128xi32, #tpu.memory_space<vmem>>) semaphore(%arg13 : memref<!tpu.dma_semaphore, #tpu.memory_space<semaphore_mem>>) {add = true}
    }
    %scan3A_17 = arith.constant 20 : i32
    %dma_wait3A = arith.constant 0 : i32
    %dma_wait3A_18 = arith.constant 0 : i32
    %dma_wait3A_19 = tpu.memref_slice %arg6[%dma_wait3A, %dma_wait3A_18] : memref<40x128xi32, #tpu.memory_space<vmem>> -> memref<1x128xi32, #tpu.memory_space<vmem>>
    %dma_wait3A_20 = tpu.memref_squeeze %dma_wait3A_19 : memref<1x128xi32, #tpu.memory_space<vmem>> -> memref<128xi32, #tpu.memory_space<vmem>>
    %dma_wait3A_21 = arith.constant 0 : i32
    %dma_wait3A_22 = arith.constant 0 : i32
    %dma_wait3A_23 = tpu.memref_slice %arg9[%dma_wait3A_21, %dma_wait3A_22] : memref<10016x128xf32, #tpu.memory_space<vmem_shared>> -> memref<10016x128xf32, #tpu.memory_space<vmem_shared>>
    tpu.wait_indirect_dma semaphore(%arg13 : memref<!tpu.dma_semaphore, #tpu.memory_space<semaphore_mem>>) src(%arg8 : memref<128x128xf32, #tpu.memory_space<vmem>>) dst(%dma_wait3A_23 : memref<10016x128xf32, #tpu.memory_space<vmem_shared>>)
    %barrier3A_24 = arith.constant 0 : index
    tpu.barrier barrier_id(%barrier3A_24)
    %mul3A_25 = arith.constant 624 : i32
    %mul3A_26 = arith.muli %arg1, %mul3A_25 : i32
    %mul3A_27 = arith.constant 624 : i32
    %mul3A_28 = arith.muli %arg1, %mul3A_27 : i32
    "tpu.region"() ({
      %run_scoped3A = tpu.sem_alloc : memref<!tpu.dma_semaphore, #tpu.memory_space<semaphore_mem>>
      %dma_start3A_34 = arith.constant 0 : i32
      %dma_start3A_35 = tpu.memref_slice %arg5[%arg0, %mul3A_28, %dma_start3A_34] : memref<2x10016x128xf32, #tpu.memory_space<hbm>> -> memref<1x624x128xf32, #tpu.memory_space<hbm>>
      %dma_start3A_36 = tpu.memref_squeeze %dma_start3A_35 : memref<1x624x128xf32, #tpu.memory_space<hbm>> -> memref<624x128xf32, #tpu.memory_space<hbm>>
      %dma_start3A_37 = arith.constant 0 : i32
      %dma_start3A_38 = tpu.memref_slice %arg9[%mul3A_26, %dma_start3A_37] : memref<10016x128xf32, #tpu.memory_space<vmem_shared>> -> memref<624x128xf32, #tpu.memory_space<vmem_shared>>
      tpu.enqueue_dma source(%dma_start3A_38 : memref<624x128xf32, #tpu.memory_space<vmem_shared>>) target(%dma_start3A_36 : memref<624x128xf32, #tpu.memory_space<hbm>>) target_semaphore(%run_scoped3A : memref<!tpu.dma_semaphore, #tpu.memory_space<semaphore_mem>>)
      %dma_wait3A_39 = arith.constant 0 : i32
      %dma_wait3A_40 = tpu.memref_slice %arg5[%arg0, %mul3A_28, %dma_wait3A_39] : memref<2x10016x128xf32, #tpu.memory_space<hbm>> -> memref<1x624x128xf32, #tpu.memory_space<hbm>>
      %dma_wait3A_41 = tpu.memref_squeeze %dma_wait3A_40 : memref<1x624x128xf32, #tpu.memory_space<hbm>> -> memref<624x128xf32, #tpu.memory_space<hbm>>
      %dma_wait3A_42 = arith.constant 0 : i32
      %dma_wait3A_43 = tpu.memref_slice %arg9[%mul3A_26, %dma_wait3A_42] : memref<10016x128xf32, #tpu.memory_space<vmem_shared>> -> memref<624x128xf32, #tpu.memory_space<vmem_shared>>
      tpu.wait_dma2 semaphore(%run_scoped3A : memref<!tpu.dma_semaphore, #tpu.memory_space<semaphore_mem>>) src(%dma_wait3A_43 : memref<624x128xf32, #tpu.memory_space<vmem_shared>>) dst(%dma_wait3A_41 : memref<624x128xf32, #tpu.memory_space<hbm>>)
      tpu.yield
    }) : () -> ()
    %eq3A_29 = arith.constant 15 : i32
    %eq3A_30 = arith.cmpi eq, %arg1, %eq3A_29 : i32
    %convert_element_type3A_31 = arith.extui %eq3A_30 : i1 to i32
    %cond3A_32 = arith.constant 0 : i32
    %cond3A_33 = arith.cmpi ne, %convert_element_type3A_31, %cond3A_32 : i32
    scf.if %cond3A_33 {
      "tpu.region"() ({
        %run_scoped3A = tpu.sem_alloc : memref<!tpu.dma_semaphore, #tpu.memory_space<semaphore_mem>>
        %dma_start3A_34 = arith.constant 9984 : i32
        %dma_start3A_35 = arith.constant 0 : i32
        %dma_start3A_36 = tpu.memref_slice %arg5[%arg0, %dma_start3A_34, %dma_start3A_35] : memref<2x10016x128xf32, #tpu.memory_space<hbm>> -> memref<1x32x128xf32, #tpu.memory_space<hbm>>
        %dma_start3A_37 = tpu.memref_squeeze %dma_start3A_36 : memref<1x32x128xf32, #tpu.memory_space<hbm>> -> memref<32x128xf32, #tpu.memory_space<hbm>>
        %dma_start3A_38 = arith.constant 9984 : i32
        %dma_start3A_39 = arith.constant 0 : i32
        %dma_start3A_40 = tpu.memref_slice %arg9[%dma_start3A_38, %dma_start3A_39] : memref<10016x128xf32, #tpu.memory_space<vmem_shared>> -> memref<32x128xf32, #tpu.memory_space<vmem_shared>>
        tpu.enqueue_dma source(%dma_start3A_40 : memref<32x128xf32, #tpu.memory_space<vmem_shared>>) target(%dma_start3A_37 : memref<32x128xf32, #tpu.memory_space<hbm>>) target_semaphore(%run_scoped3A : memref<!tpu.dma_semaphore, #tpu.memory_space<semaphore_mem>>)
        %dma_wait3A_41 = arith.constant 9984 : i32
        %dma_wait3A_42 = arith.constant 0 : i32
        %dma_wait3A_43 = tpu.memref_slice %arg5[%arg0, %dma_wait3A_41, %dma_wait3A_42] : memref<2x10016x128xf32, #tpu.memory_space<hbm>> -> memref<1x32x128xf32, #tpu.memory_space<hbm>>
        %dma_wait3A_44 = tpu.memref_squeeze %dma_wait3A_43 : memref<1x32x128xf32, #tpu.memory_space<hbm>> -> memref<32x128xf32, #tpu.memory_space<hbm>>
        %dma_wait3A_45 = arith.constant 9984 : i32
        %dma_wait3A_46 = arith.constant 0 : i32
        %dma_wait3A_47 = tpu.memref_slice %arg9[%dma_wait3A_45, %dma_wait3A_46] : memref<10016x128xf32, #tpu.memory_space<vmem_shared>> -> memref<32x128xf32, #tpu.memory_space<vmem_shared>>
        tpu.wait_dma2 semaphore(%run_scoped3A : memref<!tpu.dma_semaphore, #tpu.memory_space<semaphore_mem>>) src(%dma_wait3A_47 : memref<32x128xf32, #tpu.memory_space<vmem_shared>>) dst(%dma_wait3A_44 : memref<32x128xf32, #tpu.memory_space<hbm>>)
        tpu.yield
      }) : () -> ()
    } else {
    }
    return
  }
}

module attributes {stable_mosaic.version = 14 : i64} {
  func.func @_node_enc_body(%arg0: i32, %arg1: memref<2000x128xf32, #tpu.memory_space<vmem>>, %arg2: memref<128x128xf32, #tpu.memory_space<vmem>>, %arg3: memref<1x128xf32, #tpu.memory_space<vmem>>, %arg4: memref<128x128xf32, #tpu.memory_space<vmem>>, %arg5: memref<1x128xf32, #tpu.memory_space<vmem>>, %arg6: memref<128x128xf32, #tpu.memory_space<vmem>>, %arg7: memref<1x128xf32, #tpu.memory_space<vmem>>, %arg8: memref<128x128xf32, #tpu.memory_space<vmem>>, %arg9: memref<128x128xf32, #tpu.memory_space<vmem>>, %arg10: memref<2000x128xf32, #tpu.memory_space<vmem>>, %arg11: memref<2000x128xf32, #tpu.memory_space<vmem>>, %arg12: memref<2000x128xf32, #tpu.memory_space<vmem>>) attributes {dimension_semantics = [#tpu.dimension_semantics<arbitrary>], iteration_bounds = array<i64: 5>, scalar_prefetch = 0 : i64, scratch_operands = 0 : i64, tpu.core_type = #tpu.core_type<tc>, window_params = [{transform_indices = @transform_0, window_bounds = array<i64: 2000, 128>}, {pipeline_mode = #tpu.pipeline_mode<synchronous>, transform_indices = @transform_1, window_bounds = array<i64: 128, 128>}, {pipeline_mode = #tpu.pipeline_mode<synchronous>, transform_indices = @transform_2, window_bounds = array<i64: 1, 128>}, {pipeline_mode = #tpu.pipeline_mode<synchronous>, transform_indices = @transform_3, window_bounds = array<i64: 128, 128>}, {pipeline_mode = #tpu.pipeline_mode<synchronous>, transform_indices = @transform_4, window_bounds = array<i64: 1, 128>}, {pipeline_mode = #tpu.pipeline_mode<synchronous>, transform_indices = @transform_5, window_bounds = array<i64: 128, 128>}, {pipeline_mode = #tpu.pipeline_mode<synchronous>, transform_indices = @transform_6, window_bounds = array<i64: 1, 128>}, {pipeline_mode = #tpu.pipeline_mode<synchronous>, transform_indices = @transform_7, window_bounds = array<i64: 128, 128>}, {pipeline_mode = #tpu.pipeline_mode<synchronous>, transform_indices = @transform_8, window_bounds = array<i64: 128, 128>}, {transform_indices = @transform_9, window_bounds = array<i64: 2000, 128>}, {transform_indices = @transform_10, window_bounds = array<i64: 2000, 128>}, {transform_indices = @transform_11, window_bounds = array<i64: 2000, 128>}]} {
    %get3A = arith.constant 0 : index
    %get3A_0 = arith.constant 0 : index
    %get3A_1 = vector.load %arg1[%get3A, %get3A_0] : memref<2000x128xf32, #tpu.memory_space<vmem>>, vector<2000x128xf32>
    %get3A_2 = arith.constant 0 : index
    %get3A_3 = arith.constant 0 : index
    %get3A_4 = vector.load %arg2[%get3A_2, %get3A_3] : memref<128x128xf32, #tpu.memory_space<vmem>>, vector<128x128xf32>
    %dot_general3A = arith.constant dense<0.000000e+00> : vector<2000x128xf32>
    %dot_general3A_5 = tpu.matmul %get3A_1, %get3A_4, %dot_general3A {dimension_numbers = #tpu.dot_dimension_numbers<[1], [0], [0], [1], [0, 0, 1, 1], [], []>, transpose_lhs_hint = false} : vector<2000x128xf32>, vector<128x128xf32>, vector<2000x128xf32> -> vector<2000x128xf32>
    %get3A_6 = arith.constant 0 : index
    %get3A_7 = arith.constant 0 : index
    %get3A_8 = vector.load %arg3[%get3A_6, %get3A_7] : memref<1x128xf32, #tpu.memory_space<vmem>>, vector<1x128xf32>
    %add3A = vector.broadcast %get3A_8 : vector<1x128xf32> to vector<2000x128xf32>
    %add3A_9 = arith.addf %dot_general3A_5, %add3A : vector<2000x128xf32>
    %max3A = arith.constant 0.000000e+00 : f32
    %max3A_10 = vector.broadcast %max3A : f32 to vector<2000x128xf32>
    %max3A_11 = arith.maximumf %add3A_9, %max3A_10 : vector<2000x128xf32>
    %get3A_12 = arith.constant 0 : index
    %get3A_13 = arith.constant 0 : index
    %get3A_14 = vector.load %arg4[%get3A_12, %get3A_13] : memref<128x128xf32, #tpu.memory_space<vmem>>, vector<128x128xf32>
    %dot_general3A_15 = arith.constant dense<0.000000e+00> : vector<2000x128xf32>
    %dot_general3A_16 = tpu.matmul %max3A_11, %get3A_14, %dot_general3A_15 {dimension_numbers = #tpu.dot_dimension_numbers<[1], [0], [0], [1], [0, 0, 1, 1], [], []>, transpose_lhs_hint = false} : vector<2000x128xf32>, vector<128x128xf32>, vector<2000x128xf32> -> vector<2000x128xf32>
    %get3A_17 = arith.constant 0 : index
    %get3A_18 = arith.constant 0 : index
    %get3A_19 = vector.load %arg5[%get3A_17, %get3A_18] : memref<1x128xf32, #tpu.memory_space<vmem>>, vector<1x128xf32>
    %add3A_20 = vector.broadcast %get3A_19 : vector<1x128xf32> to vector<2000x128xf32>
    %add3A_21 = arith.addf %dot_general3A_16, %add3A_20 : vector<2000x128xf32>
    %max3A_22 = arith.constant 0.000000e+00 : f32
    %max3A_23 = vector.broadcast %max3A_22 : f32 to vector<2000x128xf32>
    %max3A_24 = arith.maximumf %add3A_21, %max3A_23 : vector<2000x128xf32>
    %get3A_25 = arith.constant 0 : index
    %get3A_26 = arith.constant 0 : index
    %get3A_27 = vector.load %arg6[%get3A_25, %get3A_26] : memref<128x128xf32, #tpu.memory_space<vmem>>, vector<128x128xf32>
    %dot_general3A_28 = arith.constant dense<0.000000e+00> : vector<2000x128xf32>
    %dot_general3A_29 = tpu.matmul %max3A_24, %get3A_27, %dot_general3A_28 {dimension_numbers = #tpu.dot_dimension_numbers<[1], [0], [0], [1], [0, 0, 1, 1], [], []>, transpose_lhs_hint = false} : vector<2000x128xf32>, vector<128x128xf32>, vector<2000x128xf32> -> vector<2000x128xf32>
    %get3A_30 = arith.constant 0 : index
    %get3A_31 = arith.constant 0 : index
    %get3A_32 = vector.load %arg7[%get3A_30, %get3A_31] : memref<1x128xf32, #tpu.memory_space<vmem>>, vector<1x128xf32>
    %add3A_33 = vector.broadcast %get3A_32 : vector<1x128xf32> to vector<2000x128xf32>
    %add3A_34 = arith.addf %dot_general3A_29, %add3A_33 : vector<2000x128xf32>
    %swap3A = arith.constant 0 : index
    %swap3A_35 = arith.constant 0 : index
    %swap3A_36 = vector.load %arg10[%swap3A, %swap3A_35] : memref<2000x128xf32, #tpu.memory_space<vmem>>, vector<2000x128xf32>
    tpu.vector_store %arg10[%swap3A, %swap3A_35], %add3A_34 {strides = array<i32>} : memref<2000x128xf32, #tpu.memory_space<vmem>>, vector<2000x128xf32>,
    %get3A_37 = arith.constant 0 : index
    %get3A_38 = arith.constant 0 : index
    %get3A_39 = vector.load %arg8[%get3A_37, %get3A_38] : memref<128x128xf32, #tpu.memory_space<vmem>>, vector<128x128xf32>
    %dot_general3A_40 = arith.constant dense<0.000000e+00> : vector<2000x128xf32>
    %dot_general3A_41 = tpu.matmul %add3A_34, %get3A_39, %dot_general3A_40 {dimension_numbers = #tpu.dot_dimension_numbers<[1], [0], [0], [1], [0, 0, 1, 1], [], []>, transpose_lhs_hint = false} : vector<2000x128xf32>, vector<128x128xf32>, vector<2000x128xf32> -> vector<2000x128xf32>
    %swap3A_42 = arith.constant 0 : index
    %swap3A_43 = arith.constant 0 : index
    %swap3A_44 = vector.load %arg11[%swap3A_42, %swap3A_43] : memref<2000x128xf32, #tpu.memory_space<vmem>>, vector<2000x128xf32>
    tpu.vector_store %arg11[%swap3A_42, %swap3A_43], %dot_general3A_41 {strides = array<i32>} : memref<2000x128xf32, #tpu.memory_space<vmem>>, vector<2000x128xf32>,
    %get3A_45 = arith.constant 0 : index
    %get3A_46 = arith.constant 0 : index
    %get3A_47 = vector.load %arg9[%get3A_45, %get3A_46] : memref<128x128xf32, #tpu.memory_space<vmem>>, vector<128x128xf32>
    %dot_general3A_48 = arith.constant dense<0.000000e+00> : vector<2000x128xf32>
    %dot_general3A_49 = tpu.matmul %add3A_34, %get3A_47, %dot_general3A_48 {dimension_numbers = #tpu.dot_dimension_numbers<[1], [0], [0], [1], [0, 0, 1, 1], [], []>, transpose_lhs_hint = false} : vector<2000x128xf32>, vector<128x128xf32>, vector<2000x128xf32> -> vector<2000x128xf32>
    %swap3A_50 = arith.constant 0 : index
    %swap3A_51 = arith.constant 0 : index
    %swap3A_52 = vector.load %arg12[%swap3A_50, %swap3A_51] : memref<2000x128xf32, #tpu.memory_space<vmem>>, vector<2000x128xf32>
    tpu.vector_store %arg12[%swap3A_50, %swap3A_51], %dot_general3A_49 {strides = array<i32>} : memref<2000x128xf32, #tpu.memory_space<vmem>>, vector<2000x128xf32>,
    return
  }
  func.func @transform_0(%arg0: i32) -> (i32, i32) {
    %c0_i32 = arith.constant 0 : i32
    %c0_i32_0 = arith.constant 0 : i32
    return %arg0, %c0_i32 : i32, i32
  }
  func.func @transform_1(%arg0: i32) -> (i32, i32) {
    %c0_i32 = arith.constant 0 : i32
    %c0_i32_0 = arith.constant 0 : i32
    %c0_i32_1 = arith.constant 0 : i32
    return %c0_i32, %c0_i32_0 : i32, i32
  }
  func.func @transform_2(%arg0: i32) -> (i32, i32) {
    %c0_i32 = arith.constant 0 : i32
    %c0_i32_0 = arith.constant 0 : i32
    %c0_i32_1 = arith.constant 0 : i32
    return %c0_i32, %c0_i32_0 : i32, i32
  }
  func.func @transform_3(%arg0: i32) -> (i32, i32) {
    %c0_i32 = arith.constant 0 : i32
    %c0_i32_0 = arith.constant 0 : i32
    %c0_i32_1 = arith.constant 0 : i32
    return %c0_i32, %c0_i32_0 : i32, i32
  }
  func.func @transform_4(%arg0: i32) -> (i32, i32) {
    %c0_i32 = arith.constant 0 : i32
    %c0_i32_0 = arith.constant 0 : i32
    %c0_i32_1 = arith.constant 0 : i32
    return %c0_i32, %c0_i32_0 : i32, i32
  }
  func.func @transform_5(%arg0: i32) -> (i32, i32) {
    %c0_i32 = arith.constant 0 : i32
    %c0_i32_0 = arith.constant 0 : i32
    %c0_i32_1 = arith.constant 0 : i32
    return %c0_i32, %c0_i32_0 : i32, i32
  }
  func.func @transform_6(%arg0: i32) -> (i32, i32) {
    %c0_i32 = arith.constant 0 : i32
    %c0_i32_0 = arith.constant 0 : i32
    %c0_i32_1 = arith.constant 0 : i32
    return %c0_i32, %c0_i32_0 : i32, i32
  }
  func.func @transform_7(%arg0: i32) -> (i32, i32) {
    %c0_i32 = arith.constant 0 : i32
    %c0_i32_0 = arith.constant 0 : i32
    %c0_i32_1 = arith.constant 0 : i32
    return %c0_i32, %c0_i32_0 : i32, i32
  }
  func.func @transform_8(%arg0: i32) -> (i32, i32) {
    %c0_i32 = arith.constant 0 : i32
    %c0_i32_0 = arith.constant 0 : i32
    %c0_i32_1 = arith.constant 0 : i32
    return %c0_i32, %c0_i32_0 : i32, i32
  }
  func.func @transform_9(%arg0: i32) -> (i32, i32) {
    %c0_i32 = arith.constant 0 : i32
    %c0_i32_0 = arith.constant 0 : i32
    return %arg0, %c0_i32 : i32, i32
  }
  func.func @transform_10(%arg0: i32) -> (i32, i32) {
    %c0_i32 = arith.constant 0 : i32
    %c0_i32_0 = arith.constant 0 : i32
    return %arg0, %c0_i32 : i32, i32
  }
  func.func @transform_11(%arg0: i32) -> (i32, i32) {
    %c0_i32 = arith.constant 0 : i32
    %c0_i32_0 = arith.constant 0 : i32
    return %arg0, %c0_i32 : i32, i32
  }
}

module attributes {stable_mosaic.version = 14 : i64} {
  func.func @_edge_enc_body(%arg0: i32, %arg1: memref<2048x16xf32, #tpu.memory_space<vmem>>, %arg2: memref<16x128xf32, #tpu.memory_space<vmem>>, %arg3: memref<1x128xf32, #tpu.memory_space<vmem>>, %arg4: memref<128x128xf32, #tpu.memory_space<vmem>>, %arg5: memref<1x128xf32, #tpu.memory_space<vmem>>, %arg6: memref<128x128xf32, #tpu.memory_space<vmem>>, %arg7: memref<1x128xf32, #tpu.memory_space<vmem>>, %arg8: memref<2048x128xf32, #tpu.memory_space<vmem>>) attributes {dimension_semantics = [#tpu.dimension_semantics<arbitrary>], iteration_bounds = array<i64: 80>, scalar_prefetch = 0 : i64, scratch_operands = 0 : i64, tpu.core_type = #tpu.core_type<tc>, window_params = [{transform_indices = @transform_0, window_bounds = array<i64: 2048, 16>}, {pipeline_mode = #tpu.pipeline_mode<synchronous>, transform_indices = @transform_1, window_bounds = array<i64: 16, 128>}, {pipeline_mode = #tpu.pipeline_mode<synchronous>, transform_indices = @transform_2, window_bounds = array<i64: 1, 128>}, {pipeline_mode = #tpu.pipeline_mode<synchronous>, transform_indices = @transform_3, window_bounds = array<i64: 128, 128>}, {pipeline_mode = #tpu.pipeline_mode<synchronous>, transform_indices = @transform_4, window_bounds = array<i64: 1, 128>}, {pipeline_mode = #tpu.pipeline_mode<synchronous>, transform_indices = @transform_5, window_bounds = array<i64: 128, 128>}, {pipeline_mode = #tpu.pipeline_mode<synchronous>, transform_indices = @transform_6, window_bounds = array<i64: 1, 128>}, {transform_indices = @transform_7, window_bounds = array<i64: 2048, 128>}]} {
    %get3A = arith.constant 0 : index
    %get3A_0 = arith.constant 0 : index
    %get3A_1 = vector.load %arg1[%get3A, %get3A_0] : memref<2048x16xf32, #tpu.memory_space<vmem>>, vector<2048x16xf32>
    %get3A_2 = arith.constant 0 : index
    %get3A_3 = arith.constant 0 : index
    %get3A_4 = vector.load %arg2[%get3A_2, %get3A_3] : memref<16x128xf32, #tpu.memory_space<vmem>>, vector<16x128xf32>
    %dot_general3A = arith.constant dense<0.000000e+00> : vector<2048x128xf32>
    %dot_general3A_5 = tpu.matmul %get3A_1, %get3A_4, %dot_general3A {dimension_numbers = #tpu.dot_dimension_numbers<[1], [0], [0], [1], [0, 0, 1, 1], [], []>, transpose_lhs_hint = false} : vector<2048x16xf32>, vector<16x128xf32>, vector<2048x128xf32> -> vector<2048x128xf32>
    %get3A_6 = arith.constant 0 : index
    %get3A_7 = arith.constant 0 : index
    %get3A_8 = vector.load %arg3[%get3A_6, %get3A_7] : memref<1x128xf32, #tpu.memory_space<vmem>>, vector<1x128xf32>
    %add3A = vector.broadcast %get3A_8 : vector<1x128xf32> to vector<2048x128xf32>
    %add3A_9 = arith.addf %dot_general3A_5, %add3A : vector<2048x128xf32>
    %max3A = arith.constant 0.000000e+00 : f32
    %max3A_10 = vector.broadcast %max3A : f32 to vector<2048x128xf32>
    %max3A_11 = arith.maximumf %add3A_9, %max3A_10 : vector<2048x128xf32>
    %get3A_12 = arith.constant 0 : index
    %get3A_13 = arith.constant 0 : index
    %get3A_14 = vector.load %arg4[%get3A_12, %get3A_13] : memref<128x128xf32, #tpu.memory_space<vmem>>, vector<128x128xf32>
    %dot_general3A_15 = arith.constant dense<0.000000e+00> : vector<2048x128xf32>
    %dot_general3A_16 = tpu.matmul %max3A_11, %get3A_14, %dot_general3A_15 {dimension_numbers = #tpu.dot_dimension_numbers<[1], [0], [0], [1], [0, 0, 1, 1], [], []>, transpose_lhs_hint = false} : vector<2048x128xf32>, vector<128x128xf32>, vector<2048x128xf32> -> vector<2048x128xf32>
    %get3A_17 = arith.constant 0 : index
    %get3A_18 = arith.constant 0 : index
    %get3A_19 = vector.load %arg5[%get3A_17, %get3A_18] : memref<1x128xf32, #tpu.memory_space<vmem>>, vector<1x128xf32>
    %add3A_20 = vector.broadcast %get3A_19 : vector<1x128xf32> to vector<2048x128xf32>
    %add3A_21 = arith.addf %dot_general3A_16, %add3A_20 : vector<2048x128xf32>
    %max3A_22 = arith.constant 0.000000e+00 : f32
    %max3A_23 = vector.broadcast %max3A_22 : f32 to vector<2048x128xf32>
    %max3A_24 = arith.maximumf %add3A_21, %max3A_23 : vector<2048x128xf32>
    %get3A_25 = arith.constant 0 : index
    %get3A_26 = arith.constant 0 : index
    %get3A_27 = vector.load %arg6[%get3A_25, %get3A_26] : memref<128x128xf32, #tpu.memory_space<vmem>>, vector<128x128xf32>
    %dot_general3A_28 = arith.constant dense<0.000000e+00> : vector<2048x128xf32>
    %dot_general3A_29 = tpu.matmul %max3A_24, %get3A_27, %dot_general3A_28 {dimension_numbers = #tpu.dot_dimension_numbers<[1], [0], [0], [1], [0, 0, 1, 1], [], []>, transpose_lhs_hint = false} : vector<2048x128xf32>, vector<128x128xf32>, vector<2048x128xf32> -> vector<2048x128xf32>
    %get3A_30 = arith.constant 0 : index
    %get3A_31 = arith.constant 0 : index
    %get3A_32 = vector.load %arg7[%get3A_30, %get3A_31] : memref<1x128xf32, #tpu.memory_space<vmem>>, vector<1x128xf32>
    %add3A_33 = vector.broadcast %get3A_32 : vector<1x128xf32> to vector<2048x128xf32>
    %add3A_34 = arith.addf %dot_general3A_29, %add3A_33 : vector<2048x128xf32>
    %swap3A = arith.constant 0 : index
    %swap3A_35 = arith.constant 0 : index
    %swap3A_36 = vector.load %arg8[%swap3A, %swap3A_35] : memref<2048x128xf32, #tpu.memory_space<vmem>>, vector<2048x128xf32>
    tpu.vector_store %arg8[%swap3A, %swap3A_35], %add3A_34 {strides = array<i32>} : memref<2048x128xf32, #tpu.memory_space<vmem>>, vector<2048x128xf32>,
    return
  }
  func.func @transform_0(%arg0: i32) -> (i32, i32) {
    %c0_i32 = arith.constant 0 : i32
    %c0_i32_0 = arith.constant 0 : i32
    return %arg0, %c0_i32 : i32, i32
  }
  func.func @transform_1(%arg0: i32) -> (i32, i32) {
    %c0_i32 = arith.constant 0 : i32
    %c0_i32_0 = arith.constant 0 : i32
    %c0_i32_1 = arith.constant 0 : i32
    return %c0_i32, %c0_i32_0 : i32, i32
  }
  func.func @transform_2(%arg0: i32) -> (i32, i32) {
    %c0_i32 = arith.constant 0 : i32
    %c0_i32_0 = arith.constant 0 : i32
    %c0_i32_1 = arith.constant 0 : i32
    return %c0_i32, %c0_i32_0 : i32, i32
  }
  func.func @transform_3(%arg0: i32) -> (i32, i32) {
    %c0_i32 = arith.constant 0 : i32
    %c0_i32_0 = arith.constant 0 : i32
    %c0_i32_1 = arith.constant 0 : i32
    return %c0_i32, %c0_i32_0 : i32, i32
  }
  func.func @transform_4(%arg0: i32) -> (i32, i32) {
    %c0_i32 = arith.constant 0 : i32
    %c0_i32_0 = arith.constant 0 : i32
    %c0_i32_1 = arith.constant 0 : i32
    return %c0_i32, %c0_i32_0 : i32, i32
  }
  func.func @transform_5(%arg0: i32) -> (i32, i32) {
    %c0_i32 = arith.constant 0 : i32
    %c0_i32_0 = arith.constant 0 : i32
    %c0_i32_1 = arith.constant 0 : i32
    return %c0_i32, %c0_i32_0 : i32, i32
  }
  func.func @transform_6(%arg0: i32) -> (i32, i32) {
    %c0_i32 = arith.constant 0 : i32
    %c0_i32_0 = arith.constant 0 : i32
    %c0_i32_1 = arith.constant 0 : i32
    return %c0_i32, %c0_i32_0 : i32, i32
  }
  func.func @transform_7(%arg0: i32) -> (i32, i32) {
    %c0_i32 = arith.constant 0 : i32
    %c0_i32_0 = arith.constant 0 : i32
    return %arg0, %c0_i32 : i32, i32
  }
}

module attributes {stable_mosaic.version = 14 : i64} {
  func.func @_edge_mlp_body(%arg0: i32, %arg1: memref<2048x128xf32, #tpu.memory_space<vmem>>, %arg2: memref<2048x128xf32, #tpu.memory_space<vmem>>, %arg3: memref<128x128xf32, #tpu.memory_space<vmem>>, %arg4: memref<1x128xf32, #tpu.memory_space<vmem>>, %arg5: memref<128x128xf32, #tpu.memory_space<vmem>>, %arg6: memref<1x128xf32, #tpu.memory_space<vmem>>, %arg7: memref<128x128xf32, #tpu.memory_space<vmem>>, %arg8: memref<1x128xf32, #tpu.memory_space<vmem>>, %arg9: memref<2048x128xf32, #tpu.memory_space<vmem>>) attributes {dimension_semantics = [#tpu.dimension_semantics<arbitrary>], iteration_bounds = array<i64: 80>, scalar_prefetch = 0 : i64, scratch_operands = 0 : i64, tpu.core_type = #tpu.core_type<tc>, window_params = [{transform_indices = @transform_0, window_bounds = array<i64: 2048, 128>}, {transform_indices = @transform_1, window_bounds = array<i64: 2048, 128>}, {pipeline_mode = #tpu.pipeline_mode<synchronous>, transform_indices = @transform_2, window_bounds = array<i64: 128, 128>}, {pipeline_mode = #tpu.pipeline_mode<synchronous>, transform_indices = @transform_3, window_bounds = array<i64: 1, 128>}, {pipeline_mode = #tpu.pipeline_mode<synchronous>, transform_indices = @transform_4, window_bounds = array<i64: 128, 128>}, {pipeline_mode = #tpu.pipeline_mode<synchronous>, transform_indices = @transform_5, window_bounds = array<i64: 1, 128>}, {pipeline_mode = #tpu.pipeline_mode<synchronous>, transform_indices = @transform_6, window_bounds = array<i64: 128, 128>}, {pipeline_mode = #tpu.pipeline_mode<synchronous>, transform_indices = @transform_7, window_bounds = array<i64: 1, 128>}, {transform_indices = @transform_8, window_bounds = array<i64: 2048, 128>}]} {
    %get3A = arith.constant 0 : index
    %get3A_0 = arith.constant 0 : index
    %get3A_1 = vector.load %arg1[%get3A, %get3A_0] : memref<2048x128xf32, #tpu.memory_space<vmem>>, vector<2048x128xf32>
    %get3A_2 = arith.constant 0 : index
    %get3A_3 = arith.constant 0 : index
    %get3A_4 = vector.load %arg2[%get3A_2, %get3A_3] : memref<2048x128xf32, #tpu.memory_space<vmem>>, vector<2048x128xf32>
    %get3A_5 = arith.constant 0 : index
    %get3A_6 = arith.constant 0 : index
    %get3A_7 = vector.load %arg3[%get3A_5, %get3A_6] : memref<128x128xf32, #tpu.memory_space<vmem>>, vector<128x128xf32>
    %dot_general3A = arith.constant dense<0.000000e+00> : vector<2048x128xf32>
    %dot_general3A_8 = tpu.matmul %get3A_4, %get3A_7, %dot_general3A {dimension_numbers = #tpu.dot_dimension_numbers<[1], [0], [0], [1], [0, 0, 1, 1], [], []>, transpose_lhs_hint = false} : vector<2048x128xf32>, vector<128x128xf32>, vector<2048x128xf32> -> vector<2048x128xf32>
    %add3A = arith.addf %get3A_1, %dot_general3A_8 : vector<2048x128xf32>
    %get3A_9 = arith.constant 0 : index
    %get3A_10 = arith.constant 0 : index
    %get3A_11 = vector.load %arg4[%get3A_9, %get3A_10] : memref<1x128xf32, #tpu.memory_space<vmem>>, vector<1x128xf32>
    %add3A_12 = vector.broadcast %get3A_11 : vector<1x128xf32> to vector<2048x128xf32>
    %add3A_13 = arith.addf %add3A, %add3A_12 : vector<2048x128xf32>
    %max3A = arith.constant 0.000000e+00 : f32
    %max3A_14 = vector.broadcast %max3A : f32 to vector<2048x128xf32>
    %max3A_15 = arith.maximumf %add3A_13, %max3A_14 : vector<2048x128xf32>
    %get3A_16 = arith.constant 0 : index
    %get3A_17 = arith.constant 0 : index
    %get3A_18 = vector.load %arg5[%get3A_16, %get3A_17] : memref<128x128xf32, #tpu.memory_space<vmem>>, vector<128x128xf32>
    %dot_general3A_19 = arith.constant dense<0.000000e+00> : vector<2048x128xf32>
    %dot_general3A_20 = tpu.matmul %max3A_15, %get3A_18, %dot_general3A_19 {dimension_numbers = #tpu.dot_dimension_numbers<[1], [0], [0], [1], [0, 0, 1, 1], [], []>, transpose_lhs_hint = false} : vector<2048x128xf32>, vector<128x128xf32>, vector<2048x128xf32> -> vector<2048x128xf32>
    %get3A_21 = arith.constant 0 : index
    %get3A_22 = arith.constant 0 : index
    %get3A_23 = vector.load %arg6[%get3A_21, %get3A_22] : memref<1x128xf32, #tpu.memory_space<vmem>>, vector<1x128xf32>
    %add3A_24 = vector.broadcast %get3A_23 : vector<1x128xf32> to vector<2048x128xf32>
    %add3A_25 = arith.addf %dot_general3A_20, %add3A_24 : vector<2048x128xf32>
    %max3A_26 = arith.constant 0.000000e+00 : f32
    %max3A_27 = vector.broadcast %max3A_26 : f32 to vector<2048x128xf32>
    %max3A_28 = arith.maximumf %add3A_25, %max3A_27 : vector<2048x128xf32>
    %get3A_29 = arith.constant 0 : index
    %get3A_30 = arith.constant 0 : index
    %get3A_31 = vector.load %arg7[%get3A_29, %get3A_30] : memref<128x128xf32, #tpu.memory_space<vmem>>, vector<128x128xf32>
    %dot_general3A_32 = arith.constant dense<0.000000e+00> : vector<2048x128xf32>
    %dot_general3A_33 = tpu.matmul %max3A_28, %get3A_31, %dot_general3A_32 {dimension_numbers = #tpu.dot_dimension_numbers<[1], [0], [0], [1], [0, 0, 1, 1], [], []>, transpose_lhs_hint = false} : vector<2048x128xf32>, vector<128x128xf32>, vector<2048x128xf32> -> vector<2048x128xf32>
    %get3A_34 = arith.constant 0 : index
    %get3A_35 = arith.constant 0 : index
    %get3A_36 = vector.load %arg8[%get3A_34, %get3A_35] : memref<1x128xf32, #tpu.memory_space<vmem>>, vector<1x128xf32>
    %add3A_37 = vector.broadcast %get3A_36 : vector<1x128xf32> to vector<2048x128xf32>
    %add3A_38 = arith.addf %dot_general3A_33, %add3A_37 : vector<2048x128xf32>
    %swap3A = arith.constant 0 : index
    %swap3A_39 = arith.constant 0 : index
    %swap3A_40 = vector.load %arg9[%swap3A, %swap3A_39] : memref<2048x128xf32, #tpu.memory_space<vmem>>, vector<2048x128xf32>
    tpu.vector_store %arg9[%swap3A, %swap3A_39], %add3A_38 {strides = array<i32>} : memref<2048x128xf32, #tpu.memory_space<vmem>>, vector<2048x128xf32>,
    return
  }
  func.func @transform_0(%arg0: i32) -> (i32, i32) {
    %c0_i32 = arith.constant 0 : i32
    %c0_i32_0 = arith.constant 0 : i32
    return %arg0, %c0_i32 : i32, i32
  }
  func.func @transform_1(%arg0: i32) -> (i32, i32) {
    %c0_i32 = arith.constant 0 : i32
    %c0_i32_0 = arith.constant 0 : i32
    return %arg0, %c0_i32 : i32, i32
  }
  func.func @transform_2(%arg0: i32) -> (i32, i32) {
    %c0_i32 = arith.constant 0 : i32
    %c0_i32_0 = arith.constant 0 : i32
    %c0_i32_1 = arith.constant 0 : i32
    return %c0_i32, %c0_i32_0 : i32, i32
  }
  func.func @transform_3(%arg0: i32) -> (i32, i32) {
    %c0_i32 = arith.constant 0 : i32
    %c0_i32_0 = arith.constant 0 : i32
    %c0_i32_1 = arith.constant 0 : i32
    return %c0_i32, %c0_i32_0 : i32, i32
  }
  func.func @transform_4(%arg0: i32) -> (i32, i32) {
    %c0_i32 = arith.constant 0 : i32
    %c0_i32_0 = arith.constant 0 : i32
    %c0_i32_1 = arith.constant 0 : i32
    return %c0_i32, %c0_i32_0 : i32, i32
  }
  func.func @transform_5(%arg0: i32) -> (i32, i32) {
    %c0_i32 = arith.constant 0 : i32
    %c0_i32_0 = arith.constant 0 : i32
    %c0_i32_1 = arith.constant 0 : i32
    return %c0_i32, %c0_i32_0 : i32, i32
  }
  func.func @transform_6(%arg0: i32) -> (i32, i32) {
    %c0_i32 = arith.constant 0 : i32
    %c0_i32_0 = arith.constant 0 : i32
    %c0_i32_1 = arith.constant 0 : i32
    return %c0_i32, %c0_i32_0 : i32, i32
  }
  func.func @transform_7(%arg0: i32) -> (i32, i32) {
    %c0_i32 = arith.constant 0 : i32
    %c0_i32_0 = arith.constant 0 : i32
    %c0_i32_1 = arith.constant 0 : i32
    return %c0_i32, %c0_i32_0 : i32, i32
  }
  func.func @transform_8(%arg0: i32) -> (i32, i32) {
    %c0_i32 = arith.constant 0 : i32
    %c0_i32_0 = arith.constant 0 : i32
    return %arg0, %c0_i32 : i32, i32
  }
}

module attributes {stable_mosaic.version = 14 : i64} {
  func.func @_node_upd_proj_body(%arg0: i32, %arg1: memref<2000x128xf32, #tpu.memory_space<vmem>>, %arg2: memref<2x2000x128xf32, #tpu.memory_space<vmem>>, %arg3: memref<2x2000x128xf32, #tpu.memory_space<vmem>>, %arg4: memref<128x128xf32, #tpu.memory_space<vmem>>, %arg5: memref<128x128xf32, #tpu.memory_space<vmem>>, %arg6: memref<1x128xf32, #tpu.memory_space<vmem>>, %arg7: memref<128x128xf32, #tpu.memory_space<vmem>>, %arg8: memref<1x128xf32, #tpu.memory_space<vmem>>, %arg9: memref<128x128xf32, #tpu.memory_space<vmem>>, %arg10: memref<1x128xf32, #tpu.memory_space<vmem>>, %arg11: memref<128x128xf32, #tpu.memory_space<vmem>>, %arg12: memref<128x128xf32, #tpu.memory_space<vmem>>, %arg13: memref<2000x128xf32, #tpu.memory_space<vmem>>, %arg14: memref<2000x128xf32, #tpu.memory_space<vmem>>, %arg15: memref<2000x128xf32, #tpu.memory_space<vmem>>) attributes {dimension_semantics = [#tpu.dimension_semantics<arbitrary>], iteration_bounds = array<i64: 5>, scalar_prefetch = 0 : i64, scratch_operands = 0 : i64, tpu.core_type = #tpu.core_type<tc>, window_params = [{transform_indices = @transform_0, window_bounds = array<i64: 2000, 128>}, {transform_indices = @transform_1, window_bounds = array<i64: 2, 2000, 128>}, {transform_indices = @transform_2, window_bounds = array<i64: 2, 2000, 128>}, {pipeline_mode = #tpu.pipeline_mode<synchronous>, transform_indices = @transform_3, window_bounds = array<i64: 128, 128>}, {pipeline_mode = #tpu.pipeline_mode<synchronous>, transform_indices = @transform_4, window_bounds = array<i64: 128, 128>}, {pipeline_mode = #tpu.pipeline_mode<synchronous>, transform_indices = @transform_5, window_bounds = array<i64: 1, 128>}, {pipeline_mode = #tpu.pipeline_mode<synchronous>, transform_indices = @transform_6, window_bounds = array<i64: 128, 128>}, {pipeline_mode = #tpu.pipeline_mode<synchronous>, transform_indices = @transform_7, window_bounds = array<i64: 1, 128>}, {pipeline_mode = #tpu.pipeline_mode<synchronous>, transform_indices = @transform_8, window_bounds = array<i64: 128, 128>}, {pipeline_mode = #tpu.pipeline_mode<synchronous>, transform_indices = @transform_9, window_bounds = array<i64: 1, 128>}, {pipeline_mode = #tpu.pipeline_mode<synchronous>, transform_indices = @transform_10, window_bounds = array<i64: 128, 128>}, {pipeline_mode = #tpu.pipeline_mode<synchronous>, transform_indices = @transform_11, window_bounds = array<i64: 128, 128>}, {transform_indices = @transform_12, window_bounds = array<i64: 2000, 128>}, {transform_indices = @transform_13, window_bounds = array<i64: 2000, 128>}, {transform_indices = @transform_14, window_bounds = array<i64: 2000, 128>}]} {
    %get3A = arith.constant 0 : index
    %get3A_0 = arith.constant 0 : index
    %get3A_1 = arith.constant 0 : index
    %get3A_2 = vector.load %arg2[%get3A, %get3A_0, %get3A_1] : memref<2x2000x128xf32, #tpu.memory_space<vmem>>, vector<1x2000x128xf32>
    %get3A_3 = vector.shape_cast %get3A_2 : vector<1x2000x128xf32> to vector<2000x128xf32>
    %get3A_4 = arith.constant 1 : index
    %get3A_5 = arith.constant 0 : index
    %get3A_6 = arith.constant 0 : index
    %get3A_7 = vector.load %arg2[%get3A_4, %get3A_5, %get3A_6] : memref<2x2000x128xf32, #tpu.memory_space<vmem>>, vector<1x2000x128xf32>
    %get3A_8 = vector.shape_cast %get3A_7 : vector<1x2000x128xf32> to vector<2000x128xf32>
    %add3A = arith.addf %get3A_3, %get3A_8 : vector<2000x128xf32>
    %get3A_9 = arith.constant 0 : index
    %get3A_10 = arith.constant 0 : index
    %get3A_11 = arith.constant 0 : index
    %get3A_12 = vector.load %arg3[%get3A_9, %get3A_10, %get3A_11] : memref<2x2000x128xf32, #tpu.memory_space<vmem>>, vector<1x2000x128xf32>
    %get3A_13 = vector.shape_cast %get3A_12 : vector<1x2000x128xf32> to vector<2000x128xf32>
    %add3A_14 = arith.addf %add3A, %get3A_13 : vector<2000x128xf32>
    %get3A_15 = arith.constant 1 : index
    %get3A_16 = arith.constant 0 : index
    %get3A_17 = arith.constant 0 : index
    %get3A_18 = vector.load %arg3[%get3A_15, %get3A_16, %get3A_17] : memref<2x2000x128xf32, #tpu.memory_space<vmem>>, vector<1x2000x128xf32>
    %get3A_19 = vector.shape_cast %get3A_18 : vector<1x2000x128xf32> to vector<2000x128xf32>
    %add3A_20 = arith.addf %add3A_14, %get3A_19 : vector<2000x128xf32>
    %get3A_21 = arith.constant 0 : index
    %get3A_22 = arith.constant 0 : index
    %get3A_23 = vector.load %arg1[%get3A_21, %get3A_22] : memref<2000x128xf32, #tpu.memory_space<vmem>>, vector<2000x128xf32>
    %get3A_24 = arith.constant 0 : index
    %get3A_25 = arith.constant 0 : index
    %get3A_26 = vector.load %arg4[%get3A_24, %get3A_25] : memref<128x128xf32, #tpu.memory_space<vmem>>, vector<128x128xf32>
    %dot_general3A = arith.constant dense<0.000000e+00> : vector<2000x128xf32>
    %dot_general3A_27 = tpu.matmul %get3A_23, %get3A_26, %dot_general3A {dimension_numbers = #tpu.dot_dimension_numbers<[1], [0], [0], [1], [0, 0, 1, 1], [], []>, transpose_lhs_hint = false} : vector<2000x128xf32>, vector<128x128xf32>, vector<2000x128xf32> -> vector<2000x128xf32>
    %get3A_28 = arith.constant 0 : index
    %get3A_29 = arith.constant 0 : index
    %get3A_30 = vector.load %arg5[%get3A_28, %get3A_29] : memref<128x128xf32, #tpu.memory_space<vmem>>, vector<128x128xf32>
    %dot_general3A_31 = arith.constant dense<0.000000e+00> : vector<2000x128xf32>
    %dot_general3A_32 = tpu.matmul %add3A_20, %get3A_30, %dot_general3A_31 {dimension_numbers = #tpu.dot_dimension_numbers<[1], [0], [0], [1], [0, 0, 1, 1], [], []>, transpose_lhs_hint = false} : vector<2000x128xf32>, vector<128x128xf32>, vector<2000x128xf32> -> vector<2000x128xf32>
    %add3A_33 = arith.addf %dot_general3A_27, %dot_general3A_32 : vector<2000x128xf32>
    %get3A_34 = arith.constant 0 : index
    %get3A_35 = arith.constant 0 : index
    %get3A_36 = vector.load %arg6[%get3A_34, %get3A_35] : memref<1x128xf32, #tpu.memory_space<vmem>>, vector<1x128xf32>
    %add3A_37 = vector.broadcast %get3A_36 : vector<1x128xf32> to vector<2000x128xf32>
    %add3A_38 = arith.addf %add3A_33, %add3A_37 : vector<2000x128xf32>
    %max3A = arith.constant 0.000000e+00 : f32
    %max3A_39 = vector.broadcast %max3A : f32 to vector<2000x128xf32>
    %max3A_40 = arith.maximumf %add3A_38, %max3A_39 : vector<2000x128xf32>
    %get3A_41 = arith.constant 0 : index
    %get3A_42 = arith.constant 0 : index
    %get3A_43 = vector.load %arg7[%get3A_41, %get3A_42] : memref<128x128xf32, #tpu.memory_space<vmem>>, vector<128x128xf32>
    %dot_general3A_44 = arith.constant dense<0.000000e+00> : vector<2000x128xf32>
    %dot_general3A_45 = tpu.matmul %max3A_40, %get3A_43, %dot_general3A_44 {dimension_numbers = #tpu.dot_dimension_numbers<[1], [0], [0], [1], [0, 0, 1, 1], [], []>, transpose_lhs_hint = false} : vector<2000x128xf32>, vector<128x128xf32>, vector<2000x128xf32> -> vector<2000x128xf32>
    %get3A_46 = arith.constant 0 : index
    %get3A_47 = arith.constant 0 : index
    %get3A_48 = vector.load %arg8[%get3A_46, %get3A_47] : memref<1x128xf32, #tpu.memory_space<vmem>>, vector<1x128xf32>
    %add3A_49 = vector.broadcast %get3A_48 : vector<1x128xf32> to vector<2000x128xf32>
    %add3A_50 = arith.addf %dot_general3A_45, %add3A_49 : vector<2000x128xf32>
    %max3A_51 = arith.constant 0.000000e+00 : f32
    %max3A_52 = vector.broadcast %max3A_51 : f32 to vector<2000x128xf32>
    %max3A_53 = arith.maximumf %add3A_50, %max3A_52 : vector<2000x128xf32>
    %get3A_54 = arith.constant 0 : index
    %get3A_55 = arith.constant 0 : index
    %get3A_56 = vector.load %arg9[%get3A_54, %get3A_55] : memref<128x128xf32, #tpu.memory_space<vmem>>, vector<128x128xf32>
    %dot_general3A_57 = arith.constant dense<0.000000e+00> : vector<2000x128xf32>
    %dot_general3A_58 = tpu.matmul %max3A_53, %get3A_56, %dot_general3A_57 {dimension_numbers = #tpu.dot_dimension_numbers<[1], [0], [0], [1], [0, 0, 1, 1], [], []>, transpose_lhs_hint = false} : vector<2000x128xf32>, vector<128x128xf32>, vector<2000x128xf32> -> vector<2000x128xf32>
    %get3A_59 = arith.constant 0 : index
    %get3A_60 = arith.constant 0 : index
    %get3A_61 = vector.load %arg10[%get3A_59, %get3A_60] : memref<1x128xf32, #tpu.memory_space<vmem>>, vector<1x128xf32>
    %add3A_62 = vector.broadcast %get3A_61 : vector<1x128xf32> to vector<2000x128xf32>
    %add3A_63 = arith.addf %dot_general3A_58, %add3A_62 : vector<2000x128xf32>
    %swap3A = arith.constant 0 : index
    %swap3A_64 = arith.constant 0 : index
    %swap3A_65 = vector.load %arg13[%swap3A, %swap3A_64] : memref<2000x128xf32, #tpu.memory_space<vmem>>, vector<2000x128xf32>
    tpu.vector_store %arg13[%swap3A, %swap3A_64], %add3A_63 {strides = array<i32>} : memref<2000x128xf32, #tpu.memory_space<vmem>>, vector<2000x128xf32>,
    %get3A_66 = arith.constant 0 : index
    %get3A_67 = arith.constant 0 : index
    %get3A_68 = vector.load %arg11[%get3A_66, %get3A_67] : memref<128x128xf32, #tpu.memory_space<vmem>>, vector<128x128xf32>
    %dot_general3A_69 = arith.constant dense<0.000000e+00> : vector<2000x128xf32>
    %dot_general3A_70 = tpu.matmul %add3A_63, %get3A_68, %dot_general3A_69 {dimension_numbers = #tpu.dot_dimension_numbers<[1], [0], [0], [1], [0, 0, 1, 1], [], []>, transpose_lhs_hint = false} : vector<2000x128xf32>, vector<128x128xf32>, vector<2000x128xf32> -> vector<2000x128xf32>
    %swap3A_71 = arith.constant 0 : index
    %swap3A_72 = arith.constant 0 : index
    %swap3A_73 = vector.load %arg14[%swap3A_71, %swap3A_72] : memref<2000x128xf32, #tpu.memory_space<vmem>>, vector<2000x128xf32>
    tpu.vector_store %arg14[%swap3A_71, %swap3A_72], %dot_general3A_70 {strides = array<i32>} : memref<2000x128xf32, #tpu.memory_space<vmem>>, vector<2000x128xf32>,
    %get3A_74 = arith.constant 0 : index
    %get3A_75 = arith.constant 0 : index
    %get3A_76 = vector.load %arg12[%get3A_74, %get3A_75] : memref<128x128xf32, #tpu.memory_space<vmem>>, vector<128x128xf32>
    %dot_general3A_77 = arith.constant dense<0.000000e+00> : vector<2000x128xf32>
    %dot_general3A_78 = tpu.matmul %add3A_63, %get3A_76, %dot_general3A_77 {dimension_numbers = #tpu.dot_dimension_numbers<[1], [0], [0], [1], [0, 0, 1, 1], [], []>, transpose_lhs_hint = false} : vector<2000x128xf32>, vector<128x128xf32>, vector<2000x128xf32> -> vector<2000x128xf32>
    %swap3A_79 = arith.constant 0 : index
    %swap3A_80 = arith.constant 0 : index
    %swap3A_81 = vector.load %arg15[%swap3A_79, %swap3A_80] : memref<2000x128xf32, #tpu.memory_space<vmem>>, vector<2000x128xf32>
    tpu.vector_store %arg15[%swap3A_79, %swap3A_80], %dot_general3A_78 {strides = array<i32>} : memref<2000x128xf32, #tpu.memory_space<vmem>>, vector<2000x128xf32>,
    return
  }
  func.func @transform_0(%arg0: i32) -> (i32, i32) {
    %c0_i32 = arith.constant 0 : i32
    %c0_i32_0 = arith.constant 0 : i32
    return %arg0, %c0_i32 : i32, i32
  }
  func.func @transform_1(%arg0: i32) -> (i32, i32, i32) {
    %c0_i32 = arith.constant 0 : i32
    %c0_i32_0 = arith.constant 0 : i32
    %c0_i32_1 = arith.constant 0 : i32
    return %c0_i32, %arg0, %c0_i32_0 : i32, i32, i32
  }
  func.func @transform_2(%arg0: i32) -> (i32, i32, i32) {
    %c0_i32 = arith.constant 0 : i32
    %c0_i32_0 = arith.constant 0 : i32
    %c0_i32_1 = arith.constant 0 : i32
    return %c0_i32, %arg0, %c0_i32_0 : i32, i32, i32
  }
  func.func @transform_3(%arg0: i32) -> (i32, i32) {
    %c0_i32 = arith.constant 0 : i32
    %c0_i32_0 = arith.constant 0 : i32
    %c0_i32_1 = arith.constant 0 : i32
    return %c0_i32, %c0_i32_0 : i32, i32
  }
  func.func @transform_4(%arg0: i32) -> (i32, i32) {
    %c0_i32 = arith.constant 0 : i32
    %c0_i32_0 = arith.constant 0 : i32
    %c0_i32_1 = arith.constant 0 : i32
    return %c0_i32, %c0_i32_0 : i32, i32
  }
  func.func @transform_5(%arg0: i32) -> (i32, i32) {
    %c0_i32 = arith.constant 0 : i32
    %c0_i32_0 = arith.constant 0 : i32
    %c0_i32_1 = arith.constant 0 : i32
    return %c0_i32, %c0_i32_0 : i32, i32
  }
  func.func @transform_6(%arg0: i32) -> (i32, i32) {
    %c0_i32 = arith.constant 0 : i32
    %c0_i32_0 = arith.constant 0 : i32
    %c0_i32_1 = arith.constant 0 : i32
    return %c0_i32, %c0_i32_0 : i32, i32
  }
  func.func @transform_7(%arg0: i32) -> (i32, i32) {
    %c0_i32 = arith.constant 0 : i32
    %c0_i32_0 = arith.constant 0 : i32
    %c0_i32_1 = arith.constant 0 : i32
    return %c0_i32, %c0_i32_0 : i32, i32
  }
  func.func @transform_8(%arg0: i32) -> (i32, i32) {
    %c0_i32 = arith.constant 0 : i32
    %c0_i32_0 = arith.constant 0 : i32
    %c0_i32_1 = arith.constant 0 : i32
    return %c0_i32, %c0_i32_0 : i32, i32
  }
  func.func @transform_9(%arg0: i32) -> (i32, i32) {
    %c0_i32 = arith.constant 0 : i32
    %c0_i32_0 = arith.constant 0 : i32
    %c0_i32_1 = arith.constant 0 : i32
    return %c0_i32, %c0_i32_0 : i32, i32
  }
  func.func @transform_10(%arg0: i32) -> (i32, i32) {
    %c0_i32 = arith.constant 0 : i32
    %c0_i32_0 = arith.constant 0 : i32
    %c0_i32_1 = arith.constant 0 : i32
    return %c0_i32, %c0_i32_0 : i32, i32
  }
  func.func @transform_11(%arg0: i32) -> (i32, i32) {
    %c0_i32 = arith.constant 0 : i32
    %c0_i32_0 = arith.constant 0 : i32
    %c0_i32_1 = arith.constant 0 : i32
    return %c0_i32, %c0_i32_0 : i32, i32
  }
  func.func @transform_12(%arg0: i32) -> (i32, i32) {
    %c0_i32 = arith.constant 0 : i32
    %c0_i32_0 = arith.constant 0 : i32
    return %arg0, %c0_i32 : i32, i32
  }
  func.func @transform_13(%arg0: i32) -> (i32, i32) {
    %c0_i32 = arith.constant 0 : i32
    %c0_i32_0 = arith.constant 0 : i32
    return %arg0, %c0_i32 : i32, i32
  }
  func.func @transform_14(%arg0: i32) -> (i32, i32) {
    %c0_i32 = arith.constant 0 : i32
    %c0_i32_0 = arith.constant 0 : i32
    return %arg0, %c0_i32 : i32, i32
  }
}

module attributes {stable_mosaic.version = 14 : i64} {
  func.func @_node_upd_dec_body(%arg0: i32, %arg1: memref<2000x128xf32, #tpu.memory_space<vmem>>, %arg2: memref<2x2000x128xf32, #tpu.memory_space<vmem>>, %arg3: memref<2x2000x128xf32, #tpu.memory_space<vmem>>, %arg4: memref<128x128xf32, #tpu.memory_space<vmem>>, %arg5: memref<128x128xf32, #tpu.memory_space<vmem>>, %arg6: memref<1x128xf32, #tpu.memory_space<vmem>>, %arg7: memref<128x128xf32, #tpu.memory_space<vmem>>, %arg8: memref<1x128xf32, #tpu.memory_space<vmem>>, %arg9: memref<128x128xf32, #tpu.memory_space<vmem>>, %arg10: memref<1x128xf32, #tpu.memory_space<vmem>>, %arg11: memref<128x128xf32, #tpu.memory_space<vmem>>, %arg12: memref<1x128xf32, #tpu.memory_space<vmem>>, %arg13: memref<128x128xf32, #tpu.memory_space<vmem>>, %arg14: memref<1x128xf32, #tpu.memory_space<vmem>>, %arg15: memref<128x3xf32, #tpu.memory_space<vmem>>, %arg16: memref<1x3xf32, #tpu.memory_space<vmem>>, %arg17: memref<2000x3xf32, #tpu.memory_space<vmem>>) attributes {dimension_semantics = [#tpu.dimension_semantics<arbitrary>], iteration_bounds = array<i64: 5>, scalar_prefetch = 0 : i64, scratch_operands = 0 : i64, tpu.core_type = #tpu.core_type<tc>, window_params = [{transform_indices = @transform_0, window_bounds = array<i64: 2000, 128>}, {transform_indices = @transform_1, window_bounds = array<i64: 2, 2000, 128>}, {transform_indices = @transform_2, window_bounds = array<i64: 2, 2000, 128>}, {pipeline_mode = #tpu.pipeline_mode<synchronous>, transform_indices = @transform_3, window_bounds = array<i64: 128, 128>}, {pipeline_mode = #tpu.pipeline_mode<synchronous>, transform_indices = @transform_4, window_bounds = array<i64: 128, 128>}, {pipeline_mode = #tpu.pipeline_mode<synchronous>, transform_indices = @transform_5, window_bounds = array<i64: 1, 128>}, {pipeline_mode = #tpu.pipeline_mode<synchronous>, transform_indices = @transform_6, window_bounds = array<i64: 128, 128>}, {pipeline_mode = #tpu.pipeline_mode<synchronous>, transform_indices = @transform_7, window_bounds = array<i64: 1, 128>}, {pipeline_mode = #tpu.pipeline_mode<synchronous>, transform_indices = @transform_8, window_bounds = array<i64: 128, 128>}, {pipeline_mode = #tpu.pipeline_mode<synchronous>, transform_indices = @transform_9, window_bounds = array<i64: 1, 128>}, {pipeline_mode = #tpu.pipeline_mode<synchronous>, transform_indices = @transform_10, window_bounds = array<i64: 128, 128>}, {pipeline_mode = #tpu.pipeline_mode<synchronous>, transform_indices = @transform_11, window_bounds = array<i64: 1, 128>}, {pipeline_mode = #tpu.pipeline_mode<synchronous>, transform_indices = @transform_12, window_bounds = array<i64: 128, 128>}, {pipeline_mode = #tpu.pipeline_mode<synchronous>, transform_indices = @transform_13, window_bounds = array<i64: 1, 128>}, {pipeline_mode = #tpu.pipeline_mode<synchronous>, transform_indices = @transform_14, window_bounds = array<i64: 128, 3>}, {pipeline_mode = #tpu.pipeline_mode<synchronous>, transform_indices = @transform_15, window_bounds = array<i64: 1, 3>}, {transform_indices = @transform_16, window_bounds = array<i64: 2000, 3>}]} {
    %get3A = arith.constant 0 : index
    %get3A_0 = arith.constant 0 : index
    %get3A_1 = arith.constant 0 : index
    %get3A_2 = vector.load %arg2[%get3A, %get3A_0, %get3A_1] : memref<2x2000x128xf32, #tpu.memory_space<vmem>>, vector<1x2000x128xf32>
    %get3A_3 = vector.shape_cast %get3A_2 : vector<1x2000x128xf32> to vector<2000x128xf32>
    %get3A_4 = arith.constant 1 : index
    %get3A_5 = arith.constant 0 : index
    %get3A_6 = arith.constant 0 : index
    %get3A_7 = vector.load %arg2[%get3A_4, %get3A_5, %get3A_6] : memref<2x2000x128xf32, #tpu.memory_space<vmem>>, vector<1x2000x128xf32>
    %get3A_8 = vector.shape_cast %get3A_7 : vector<1x2000x128xf32> to vector<2000x128xf32>
    %add3A = arith.addf %get3A_3, %get3A_8 : vector<2000x128xf32>
    %get3A_9 = arith.constant 0 : index
    %get3A_10 = arith.constant 0 : index
    %get3A_11 = arith.constant 0 : index
    %get3A_12 = vector.load %arg3[%get3A_9, %get3A_10, %get3A_11] : memref<2x2000x128xf32, #tpu.memory_space<vmem>>, vector<1x2000x128xf32>
    %get3A_13 = vector.shape_cast %get3A_12 : vector<1x2000x128xf32> to vector<2000x128xf32>
    %add3A_14 = arith.addf %add3A, %get3A_13 : vector<2000x128xf32>
    %get3A_15 = arith.constant 1 : index
    %get3A_16 = arith.constant 0 : index
    %get3A_17 = arith.constant 0 : index
    %get3A_18 = vector.load %arg3[%get3A_15, %get3A_16, %get3A_17] : memref<2x2000x128xf32, #tpu.memory_space<vmem>>, vector<1x2000x128xf32>
    %get3A_19 = vector.shape_cast %get3A_18 : vector<1x2000x128xf32> to vector<2000x128xf32>
    %add3A_20 = arith.addf %add3A_14, %get3A_19 : vector<2000x128xf32>
    %get3A_21 = arith.constant 0 : index
    %get3A_22 = arith.constant 0 : index
    %get3A_23 = vector.load %arg1[%get3A_21, %get3A_22] : memref<2000x128xf32, #tpu.memory_space<vmem>>, vector<2000x128xf32>
    %get3A_24 = arith.constant 0 : index
    %get3A_25 = arith.constant 0 : index
    %get3A_26 = vector.load %arg4[%get3A_24, %get3A_25] : memref<128x128xf32, #tpu.memory_space<vmem>>, vector<128x128xf32>
    %dot_general3A = arith.constant dense<0.000000e+00> : vector<2000x128xf32>
    %dot_general3A_27 = tpu.matmul %get3A_23, %get3A_26, %dot_general3A {dimension_numbers = #tpu.dot_dimension_numbers<[1], [0], [0], [1], [0, 0, 1, 1], [], []>, transpose_lhs_hint = false} : vector<2000x128xf32>, vector<128x128xf32>, vector<2000x128xf32> -> vector<2000x128xf32>
    %get3A_28 = arith.constant 0 : index
    %get3A_29 = arith.constant 0 : index
    %get3A_30 = vector.load %arg5[%get3A_28, %get3A_29] : memref<128x128xf32, #tpu.memory_space<vmem>>, vector<128x128xf32>
    %dot_general3A_31 = arith.constant dense<0.000000e+00> : vector<2000x128xf32>
    %dot_general3A_32 = tpu.matmul %add3A_20, %get3A_30, %dot_general3A_31 {dimension_numbers = #tpu.dot_dimension_numbers<[1], [0], [0], [1], [0, 0, 1, 1], [], []>, transpose_lhs_hint = false} : vector<2000x128xf32>, vector<128x128xf32>, vector<2000x128xf32> -> vector<2000x128xf32>
    %add3A_33 = arith.addf %dot_general3A_27, %dot_general3A_32 : vector<2000x128xf32>
    %get3A_34 = arith.constant 0 : index
    %get3A_35 = arith.constant 0 : index
    %get3A_36 = vector.load %arg6[%get3A_34, %get3A_35] : memref<1x128xf32, #tpu.memory_space<vmem>>, vector<1x128xf32>
    %add3A_37 = vector.broadcast %get3A_36 : vector<1x128xf32> to vector<2000x128xf32>
    %add3A_38 = arith.addf %add3A_33, %add3A_37 : vector<2000x128xf32>
    %max3A = arith.constant 0.000000e+00 : f32
    %max3A_39 = vector.broadcast %max3A : f32 to vector<2000x128xf32>
    %max3A_40 = arith.maximumf %add3A_38, %max3A_39 : vector<2000x128xf32>
    %get3A_41 = arith.constant 0 : index
    %get3A_42 = arith.constant 0 : index
    %get3A_43 = vector.load %arg7[%get3A_41, %get3A_42] : memref<128x128xf32, #tpu.memory_space<vmem>>, vector<128x128xf32>
    %dot_general3A_44 = arith.constant dense<0.000000e+00> : vector<2000x128xf32>
    %dot_general3A_45 = tpu.matmul %max3A_40, %get3A_43, %dot_general3A_44 {dimension_numbers = #tpu.dot_dimension_numbers<[1], [0], [0], [1], [0, 0, 1, 1], [], []>, transpose_lhs_hint = false} : vector<2000x128xf32>, vector<128x128xf32>, vector<2000x128xf32> -> vector<2000x128xf32>
    %get3A_46 = arith.constant 0 : index
    %get3A_47 = arith.constant 0 : index
    %get3A_48 = vector.load %arg8[%get3A_46, %get3A_47] : memref<1x128xf32, #tpu.memory_space<vmem>>, vector<1x128xf32>
    %add3A_49 = vector.broadcast %get3A_48 : vector<1x128xf32> to vector<2000x128xf32>
    %add3A_50 = arith.addf %dot_general3A_45, %add3A_49 : vector<2000x128xf32>
    %max3A_51 = arith.constant 0.000000e+00 : f32
    %max3A_52 = vector.broadcast %max3A_51 : f32 to vector<2000x128xf32>
    %max3A_53 = arith.maximumf %add3A_50, %max3A_52 : vector<2000x128xf32>
    %get3A_54 = arith.constant 0 : index
    %get3A_55 = arith.constant 0 : index
    %get3A_56 = vector.load %arg9[%get3A_54, %get3A_55] : memref<128x128xf32, #tpu.memory_space<vmem>>, vector<128x128xf32>
    %dot_general3A_57 = arith.constant dense<0.000000e+00> : vector<2000x128xf32>
    %dot_general3A_58 = tpu.matmul %max3A_53, %get3A_56, %dot_general3A_57 {dimension_numbers = #tpu.dot_dimension_numbers<[1], [0], [0], [1], [0, 0, 1, 1], [], []>, transpose_lhs_hint = false} : vector<2000x128xf32>, vector<128x128xf32>, vector<2000x128xf32> -> vector<2000x128xf32>
    %get3A_59 = arith.constant 0 : index
    %get3A_60 = arith.constant 0 : index
    %get3A_61 = vector.load %arg10[%get3A_59, %get3A_60] : memref<1x128xf32, #tpu.memory_space<vmem>>, vector<1x128xf32>
    %add3A_62 = vector.broadcast %get3A_61 : vector<1x128xf32> to vector<2000x128xf32>
    %add3A_63 = arith.addf %dot_general3A_58, %add3A_62 : vector<2000x128xf32>
    %get3A_64 = arith.constant 0 : index
    %get3A_65 = arith.constant 0 : index
    %get3A_66 = vector.load %arg11[%get3A_64, %get3A_65] : memref<128x128xf32, #tpu.memory_space<vmem>>, vector<128x128xf32>
    %dot_general3A_67 = arith.constant dense<0.000000e+00> : vector<2000x128xf32>
    %dot_general3A_68 = tpu.matmul %add3A_63, %get3A_66, %dot_general3A_67 {dimension_numbers = #tpu.dot_dimension_numbers<[1], [0], [0], [1], [0, 0, 1, 1], [], []>, transpose_lhs_hint = false} : vector<2000x128xf32>, vector<128x128xf32>, vector<2000x128xf32> -> vector<2000x128xf32>
    %get3A_69 = arith.constant 0 : index
    %get3A_70 = arith.constant 0 : index
    %get3A_71 = vector.load %arg12[%get3A_69, %get3A_70] : memref<1x128xf32, #tpu.memory_space<vmem>>, vector<1x128xf32>
    %add3A_72 = vector.broadcast %get3A_71 : vector<1x128xf32> to vector<2000x128xf32>
    %add3A_73 = arith.addf %dot_general3A_68, %add3A_72 : vector<2000x128xf32>
    %max3A_74 = arith.constant 0.000000e+00 : f32
    %max3A_75 = vector.broadcast %max3A_74 : f32 to vector<2000x128xf32>
    %max3A_76 = arith.maximumf %add3A_73, %max3A_75 : vector<2000x128xf32>
    %get3A_77 = arith.constant 0 : index
    %get3A_78 = arith.constant 0 : index
    %get3A_79 = vector.load %arg13[%get3A_77, %get3A_78] : memref<128x128xf32, #tpu.memory_space<vmem>>, vector<128x128xf32>
    %dot_general3A_80 = arith.constant dense<0.000000e+00> : vector<2000x128xf32>
    %dot_general3A_81 = tpu.matmul %max3A_76, %get3A_79, %dot_general3A_80 {dimension_numbers = #tpu.dot_dimension_numbers<[1], [0], [0], [1], [0, 0, 1, 1], [], []>, transpose_lhs_hint = false} : vector<2000x128xf32>, vector<128x128xf32>, vector<2000x128xf32> -> vector<2000x128xf32>
    %get3A_82 = arith.constant 0 : index
    %get3A_83 = arith.constant 0 : index
    %get3A_84 = vector.load %arg14[%get3A_82, %get3A_83] : memref<1x128xf32, #tpu.memory_space<vmem>>, vector<1x128xf32>
    %add3A_85 = vector.broadcast %get3A_84 : vector<1x128xf32> to vector<2000x128xf32>
    %add3A_86 = arith.addf %dot_general3A_81, %add3A_85 : vector<2000x128xf32>
    %max3A_87 = arith.constant 0.000000e+00 : f32
    %max3A_88 = vector.broadcast %max3A_87 : f32 to vector<2000x128xf32>
    %max3A_89 = arith.maximumf %add3A_86, %max3A_88 : vector<2000x128xf32>
    %get3A_90 = arith.constant 0 : index
    %get3A_91 = arith.constant 0 : index
    %get3A_92 = vector.load %arg15[%get3A_90, %get3A_91] : memref<128x3xf32, #tpu.memory_space<vmem>>, vector<128x3xf32>
    %dot_general3A_93 = arith.constant dense<0.000000e+00> : vector<2000x3xf32>
    %dot_general3A_94 = tpu.matmul %max3A_89, %get3A_92, %dot_general3A_93 {dimension_numbers = #tpu.dot_dimension_numbers<[1], [0], [0], [1], [0, 0, 1, 1], [], []>, transpose_lhs_hint = false} : vector<2000x128xf32>, vector<128x3xf32>, vector<2000x3xf32> -> vector<2000x3xf32>
    %get3A_95 = arith.constant 0 : index
    %get3A_96 = arith.constant 0 : index
    %get3A_97 = vector.load %arg16[%get3A_95, %get3A_96] : memref<1x3xf32, #tpu.memory_space<vmem>>, vector<1x3xf32>
    %add3A_98 = vector.broadcast %get3A_97 : vector<1x3xf32> to vector<2000x3xf32>
    %add3A_99 = arith.addf %dot_general3A_94, %add3A_98 : vector<2000x3xf32>
    %swap3A = arith.constant 0 : index
    %swap3A_100 = arith.constant 0 : index
    %swap3A_101 = vector.load %arg17[%swap3A, %swap3A_100] : memref<2000x3xf32, #tpu.memory_space<vmem>>, vector<2000x3xf32>
    tpu.vector_store %arg17[%swap3A, %swap3A_100], %add3A_99 {strides = array<i32>} : memref<2000x3xf32, #tpu.memory_space<vmem>>, vector<2000x3xf32>,
    return
  }
  func.func @transform_0(%arg0: i32) -> (i32, i32) {
    %c0_i32 = arith.constant 0 : i32
    %c0_i32_0 = arith.constant 0 : i32
    return %arg0, %c0_i32 : i32, i32
  }
  func.func @transform_1(%arg0: i32) -> (i32, i32, i32) {
    %c0_i32 = arith.constant 0 : i32
    %c0_i32_0 = arith.constant 0 : i32
    %c0_i32_1 = arith.constant 0 : i32
    return %c0_i32, %arg0, %c0_i32_0 : i32, i32, i32
  }
  func.func @transform_2(%arg0: i32) -> (i32, i32, i32) {
    %c0_i32 = arith.constant 0 : i32
    %c0_i32_0 = arith.constant 0 : i32
    %c0_i32_1 = arith.constant 0 : i32
    return %c0_i32, %arg0, %c0_i32_0 : i32, i32, i32
  }
  func.func @transform_3(%arg0: i32) -> (i32, i32) {
    %c0_i32 = arith.constant 0 : i32
    %c0_i32_0 = arith.constant 0 : i32
    %c0_i32_1 = arith.constant 0 : i32
    return %c0_i32, %c0_i32_0 : i32, i32
  }
  func.func @transform_4(%arg0: i32) -> (i32, i32) {
    %c0_i32 = arith.constant 0 : i32
    %c0_i32_0 = arith.constant 0 : i32
    %c0_i32_1 = arith.constant 0 : i32
    return %c0_i32, %c0_i32_0 : i32, i32
  }
  func.func @transform_5(%arg0: i32) -> (i32, i32) {
    %c0_i32 = arith.constant 0 : i32
    %c0_i32_0 = arith.constant 0 : i32
    %c0_i32_1 = arith.constant 0 : i32
    return %c0_i32, %c0_i32_0 : i32, i32
  }
  func.func @transform_6(%arg0: i32) -> (i32, i32) {
    %c0_i32 = arith.constant 0 : i32
    %c0_i32_0 = arith.constant 0 : i32
    %c0_i32_1 = arith.constant 0 : i32
    return %c0_i32, %c0_i32_0 : i32, i32
  }
  func.func @transform_7(%arg0: i32) -> (i32, i32) {
    %c0_i32 = arith.constant 0 : i32
    %c0_i32_0 = arith.constant 0 : i32
    %c0_i32_1 = arith.constant 0 : i32
    return %c0_i32, %c0_i32_0 : i32, i32
  }
  func.func @transform_8(%arg0: i32) -> (i32, i32) {
    %c0_i32 = arith.constant 0 : i32
    %c0_i32_0 = arith.constant 0 : i32
    %c0_i32_1 = arith.constant 0 : i32
    return %c0_i32, %c0_i32_0 : i32, i32
  }
  func.func @transform_9(%arg0: i32) -> (i32, i32) {
    %c0_i32 = arith.constant 0 : i32
    %c0_i32_0 = arith.constant 0 : i32
    %c0_i32_1 = arith.constant 0 : i32
    return %c0_i32, %c0_i32_0 : i32, i32
  }
  func.func @transform_10(%arg0: i32) -> (i32, i32) {
    %c0_i32 = arith.constant 0 : i32
    %c0_i32_0 = arith.constant 0 : i32
    %c0_i32_1 = arith.constant 0 : i32
    return %c0_i32, %c0_i32_0 : i32, i32
  }
  func.func @transform_11(%arg0: i32) -> (i32, i32) {
    %c0_i32 = arith.constant 0 : i32
    %c0_i32_0 = arith.constant 0 : i32
    %c0_i32_1 = arith.constant 0 : i32
    return %c0_i32, %c0_i32_0 : i32, i32
  }
  func.func @transform_12(%arg0: i32) -> (i32, i32) {
    %c0_i32 = arith.constant 0 : i32
    %c0_i32_0 = arith.constant 0 : i32
    %c0_i32_1 = arith.constant 0 : i32
    return %c0_i32, %c0_i32_0 : i32, i32
  }
  func.func @transform_13(%arg0: i32) -> (i32, i32) {
    %c0_i32 = arith.constant 0 : i32
    %c0_i32_0 = arith.constant 0 : i32
    %c0_i32_1 = arith.constant 0 : i32
    return %c0_i32, %c0_i32_0 : i32, i32
  }
  func.func @transform_14(%arg0: i32) -> (i32, i32) {
    %c0_i32 = arith.constant 0 : i32
    %c0_i32_0 = arith.constant 0 : i32
    %c0_i32_1 = arith.constant 0 : i32
    return %c0_i32, %c0_i32_0 : i32, i32
  }
  func.func @transform_15(%arg0: i32) -> (i32, i32) {
    %c0_i32 = arith.constant 0 : i32
    %c0_i32_0 = arith.constant 0 : i32
    %c0_i32_1 = arith.constant 0 : i32
    return %c0_i32, %c0_i32_0 : i32, i32
  }
  func.func @transform_16(%arg0: i32) -> (i32, i32) {
    %c0_i32 = arith.constant 0 : i32
    %c0_i32_0 = arith.constant 0 : i32
    return %arg0, %c0_i32 : i32, i32
  }
}

</mosaic_0001>

<sc_bundles>
// kernel: kernel.19.cloned.1.call-start
scs
__scs_entry_jumppad:
0x0: {  	(pc) =	sbr.rel $0x88, $3  }
0x1: {  	(tag) =	ssettag $0x0;
	lr =	simm.s32 $0x1  }
0x2: {  	[smem:$0x3F74] =	sst lr;
	_ =	strace $0xD0000000  }
0x3: {  	_ = 	snop  }
0x4: {  	_ = 	snop  }
0x5: {  	_ = 	snop  }
0x6: {  	_ = 	snop  }
0x7: {  	_ = 	snop  }
__scs_overlays_trampoline_lowered:
0x8: {  	[smem:$0x3F83] =	sst s0  }
0x9: {  	[smem:$0x3F84] =	sst s1  }
0xa: {  	[smem:$0x3F85] =	sst s2  }
0xb: {  	[smem:$0x3F86] =	sst s3  }
0xc: {  	[smem:$0x3F87] =	sst s4  }
0xd: {  	[smem:$0x3F88] =	sst s5  }
0xe: {  	[smem:$0x3F89] =	sst s6  }
0xf: {  	[smem:$0x3F8A] =	sst s7  }
0x10: {  	[smem:$0x3F8B] =	sst s8  }
0x11: {  	[smem:$0x3F8C] =	sst s9;
	s0 =	simm.s32 @!p0 $0x0  }
0x12: {  	s1 =	sld [smem:$0x3F72];
	s0 =	simm.s32 @p0 $0x1  }
0x13: {  	[smem:$0x3F8D] =	sst s0;
	s0 =	simm.s32 @!p1 $0x0  }
0x14: {  	s2 =	sld [smem:$0x3F71];
	s0 =	simm.s32 @p1 $0x1  }
0x15: {  	[smem:$0x3F8E] =	sst s0;
	s0 =	simm.s32 @!p2 $0x0  }
0x16: {  	s3 =	sld [smem:$0x3FDB];
	s0 =	simm.s32 @p2 $0x1  }
0x17: {  	s4 =	simm.s32 $0x1BF5;
	[smem:$0x3F90] =	sst s0  }
0x18: {  	s0 =	sld [smem:$0x3F73];
	_ =	swait.ge [sflag:s4], $0x0  }
0x19: {  	s7 =	sld [smem:$0x3F74]  }
0x1a: {  	s8 =	sadd.s32 $0xFFFFE003, lr  }
0x1b: {  	s9 =	sadd.s32 $0xFFFFFEF7, lr;
	s5 =	simm.s32 $0xFFFFFFFF;
	p2 =	slt.u32 s8, $0xFFFFF086  }
0x1c: {  	p1 =	slt.u32 s9, $0xF7A;
	s5 =	simm.s32 @!p2 $0x0  }
0x1d: {  	s5 =	simm.s32 @p1 $0x1;
	p0 =	seq.s32 s7, s2  }
0x1e: {  	s7 =	smul.u32 @!p0 $0xF7A, s2;
	p2 =	seq.s32 @!p0 s5, $0x0  }
0x1f: {  	s9 =	smul.u32 $0xF7A, s1;
	s8 =	simm.s32 @!p0 $0x1BF5;
	p2 =	por !p2, p0  }
0x20: {  	[sflag:s8] =	ssyncset.s32 @!p0 $0xFFFFF086;
	s6 =	sadd.s32 @!p0 s3, s7;
	s7 =	simm.s32 @!p0 $0x108  }
0x21: {  	s3 =	sadd.s32 s3, s9;
	s6 =	sadd.s32 @!p0 $0x88, s6;
	s7 =	simm.s32 @p2 $0x1082  }
0x22: {  	[simem:s7], [sflag:s8] =	dma.local @!p0 [hbm:s6], $0xF7A  }
0x23: {  	s9 =	sor.u32 $0xD0000000, s2;
	s6 =	simm.s32 $0x108;
	_ =	swait.ge @!p0 [sflag:s8], $0x0  }
0x24: {  	s3 =	sadd.s32 $0x88, s3;
	s6 =	simm.s32 @!p1 $0x1082;
	[sflag:s4] =	ssyncset.s32 $0xFFFFF086  }
0x25: {  	[simem:s6], [sflag:s4] =	dma.local [hbm:s3], $0xF7A  }
0x26: {  	[smem:$0x3F74] =	sst s1;
	(tag) =	ssettag s2;
	_ =	strace s9  }
0x27: {  	s1 =	sld [smem:$0x3F84]  }
0x28: {  	s2 =	sld [smem:$0x3F85]  }
0x29: {  	s4 =	sld [smem:$0x3F87]  }
0x2a: {  	p0 =	seq.s32 s5, $0x0;
	s5 =	sld [smem:$0x3F88]  }
0x2b: {  	s6 =	sld [smem:$0x3F89]  }
0x2c: {  	s7 =	sld [smem:$0x3F8A]  }
0x2d: {  	s3 =	simm.s32 $0x108;
	s8 =	sld [smem:$0x3F8B]  }
0x2e: {  	s3 =	simm.s32 @!p0 $0x1082;
	s9 =	sld [smem:$0x3F8C]  }
0x2f: {  	lr =	sadd.s32 s0, s3;
	s0 =	sld [smem:$0x3F83]  }
0x30: {  	s3 =	sld [smem:$0x3F86]  }
0x31: {  	[smem:$0x3F8F] =	sst s10  }
0x32: {  	s10 =	sld [smem:$0x3F8D];
	_ =	sdelay $0x3  }
0x33: {  	p0 =	seq.s32 s10, $0x1;
	s10 =	sld [smem:$0x3F8F];
	_ =	sdelay $0x3  }
0x34: {  	[smem:$0x3F8F] =	sst s10  }
0x35: {  	s10 =	sld [smem:$0x3F8E];
	_ =	sdelay $0x3  }
0x36: {  	p1 =	seq.s32 s10, $0x1;
	s10 =	sld [smem:$0x3F8F];
	_ =	sdelay $0x3  }
0x37: {  	[smem:$0x3F8F] =	sst s10  }
0x38: {  	s10 =	sld [smem:$0x3F90]  }
0x39: {  	_ = 	snop;
	(pc) =	sbr.ind lr, $3  }
0x3a: {  	_ = 	snop  }
0x3b: {  	_ = 	snop  }
0x3c: {  	p2 =	seq.s32 s10, $0x1;
	s10 =	sld [smem:$0x3F8F]  }
0x3d: {  	_ =	shalt  }
0x3e: {  	_ =	shalt  }
0x3f: {  	_ =	shalt  }
0x40: {  	_ =	shalt  }
0x41: {  	_ =	shalt  }
0x42: {  	_ =	shalt  }
0x43: {  	_ =	shalt  }
0x44: {  	_ =	shalt  }
0x45: {  	_ =	shalt  }
0x46: {  	_ =	shalt  }
0x47: {  	_ =	shalt  }
0x48: {  	_ =	shalt  }
0x49: {  	_ =	shalt  }
0x4a: {  	_ =	shalt  }
0x4b: {  	_ =	shalt  }
0x4c: {  	_ =	shalt  }
0x4d: {  	_ =	shalt  }
0x4e: {  	_ =	shalt  }
0x4f: {  	_ =	shalt  }
0x50: {  	_ =	shalt  }
0x51: {  	_ =	shalt  }
0x52: {  	_ =	shalt  }
0x53: {  	_ =	shalt  }
0x54: {  	_ =	shalt  }
0x55: {  	_ =	shalt  }
0x56: {  	_ =	shalt  }
0x57: {  	_ =	shalt  }
0x58: {  	_ =	shalt  }
0x59: {  	_ =	shalt  }
0x5a: {  	_ =	shalt  }
0x5b: {  	_ =	shalt  }
0x5c: {  	_ =	shalt  }
0x5d: {  	_ =	shalt  }
0x5e: {  	_ =	shalt  }
0x5f: {  	_ =	shalt  }
0x60: {  	_ =	shalt  }
0x61: {  	_ =	shalt  }
0x62: {  	_ =	shalt  }
0x63: {  	_ =	shalt  }
0x64: {  	_ =	shalt  }
0x65: {  	_ =	shalt  }
0x66: {  	_ =	shalt  }
0x67: {  	_ =	shalt  }
0x68: {  	_ =	shalt  }
0x69: {  	_ =	shalt  }
0x6a: {  	_ =	shalt  }
0x6b: {  	_ =	shalt  }
0x6c: {  	_ =	shalt  }
0x6d: {  	_ =	shalt  }
0x6e: {  	_ =	shalt  }
0x6f: {  	_ =	shalt  }
0x70: {  	_ =	shalt  }
0x71: {  	_ =	shalt  }
0x72: {  	_ =	shalt  }
0x73: {  	_ =	shalt  }
0x74: {  	_ =	shalt  }
0x75: {  	_ =	shalt  }
0x76: {  	_ =	shalt  }
0x77: {  	_ =	shalt  }
0x78: {  	_ =	shalt  }
0x79: {  	_ =	shalt  }
0x7a: {  	_ =	shalt  }
0x7b: {  	_ =	shalt  }
0x7c: {  	_ =	shalt  }
0x7d: {  	_ =	shalt  }
0x7e: {  	_ =	shalt  }
0x7f: {  	_ =	shalt  }
0x80: {  	_ =	shalt  }
0x81: {  	_ =	shalt  }
0x82: {  	_ =	shalt  }
0x83: {  	_ =	shalt  }
0x84: {  	_ =	shalt  }
0x85: {  	_ =	shalt  }
0x86: {  	_ =	shalt  }
0x87: {  	_ =	shalt  }
.Lfunc_end0:
.L_simem_size_0:
called_computation_lowered:
.L_overlay_start_0:
0x88: {  	s2 =	sld [smem:$0x3FD9]  }
0x89: {  	s3 =	sld [smem:$0x3FFE];
	_ =	sdelay $0x1  }
0x8a: {  	s1 =	srdreg.scid  }
0x8b: {  	s0 =	sand.u32 $0x1, s1  }
0x8c: {  	s16 =	sshll.u32 s0, $0xA;
	s2 =	sadd.s32 s3, s2  }
0x8d: {  	s2 =	sadd.s32 s2, s16  }
0x8e: {  	[smem:$0x3F9B] =	sst s2  }
0x8f: {  	_ = 	snop  }
0x90: {  	(tm) =	ssettm $0x1  }
0x91: {  	s17 =	sld [smem:$0x3FFB];
	_ =	sdelay $0x3  }
0x92: {  	_ =	strace s17  }
0x93: {  	s2 =	sld [smem:$0x3FFC];
	_ =	sdelay $0x3  }
0x94: {  	_ =	strace s2  }
0x95: {  	s2 =	sld [smem:$0x3FFD];
	_ =	sdelay $0x3  }
0x96: {  	_ =	strace s2  }
0x97: {  	_ =	strace $0x8FFFFFFF  }
0x98: {  	s18 =	sld [smem:$0x3FDB];
	_ =	sdelay $0x1  }
0x99: {  	s19 =	simm.s32 $_scs_section_size  }
0x9a: {  	s4 =	simm.s32 $_size__tile_overlayer_lowered;
	s5 =	simm.s32 $_tile_overlayer_lowered  }
0x9b: {  	s22 =	simm.s32 $0x1BFF;
	s21 =	sshll.u32 s5, $0x1;
	s2 =	sadd.s32 s19, s18  }
0x9c: {  	s6 =	simm.s32 $0x0;
	s20 =	sshll.u32 s4, $0x1;
	s4 =	sadd.s32 s21, s2  }
0x9d: {  	[timem:s6], [sflag:s22] =	dma.local [hbm:s4], s20  }
0x9e: {  	_ =	swait.ge [sflag:s22], s20  }
0x9f: {  	s3 =	ssub.s32 $0x0, s20;
	[sflag:s22] =	ssyncset.done $0x0  }
0xa0: {  	[sflag:s22] =	ssyncadd.s32 s3;
	_ =	sdelay $0x1  }
0xa1: {  	s23 =	simm.s32 $0x1B8B  }
0xa2: {  	_ =	swait.ge [sflag:s23], $0x1  }
0xa3: {  	[sflag:s23] =	ssyncset.done $0x0  }
0xa4: {  	s25 =	simm.s32 $0x1B8E;
	s24 =	sld [smem:$0x3FFE];
	[sflag:s23] =	ssyncadd.s32 $0xFFFFFFFF  }
0xa5: {  	s26 =	simm.s32 $execute0_lowered;
	[smem:$0x3FD2] =	sst s25  }
0xa6: {  	s4 =	sshll.u32 s26, $0x1;
	_ =	strace $0x80000046;
	[dreg:$0x1] =	wrdreg $0xFFFFFFFF  }
0xa7: {  	s28 =	simm.s32 $_size_execute0_lowered;
	s2 =	sadd.s32 s2, s4;
	[dreg:$0x0] =	wrdreg $0x0  }
0xa8: {  	s4 =	sshll.u32 s28, $0x1;
	[dreg:$0x2] =	wrdreg s2  }
0xa9: {  	[dreg:$0x3] =	wrdreg s4  }
0xaa: {  	[dreg:$0x4] =	wrdreg $0xC0  }
0xab: {  	_ =	task [dreg:s6], $0x5FFFF  }
0xac: {  	[dreg:$0x1] =	wrdreg $0xFFFFFFFF  }
0xad: {  	[dreg:$0x0] =	wrdreg $0x60  }
0xae: {  	[dreg:$0x2] =	wrdreg s24  }
0xaf: {  	[dreg:$0x3] =	wrdreg $0xA  }
0xb0: {  	_ =	task.clear_ibuf [dreg:s6], $0x4FFFF;
	_ =	strace $0x90000046  }
0xb1: {  	s29 =	simm.s32 $0xA;
	_ =	strace $0x80000048  }
0xb2: {  	_ =	swait.ge [sflag:s29], $0x1  }
0xb3: {  	[sflag:s29] =	ssyncadd.s32 $0xFFFFFFFF  }
0xb4: {  	_ =	strace $0x90000048  }
0xb5: {  	_ =	sfence  }
0xb6: {  	s30 =	sld [smem:$0x0];
	_ =	sdelay $0x2  }
0xb7: {  	s31 =	sshll.u32 s1, $0xD;
	s1 =	sshrl.u32 s1, $0x2  }
0xb8: {  	s3 =	sand.u32 $0x4000, s31;
	s1 =	sadd.s32 s1, s30  }
0xb9: {  	s0 =	sor.u32 s3, s0;
	s1 =	sshll.u32 s1, $0x11  }
0xba: {  	s0 =	sor.u32 s1, s0  }
0xbb: {  	s0 =	sadd.s32 $0x8F2B, s0  }
0xbc: {  	[sflag:s0] =	ssyncadd.remote.s32 $0x1  }
0xbd: {  	_ =	sfence.sel $0xFFFF  }
0xbe: {  	[dreg:$0x0] =	wrdreg $0xFFFFFFFF;
	(pc) =	sbr.abs _section_cstart, $3  }
0xbf: {  	[dreg:$0x1] =	wrdreg $0xFFFFFFFF  }
0xc0: {  	_ =	task.clear_ibuf [dreg:s6], $0x2FFFF;
	_ =	strace $0x9FFFFFFF  }
0xc1: {  	(tm) =	ssettm $0x7FFFFFFF  }
tec
execute0_lowered:
.L_overlay_start_1:
0x0: {  	(tag) =	ssettag $0x1  }
0x1: {  	s5 =	rddreg [dreg:$0x0]  }
0x2: {  	s0 =	rddreg [dreg:$0x1];
	s3 =	srdreg.scid  }
0x3: {  	s1 =	stileid.u32;
	s2 =	simm.s32 $0x0;
	s11 =	simm.s32 $0x1400  }
0x4: {  	s12 =	simm.s32 $0x80;
	s13 =	simm.s32 $0x2800;
	s14 =	simm.s32 $0xA800  }
0x5: {  	s15 =	simm.s32 $0x1;
	s16 =	simm.s32 $0x6800;
	s17 =	simm.s32 $0xE800  }
0x6: {  	s18 =	simm.s32 $0x12800;
	s19 =	simm.s32 $0x2;
	s20 =	simm.s32 $0x16800  }
0x7: {  	s21 =	simm.s32 $0x3;
	s22 =	simm.s32 $0x4;
	s23 =	simm.s32 $0x0  }
0x8: {  	s3 =	sand.u32 $0x1, s3;
	s4 =	sshll.u32 s1, $0x1;
	[smem:$0x7FF] =	sst s2  }
0x9: {  	s8 =	sor.u32 s3, s4;
	_ =	strace $0x80000047;
	s7 =	ssub.s32 $0x2, s3  }
0xa: {  	s3 =	sadd.s32 $0x15600, s5;
	s6 =	smul.u32 $0x280, s8;
	s9 =	sshrl.u32 s7, $0x1  }
0xb: {  	s4 =	sadd.s32 $0x3C800, s5;
	s8 =	smul.u32 $0xA0000, s8;
	s9 =	ssub.s32 s7, s9  }
0xc: {  	s10 =	sadd.s32 s6, s5;
	s5 =	sadd.s32 $0x8AC00, s5;
	s9 =	smax.u32 s9, $0x1  }
0xd: {  	s6 =	sadd.s32 $0x10600, s10;
	s7 =	sadd.s32 $0xB600, s10;
	s10 =	simm.s32 $0x5  }
.LBB2_1:
0xe: {  	[tilespmem:s2], [sflag:$0x5] =	stream.linear.gather [hbm4b:s6+s2], $0x1400, $0x38;
	[tilespmem:$0x1A800] =	vst v63  }
0xf: {  	_ =	swait.ge [sflag:s10], $0x1400  }
0x10: {  	[sflag:s10] =	ssyncset.done $0x0  }
0x11: {  	[sflag:s10] =	ssyncadd.s32 $0xFFFFEC00  }
0x12: {  	[tilespmem:s11], [sflag:$0x5] =	stream.linear.gather [hbm4b:s7+s2], $0x1400, $0x38;
	[tilespmem:$0x1A800] =	vst v63  }
0x13: {  	_ =	swait.ge [sflag:s10], $0x1400  }
0x14: {  	[sflag:s10] =	ssyncset.done $0x0  }
0x15: {  	[sflag:s10] =	ssyncadd.s32 $0xFFFFEC00  }
0x16: {  	[tilespmem:s13], [sflag:$0x1] =	stream.indirect.gather [hbm4b:s3+s12], $0x80, s2, s12, $0xb8;
	[tilespmem:$0x1A800] =	vst v63  }
0x17: {  	s24 =	simm.s32 $0x0  }
0x18: {  	[tilespmem:s14], [sflag:$0x1] =	stream.indirect.gather [hbm4b:s4+s12], $0x80, s11, s12, $0xb8;
	[tilespmem:$0x1A800] =	vst v63  }
.LBB2_2:
0x19: {  	_ =	swait.ge [sflag:s15], $0x4000  }
0x1a: {  	[sflag:s15] =	ssyncset.done $0x0  }
0x1b: {  	[sflag:s15] =	ssyncadd.s32 $0xFFFFC000  }
0x1c: {  	_ =	swait.ge [sflag:s15], $0x4000  }
0x1d: {  	s25 =	sshllo.u32 s24, $0x1;
	[sflag:s15] =	ssyncset.done $0x0  }
0x1e: {  	s26 =	sshll.u32 s25, $0x7;
	[sflag:s15] =	ssyncadd.s32 $0xFFFFC000  }
0x1f: {  	[tilespmem:s16], [sflag:$0x2] =	stream.indirect.gather [hbm4b:s3+s12], $0x80, s26, s12, $0xb8;
	[tilespmem:$0x1A800] =	vst v63  }
0x20: {  	p0 =	seq.s32 s24, $0x0;
	s26 =	sadd.s32 $0x1400, s26  }
0x21: {  	[tilespmem:s17], [sflag:$0x2] =	stream.indirect.gather [hbm4b:s4+s12], $0x80, s26, s12, $0xb8;
	[tilespmem:$0x1A800] =	vst v63  }
0x22: {  	s26 =	simm.s32 @!p0 $0x3  }
0x23: {  	_ =	swait.ge @!p0 [sflag:s26], $0x4000  }
0x24: {  	[sflag:s26] =	ssyncset.done @!p0 $0x0  }
0x25: {  	[sflag:s26] =	ssyncadd.s32 @!p0 $0xFFFFC000;
	s26 =	simm.s32 $0x0  }
0x26: {  	v0 =	vld [tilespmem:s26+$0x2870]  }
0x27: {  	v1 =	vld [tilespmem:s26+$0xA870]  }
0x28: {  	v2 =	vld [tilespmem:s26+$0x2800]  }
0x29: {  	v3 =	vld [tilespmem:s26+$0xA800]  }
0x2a: {  	v4 =	vld [tilespmem:s26+$0x2810]  }
0x2b: {  	v5 =	vld [tilespmem:s26+$0xA810]  }
0x2c: {  	v6 =	vld [tilespmem:s26+$0x2820]  }
0x2d: {  	v7 =	vld [tilespmem:s26+$0x2830]  }
0x2e: {  	v0 =	vadd.f32 v1, v0;
	v1 =	vld [tilespmem:s26+$0xA820]  }
0x2f: {  	v8 =	vld [tilespmem:s26+$0xA830]  }
0x30: {  	v9 =	vld [tilespmem:s26+$0xA840];
	v2 =	vadd.f32 v3, v2  }
0x31: {  	[tilespmem:s26+$0x12870] =	vst v0;
	v0 =	vadd.f32 v5, v4;
	v5 =	vld [tilespmem:s26+$0x2840]  }
0x32: {  	v3 =	vld [tilespmem:s26+$0xA850];
	[tilespmem:s26+$0x12800] =	vst v2  }
0x33: {  	v2 =	vld [tilespmem:s26+$0x2850];
	[tilespmem:s26+$0x12810] =	vst v0;
	v0 =	vadd.f32 v1, v6  }
0x34: {  	v4 =	vld [tilespmem:s26+$0xA860];
	v6 =	vadd.f32 v8, v7  }
0x35: {  	s28 =	simm.s32 $0x80;
	[tilespmem:s26+$0x12820] =	vst v0;
	v0 =	vld [tilespmem:s26+$0x2860]  }
0x36: {  	s29 =	simm.s32 $0x400;
	v5 =	vadd.f32 v9, v5;
	v1 =	vld [tilespmem:s28+$0x2870];
	[tilespmem:s26+$0x12830] =	vst v6  }
.LBB2_3:
0x37: {  	p0 =	sne.s32 s29, $0xFE00;
	v6 =	vld [tilespmem:s28+$0xA870]  }
0x38: {  	v7 =	vld [tilespmem:s28+$0x2800];
	[tilespmem:s26+$0x12840] =	vst v5;
	v2 =	vadd.f32 v3, v2  }
0x39: {  	v3 =	vld [tilespmem:s28+$0xA800]  }
0x3a: {  	v5 =	vld [tilespmem:s28+$0x2810];
	[tilespmem:s26+$0x12850] =	vst v2;
	v0 =	vadd.f32 v4, v0  }
0x3b: {  	v2 =	vld [tilespmem:s28+$0xA810]  }
0x3c: {  	v4 =	vld [tilespmem:s28+$0x2820];
	v1 =	vadd.f32 v6, v1;
	[tilespmem:s26+$0x12860] =	vst v0;
	s26 =	smov.u32 s28  }
0x3d: {  	v0 =	vld [tilespmem:s26+$0xA820]  }
0x3e: {  	v3 =	vadd.f32 v3, v7;
	v6 =	vld [tilespmem:s26+$0x2830];
	[tilespmem:s26+$0x12870] =	vst v1  }
0x3f: {  	v1 =	vld [tilespmem:s26+$0xA830]  }
0x40: {  	[tilespmem:s26+$0x12800] =	vst v3;
	v2 =	vadd.f32 v2, v5;
	v5 =	vld [tilespmem:s26+$0x2840]  }
0x41: {  	v7 =	vld [tilespmem:s26+$0xA840]  }
.Ltmp0:
0x42: {  	[tilespmem:s26+$0x12810] =	vst v2;
	v0 =	vadd.f32 v0, v4;
	v2 =	vld [tilespmem:s26+$0x2850];
	(pc) =	sbr.rel @p0 .LBB2_3-.Ltmp0, $4  }
0x43: {  	v3 =	vld [tilespmem:s26+$0xA850]  }
0x44: {  	[tilespmem:s26+$0x12820] =	vst v0;
	v6 =	vadd.f32 v1, v6;
	v0 =	vld [tilespmem:s26+$0x2860]  }
0x45: {  	s28 =	sshra.s32 s29, $0x2;
	v4 =	vld [tilespmem:s26+$0xA860]  }
0x46: {  	s29 =	sadd.s32 $0x200, s29;
	v1 =	vld [tilespmem:s28+$0x2870];
	[tilespmem:s26+$0x12830] =	vst v6;
	v5 =	vadd.f32 v7, v5  }
0x47: {  	v6 =	vld [tilespmem:s28+$0xA870]  }
0x48: {  	v7 =	vld [tilespmem:s28+$0x2800];
	[tilespmem:s26+$0x12840] =	vst v5;
	v2 =	vadd.f32 v3, v2  }
0x49: {  	v3 =	vld [tilespmem:s28+$0xA800]  }
0x4a: {  	v5 =	vld [tilespmem:s28+$0x2810];
	[tilespmem:s26+$0x12850] =	vst v2;
	v0 =	vadd.f32 v4, v0  }
0x4b: {  	v2 =	vld [tilespmem:s28+$0xA810]  }
0x4c: {  	v4 =	vld [tilespmem:s28+$0x2820];
	[tilespmem:s26+$0x12860] =	vst v0  }
0x4d: {  	v0 =	vadd.f32 v6, v1;
	v1 =	vld [tilespmem:s28+$0xA820]  }
0x4e: {  	v6 =	vld [tilespmem:s28+$0x2830]  }
0x4f: {  	v3 =	vadd.f32 v3, v7;
	[tilespmem:s28+$0x12870] =	vst v0;
	v0 =	vld [tilespmem:s28+$0xA830]  }
0x50: {  	v7 =	vld [tilespmem:s28+$0xA860]  }
0x51: {  	[tilespmem:s28+$0x12800] =	vst v3;
	v2 =	vadd.f32 v2, v5;
	v3 =	vld [tilespmem:s28+$0x2840]  }
0x52: {  	v5 =	vld [tilespmem:s28+$0xA840]  }
0x53: {  	[tilespmem:s28+$0x12810] =	vst v2;
	v1 =	vadd.f32 v1, v4;
	v2 =	vld [tilespmem:s28+$0x2850]  }
0x54: {  	v4 =	vld [tilespmem:s28+$0xA850]  }
0x55: {  	[tilespmem:s28+$0x12820] =	vst v1;
	v1 =	vld [tilespmem:s28+$0x2860];
	_ =	sdelay $0x1  }
0x56: {  	v0 =	vadd.f32 v0, v6  }
0x57: {  	v3 =	vadd.f32 v5, v3  }
0x58: {  	s31 =	sshll.u32 s24, $0xF;
	[tilespmem:s28+$0x12830] =	vst v0;
	v0 =	vadd.f32 v4, v2  }
0x59: {  	s26 =	sadd.s32 s8, s31;
	[tilespmem:s28+$0x12840] =	vst v3;
	v1 =	vadd.f32 v7, v1  }
0x5a: {  	s26 =	sshrl.u32 s26, $0x3;
	[tilespmem:s28+$0x12850] =	vst v0  }
0x5b: {  	s26 =	sadd.s32 s5, s26;
	[tilespmem:s28+$0x12860] =	vst v1  }
0x5c: {  	[hbm4b:s26+s2] =	stream.linear.scatter [tilespmem:s18], [sflag:$0x3], $0x4000, $0x38;
	[tilespmem:$0x1A800] =	vst v63  }
0x5d: {  	_ =	swait.ge [sflag:s19], $0x4000  }
0x5e: {  	[sflag:s19] =	ssyncset.done $0x0  }
0x5f: {  	[sflag:s19] =	ssyncadd.s32 $0xFFFFC000  }
0x60: {  	p0 =	seq.s32 s24, $0x13;
	_ =	swait.ge [sflag:s19], $0x4000  }
0x61: {  	s29 =	simm.s32 @!p0 $0x80;
	s26 =	sshll.u32 @!p0 s24, $0x8;
	[sflag:s19] =	ssyncset.done $0x0  }
0x62: {  	s30 =	simm.s32 @!p0 $0x2800;
	s28 =	sadd.s32 @!p0 $0x100, s26;
	[sflag:s19] =	ssyncadd.s32 $0xFFFFC000  }
0x63: {  	[tilespmem:s30], [sflag:$0x1] =	stream.indirect.gather @!p0 [hbm4b:s3+s29], $0x80, s28, s29, $0xb8;
	[tilespmem:$0x1A800] =	vst v63  }
0x64: {  	p1 =	seq.s32 @!p0 s24, $0x0;
	s26 =	sadd.s32 @!p0 $0x1500, s26;
	s28 =	simm.s32 @!p0 $0xA800  }
0x65: {  	[tilespmem:s28], [sflag:$0x1] =	stream.indirect.gather @!p0 [hbm4b:s4+s29], $0x80, s26, s29, $0xb8;
	[tilespmem:$0x1A800] =	vst v63  }
0x66: {  	p0 =	por p0, !p1  }
0x67: {  	_ =	swait.ge @p0 [sflag:s22], $0x4000  }
0x68: {  	[sflag:s22] =	ssyncset.done @p0 $0x0  }
0x69: {  	s26 =	simm.s32 $0x0;
	[sflag:s22] =	ssyncadd.s32 @p0 $0xFFFFC000  }
0x6a: {  	v0 =	vld [tilespmem:s26+$0x6870]  }
0x6b: {  	v1 =	vld [tilespmem:s26+$0xE870]  }
0x6c: {  	v2 =	vld [tilespmem:s26+$0x6800]  }
0x6d: {  	v3 =	vld [tilespmem:s26+$0xE800]  }
0x6e: {  	v4 =	vld [tilespmem:s26+$0x6810]  }
0x6f: {  	v5 =	vld [tilespmem:s26+$0xE810]  }
0x70: {  	v6 =	vld [tilespmem:s26+$0x6820]  }
0x71: {  	v7 =	vld [tilespmem:s26+$0x6830]  }
0x72: {  	v0 =	vadd.f32 v1, v0;
	v1 =	vld [tilespmem:s26+$0xE820]  }
0x73: {  	v8 =	vld [tilespmem:s26+$0xE830]  }
0x74: {  	v9 =	vld [tilespmem:s26+$0xE840];
	v2 =	vadd.f32 v3, v2  }
0x75: {  	[tilespmem:s26+$0x16870] =	vst v0;
	v0 =	vadd.f32 v5, v4;
	v5 =	vld [tilespmem:s26+$0x6840]  }
0x76: {  	v3 =	vld [tilespmem:s26+$0xE850];
	[tilespmem:s26+$0x16800] =	vst v2  }
0x77: {  	v2 =	vld [tilespmem:s26+$0x6850];
	[tilespmem:s26+$0x16810] =	vst v0;
	v0 =	vadd.f32 v1, v6  }
0x78: {  	v4 =	vld [tilespmem:s26+$0xE860];
	v6 =	vadd.f32 v8, v7  }
0x79: {  	s28 =	simm.s32 $0x80;
	[tilespmem:s26+$0x16820] =	vst v0;
	v0 =	vld [tilespmem:s26+$0x6860]  }
0x7a: {  	s29 =	simm.s32 $0x400;
	v5 =	vadd.f32 v9, v5;
	v1 =	vld [tilespmem:s28+$0x6870];
	[tilespmem:s26+$0x16830] =	vst v6  }
.LBB2_5:
0x7b: {  	p0 =	sne.s32 s29, $0xFE00;
	v6 =	vld [tilespmem:s28+$0xE870]  }
0x7c: {  	v7 =	vld [tilespmem:s28+$0x6800];
	[tilespmem:s26+$0x16840] =	vst v5;
	v2 =	vadd.f32 v3, v2  }
0x7d: {  	v3 =	vld [tilespmem:s28+$0xE800]  }
0x7e: {  	v5 =	vld [tilespmem:s28+$0x6810];
	[tilespmem:s26+$0x16850] =	vst v2;
	v0 =	vadd.f32 v4, v0  }
0x7f: {  	v2 =	vld [tilespmem:s28+$0xE810]  }
0x80: {  	v4 =	vld [tilespmem:s28+$0x6820];
	v1 =	vadd.f32 v6, v1;
	[tilespmem:s26+$0x16860] =	vst v0;
	s26 =	smov.u32 s28  }
0x81: {  	v0 =	vld [tilespmem:s26+$0xE820]  }
0x82: {  	v3 =	vadd.f32 v3, v7;
	v6 =	vld [tilespmem:s26+$0x6830];
	[tilespmem:s26+$0x16870] =	vst v1  }
0x83: {  	v1 =	vld [tilespmem:s26+$0xE830]  }
0x84: {  	[tilespmem:s26+$0x16800] =	vst v3;
	v2 =	vadd.f32 v2, v5;
	v5 =	vld [tilespmem:s26+$0x6840]  }
0x85: {  	v7 =	vld [tilespmem:s26+$0xE840]  }
.Ltmp1:
0x86: {  	[tilespmem:s26+$0x16810] =	vst v2;
	v0 =	vadd.f32 v0, v4;
	v2 =	vld [tilespmem:s26+$0x6850];
	(pc) =	sbr.rel @p0 .LBB2_5-.Ltmp1, $4  }
0x87: {  	v3 =	vld [tilespmem:s26+$0xE850]  }
0x88: {  	[tilespmem:s26+$0x16820] =	vst v0;
	v6 =	vadd.f32 v1, v6;
	v0 =	vld [tilespmem:s26+$0x6860]  }
0x89: {  	s28 =	sshra.s32 s29, $0x2;
	v4 =	vld [tilespmem:s26+$0xE860]  }
0x8a: {  	s29 =	sadd.s32 $0x200, s29;
	v1 =	vld [tilespmem:s28+$0x6870];
	[tilespmem:s26+$0x16830] =	vst v6;
	v5 =	vadd.f32 v7, v5  }
0x8b: {  	v6 =	vld [tilespmem:s28+$0xE870]  }
0x8c: {  	v7 =	vld [tilespmem:s28+$0x6800];
	[tilespmem:s26+$0x16840] =	vst v5;
	v2 =	vadd.f32 v3, v2  }
0x8d: {  	v51 =	vld [tilespmem:s28+$0xE800]  }
0x8e: {  	v5 =	vld [tilespmem:s28+$0x6810];
	[tilespmem:s26+$0x16850] =	vst v2;
	v0 =	vadd.f32 v4, v0  }
0x8f: {  	v2 =	vld [tilespmem:s28+$0xE810]  }
0x90: {  	v52 =	vld [tilespmem:s28+$0x6820];
	[tilespmem:s26+$0x16860] =	vst v0  }
0x91: {  	v54 =	vld [tilespmem:s28+$0xE820]  }
0x92: {  	v55 =	vld [tilespmem:s28+$0x6830]  }
0x93: {  	v56 =	vld [tilespmem:s28+$0xE830]  }
0x94: {  	v57 =	vld [tilespmem:s28+$0x6840]  }
0x95: {  	v58 =	vld [tilespmem:s28+$0xE840]  }
0x96: {  	v59 =	vld [tilespmem:s28+$0x6850]  }
0x97: {  	v53 =	vadd.f32 v6, v1;
	v60 =	vld [tilespmem:s28+$0xE850]  }
0x98: {  	v61 =	vld [tilespmem:s28+$0x6860];
	v3 =	vadd.f32 v51, v7  }
0x99: {  	v62 =	vld [tilespmem:s28+$0xE860];
	[tilespmem:s28+$0x16870] =	vst v53;
	v2 =	vadd.f32 v2, v5  }
0x9a: {  	[tilespmem:s28+$0x16800] =	vst v3;
	v1 =	vadd.f32 v54, v52  }
0x9b: {  	s24 =	sadd.s32 $0x1, s24;
	[tilespmem:s28+$0x16810] =	vst v2;
	v0 =	vadd.f32 v56, v55  }
0x9c: {  	p0 =	sne.s32 s24, $0x14;
	v3 =	vadd.f32 v58, v57;
	[tilespmem:s28+$0x16820] =	vst v1  }
.Ltmp2:
0x9d: {  	s25 =	sshll.u32 s25, $0xE;
	v63 =	vadd.f32 v60, v59;
	[tilespmem:s28+$0x16830] =	vst v0;
	(pc) =	sbr.rel @p0 .LBB2_2-.Ltmp2, $4  }
0x9e: {  	s25 =	sadd.s32 s8, s25;
	[tilespmem:s28+$0x16840] =	vst v3;
	v1 =	vadd.f32 v62, v61  }
0x9f: {  	s25 =	sshrl.u32 s25, $0x3;
	[tilespmem:s28+$0x16850] =	vst v63  }
0xa0: {  	s25 =	sadd.s32 s5, s25;
	[tilespmem:s28+$0x16860] =	vst v1  }
0xa1: {  	[hbm4b:s25+s2] =	stream.linear.scatter [tilespmem:s20], [sflag:$0x4], $0x4000, $0x38;
	[tilespmem:$0x1A800] =	vst v63  }
0xa2: {  	s23 =	sadd.s32 $0x1, s23  }
0xa3: {  	_ =	swait.ge [sflag:s21], $0x4000;
	p0 =	sne.s32 s23, s9  }
.Ltmp3:
0xa4: {  	[sflag:s21] =	ssyncset.done $0x0;
	(pc) =	sbr.rel @p0 .LBB2_1-.Ltmp3, $4  }
0xa5: {  	[sflag:s21] =	ssyncadd.s32 $0xFFFFC000  }
0xa6: {  	_ =	swait.ge [sflag:s22], $0x4000  }
0xa7: {  	[sflag:s22] =	ssyncset.done $0x0  }
0xa8: {  	[sflag:s22] =	ssyncadd.s32 $0xFFFFC000  }
0xa9: {  	_ =	sfence.sel $0x180000  }
0xaa: {  	[bflag:$0x0] =	sbarrier.arrive $0xFFFF  }
0xab: {  	p0 =	sne.s32 s1, $0x0;
	_ =	strace $0x90000047  }
0xac: {  	s0 =	sadd.s32 @!p0 $0x100000, s0;
	[bflag:$0x2] =	sbarrier.arrive $0xFFFF  }
0xad: {  	[sflag:s0] =	ssyncadd.tile.s32 @!p0 $0x1;
	_ =	shalt  }
.Lfunc_end2:
_tile_overlayer_lowered:
.L_overlay_start_2:
0xae: {  	(tag) =	ssettag $0x2  }
0xaf: {  	s0 =	rddreg [dreg:$0x0];
	s2 =	stileid.u32  }
0xb0: {  	s1 =	rddreg [dreg:$0x1];
	p0 =	sne.s32 s2, $0x0  }
0xb1: {  	s3 =	rddreg [dreg:$0x2];
	[bflag:$0x3] =	sbarrier.arrive $0xFFFF;
	s2 =	simm.s32 @!p0 $0x1C05  }
0xb2: {  	[timem:s3], [sflag:s2] =	dma.local @!p0 [hbm:s0], s1  }
0xb3: {  	s0 =	simm.s32 @!p0 $0x5  }
0xb4: {  	_ =	swait.ge @!p0 [sflag:s0], s1  }
0xb5: {  	s1 =	ssub.s32 @!p0 $0x0, s1;
	[sflag:s0] =	ssyncset.done @!p0 $0x0  }
0xb6: {  	[sflag:s0] =	ssyncadd.s32 @!p0 s1  }
0xb7: {  	[bflag:$0x3] =	sbarrier.arrive $0xFFFF  }
0xb8: {  	_ =	shalt  }

// kernel: kernel.22.cloned.1.call-start
scs
__scs_entry_jumppad:
0x0: {  	(pc) =	sbr.rel $0x88, $3  }
0x1: {  	(tag) =	ssettag $0x0;
	lr =	simm.s32 $0x1  }
0x2: {  	[smem:$0x3F74] =	sst lr;
	_ =	strace $0xD0000000  }
0x3: {  	_ = 	snop  }
0x4: {  	_ = 	snop  }
0x5: {  	_ = 	snop  }
0x6: {  	_ = 	snop  }
0x7: {  	_ = 	snop  }
__scs_overlays_trampoline_lowered:
0x8: {  	[smem:$0x3F83] =	sst s0  }
0x9: {  	[smem:$0x3F84] =	sst s1  }
0xa: {  	[smem:$0x3F85] =	sst s2  }
0xb: {  	[smem:$0x3F86] =	sst s3  }
0xc: {  	[smem:$0x3F87] =	sst s4  }
0xd: {  	[smem:$0x3F88] =	sst s5  }
0xe: {  	[smem:$0x3F89] =	sst s6  }
0xf: {  	[smem:$0x3F8A] =	sst s7  }
0x10: {  	[smem:$0x3F8B] =	sst s8  }
0x11: {  	[smem:$0x3F8C] =	sst s9;
	s0 =	simm.s32 @!p0 $0x0  }
0x12: {  	s1 =	sld [smem:$0x3F72];
	s0 =	simm.s32 @p0 $0x1  }
0x13: {  	[smem:$0x3F8D] =	sst s0;
	s0 =	simm.s32 @!p1 $0x0  }
0x14: {  	s2 =	sld [smem:$0x3F71];
	s0 =	simm.s32 @p1 $0x1  }
0x15: {  	[smem:$0x3F8E] =	sst s0;
	s0 =	simm.s32 @!p2 $0x0  }
0x16: {  	s3 =	sld [smem:$0x3FDB];
	s0 =	simm.s32 @p2 $0x1  }
0x17: {  	s4 =	simm.s32 $0x1BF5;
	[smem:$0x3F90] =	sst s0  }
0x18: {  	s0 =	sld [smem:$0x3F73];
	_ =	swait.ge [sflag:s4], $0x0  }
0x19: {  	s7 =	sld [smem:$0x3F74]  }
0x1a: {  	s8 =	sadd.s32 $0xFFFFE003, lr  }
0x1b: {  	s9 =	sadd.s32 $0xFFFFFEF7, lr;
	s5 =	simm.s32 $0xFFFFFFFF;
	p2 =	slt.u32 s8, $0xFFFFF086  }
0x1c: {  	p1 =	slt.u32 s9, $0xF7A;
	s5 =	simm.s32 @!p2 $0x0  }
0x1d: {  	s5 =	simm.s32 @p1 $0x1;
	p0 =	seq.s32 s7, s2  }
0x1e: {  	s7 =	smul.u32 @!p0 $0xF7A, s2;
	p2 =	seq.s32 @!p0 s5, $0x0  }
0x1f: {  	s9 =	smul.u32 $0xF7A, s1;
	s8 =	simm.s32 @!p0 $0x1BF5;
	p2 =	por !p2, p0  }
0x20: {  	[sflag:s8] =	ssyncset.s32 @!p0 $0xFFFFF086;
	s6 =	sadd.s32 @!p0 s3, s7;
	s7 =	simm.s32 @!p0 $0x108  }
0x21: {  	s3 =	sadd.s32 s3, s9;
	s6 =	sadd.s32 @!p0 $0x88, s6;
	s7 =	simm.s32 @p2 $0x1082  }
0x22: {  	[simem:s7], [sflag:s8] =	dma.local @!p0 [hbm:s6], $0xF7A  }
0x23: {  	s9 =	sor.u32 $0xD0000000, s2;
	s6 =	simm.s32 $0x108;
	_ =	swait.ge @!p0 [sflag:s8], $0x0  }
0x24: {  	s3 =	sadd.s32 $0x88, s3;
	s6 =	simm.s32 @!p1 $0x1082;
	[sflag:s4] =	ssyncset.s32 $0xFFFFF086  }
0x25: {  	[simem:s6], [sflag:s4] =	dma.local [hbm:s3], $0xF7A  }
0x26: {  	[smem:$0x3F74] =	sst s1;
	(tag) =	ssettag s2;
	_ =	strace s9  }
0x27: {  	s1 =	sld [smem:$0x3F84]  }
0x28: {  	s2 =	sld [smem:$0x3F85]  }
0x29: {  	s4 =	sld [smem:$0x3F87]  }
0x2a: {  	p0 =	seq.s32 s5, $0x0;
	s5 =	sld [smem:$0x3F88]  }
0x2b: {  	s6 =	sld [smem:$0x3F89]  }
0x2c: {  	s7 =	sld [smem:$0x3F8A]  }
0x2d: {  	s3 =	simm.s32 $0x108;
	s8 =	sld [smem:$0x3F8B]  }
0x2e: {  	s3 =	simm.s32 @!p0 $0x1082;
	s9 =	sld [smem:$0x3F8C]  }
0x2f: {  	lr =	sadd.s32 s0, s3;
	s0 =	sld [smem:$0x3F83]  }
0x30: {  	s3 =	sld [smem:$0x3F86]  }
0x31: {  	[smem:$0x3F8F] =	sst s10  }
0x32: {  	s10 =	sld [smem:$0x3F8D];
	_ =	sdelay $0x3  }
0x33: {  	p0 =	seq.s32 s10, $0x1;
	s10 =	sld [smem:$0x3F8F];
	_ =	sdelay $0x3  }
0x34: {  	[smem:$0x3F8F] =	sst s10  }
0x35: {  	s10 =	sld [smem:$0x3F8E];
	_ =	sdelay $0x3  }
0x36: {  	p1 =	seq.s32 s10, $0x1;
	s10 =	sld [smem:$0x3F8F];
	_ =	sdelay $0x3  }
0x37: {  	[smem:$0x3F8F] =	sst s10  }
0x38: {  	s10 =	sld [smem:$0x3F90]  }
0x39: {  	_ = 	snop;
	(pc) =	sbr.ind lr, $3  }
0x3a: {  	_ = 	snop  }
0x3b: {  	_ = 	snop  }
0x3c: {  	p2 =	seq.s32 s10, $0x1;
	s10 =	sld [smem:$0x3F8F]  }
0x3d: {  	_ =	shalt  }
0x3e: {  	_ =	shalt  }
0x3f: {  	_ =	shalt  }
0x40: {  	_ =	shalt  }
0x41: {  	_ =	shalt  }
0x42: {  	_ =	shalt  }
0x43: {  	_ =	shalt  }
0x44: {  	_ =	shalt  }
0x45: {  	_ =	shalt  }
0x46: {  	_ =	shalt  }
0x47: {  	_ =	shalt  }
0x48: {  	_ =	shalt  }
0x49: {  	_ =	shalt  }
0x4a: {  	_ =	shalt  }
0x4b: {  	_ =	shalt  }
0x4c: {  	_ =	shalt  }
0x4d: {  	_ =	shalt  }
0x4e: {  	_ =	shalt  }
0x4f: {  	_ =	shalt  }
0x50: {  	_ =	shalt  }
0x51: {  	_ =	shalt  }
0x52: {  	_ =	shalt  }
0x53: {  	_ =	shalt  }
0x54: {  	_ =	shalt  }
0x55: {  	_ =	shalt  }
0x56: {  	_ =	shalt  }
0x57: {  	_ =	shalt  }
0x58: {  	_ =	shalt  }
0x59: {  	_ =	shalt  }
0x5a: {  	_ =	shalt  }
0x5b: {  	_ =	shalt  }
0x5c: {  	_ =	shalt  }
0x5d: {  	_ =	shalt  }
0x5e: {  	_ =	shalt  }
0x5f: {  	_ =	shalt  }
0x60: {  	_ =	shalt  }
0x61: {  	_ =	shalt  }
0x62: {  	_ =	shalt  }
0x63: {  	_ =	shalt  }
0x64: {  	_ =	shalt  }
0x65: {  	_ =	shalt  }
0x66: {  	_ =	shalt  }
0x67: {  	_ =	shalt  }
0x68: {  	_ =	shalt  }
0x69: {  	_ =	shalt  }
0x6a: {  	_ =	shalt  }
0x6b: {  	_ =	shalt  }
0x6c: {  	_ =	shalt  }
0x6d: {  	_ =	shalt  }
0x6e: {  	_ =	shalt  }
0x6f: {  	_ =	shalt  }
0x70: {  	_ =	shalt  }
0x71: {  	_ =	shalt  }
0x72: {  	_ =	shalt  }
0x73: {  	_ =	shalt  }
0x74: {  	_ =	shalt  }
0x75: {  	_ =	shalt  }
0x76: {  	_ =	shalt  }
0x77: {  	_ =	shalt  }
0x78: {  	_ =	shalt  }
0x79: {  	_ =	shalt  }
0x7a: {  	_ =	shalt  }
0x7b: {  	_ =	shalt  }
0x7c: {  	_ =	shalt  }
0x7d: {  	_ =	shalt  }
0x7e: {  	_ =	shalt  }
0x7f: {  	_ =	shalt  }
0x80: {  	_ =	shalt  }
0x81: {  	_ =	shalt  }
0x82: {  	_ =	shalt  }
0x83: {  	_ =	shalt  }
0x84: {  	_ =	shalt  }
0x85: {  	_ =	shalt  }
0x86: {  	_ =	shalt  }
0x87: {  	_ =	shalt  }
.Lfunc_end0:
.L_simem_size_0:
called_computation.1_lowered:
.L_overlay_start_0:
0x88: {  	s2 =	sld [smem:$0x3FD9]  }
0x89: {  	s3 =	sld [smem:$0x3FFE];
	_ =	sdelay $0x1  }
0x8a: {  	s1 =	srdreg.scid  }
0x8b: {  	s0 =	sand.u32 $0x1, s1  }
0x8c: {  	s17 =	sshll.u32 s0, $0xA;
	s2 =	sadd.s32 s3, s2  }
0x8d: {  	s2 =	sadd.s32 s2, s17  }
0x8e: {  	[smem:$0x3F9B] =	sst s2  }
0x8f: {  	_ = 	snop  }
0x90: {  	(tm) =	ssettm $0x1  }
0x91: {  	s18 =	sld [smem:$0x3FFB];
	_ =	sdelay $0x3  }
0x92: {  	_ =	strace s18  }
0x93: {  	s2 =	sld [smem:$0x3FFC];
	_ =	sdelay $0x3  }
0x94: {  	_ =	strace s2  }
0x95: {  	s2 =	sld [smem:$0x3FFD];
	_ =	sdelay $0x3  }
0x96: {  	_ =	strace s2  }
0x97: {  	_ =	strace $0x8FFFFFFF  }
0x98: {  	s19 =	sld [smem:$0x3FDB];
	_ =	sdelay $0x1  }
0x99: {  	s20 =	simm.s32 $_scs_section_size  }
0x9a: {  	s4 =	simm.s32 $_size__tile_overlayer_lowered;
	s5 =	simm.s32 $_tile_overlayer_lowered  }
0x9b: {  	s6 =	simm.s32 $0x1BFF;
	s21 =	sshll.u32 s5, $0x1;
	s3 =	sadd.s32 s20, s19  }
0x9c: {  	s22 =	simm.s32 $0x0;
	s4 =	sshll.u32 s4, $0x1;
	s5 =	sadd.s32 s21, s3  }
0x9d: {  	[timem:s22], [sflag:s6] =	dma.local [hbm:s5], s4  }
0x9e: {  	_ =	swait.ge [sflag:s6], s4  }
0x9f: {  	s4 =	ssub.s32 $0x0, s4;
	[sflag:s6] =	ssyncset.done $0x0  }
0xa0: {  	[sflag:s6] =	ssyncadd.s32 s4;
	_ =	sdelay $0x1  }
0xa1: {  	s23 =	simm.s32 $0x1B8B  }
0xa2: {  	_ =	swait.ge [sflag:s23], $0x1  }
0xa3: {  	[sflag:s23] =	ssyncset.done $0x0  }
0xa4: {  	[sflag:s23] =	ssyncadd.s32 $0xFFFFFFFF  }
0xa5: {  	s4 =	sld [smem:$0x0]  }
0xa6: {  	s5 =	sand.u32 $0xFFFFFFFE, s1  }
0xa7: {  	p0 =	sne.s32 s1, s5  }
0xa8: {  	s5 =	sshll.u32 @p0 s5, $0xE  }
0xa9: {  	s5 =	sadd.s32 @p0 $0x11B8D, s5;
	s6 =	sshll.u32 @p0 s4, $0x11  }
0xaa: {  	s5 =	sor.u32 @p0 s6, s5  }
0xab: {  	[sflag:s5] =	ssyncadd.remote.s32 @p0 $0x1;
	_ =	sdelay $0x1  }
0xac: {  	s5 =	simm.s32 @p0 $0x1B8D  }
0xad: {  	_ =	swait.eq @p0 [sflag:s5], $0x1  }
0xae: {  	[sflag:s5] =	ssyncadd.s32 @p0 $0xFFFFFFFF  }
0xaf: {  	s6 =	sshll.u32 @!p0 s1, $0xE  }
0xb0: {  	s6 =	sor.u32 @!p0 $0x4000, s6;
	s5 =	simm.s32 @!p0 $0x1B8D  }
0xb1: {  	s4 =	sshll.u32 @!p0 s4, $0x11;
	s6 =	sadd.s32 @!p0 $0x11B8D, s6;
	_ =	swait.eq @!p0 [sflag:s5], $0x1  }
0xb2: {  	s4 =	sor.u32 @!p0 s4, s6;
	[sflag:s5] =	ssyncadd.s32 @!p0 $0xFFFFFFFF  }
0xb3: {  	s25 =	simm.s32 $0x1B8E;
	s24 =	sld [smem:$0x3FFE];
	[sflag:s4] =	ssyncadd.remote.s32 @!p0 $0x1  }
0xb4: {  	s26 =	simm.s32 $execute0_lowered;
	[smem:$0x3FD2] =	sst s25  }
0xb5: {  	s5 =	sshll.u32 s26, $0x1;
	_ =	strace $0x80000049;
	[dreg:$0x1] =	wrdreg $0xFFFFFFFF  }
0xb6: {  	s28 =	simm.s32 $_size_execute0_lowered;
	s3 =	sadd.s32 s3, s5;
	[dreg:$0x0] =	wrdreg $0x0  }
0xb7: {  	s5 =	sshll.u32 s28, $0x1;
	[dreg:$0x2] =	wrdreg s3  }
0xb8: {  	[dreg:$0x3] =	wrdreg s5  }
0xb9: {  	[dreg:$0x4] =	wrdreg $0xC0  }
0xba: {  	_ =	task [dreg:s22], $0x5FFFF  }
0xbb: {  	[dreg:$0x1] =	wrdreg $0xFFFFFFFF  }
0xbc: {  	[dreg:$0x0] =	wrdreg $0x60  }
0xbd: {  	[dreg:$0x2] =	wrdreg s24  }
0xbe: {  	[dreg:$0x3] =	wrdreg $0x9  }
0xbf: {  	_ =	task.clear_ibuf [dreg:s22], $0x4FFFF;
	_ =	strace $0x90000049  }
0xc0: {  	s29 =	simm.s32 $0x9;
	_ =	strace $0x8000004B  }
0xc1: {  	_ =	swait.ge [sflag:s29], $0x1  }
0xc2: {  	[sflag:s29] =	ssyncadd.s32 $0xFFFFFFFF  }
0xc3: {  	_ =	strace $0x9000004B  }
0xc4: {  	_ =	sfence  }
0xc5: {  	s30 =	sld [smem:$0x0];
	_ =	sdelay $0x2  }
0xc6: {  	s31 =	sshll.u32 s1, $0xD;
	s1 =	sshrl.u32 s1, $0x2  }
0xc7: {  	s4 =	sand.u32 $0x4000, s31;
	s1 =	sadd.s32 s1, s30  }
0xc8: {  	s0 =	sor.u32 s4, s0;
	s1 =	sshll.u32 s1, $0x11  }
0xc9: {  	s0 =	sor.u32 s1, s0  }
0xca: {  	s0 =	sadd.s32 $0x8F2B, s0  }
0xcb: {  	[sflag:s0] =	ssyncadd.remote.s32 $0x1  }
0xcc: {  	_ =	sfence.sel $0xFFFF  }
0xcd: {  	[dreg:$0x0] =	wrdreg $0xFFFFFFFF;
	(pc) =	sbr.abs _section_cstart, $3  }
0xce: {  	[dreg:$0x1] =	wrdreg $0xFFFFFFFF  }
0xcf: {  	_ =	task.clear_ibuf [dreg:s22], $0x2FFFF;
	_ =	strace $0x9FFFFFFF  }
0xd0: {  	(tm) =	ssettm $0x7FFFFFFF  }
0xd1: {  	_ =	shalt  }
tec
execute0_lowered:
.L_overlay_start_1:
0x0: {  	(tag) =	ssettag $0x1  }
0x1: {  	s1 =	srdreg.scid  }
0x2: {  	s0 =	stileid.u32;
	s5 =	rddreg [dreg:$0x0]  }
0x3: {  	s2 =	simm.s32 $0x0;
	s11 =	simm.s32 $0x1400;
	s12 =	simm.s32 $0x80  }
0x4: {  	s13 =	simm.s32 $0x2800;
	s14 =	simm.s32 $0xA800;
	s15 =	simm.s32 $0x1  }
0x5: {  	s16 =	simm.s32 $0x6800;
	s17 =	simm.s32 $0xE800;
	s18 =	simm.s32 $0x12800  }
0x6: {  	s19 =	simm.s32 $0x2;
	s20 =	simm.s32 $0x16800;
	s21 =	simm.s32 $0x3  }
0x7: {  	s22 =	simm.s32 $0x4;
	s6 =	sand.u32 $0x1, s1;
	s1 =	rddreg [dreg:$0x1]  }
0x8: {  	s23 =	simm.s32 $0x0;
	s3 =	sshll.u32 s0, $0x1;
	[smem:$0x7FF] =	sst s2  }
0x9: {  	s4 =	sadd.s32 $0x3C800, s5;
	s8 =	sor.u32 s6, s3;
	s9 =	ssub.s32 $0x2, s6  }
0xa: {  	_ =	strace $0x8000004A;
	s7 =	smul.u32 $0x280, s8;
	s10 =	sshrl.u32 s9, $0x1  }
0xb: {  	s3 =	sadd.s32 $0x15600, s5;
	s8 =	smul.u32 $0xA0000, s8;
	s9 =	ssub.s32 s9, s10  }
0xc: {  	s10 =	simm.s32 $0x5;
	s7 =	sadd.s32 s7, s5;
	s5 =	sadd.s32 $0x31EC00, s5  }
0xd: {  	s9 =	smax.u32 s9, $0x1;
	s6 =	sadd.s32 $0x314C00, s7;
	s7 =	sadd.s32 $0x319C00, s7  }
.LBB2_1:
0xe: {  	[tilespmem:s2], [sflag:$0x5] =	stream.linear.gather [hbm4b:s6+s2], $0x1400, $0x38;
	[tilespmem:$0x1A800] =	vst v63  }
0xf: {  	_ =	swait.ge [sflag:s10], $0x1400  }
0x10: {  	[sflag:s10] =	ssyncset.done $0x0  }
0x11: {  	[sflag:s10] =	ssyncadd.s32 $0xFFFFEC00  }
0x12: {  	[tilespmem:s11], [sflag:$0x5] =	stream.linear.gather [hbm4b:s7+s2], $0x1400, $0x38;
	[tilespmem:$0x1A800] =	vst v63  }
0x13: {  	_ =	swait.ge [sflag:s10], $0x1400  }
0x14: {  	[sflag:s10] =	ssyncset.done $0x0  }
0x15: {  	[sflag:s10] =	ssyncadd.s32 $0xFFFFEC00  }
0x16: {  	[tilespmem:s13], [sflag:$0x1] =	stream.indirect.gather [hbm4b:s3+s12], $0x80, s2, s12, $0xb8;
	[tilespmem:$0x1A800] =	vst v63  }
0x17: {  	s24 =	simm.s32 $0x0  }
0x18: {  	[tilespmem:s14], [sflag:$0x1] =	stream.indirect.gather [hbm4b:s4+s12], $0x80, s11, s12, $0xb8;
	[tilespmem:$0x1A800] =	vst v63  }
.LBB2_2:
0x19: {  	_ =	swait.ge [sflag:s15], $0x4000  }
0x1a: {  	[sflag:s15] =	ssyncset.done $0x0  }
0x1b: {  	[sflag:s15] =	ssyncadd.s32 $0xFFFFC000  }
0x1c: {  	_ =	swait.ge [sflag:s15], $0x4000  }
0x1d: {  	s25 =	sshllo.u32 s24, $0x1;
	[sflag:s15] =	ssyncset.done $0x0  }
0x1e: {  	s26 =	sshll.u32 s25, $0x7;
	[sflag:s15] =	ssyncadd.s32 $0xFFFFC000  }
0x1f: {  	[tilespmem:s16], [sflag:$0x2] =	stream.indirect.gather [hbm4b:s3+s12], $0x80, s26, s12, $0xb8;
	[tilespmem:$0x1A800] =	vst v63  }
0x20: {  	p0 =	seq.s32 s24, $0x0;
	s26 =	sadd.s32 $0x1400, s26  }
0x21: {  	[tilespmem:s17], [sflag:$0x2] =	stream.indirect.gather [hbm4b:s4+s12], $0x80, s26, s12, $0xb8;
	[tilespmem:$0x1A800] =	vst v63  }
0x22: {  	s26 =	simm.s32 @!p0 $0x3  }
0x23: {  	_ =	swait.ge @!p0 [sflag:s26], $0x4000  }
0x24: {  	[sflag:s26] =	ssyncset.done @!p0 $0x0  }
0x25: {  	[sflag:s26] =	ssyncadd.s32 @!p0 $0xFFFFC000;
	s26 =	simm.s32 $0x0  }
0x26: {  	v0 =	vld [tilespmem:s26+$0x2870]  }
0x27: {  	v1 =	vld [tilespmem:s26+$0xA870]  }
0x28: {  	v2 =	vld [tilespmem:s26+$0x2800]  }
0x29: {  	v3 =	vld [tilespmem:s26+$0xA800]  }
0x2a: {  	v4 =	vld [tilespmem:s26+$0x2810]  }
0x2b: {  	v5 =	vld [tilespmem:s26+$0xA810]  }
0x2c: {  	v6 =	vld [tilespmem:s26+$0x2820]  }
0x2d: {  	v7 =	vld [tilespmem:s26+$0x2830]  }
0x2e: {  	v0 =	vadd.f32 v1, v0;
	v1 =	vld [tilespmem:s26+$0xA820]  }
0x2f: {  	v8 =	vld [tilespmem:s26+$0xA830]  }
0x30: {  	v9 =	vld [tilespmem:s26+$0xA840];
	v2 =	vadd.f32 v3, v2  }
0x31: {  	[tilespmem:s26+$0x12870] =	vst v0;
	v0 =	vadd.f32 v5, v4;
	v5 =	vld [tilespmem:s26+$0x2840]  }
0x32: {  	v3 =	vld [tilespmem:s26+$0xA850];
	[tilespmem:s26+$0x12800] =	vst v2  }
0x33: {  	v2 =	vld [tilespmem:s26+$0x2850];
	[tilespmem:s26+$0x12810] =	vst v0;
	v0 =	vadd.f32 v1, v6  }
0x34: {  	v4 =	vld [tilespmem:s26+$0xA860];
	v6 =	vadd.f32 v8, v7  }
0x35: {  	s28 =	simm.s32 $0x80;
	[tilespmem:s26+$0x12820] =	vst v0;
	v0 =	vld [tilespmem:s26+$0x2860]  }
0x36: {  	s29 =	simm.s32 $0x400;
	v5 =	vadd.f32 v9, v5;
	v1 =	vld [tilespmem:s28+$0x2870];
	[tilespmem:s26+$0x12830] =	vst v6  }
.LBB2_3:
0x37: {  	p0 =	sne.s32 s29, $0xFE00;
	v6 =	vld [tilespmem:s28+$0xA870]  }
0x38: {  	v7 =	vld [tilespmem:s28+$0x2800];
	[tilespmem:s26+$0x12840] =	vst v5;
	v2 =	vadd.f32 v3, v2  }
0x39: {  	v3 =	vld [tilespmem:s28+$0xA800]  }
0x3a: {  	v5 =	vld [tilespmem:s28+$0x2810];
	[tilespmem:s26+$0x12850] =	vst v2;
	v0 =	vadd.f32 v4, v0  }
0x3b: {  	v2 =	vld [tilespmem:s28+$0xA810]  }
0x3c: {  	v4 =	vld [tilespmem:s28+$0x2820];
	v1 =	vadd.f32 v6, v1;
	[tilespmem:s26+$0x12860] =	vst v0;
	s26 =	smov.u32 s28  }
0x3d: {  	v0 =	vld [tilespmem:s26+$0xA820]  }
0x3e: {  	v3 =	vadd.f32 v3, v7;
	v6 =	vld [tilespmem:s26+$0x2830];
	[tilespmem:s26+$0x12870] =	vst v1  }
0x3f: {  	v1 =	vld [tilespmem:s26+$0xA830]  }
0x40: {  	[tilespmem:s26+$0x12800] =	vst v3;
	v2 =	vadd.f32 v2, v5;
	v5 =	vld [tilespmem:s26+$0x2840]  }
0x41: {  	v7 =	vld [tilespmem:s26+$0xA840]  }
.Ltmp0:
0x42: {  	[tilespmem:s26+$0x12810] =	vst v2;
	v0 =	vadd.f32 v0, v4;
	v2 =	vld [tilespmem:s26+$0x2850];
	(pc) =	sbr.rel @p0 .LBB2_3-.Ltmp0, $4  }
0x43: {  	v3 =	vld [tilespmem:s26+$0xA850]  }
0x44: {  	[tilespmem:s26+$0x12820] =	vst v0;
	v6 =	vadd.f32 v1, v6;
	v0 =	vld [tilespmem:s26+$0x2860]  }
0x45: {  	s28 =	sshra.s32 s29, $0x2;
	v4 =	vld [tilespmem:s26+$0xA860]  }
0x46: {  	s29 =	sadd.s32 $0x200, s29;
	v1 =	vld [tilespmem:s28+$0x2870];
	[tilespmem:s26+$0x12830] =	vst v6;
	v5 =	vadd.f32 v7, v5  }
0x47: {  	v6 =	vld [tilespmem:s28+$0xA870]  }
0x48: {  	v7 =	vld [tilespmem:s28+$0x2800];
	[tilespmem:s26+$0x12840] =	vst v5;
	v2 =	vadd.f32 v3, v2  }
0x49: {  	v3 =	vld [tilespmem:s28+$0xA800]  }
0x4a: {  	v5 =	vld [tilespmem:s28+$0x2810];
	[tilespmem:s26+$0x12850] =	vst v2;
	v0 =	vadd.f32 v4, v0  }
0x4b: {  	v2 =	vld [tilespmem:s28+$0xA810]  }
0x4c: {  	v4 =	vld [tilespmem:s28+$0x2820];
	[tilespmem:s26+$0x12860] =	vst v0  }
0x4d: {  	v0 =	vadd.f32 v6, v1;
	v1 =	vld [tilespmem:s28+$0xA820]  }
0x4e: {  	v6 =	vld [tilespmem:s28+$0x2830]  }
0x4f: {  	v3 =	vadd.f32 v3, v7;
	[tilespmem:s28+$0x12870] =	vst v0;
	v0 =	vld [tilespmem:s28+$0xA830]  }
0x50: {  	v7 =	vld [tilespmem:s28+$0xA860]  }
0x51: {  	[tilespmem:s28+$0x12800] =	vst v3;
	v2 =	vadd.f32 v2, v5;
	v3 =	vld [tilespmem:s28+$0x2840]  }
0x52: {  	v5 =	vld [tilespmem:s28+$0xA840]  }
0x53: {  	[tilespmem:s28+$0x12810] =	vst v2;
	v1 =	vadd.f32 v1, v4;
	v2 =	vld [tilespmem:s28+$0x2850]  }
0x54: {  	v4 =	vld [tilespmem:s28+$0xA850]  }
0x55: {  	[tilespmem:s28+$0x12820] =	vst v1;
	v1 =	vld [tilespmem:s28+$0x2860];
	_ =	sdelay $0x1  }
0x56: {  	v0 =	vadd.f32 v0, v6  }
0x57: {  	v3 =	vadd.f32 v5, v3  }
0x58: {  	s31 =	sshll.u32 s24, $0xF;
	[tilespmem:s28+$0x12830] =	vst v0;
	v0 =	vadd.f32 v4, v2  }
0x59: {  	s26 =	sadd.s32 s8, s31;
	[tilespmem:s28+$0x12840] =	vst v3;
	v1 =	vadd.f32 v7, v1  }
0x5a: {  	s26 =	sshrl.u32 s26, $0x3;
	[tilespmem:s28+$0x12850] =	vst v0  }
0x5b: {  	s26 =	sadd.s32 s5, s26;
	[tilespmem:s28+$0x12860] =	vst v1  }
0x5c: {  	[hbm4b:s26+s2] =	stream.linear.scatter [tilespmem:s18], [sflag:$0x3], $0x4000, $0x38;
	[tilespmem:$0x1A800] =	vst v63  }
0x5d: {  	_ =	swait.ge [sflag:s19], $0x4000  }
0x5e: {  	[sflag:s19] =	ssyncset.done $0x0  }
0x5f: {  	[sflag:s19] =	ssyncadd.s32 $0xFFFFC000  }
0x60: {  	p0 =	seq.s32 s24, $0x13;
	_ =	swait.ge [sflag:s19], $0x4000  }
0x61: {  	s29 =	simm.s32 @!p0 $0x80;
	s26 =	sshll.u32 @!p0 s24, $0x8;
	[sflag:s19] =	ssyncset.done $0x0  }
0x62: {  	s30 =	simm.s32 @!p0 $0x2800;
	s28 =	sadd.s32 @!p0 $0x100, s26;
	[sflag:s19] =	ssyncadd.s32 $0xFFFFC000  }
0x63: {  	[tilespmem:s30], [sflag:$0x1] =	stream.indirect.gather @!p0 [hbm4b:s3+s29], $0x80, s28, s29, $0xb8;
	[tilespmem:$0x1A800] =	vst v63  }
0x64: {  	p1 =	seq.s32 @!p0 s24, $0x0;
	s26 =	sadd.s32 @!p0 $0x1500, s26;
	s28 =	simm.s32 @!p0 $0xA800  }
0x65: {  	[tilespmem:s28], [sflag:$0x1] =	stream.indirect.gather @!p0 [hbm4b:s4+s29], $0x80, s26, s29, $0xb8;
	[tilespmem:$0x1A800] =	vst v63  }
0x66: {  	p0 =	por p0, !p1  }
0x67: {  	_ =	swait.ge @p0 [sflag:s22], $0x4000  }
0x68: {  	[sflag:s22] =	ssyncset.done @p0 $0x0  }
0x69: {  	s26 =	simm.s32 $0x0;
	[sflag:s22] =	ssyncadd.s32 @p0 $0xFFFFC000  }
0x6a: {  	v0 =	vld [tilespmem:s26+$0x6870]  }
0x6b: {  	v1 =	vld [tilespmem:s26+$0xE870]  }
0x6c: {  	v2 =	vld [tilespmem:s26+$0x6800]  }
0x6d: {  	v3 =	vld [tilespmem:s26+$0xE800]  }
0x6e: {  	v4 =	vld [tilespmem:s26+$0x6810]  }
0x6f: {  	v5 =	vld [tilespmem:s26+$0xE810]  }
0x70: {  	v6 =	vld [tilespmem:s26+$0x6820]  }
0x71: {  	v7 =	vld [tilespmem:s26+$0x6830]  }
0x72: {  	v0 =	vadd.f32 v1, v0;
	v1 =	vld [tilespmem:s26+$0xE820]  }
0x73: {  	v8 =	vld [tilespmem:s26+$0xE830]  }
0x74: {  	v9 =	vld [tilespmem:s26+$0xE840];
	v2 =	vadd.f32 v3, v2  }
0x75: {  	[tilespmem:s26+$0x16870] =	vst v0;
	v0 =	vadd.f32 v5, v4;
	v5 =	vld [tilespmem:s26+$0x6840]  }
0x76: {  	v3 =	vld [tilespmem:s26+$0xE850];
	[tilespmem:s26+$0x16800] =	vst v2  }
0x77: {  	v2 =	vld [tilespmem:s26+$0x6850];
	[tilespmem:s26+$0x16810] =	vst v0;
	v0 =	vadd.f32 v1, v6  }
0x78: {  	v4 =	vld [tilespmem:s26+$0xE860];
	v6 =	vadd.f32 v8, v7  }
0x79: {  	s28 =	simm.s32 $0x80;
	[tilespmem:s26+$0x16820] =	vst v0;
	v0 =	vld [tilespmem:s26+$0x6860]  }
0x7a: {  	s29 =	simm.s32 $0x400;
	v5 =	vadd.f32 v9, v5;
	v1 =	vld [tilespmem:s28+$0x6870];
	[tilespmem:s26+$0x16830] =	vst v6  }
.LBB2_5:
0x7b: {  	p0 =	sne.s32 s29, $0xFE00;
	v6 =	vld [tilespmem:s28+$0xE870]  }
0x7c: {  	v7 =	vld [tilespmem:s28+$0x6800];
	[tilespmem:s26+$0x16840] =	vst v5;
	v2 =	vadd.f32 v3, v2  }
0x7d: {  	v3 =	vld [tilespmem:s28+$0xE800]  }
0x7e: {  	v5 =	vld [tilespmem:s28+$0x6810];
	[tilespmem:s26+$0x16850] =	vst v2;
	v0 =	vadd.f32 v4, v0  }
0x7f: {  	v2 =	vld [tilespmem:s28+$0xE810]  }
0x80: {  	v4 =	vld [tilespmem:s28+$0x6820];
	v1 =	vadd.f32 v6, v1;
	[tilespmem:s26+$0x16860] =	vst v0;
	s26 =	smov.u32 s28  }
0x81: {  	v0 =	vld [tilespmem:s26+$0xE820]  }
0x82: {  	v3 =	vadd.f32 v3, v7;
	v6 =	vld [tilespmem:s26+$0x6830];
	[tilespmem:s26+$0x16870] =	vst v1  }
0x83: {  	v1 =	vld [tilespmem:s26+$0xE830]  }
0x84: {  	[tilespmem:s26+$0x16800] =	vst v3;
	v2 =	vadd.f32 v2, v5;
	v5 =	vld [tilespmem:s26+$0x6840]  }
0x85: {  	v7 =	vld [tilespmem:s26+$0xE840]  }
.Ltmp1:
0x86: {  	[tilespmem:s26+$0x16810] =	vst v2;
	v0 =	vadd.f32 v0, v4;
	v2 =	vld [tilespmem:s26+$0x6850];
	(pc) =	sbr.rel @p0 .LBB2_5-.Ltmp1, $4  }
0x87: {  	v3 =	vld [tilespmem:s26+$0xE850]  }
0x88: {  	[tilespmem:s26+$0x16820] =	vst v0;
	v6 =	vadd.f32 v1, v6;
	v0 =	vld [tilespmem:s26+$0x6860]  }
0x89: {  	s28 =	sshra.s32 s29, $0x2;
	v4 =	vld [tilespmem:s26+$0xE860]  }
0x8a: {  	s29 =	sadd.s32 $0x200, s29;
	v1 =	vld [tilespmem:s28+$0x6870];
	[tilespmem:s26+$0x16830] =	vst v6;
	v5 =	vadd.f32 v7, v5  }
0x8b: {  	v6 =	vld [tilespmem:s28+$0xE870]  }
0x8c: {  	v7 =	vld [tilespmem:s28+$0x6800];
	[tilespmem:s26+$0x16840] =	vst v5;
	v2 =	vadd.f32 v3, v2  }
0x8d: {  	v51 =	vld [tilespmem:s28+$0xE800]  }
0x8e: {  	v5 =	vld [tilespmem:s28+$0x6810];
	[tilespmem:s26+$0x16850] =	vst v2;
	v0 =	vadd.f32 v4, v0  }
0x8f: {  	v2 =	vld [tilespmem:s28+$0xE810]  }
0x90: {  	v52 =	vld [tilespmem:s28+$0x6820];
	[tilespmem:s26+$0x16860] =	vst v0  }
0x91: {  	v54 =	vld [tilespmem:s28+$0xE820]  }
0x92: {  	v55 =	vld [tilespmem:s28+$0x6830]  }
0x93: {  	v56 =	vld [tilespmem:s28+$0xE830]  }
0x94: {  	v57 =	vld [tilespmem:s28+$0x6840]  }
0x95: {  	v58 =	vld [tilespmem:s28+$0xE840]  }
0x96: {  	v59 =	vld [tilespmem:s28+$0x6850]  }
0x97: {  	v53 =	vadd.f32 v6, v1;
	v60 =	vld [tilespmem:s28+$0xE850]  }
0x98: {  	v61 =	vld [tilespmem:s28+$0x6860];
	v3 =	vadd.f32 v51, v7  }
0x99: {  	v62 =	vld [tilespmem:s28+$0xE860];
	[tilespmem:s28+$0x16870] =	vst v53;
	v2 =	vadd.f32 v2, v5  }
0x9a: {  	[tilespmem:s28+$0x16800] =	vst v3;
	v1 =	vadd.f32 v54, v52  }
0x9b: {  	s24 =	sadd.s32 $0x1, s24;
	[tilespmem:s28+$0x16810] =	vst v2;
	v0 =	vadd.f32 v56, v55  }
0x9c: {  	p0 =	sne.s32 s24, $0x14;
	v3 =	vadd.f32 v58, v57;
	[tilespmem:s28+$0x16820] =	vst v1  }
.Ltmp2:
0x9d: {  	s25 =	sshll.u32 s25, $0xE;
	v63 =	vadd.f32 v60, v59;
	[tilespmem:s28+$0x16830] =	vst v0;
	(pc) =	sbr.rel @p0 .LBB2_2-.Ltmp2, $4  }
0x9e: {  	s25 =	sadd.s32 s8, s25;
	[tilespmem:s28+$0x16840] =	vst v3;
	v1 =	vadd.f32 v62, v61  }
0x9f: {  	s25 =	sshrl.u32 s25, $0x3;
	[tilespmem:s28+$0x16850] =	vst v63  }
0xa0: {  	s25 =	sadd.s32 s5, s25;
	[tilespmem:s28+$0x16860] =	vst v1  }
0xa1: {  	[hbm4b:s25+s2] =	stream.linear.scatter [tilespmem:s20], [sflag:$0x4], $0x4000, $0x38;
	[tilespmem:$0x1A800] =	vst v63  }
0xa2: {  	s23 =	sadd.s32 $0x1, s23  }
0xa3: {  	_ =	swait.ge [sflag:s21], $0x4000;
	p0 =	sne.s32 s23, s9  }
.Ltmp3:
0xa4: {  	[sflag:s21] =	ssyncset.done $0x0;
	(pc) =	sbr.rel @p0 .LBB2_1-.Ltmp3, $4  }
0xa5: {  	[sflag:s21] =	ssyncadd.s32 $0xFFFFC000  }
0xa6: {  	_ =	swait.ge [sflag:s22], $0x4000  }
0xa7: {  	[sflag:s22] =	ssyncset.done $0x0  }
0xa8: {  	[sflag:s22] =	ssyncadd.s32 $0xFFFFC000  }
0xa9: {  	_ =	sfence.sel $0x180000  }
0xaa: {  	[bflag:$0x0] =	sbarrier.arrive $0xFFFF  }
0xab: {  	p0 =	sne.s32 s0, $0x0;
	_ =	strace $0x9000004A  }
0xac: {  	s0 =	sadd.s32 @!p0 $0x100000, s1;
	[bflag:$0x2] =	sbarrier.arrive $0xFFFF  }
0xad: {  	[sflag:s0] =	ssyncadd.tile.s32 @!p0 $0x1;
	_ =	shalt  }
.Lfunc_end2:
_tile_overlayer_lowered:
.L_overlay_start_2:
0xae: {  	(tag) =	ssettag $0x2  }
0xaf: {  	s0 =	rddreg [dreg:$0x0];
	s2 =	stileid.u32  }
0xb0: {  	s1 =	rddreg [dreg:$0x1];
	p0 =	sne.s32 s2, $0x0  }
0xb1: {  	s3 =	rddreg [dreg:$0x2];
	[bflag:$0x3] =	sbarrier.arrive $0xFFFF;
	s2 =	simm.s32 @!p0 $0x1C05  }
0xb2: {  	[timem:s3], [sflag:s2] =	dma.local @!p0 [hbm:s0], s1  }
0xb3: {  	s0 =	simm.s32 @!p0 $0x5  }
0xb4: {  	_ =	swait.ge @!p0 [sflag:s0], s1  }
0xb5: {  	s1 =	ssub.s32 @!p0 $0x0, s1;
	[sflag:s0] =	ssyncset.done @!p0 $0x0  }
0xb6: {  	[sflag:s0] =	ssyncadd.s32 @!p0 s1  }
0xb7: {  	[bflag:$0x3] =	sbarrier.arrive $0xFFFF  }
0xb8: {  	_ =	shalt  }

// kernel: kernel.25.cloned.1.call-start
scs
__scs_entry_jumppad:
0x0: {  	(pc) =	sbr.rel $0x88, $3  }
0x1: {  	(tag) =	ssettag $0x0;
	lr =	simm.s32 $0x1  }
0x2: {  	[smem:$0x3F74] =	sst lr;
	_ =	strace $0xD0000000  }
0x3: {  	_ = 	snop  }
0x4: {  	_ = 	snop  }
0x5: {  	_ = 	snop  }
0x6: {  	_ = 	snop  }
0x7: {  	_ = 	snop  }
__scs_overlays_trampoline_lowered:
0x8: {  	[smem:$0x3F83] =	sst s0  }
0x9: {  	[smem:$0x3F84] =	sst s1  }
0xa: {  	[smem:$0x3F85] =	sst s2  }
0xb: {  	[smem:$0x3F86] =	sst s3  }
0xc: {  	[smem:$0x3F87] =	sst s4  }
0xd: {  	[smem:$0x3F88] =	sst s5  }
0xe: {  	[smem:$0x3F89] =	sst s6  }
0xf: {  	[smem:$0x3F8A] =	sst s7  }
0x10: {  	[smem:$0x3F8B] =	sst s8  }
0x11: {  	[smem:$0x3F8C] =	sst s9;
	s0 =	simm.s32 @!p0 $0x0  }
0x12: {  	s1 =	sld [smem:$0x3F72];
	s0 =	simm.s32 @p0 $0x1  }
0x13: {  	[smem:$0x3F8D] =	sst s0;
	s0 =	simm.s32 @!p1 $0x0  }
0x14: {  	s2 =	sld [smem:$0x3F71];
	s0 =	simm.s32 @p1 $0x1  }
0x15: {  	[smem:$0x3F8E] =	sst s0;
	s0 =	simm.s32 @!p2 $0x0  }
0x16: {  	s3 =	sld [smem:$0x3FDB];
	s0 =	simm.s32 @p2 $0x1  }
0x17: {  	s4 =	simm.s32 $0x1BF5;
	[smem:$0x3F90] =	sst s0  }
0x18: {  	s0 =	sld [smem:$0x3F73];
	_ =	swait.ge [sflag:s4], $0x0  }
0x19: {  	s7 =	sld [smem:$0x3F74]  }
0x1a: {  	s8 =	sadd.s32 $0xFFFFE003, lr  }
0x1b: {  	s9 =	sadd.s32 $0xFFFFFEF7, lr;
	s5 =	simm.s32 $0xFFFFFFFF;
	p2 =	slt.u32 s8, $0xFFFFF086  }
0x1c: {  	p1 =	slt.u32 s9, $0xF7A;
	s5 =	simm.s32 @!p2 $0x0  }
0x1d: {  	s5 =	simm.s32 @p1 $0x1;
	p0 =	seq.s32 s7, s2  }
0x1e: {  	s7 =	smul.u32 @!p0 $0xF7A, s2;
	p2 =	seq.s32 @!p0 s5, $0x0  }
0x1f: {  	s9 =	smul.u32 $0xF7A, s1;
	s8 =	simm.s32 @!p0 $0x1BF5;
	p2 =	por !p2, p0  }
0x20: {  	[sflag:s8] =	ssyncset.s32 @!p0 $0xFFFFF086;
	s6 =	sadd.s32 @!p0 s3, s7;
	s7 =	simm.s32 @!p0 $0x108  }
0x21: {  	s3 =	sadd.s32 s3, s9;
	s6 =	sadd.s32 @!p0 $0x88, s6;
	s7 =	simm.s32 @p2 $0x1082  }
0x22: {  	[simem:s7], [sflag:s8] =	dma.local @!p0 [hbm:s6], $0xF7A  }
0x23: {  	s9 =	sor.u32 $0xD0000000, s2;
	s6 =	simm.s32 $0x108;
	_ =	swait.ge @!p0 [sflag:s8], $0x0  }
0x24: {  	s3 =	sadd.s32 $0x88, s3;
	s6 =	simm.s32 @!p1 $0x1082;
	[sflag:s4] =	ssyncset.s32 $0xFFFFF086  }
0x25: {  	[simem:s6], [sflag:s4] =	dma.local [hbm:s3], $0xF7A  }
0x26: {  	[smem:$0x3F74] =	sst s1;
	(tag) =	ssettag s2;
	_ =	strace s9  }
0x27: {  	s1 =	sld [smem:$0x3F84]  }
0x28: {  	s2 =	sld [smem:$0x3F85]  }
0x29: {  	s4 =	sld [smem:$0x3F87]  }
0x2a: {  	p0 =	seq.s32 s5, $0x0;
	s5 =	sld [smem:$0x3F88]  }
0x2b: {  	s6 =	sld [smem:$0x3F89]  }
0x2c: {  	s7 =	sld [smem:$0x3F8A]  }
0x2d: {  	s3 =	simm.s32 $0x108;
	s8 =	sld [smem:$0x3F8B]  }
0x2e: {  	s3 =	simm.s32 @!p0 $0x1082;
	s9 =	sld [smem:$0x3F8C]  }
0x2f: {  	lr =	sadd.s32 s0, s3;
	s0 =	sld [smem:$0x3F83]  }
0x30: {  	s3 =	sld [smem:$0x3F86]  }
0x31: {  	[smem:$0x3F8F] =	sst s10  }
0x32: {  	s10 =	sld [smem:$0x3F8D];
	_ =	sdelay $0x3  }
0x33: {  	p0 =	seq.s32 s10, $0x1;
	s10 =	sld [smem:$0x3F8F];
	_ =	sdelay $0x3  }
0x34: {  	[smem:$0x3F8F] =	sst s10  }
0x35: {  	s10 =	sld [smem:$0x3F8E];
	_ =	sdelay $0x3  }
0x36: {  	p1 =	seq.s32 s10, $0x1;
	s10 =	sld [smem:$0x3F8F];
	_ =	sdelay $0x3  }
0x37: {  	[smem:$0x3F8F] =	sst s10  }
0x38: {  	s10 =	sld [smem:$0x3F90]  }
0x39: {  	_ = 	snop;
	(pc) =	sbr.ind lr, $3  }
0x3a: {  	_ = 	snop  }
0x3b: {  	_ = 	snop  }
0x3c: {  	p2 =	seq.s32 s10, $0x1;
	s10 =	sld [smem:$0x3F8F]  }
0x3d: {  	_ =	shalt  }
0x3e: {  	_ =	shalt  }
0x3f: {  	_ =	shalt  }
0x40: {  	_ =	shalt  }
0x41: {  	_ =	shalt  }
0x42: {  	_ =	shalt  }
0x43: {  	_ =	shalt  }
0x44: {  	_ =	shalt  }
0x45: {  	_ =	shalt  }
0x46: {  	_ =	shalt  }
0x47: {  	_ =	shalt  }
0x48: {  	_ =	shalt  }
0x49: {  	_ =	shalt  }
0x4a: {  	_ =	shalt  }
0x4b: {  	_ =	shalt  }
0x4c: {  	_ =	shalt  }
0x4d: {  	_ =	shalt  }
0x4e: {  	_ =	shalt  }
0x4f: {  	_ =	shalt  }
0x50: {  	_ =	shalt  }
0x51: {  	_ =	shalt  }
0x52: {  	_ =	shalt  }
0x53: {  	_ =	shalt  }
0x54: {  	_ =	shalt  }
0x55: {  	_ =	shalt  }
0x56: {  	_ =	shalt  }
0x57: {  	_ =	shalt  }
0x58: {  	_ =	shalt  }
0x59: {  	_ =	shalt  }
0x5a: {  	_ =	shalt  }
0x5b: {  	_ =	shalt  }
0x5c: {  	_ =	shalt  }
0x5d: {  	_ =	shalt  }
0x5e: {  	_ =	shalt  }
0x5f: {  	_ =	shalt  }
0x60: {  	_ =	shalt  }
0x61: {  	_ =	shalt  }
0x62: {  	_ =	shalt  }
0x63: {  	_ =	shalt  }
0x64: {  	_ =	shalt  }
0x65: {  	_ =	shalt  }
0x66: {  	_ =	shalt  }
0x67: {  	_ =	shalt  }
0x68: {  	_ =	shalt  }
0x69: {  	_ =	shalt  }
0x6a: {  	_ =	shalt  }
0x6b: {  	_ =	shalt  }
0x6c: {  	_ =	shalt  }
0x6d: {  	_ =	shalt  }
0x6e: {  	_ =	shalt  }
0x6f: {  	_ =	shalt  }
0x70: {  	_ =	shalt  }
0x71: {  	_ =	shalt  }
0x72: {  	_ =	shalt  }
0x73: {  	_ =	shalt  }
0x74: {  	_ =	shalt  }
0x75: {  	_ =	shalt  }
0x76: {  	_ =	shalt  }
0x77: {  	_ =	shalt  }
0x78: {  	_ =	shalt  }
0x79: {  	_ =	shalt  }
0x7a: {  	_ =	shalt  }
0x7b: {  	_ =	shalt  }
0x7c: {  	_ =	shalt  }
0x7d: {  	_ =	shalt  }
0x7e: {  	_ =	shalt  }
0x7f: {  	_ =	shalt  }
0x80: {  	_ =	shalt  }
0x81: {  	_ =	shalt  }
0x82: {  	_ =	shalt  }
0x83: {  	_ =	shalt  }
0x84: {  	_ =	shalt  }
0x85: {  	_ =	shalt  }
0x86: {  	_ =	shalt  }
0x87: {  	_ =	shalt  }
.Lfunc_end0:
.L_simem_size_0:
called_computation.2_lowered:
.L_overlay_start_0:
0x88: {  	s2 =	sld [smem:$0x3FD9]  }
0x89: {  	s3 =	sld [smem:$0x3FFE];
	_ =	sdelay $0x1  }
0x8a: {  	s1 =	srdreg.scid  }
0x8b: {  	s0 =	sand.u32 $0x1, s1  }
0x8c: {  	s17 =	sshll.u32 s0, $0xA;
	s2 =	sadd.s32 s3, s2  }
0x8d: {  	s2 =	sadd.s32 s2, s17  }
0x8e: {  	[smem:$0x3F9B] =	sst s2  }
0x8f: {  	_ = 	snop  }
0x90: {  	(tm) =	ssettm $0x1  }
0x91: {  	s18 =	sld [smem:$0x3FFB];
	_ =	sdelay $0x3  }
0x92: {  	_ =	strace s18  }
0x93: {  	s2 =	sld [smem:$0x3FFC];
	_ =	sdelay $0x3  }
0x94: {  	_ =	strace s2  }
0x95: {  	s2 =	sld [smem:$0x3FFD];
	_ =	sdelay $0x3  }
0x96: {  	_ =	strace s2  }
0x97: {  	_ =	strace $0x8FFFFFFF  }
0x98: {  	s19 =	sld [smem:$0x3FDB];
	_ =	sdelay $0x1  }
0x99: {  	s20 =	simm.s32 $_scs_section_size  }
0x9a: {  	s4 =	simm.s32 $_size__tile_overlayer_lowered;
	s5 =	simm.s32 $_tile_overlayer_lowered  }
0x9b: {  	s6 =	simm.s32 $0x1BFF;
	s21 =	sshll.u32 s5, $0x1;
	s3 =	sadd.s32 s20, s19  }
0x9c: {  	s22 =	simm.s32 $0x0;
	s4 =	sshll.u32 s4, $0x1;
	s5 =	sadd.s32 s21, s3  }
0x9d: {  	[timem:s22], [sflag:s6] =	dma.local [hbm:s5], s4  }
0x9e: {  	_ =	swait.ge [sflag:s6], s4  }
0x9f: {  	s4 =	ssub.s32 $0x0, s4;
	[sflag:s6] =	ssyncset.done $0x0  }
0xa0: {  	[sflag:s6] =	ssyncadd.s32 s4;
	_ =	sdelay $0x1  }
0xa1: {  	s23 =	simm.s32 $0x1B8B  }
0xa2: {  	_ =	swait.ge [sflag:s23], $0x1  }
0xa3: {  	[sflag:s23] =	ssyncset.done $0x0  }
0xa4: {  	[sflag:s23] =	ssyncadd.s32 $0xFFFFFFFF  }
0xa5: {  	s4 =	sld [smem:$0x0]  }
0xa6: {  	s5 =	sand.u32 $0xFFFFFFFE, s1  }
0xa7: {  	p0 =	sne.s32 s1, s5  }
0xa8: {  	s5 =	sshll.u32 @p0 s5, $0xE  }
0xa9: {  	s5 =	sadd.s32 @p0 $0x11B8D, s5;
	s6 =	sshll.u32 @p0 s4, $0x11  }
0xaa: {  	s5 =	sor.u32 @p0 s6, s5  }
0xab: {  	[sflag:s5] =	ssyncadd.remote.s32 @p0 $0x1;
	_ =	sdelay $0x1  }
0xac: {  	s5 =	simm.s32 @p0 $0x1B8D  }
0xad: {  	_ =	swait.eq @p0 [sflag:s5], $0x1  }
0xae: {  	[sflag:s5] =	ssyncadd.s32 @p0 $0xFFFFFFFF  }
0xaf: {  	s6 =	sshll.u32 @!p0 s1, $0xE  }
0xb0: {  	s6 =	sor.u32 @!p0 $0x4000, s6;
	s5 =	simm.s32 @!p0 $0x1B8D  }
0xb1: {  	s4 =	sshll.u32 @!p0 s4, $0x11;
	s6 =	sadd.s32 @!p0 $0x11B8D, s6;
	_ =	swait.eq @!p0 [sflag:s5], $0x1  }
0xb2: {  	s4 =	sor.u32 @!p0 s4, s6;
	[sflag:s5] =	ssyncadd.s32 @!p0 $0xFFFFFFFF  }
0xb3: {  	s25 =	simm.s32 $0x1B8E;
	s24 =	sld [smem:$0x3FFE];
	[sflag:s4] =	ssyncadd.remote.s32 @!p0 $0x1  }
0xb4: {  	s26 =	simm.s32 $execute0_lowered;
	[smem:$0x3FD2] =	sst s25  }
0xb5: {  	s5 =	sshll.u32 s26, $0x1;
	_ =	strace $0x8000004C;
	[dreg:$0x1] =	wrdreg $0xFFFFFFFF  }
0xb6: {  	s28 =	simm.s32 $_size_execute0_lowered;
	s3 =	sadd.s32 s3, s5;
	[dreg:$0x0] =	wrdreg $0x0  }
0xb7: {  	s5 =	sshll.u32 s28, $0x1;
	[dreg:$0x2] =	wrdreg s3  }
0xb8: {  	[dreg:$0x3] =	wrdreg s5  }
0xb9: {  	[dreg:$0x4] =	wrdreg $0xC0  }
0xba: {  	_ =	task [dreg:s22], $0x5FFFF  }
0xbb: {  	[dreg:$0x1] =	wrdreg $0xFFFFFFFF  }
0xbc: {  	[dreg:$0x0] =	wrdreg $0x60  }
0xbd: {  	[dreg:$0x2] =	wrdreg s24  }
0xbe: {  	[dreg:$0x3] =	wrdreg $0x94000  }
0xbf: {  	[dreg:$0x4] =	wrdreg $0xA  }
0xc0: {  	_ =	task.clear_ibuf [dreg:s22], $0x5FFFF;
	_ =	strace $0x9000004C  }
0xc1: {  	s29 =	simm.s32 $0xA;
	_ =	strace $0x8000004E  }
0xc2: {  	_ =	swait.ge [sflag:s29], $0x1  }
0xc3: {  	[sflag:s29] =	ssyncadd.s32 $0xFFFFFFFF  }
0xc4: {  	_ =	strace $0x9000004E  }
0xc5: {  	_ =	sfence  }
0xc6: {  	s30 =	sld [smem:$0x0];
	_ =	sdelay $0x2  }
0xc7: {  	s31 =	sshll.u32 s1, $0xD;
	s1 =	sshrl.u32 s1, $0x2  }
0xc8: {  	s4 =	sand.u32 $0x4000, s31;
	s1 =	sadd.s32 s1, s30  }
0xc9: {  	s0 =	sor.u32 s4, s0;
	s1 =	sshll.u32 s1, $0x11  }
0xca: {  	s0 =	sor.u32 s1, s0  }
0xcb: {  	s0 =	sadd.s32 $0x8F2B, s0  }
0xcc: {  	[sflag:s0] =	ssyncadd.remote.s32 $0x1  }
0xcd: {  	_ =	sfence.sel $0xFFFF  }
0xce: {  	[dreg:$0x0] =	wrdreg $0xFFFFFFFF;
	(pc) =	sbr.abs _section_cstart, $3  }
0xcf: {  	[dreg:$0x1] =	wrdreg $0xFFFFFFFF  }
0xd0: {  	_ =	task.clear_ibuf [dreg:s22], $0x2FFFF;
	_ =	strace $0x9FFFFFFF  }
0xd1: {  	(tm) =	ssettm $0x7FFFFFFF  }
tec
execute0_lowered:
.L_overlay_start_1:
0x0: {  	(tag) =	ssettag $0x1  }
0x1: {  	s1 =	srdreg.scid  }
0x2: {  	s0 =	stileid.u32;
	s8 =	rddreg [dreg:$0x0]  }
0x3: {  	s2 =	rddreg [dreg:$0x1];
	s10 =	smul.u32 $0x13800, s0  }
0x4: {  	s3 =	simm.s32 $0x0;
	s28 =	simm.s32 $0x0;
	s21 =	smul.u32 $0x4E000, s0  }
0x5: {  	s9 =	sand.u32 $0x1, s1;
	s18 =	sshll.u32 s0, $0x1;
	s17 =	smul.u32 $0x140000, s0  }
0x6: {  	[smem:$0x7FF] =	sst s3;
	s15 =	sadd.s32 $0x81EC00, s8;
	s23 =	smul.u32 $0x139000, s9  }
0x7: {  	s13 =	sadd.s32 $0xAC5E00, s8;
	s6 =	sor.u32 s9, s18;
	s18 =	smul.u32 $0xA0000, s9  }
0x8: {  	p0 =	sne.s32 s0, $0xF;
	s31 =	sshll.u32 s0, $0x6;
	s4 =	smul.u32 $0x280, s6  }
0x9: {  	_ =	strace $0x8000004D;
	s7 =	ssub.s32 $0x2, s9;
	s12 =	smul.u32 $0x14000, s6  }
0xa: {  	s19 =	sshrl.u32 s10, $0x3;
	s20 =	sshrl.u32 s7, $0x1;
	s22 =	smul.u32 $0xA0000, s6  }
0xb: {  	s11 =	sadd.s32 s19, s8;
	s14 =	ssub.s32 s7, s20;
	s7 =	sshrl.u32 s21, $0x2  }
0xc: {  	s10 =	sadd.s32 s10, s23;
	s26 =	sadd.s32 s18, s17;
	s18 =	sor.u32 $0x1C05, s31  }
0xd: {  	s20 =	simm.s32 $0x1;
	s21 =	simm.s32 $0x5400;
	s5 =	sadd.s32 s4, s8  }
0xe: {  	s4 =	sadd.s32 s15, s12;
	s6 =	sadd.s32 $0xA9EC00, s11;
	s19 =	sadd.s32 s7, s2  }
0xf: {  	s7 =	sadd.s32 $0x138000, s2;
	s8 =	sadd.s32 $0xAC5C00, s8;
	s16 =	sor.u32 $0x8000, s22  }
0x10: {  	s10 =	sshrl.u32 s10, $0x3;
	s11 =	sshrl.u32 s23, $0x3;
	s25 =	sshrl.u32 s22, $0x3  }
0x11: {  	s29 =	sor.u32 $0x10000, s26;
	s17 =	sor.u32 $0xC000, s26;
	s22 =	simm.s32 $0x80  }
0x12: {  	s23 =	simm.s32 $0x2;
	s26 =	simm.s32 $0x1380;
	s5 =	sadd.s32 $0x10600, s5  }
0x13: {  	s9 =	sadd.s32 s13, s10;
	s24 =	sadd.s32 s13, s11;
	s12 =	sadd.s32 s25, s15  }
.Ltmp0:
0x14: {  	s11 =	smax.u32 s14, $0x1;
	s16 =	sshrl.u32 s16, $0x3;
	(pc) =	sbr.rel .LBB2_1-.Ltmp0, $4  }
0x15: {  	s14 =	sshrl.u32 s29, $0x3;
	s30 =	sshrl.u32 s17, $0x3;
	s17 =	simm.s32 $0x5  }
0x16: {  	s19 =	sshrl.u32 s19, $0x3;
	s25 =	simm.s32 $0x4;
	s10 =	sadd.s32 $0x27000, s24  }
0x17: {  	s12 =	sadd.s32 $0x800, s12;
	s13 =	sadd.s32 s15, s16;
	s14 =	sadd.s32 s14, s15  }
0x18: {  	s15 =	sadd.s32 s30, s15;
	s16 =	simm.s32 $0x1400;
	s24 =	simm.s32 $0x3  }
.LBB2_4:
0x19: {  	[spmem:s2] =	stream.indirect.scatter.add.f32 [tilespmem:s21], [sflag:$0x4], $0x80, s26, s22, $0xb8;
	[tilespmem:$0x1CD00] =	vst v63  }
0x1a: {  	_ =	swait.ge [sflag:s25], $0x4000  }
0x1b: {  	[sflag:s25] =	ssyncset.done $0x0  }
0x1c: {  	[sflag:s25] =	ssyncadd.s32 $0xFFFFC000  }
0x1d: {  	[bflag:$0x0] =	sbarrier.arrive $0xFFFF  }
0x1e: {  	[hbm:s9], [sflag:s18] =	dma.local [spmem:s19], $0x2700  }
0x1f: {  	s28 =	sadd.s32 $0x1, s28;
	_ =	swait.ge [sflag:s17], $0x2700  }
0x20: {  	p1 =	sne.s32 s28, s11;
	[sflag:s17] =	ssyncset.done $0x0  }
.Ltmp1:
0x21: {  	s1 =	simm.s32 @!p0 $0x5;
	[sflag:s17] =	ssyncadd.s32 $0xFFFFD900;
	(pc) =	sbr.rel @!p1 .LBB2_5-.Ltmp1, $4  }
0x22: {  	[hbm:s10], [sflag:s18] =	dma.local @!p0 [spmem:s29], $0x200  }
0x23: {  	_ =	swait.ge @!p0 [sflag:s1], $0x200  }
0x24: {  	[sflag:s1] =	ssyncset.done @!p0 $0x0  }
0x25: {  	[sflag:s1] =	ssyncadd.s32 @!p0 $0xFFFFFE00  }
.LBB2_1:
0x26: {  	[tilespmem:s16], [sflag:$0x1] =	stream.linear.gather [hbm4b:s4+s3], $0x4000, $0x38;
	[tilespmem:$0x1CD00] =	vst v63  }
0x27: {  	_ = 	snop  }
0x28: {  	[tilespmem:s3], [sflag:$0x5] =	stream.linear.gather [hbm4b:s5+s3], $0x1400, $0x38;
	[tilespmem:$0x1CD00] =	vst v63  }
0x29: {  	_ =	swait.ge [sflag:s17], $0x1400  }
0x2a: {  	[sflag:s17] =	ssyncset.done $0x0  }
0x2b: {  	[sflag:s17] =	ssyncadd.s32 $0xFFFFEC00  }
0x2c: {  	[spmem:s19], [sflag:s18] =	dma.local [hbm:s6], $0x2700  }
0x2d: {  	_ =	swait.ge [sflag:s17], $0x2700  }
0x2e: {  	[sflag:s17] =	ssyncset.done $0x0  }
0x2f: {  	s29 =	sshrl.u32 @!p0 s7, $0x3;
	s30 =	simm.s32 @!p0 $0x5;
	[sflag:s17] =	ssyncadd.s32 $0xFFFFD900  }
0x30: {  	[spmem:s29], [sflag:s18] =	dma.local @!p0 [hbm:s8], $0x200  }
0x31: {  	_ =	swait.ge @!p0 [sflag:s30], $0x200  }
0x32: {  	[sflag:s30] =	ssyncset.done @!p0 $0x0  }
0x33: {  	[sflag:s30] =	ssyncadd.s32 @!p0 $0xFFFFFE00  }
0x34: {  	[bflag:$0x0] =	sbarrier.arrive $0xFFFF  }
0x35: {  	_ =	swait.ge [sflag:s20], $0x4000  }
0x36: {  	[sflag:s20] =	ssyncset.done $0x0  }
0x37: {  	[sflag:s20] =	ssyncadd.s32 $0xFFFFC000  }
0x38: {  	[tilespmem:s21], [sflag:$0x2] =	stream.linear.gather [hbm4b:s12+s3], $0x4000, $0x38;
	[tilespmem:$0x1CD00] =	vst v63  }
0x39: {  	_ = 	snop  }
0x3a: {  	[spmem:s2] =	stream.indirect.scatter.add.f32 [tilespmem:s16], [sflag:$0x3], $0x80, s3, s22, $0xb8;
	[tilespmem:$0x1CD00] =	vst v63  }
0x3b: {  	_ =	swait.ge [sflag:s23], $0x4000  }
0x3c: {  	[sflag:s23] =	ssyncset.done $0x0  }
0x3d: {  	[sflag:s23] =	ssyncadd.s32 $0xFFFFC000  }
0x3e: {  	_ =	swait.ge [sflag:s24], $0x4000  }
0x3f: {  	[sflag:s24] =	ssyncset.done $0x0  }
0x40: {  	[sflag:s24] =	ssyncadd.s32 $0xFFFFC000  }
0x41: {  	[tilespmem:s16], [sflag:$0x1] =	stream.linear.gather [hbm4b:s13+s3], $0x4000, $0x38;
	[tilespmem:$0x1CD00] =	vst v63  }
0x42: {  	s31 =	simm.s32 $0x0;
	s30 =	simm.s32 $0x100  }
0x43: {  	[spmem:s2] =	stream.indirect.scatter.add.f32 [tilespmem:s21], [sflag:$0x4], $0x80, s22, s22, $0xb8;
	[tilespmem:$0x1CD00] =	vst v63  }
.LBB2_2:
0x44: {  	_ =	swait.ge [sflag:s20], $0x4000  }
0x45: {  	[sflag:s20] =	ssyncset.done $0x0  }
0x46: {  	[sflag:s20] =	ssyncadd.s32 $0xFFFFC000  }
0x47: {  	_ =	swait.ge [sflag:s25], $0x4000  }
0x48: {  	[sflag:s25] =	ssyncset.done $0x0  }
0x49: {  	s1 =	sadd.s32 s31, s15;
	[sflag:s25] =	ssyncadd.s32 $0xFFFFC000  }
0x4a: {  	[tilespmem:s21], [sflag:$0x2] =	stream.linear.gather [hbm4b:s1+s3], $0x4000, $0x38;
	[tilespmem:$0x1CD00] =	vst v63  }
0x4b: {  	_ = 	snop  }
0x4c: {  	[spmem:s2] =	stream.indirect.scatter.add.f32 [tilespmem:s16], [sflag:$0x3], $0x80, s30, s22, $0xb8;
	[tilespmem:$0x1CD00] =	vst v63  }
0x4d: {  	p1 =	seq.s32 s31, $0x12000;
	_ =	swait.ge [sflag:s23], $0x4000  }
.Ltmp2:
0x4e: {  	[sflag:s23] =	ssyncset.done $0x0;
	(pc) =	sbr.rel @p1 .LBB2_4-.Ltmp2, $4  }
0x4f: {  	[sflag:s23] =	ssyncadd.s32 $0xFFFFC000  }
0x50: {  	_ =	swait.ge [sflag:s24], $0x4000  }
0x51: {  	[sflag:s24] =	ssyncset.done $0x0  }
0x52: {  	[sflag:s24] =	ssyncadd.s32 $0xFFFFC000  }
.Ltmp3:
0x53: {  	(pc) =	sbr.rel .LBB2_2-.Ltmp3, $4  }
0x54: {  	s1 =	sadd.s32 s31, s14  }
0x55: {  	[tilespmem:s16], [sflag:$0x1] =	stream.linear.gather [hbm4b:s1+s3], $0x4000, $0x38;
	[tilespmem:$0x1CD00] =	vst v63  }
0x56: {  	s31 =	sadd.s32 $0x1000, s31;
	s1 =	sadd.s32 $0x80, s30;
	s30 =	sadd.s32 $0x100, s30  }
0x57: {  	[spmem:s2] =	stream.indirect.scatter.add.f32 [tilespmem:s21], [sflag:$0x4], $0x80, s1, s22, $0xb8;
	[tilespmem:$0x1CD00] =	vst v63  }
.LBB2_5:
0x58: {  	_ =	sfence.sel $0x180000  }
0x59: {  	[bflag:$0x0] =	sbarrier.arrive $0xFFFF  }
0x5a: {  	_ =	strace $0x9000004D  }
0x5b: {  	[bflag:$0x2] =	sbarrier.arrive $0xFFFF  }
0x5c: {  	p0 =	sne.s32 s0, $0x0;
	s0 =	rddreg [dreg:$0x2]  }
0x5d: {  	s0 =	sadd.s32 @!p0 $0x100000, s0  }
0x5e: {  	[sflag:s0] =	ssyncadd.tile.s32 @!p0 $0x1;
	_ =	shalt  }
.Lfunc_end2:
_tile_overlayer_lowered:
.L_overlay_start_2:
0x5f: {  	(tag) =	ssettag $0x2  }
0x60: {  	s0 =	rddreg [dreg:$0x0];
	s2 =	stileid.u32  }
0x61: {  	s1 =	rddreg [dreg:$0x1];
	p0 =	sne.s32 s2, $0x0  }
0x62: {  	s3 =	rddreg [dreg:$0x2];
	[bflag:$0x3] =	sbarrier.arrive $0xFFFF;
	s2 =	simm.s32 @!p0 $0x1C05  }
0x63: {  	[timem:s3], [sflag:s2] =	dma.local @!p0 [hbm:s0], s1  }
0x64: {  	s0 =	simm.s32 @!p0 $0x5  }
0x65: {  	_ =	swait.ge @!p0 [sflag:s0], s1  }
0x66: {  	s1 =	ssub.s32 @!p0 $0x0, s1;
	[sflag:s0] =	ssyncset.done @!p0 $0x0  }
0x67: {  	[sflag:s0] =	ssyncadd.s32 @!p0 s1  }
0x68: {  	[bflag:$0x3] =	sbarrier.arrive $0xFFFF  }
0x69: {  	_ =	shalt  }

// kernel: kernel.28.cloned.1.call-start
scs
__scs_entry_jumppad:
0x0: {  	(pc) =	sbr.rel $0x88, $3  }
0x1: {  	(tag) =	ssettag $0x0;
	lr =	simm.s32 $0x1  }
0x2: {  	[smem:$0x3F74] =	sst lr;
	_ =	strace $0xD0000000  }
0x3: {  	_ = 	snop  }
0x4: {  	_ = 	snop  }
0x5: {  	_ = 	snop  }
0x6: {  	_ = 	snop  }
0x7: {  	_ = 	snop  }
__scs_overlays_trampoline_lowered:
0x8: {  	[smem:$0x3F83] =	sst s0  }
0x9: {  	[smem:$0x3F84] =	sst s1  }
0xa: {  	[smem:$0x3F85] =	sst s2  }
0xb: {  	[smem:$0x3F86] =	sst s3  }
0xc: {  	[smem:$0x3F87] =	sst s4  }
0xd: {  	[smem:$0x3F88] =	sst s5  }
0xe: {  	[smem:$0x3F89] =	sst s6  }
0xf: {  	[smem:$0x3F8A] =	sst s7  }
0x10: {  	[smem:$0x3F8B] =	sst s8  }
0x11: {  	[smem:$0x3F8C] =	sst s9;
	s0 =	simm.s32 @!p0 $0x0  }
0x12: {  	s1 =	sld [smem:$0x3F72];
	s0 =	simm.s32 @p0 $0x1  }
0x13: {  	[smem:$0x3F8D] =	sst s0;
	s0 =	simm.s32 @!p1 $0x0  }
0x14: {  	s2 =	sld [smem:$0x3F71];
	s0 =	simm.s32 @p1 $0x1  }
0x15: {  	[smem:$0x3F8E] =	sst s0;
	s0 =	simm.s32 @!p2 $0x0  }
0x16: {  	s3 =	sld [smem:$0x3FDB];
	s0 =	simm.s32 @p2 $0x1  }
0x17: {  	s4 =	simm.s32 $0x1BF5;
	[smem:$0x3F90] =	sst s0  }
0x18: {  	s0 =	sld [smem:$0x3F73];
	_ =	swait.ge [sflag:s4], $0x0  }
0x19: {  	s7 =	sld [smem:$0x3F74]  }
0x1a: {  	s8 =	sadd.s32 $0xFFFFE003, lr  }
0x1b: {  	s9 =	sadd.s32 $0xFFFFFEF7, lr;
	s5 =	simm.s32 $0xFFFFFFFF;
	p2 =	slt.u32 s8, $0xFFFFF086  }
0x1c: {  	p1 =	slt.u32 s9, $0xF7A;
	s5 =	simm.s32 @!p2 $0x0  }
0x1d: {  	s5 =	simm.s32 @p1 $0x1;
	p0 =	seq.s32 s7, s2  }
0x1e: {  	s7 =	smul.u32 @!p0 $0xF7A, s2;
	p2 =	seq.s32 @!p0 s5, $0x0  }
0x1f: {  	s9 =	smul.u32 $0xF7A, s1;
	s8 =	simm.s32 @!p0 $0x1BF5;
	p2 =	por !p2, p0  }
0x20: {  	[sflag:s8] =	ssyncset.s32 @!p0 $0xFFFFF086;
	s6 =	sadd.s32 @!p0 s3, s7;
	s7 =	simm.s32 @!p0 $0x108  }
0x21: {  	s3 =	sadd.s32 s3, s9;
	s6 =	sadd.s32 @!p0 $0x88, s6;
	s7 =	simm.s32 @p2 $0x1082  }
0x22: {  	[simem:s7], [sflag:s8] =	dma.local @!p0 [hbm:s6], $0xF7A  }
0x23: {  	s9 =	sor.u32 $0xD0000000, s2;
	s6 =	simm.s32 $0x108;
	_ =	swait.ge @!p0 [sflag:s8], $0x0  }
0x24: {  	s3 =	sadd.s32 $0x88, s3;
	s6 =	simm.s32 @!p1 $0x1082;
	[sflag:s4] =	ssyncset.s32 $0xFFFFF086  }
0x25: {  	[simem:s6], [sflag:s4] =	dma.local [hbm:s3], $0xF7A  }
0x26: {  	[smem:$0x3F74] =	sst s1;
	(tag) =	ssettag s2;
	_ =	strace s9  }
0x27: {  	s1 =	sld [smem:$0x3F84]  }
0x28: {  	s2 =	sld [smem:$0x3F85]  }
0x29: {  	s4 =	sld [smem:$0x3F87]  }
0x2a: {  	p0 =	seq.s32 s5, $0x0;
	s5 =	sld [smem:$0x3F88]  }
0x2b: {  	s6 =	sld [smem:$0x3F89]  }
0x2c: {  	s7 =	sld [smem:$0x3F8A]  }
0x2d: {  	s3 =	simm.s32 $0x108;
	s8 =	sld [smem:$0x3F8B]  }
0x2e: {  	s3 =	simm.s32 @!p0 $0x1082;
	s9 =	sld [smem:$0x3F8C]  }
0x2f: {  	lr =	sadd.s32 s0, s3;
	s0 =	sld [smem:$0x3F83]  }
0x30: {  	s3 =	sld [smem:$0x3F86]  }
0x31: {  	[smem:$0x3F8F] =	sst s10  }
0x32: {  	s10 =	sld [smem:$0x3F8D];
	_ =	sdelay $0x3  }
0x33: {  	p0 =	seq.s32 s10, $0x1;
	s10 =	sld [smem:$0x3F8F];
	_ =	sdelay $0x3  }
0x34: {  	[smem:$0x3F8F] =	sst s10  }
0x35: {  	s10 =	sld [smem:$0x3F8E];
	_ =	sdelay $0x3  }
0x36: {  	p1 =	seq.s32 s10, $0x1;
	s10 =	sld [smem:$0x3F8F];
	_ =	sdelay $0x3  }
0x37: {  	[smem:$0x3F8F] =	sst s10  }
0x38: {  	s10 =	sld [smem:$0x3F90]  }
0x39: {  	_ = 	snop;
	(pc) =	sbr.ind lr, $3  }
0x3a: {  	_ = 	snop  }
0x3b: {  	_ = 	snop  }
0x3c: {  	p2 =	seq.s32 s10, $0x1;
	s10 =	sld [smem:$0x3F8F]  }
0x3d: {  	_ =	shalt  }
0x3e: {  	_ =	shalt  }
0x3f: {  	_ =	shalt  }
0x40: {  	_ =	shalt  }
0x41: {  	_ =	shalt  }
0x42: {  	_ =	shalt  }
0x43: {  	_ =	shalt  }
0x44: {  	_ =	shalt  }
0x45: {  	_ =	shalt  }
0x46: {  	_ =	shalt  }
0x47: {  	_ =	shalt  }
0x48: {  	_ =	shalt  }
0x49: {  	_ =	shalt  }
0x4a: {  	_ =	shalt  }
0x4b: {  	_ =	shalt  }
0x4c: {  	_ =	shalt  }
0x4d: {  	_ =	shalt  }
0x4e: {  	_ =	shalt  }
0x4f: {  	_ =	shalt  }
0x50: {  	_ =	shalt  }
0x51: {  	_ =	shalt  }
0x52: {  	_ =	shalt  }
0x53: {  	_ =	shalt  }
0x54: {  	_ =	shalt  }
0x55: {  	_ =	shalt  }
0x56: {  	_ =	shalt  }
0x57: {  	_ =	shalt  }
0x58: {  	_ =	shalt  }
0x59: {  	_ =	shalt  }
0x5a: {  	_ =	shalt  }
0x5b: {  	_ =	shalt  }
0x5c: {  	_ =	shalt  }
0x5d: {  	_ =	shalt  }
0x5e: {  	_ =	shalt  }
0x5f: {  	_ =	shalt  }
0x60: {  	_ =	shalt  }
0x61: {  	_ =	shalt  }
0x62: {  	_ =	shalt  }
0x63: {  	_ =	shalt  }
0x64: {  	_ =	shalt  }
0x65: {  	_ =	shalt  }
0x66: {  	_ =	shalt  }
0x67: {  	_ =	shalt  }
0x68: {  	_ =	shalt  }
0x69: {  	_ =	shalt  }
0x6a: {  	_ =	shalt  }
0x6b: {  	_ =	shalt  }
0x6c: {  	_ =	shalt  }
0x6d: {  	_ =	shalt  }
0x6e: {  	_ =	shalt  }
0x6f: {  	_ =	shalt  }
0x70: {  	_ =	shalt  }
0x71: {  	_ =	shalt  }
0x72: {  	_ =	shalt  }
0x73: {  	_ =	shalt  }
0x74: {  	_ =	shalt  }
0x75: {  	_ =	shalt  }
0x76: {  	_ =	shalt  }
0x77: {  	_ =	shalt  }
0x78: {  	_ =	shalt  }
0x79: {  	_ =	shalt  }
0x7a: {  	_ =	shalt  }
0x7b: {  	_ =	shalt  }
0x7c: {  	_ =	shalt  }
0x7d: {  	_ =	shalt  }
0x7e: {  	_ =	shalt  }
0x7f: {  	_ =	shalt  }
0x80: {  	_ =	shalt  }
0x81: {  	_ =	shalt  }
0x82: {  	_ =	shalt  }
0x83: {  	_ =	shalt  }
0x84: {  	_ =	shalt  }
0x85: {  	_ =	shalt  }
0x86: {  	_ =	shalt  }
0x87: {  	_ =	shalt  }
.Lfunc_end0:
.L_simem_size_0:
called_computation.3_lowered:
.L_overlay_start_0:
0x88: {  	s2 =	sld [smem:$0x3FD9]  }
0x89: {  	s3 =	sld [smem:$0x3FFE];
	_ =	sdelay $0x1  }
0x8a: {  	s1 =	srdreg.scid  }
0x8b: {  	s0 =	sand.u32 $0x1, s1  }
0x8c: {  	s17 =	sshll.u32 s0, $0xA;
	s2 =	sadd.s32 s3, s2  }
0x8d: {  	s2 =	sadd.s32 s2, s17  }
0x8e: {  	[smem:$0x3F9B] =	sst s2  }
0x8f: {  	_ = 	snop  }
0x90: {  	(tm) =	ssettm $0x1  }
0x91: {  	s18 =	sld [smem:$0x3FFB];
	_ =	sdelay $0x3  }
0x92: {  	_ =	strace s18  }
0x93: {  	s2 =	sld [smem:$0x3FFC];
	_ =	sdelay $0x3  }
0x94: {  	_ =	strace s2  }
0x95: {  	s2 =	sld [smem:$0x3FFD];
	_ =	sdelay $0x3  }
0x96: {  	_ =	strace s2  }
0x97: {  	_ =	strace $0x8FFFFFFF  }
0x98: {  	s19 =	sld [smem:$0x3FDB];
	_ =	sdelay $0x1  }
0x99: {  	s20 =	simm.s32 $_scs_section_size  }
0x9a: {  	s4 =	simm.s32 $_size__tile_overlayer_lowered;
	s5 =	simm.s32 $_tile_overlayer_lowered  }
0x9b: {  	s6 =	simm.s32 $0x1BFF;
	s21 =	sshll.u32 s5, $0x1;
	s3 =	sadd.s32 s20, s19  }
0x9c: {  	s22 =	simm.s32 $0x0;
	s4 =	sshll.u32 s4, $0x1;
	s5 =	sadd.s32 s21, s3  }
0x9d: {  	[timem:s22], [sflag:s6] =	dma.local [hbm:s5], s4  }
0x9e: {  	_ =	swait.ge [sflag:s6], s4  }
0x9f: {  	s4 =	ssub.s32 $0x0, s4;
	[sflag:s6] =	ssyncset.done $0x0  }
0xa0: {  	[sflag:s6] =	ssyncadd.s32 s4;
	_ =	sdelay $0x1  }
0xa1: {  	s23 =	simm.s32 $0x1B8B  }
0xa2: {  	_ =	swait.ge [sflag:s23], $0x1  }
0xa3: {  	[sflag:s23] =	ssyncset.done $0x0  }
0xa4: {  	[sflag:s23] =	ssyncadd.s32 $0xFFFFFFFF  }
0xa5: {  	s4 =	sld [smem:$0x0]  }
0xa6: {  	s5 =	sand.u32 $0xFFFFFFFE, s1  }
0xa7: {  	p0 =	sne.s32 s1, s5  }
0xa8: {  	s5 =	sshll.u32 @p0 s5, $0xE  }
0xa9: {  	s5 =	sadd.s32 @p0 $0x11B8D, s5;
	s6 =	sshll.u32 @p0 s4, $0x11  }
0xaa: {  	s5 =	sor.u32 @p0 s6, s5  }
0xab: {  	[sflag:s5] =	ssyncadd.remote.s32 @p0 $0x1;
	_ =	sdelay $0x1  }
0xac: {  	s5 =	simm.s32 @p0 $0x1B8D  }
0xad: {  	_ =	swait.eq @p0 [sflag:s5], $0x1  }
0xae: {  	[sflag:s5] =	ssyncadd.s32 @p0 $0xFFFFFFFF  }
0xaf: {  	s6 =	sshll.u32 @!p0 s1, $0xE  }
0xb0: {  	s6 =	sor.u32 @!p0 $0x4000, s6;
	s5 =	simm.s32 @!p0 $0x1B8D  }
0xb1: {  	s4 =	sshll.u32 @!p0 s4, $0x11;
	s6 =	sadd.s32 @!p0 $0x11B8D, s6;
	_ =	swait.eq @!p0 [sflag:s5], $0x1  }
0xb2: {  	s4 =	sor.u32 @!p0 s4, s6;
	[sflag:s5] =	ssyncadd.s32 @!p0 $0xFFFFFFFF  }
0xb3: {  	s25 =	simm.s32 $0x1B8E;
	s24 =	sld [smem:$0x3FFE];
	[sflag:s4] =	ssyncadd.remote.s32 @!p0 $0x1  }
0xb4: {  	s26 =	simm.s32 $execute0_lowered;
	[smem:$0x3FD2] =	sst s25  }
0xb5: {  	s5 =	sshll.u32 s26, $0x1;
	_ =	strace $0x8000004F;
	[dreg:$0x1] =	wrdreg $0xFFFFFFFF  }
0xb6: {  	s28 =	simm.s32 $_size_execute0_lowered;
	s3 =	sadd.s32 s3, s5;
	[dreg:$0x0] =	wrdreg $0x0  }
0xb7: {  	s5 =	sshll.u32 s28, $0x1;
	[dreg:$0x2] =	wrdreg s3  }
0xb8: {  	[dreg:$0x3] =	wrdreg s5  }
0xb9: {  	[dreg:$0x4] =	wrdreg $0xC0  }
0xba: {  	_ =	task [dreg:s22], $0x5FFFF  }
0xbb: {  	[dreg:$0x1] =	wrdreg $0xFFFFFFFF  }
0xbc: {  	[dreg:$0x0] =	wrdreg $0x60  }
0xbd: {  	[dreg:$0x2] =	wrdreg s24  }
0xbe: {  	[dreg:$0x3] =	wrdreg $0x94000  }
0xbf: {  	[dreg:$0x4] =	wrdreg $0x9  }
0xc0: {  	_ =	task.clear_ibuf [dreg:s22], $0x5FFFF;
	_ =	strace $0x9000004F  }
0xc1: {  	s29 =	simm.s32 $0x9;
	_ =	strace $0x80000051  }
0xc2: {  	_ =	swait.ge [sflag:s29], $0x1  }
0xc3: {  	[sflag:s29] =	ssyncadd.s32 $0xFFFFFFFF  }
0xc4: {  	_ =	strace $0x90000051  }
0xc5: {  	_ =	sfence  }
0xc6: {  	s30 =	sld [smem:$0x0];
	_ =	sdelay $0x2  }
0xc7: {  	s31 =	sshll.u32 s1, $0xD;
	s1 =	sshrl.u32 s1, $0x2  }
0xc8: {  	s4 =	sand.u32 $0x4000, s31;
	s1 =	sadd.s32 s1, s30  }
0xc9: {  	s0 =	sor.u32 s4, s0;
	s1 =	sshll.u32 s1, $0x11  }
0xca: {  	s0 =	sor.u32 s1, s0  }
0xcb: {  	s0 =	sadd.s32 $0x8F2B, s0  }
0xcc: {  	[sflag:s0] =	ssyncadd.remote.s32 $0x1  }
0xcd: {  	_ =	sfence.sel $0xFFFF  }
0xce: {  	[dreg:$0x0] =	wrdreg $0xFFFFFFFF;
	(pc) =	sbr.abs _section_cstart, $3  }
0xcf: {  	[dreg:$0x1] =	wrdreg $0xFFFFFFFF  }
0xd0: {  	_ =	task.clear_ibuf [dreg:s22], $0x2FFFF;
	_ =	strace $0x9FFFFFFF  }
0xd1: {  	(tm) =	ssettm $0x7FFFFFFF  }
tec
execute0_lowered:
.L_overlay_start_1:
0x0: {  	(tag) =	ssettag $0x1  }
0x1: {  	s1 =	srdreg.scid  }
0x2: {  	s0 =	stileid.u32;
	s8 =	rddreg [dreg:$0x0]  }
0x3: {  	s2 =	rddreg [dreg:$0x1];
	s10 =	smul.u32 $0x13800, s0  }
0x4: {  	s3 =	simm.s32 $0x0;
	s28 =	simm.s32 $0x0;
	s21 =	smul.u32 $0x4E000, s0  }
0x5: {  	s9 =	sand.u32 $0x1, s1;
	s18 =	sshll.u32 s0, $0x1;
	s17 =	smul.u32 $0x140000, s0  }
0x6: {  	[smem:$0x7FF] =	sst s3;
	s15 =	sadd.s32 $0x59EC00, s8;
	s23 =	smul.u32 $0x139000, s9  }
0x7: {  	s13 =	sadd.s32 $0x8AC00, s8;
	s6 =	sor.u32 s9, s18;
	s18 =	smul.u32 $0xA0000, s9  }
0x8: {  	p0 =	sne.s32 s0, $0xF;
	s31 =	sshll.u32 s0, $0x6;
	s4 =	smul.u32 $0x280, s6  }
0x9: {  	_ =	strace $0x80000050;
	s7 =	ssub.s32 $0x2, s9;
	s12 =	smul.u32 $0x14000, s6  }
0xa: {  	s19 =	sshrl.u32 s10, $0x3;
	s20 =	sshrl.u32 s7, $0x1;
	s22 =	smul.u32 $0xA0000, s6  }
0xb: {  	s11 =	sadd.s32 s19, s8;
	s14 =	ssub.s32 s7, s20;
	s7 =	sshrl.u32 s21, $0x2  }
0xc: {  	s10 =	sadd.s32 s10, s23;
	s26 =	sadd.s32 s18, s17;
	s18 =	sor.u32 $0x1C05, s31  }
0xd: {  	s20 =	simm.s32 $0x1;
	s21 =	simm.s32 $0x5400;
	s5 =	sadd.s32 s4, s8  }
0xe: {  	s4 =	sadd.s32 s15, s12;
	s6 =	sadd.s32 $0xA9EC00, s11;
	s19 =	sadd.s32 s7, s2  }
0xf: {  	s7 =	sadd.s32 $0x138000, s2;
	s8 =	sadd.s32 $0xAC5C00, s8;
	s16 =	sor.u32 $0x8000, s22  }
0x10: {  	s10 =	sshrl.u32 s10, $0x3;
	s11 =	sshrl.u32 s23, $0x3;
	s25 =	sshrl.u32 s22, $0x3  }
0x11: {  	s29 =	sor.u32 $0x10000, s26;
	s17 =	sor.u32 $0xC000, s26;
	s22 =	simm.s32 $0x80  }
0x12: {  	s23 =	simm.s32 $0x2;
	s26 =	simm.s32 $0x1380;
	s5 =	sadd.s32 $0x30AC00, s5  }
0x13: {  	s9 =	sadd.s32 s13, s10;
	s24 =	sadd.s32 s13, s11;
	s12 =	sadd.s32 s25, s15  }
.Ltmp0:
0x14: {  	s11 =	smax.u32 s14, $0x1;
	s16 =	sshrl.u32 s16, $0x3;
	(pc) =	sbr.rel .LBB2_1-.Ltmp0, $4  }
0x15: {  	s14 =	sshrl.u32 s29, $0x3;
	s30 =	sshrl.u32 s17, $0x3;
	s17 =	simm.s32 $0x5  }
0x16: {  	s19 =	sshrl.u32 s19, $0x3;
	s25 =	simm.s32 $0x4;
	s10 =	sadd.s32 $0x27000, s24  }
0x17: {  	s12 =	sadd.s32 $0x800, s12;
	s13 =	sadd.s32 s15, s16;
	s14 =	sadd.s32 s14, s15  }
0x18: {  	s15 =	sadd.s32 s30, s15;
	s16 =	simm.s32 $0x1400;
	s24 =	simm.s32 $0x3  }
.LBB2_4:
0x19: {  	[spmem:s2] =	stream.indirect.scatter.add.f32 [tilespmem:s21], [sflag:$0x4], $0x80, s26, s22, $0xb8;
	[tilespmem:$0x1CD00] =	vst v63  }
0x1a: {  	_ =	swait.ge [sflag:s25], $0x4000  }
0x1b: {  	[sflag:s25] =	ssyncset.done $0x0  }
0x1c: {  	[sflag:s25] =	ssyncadd.s32 $0xFFFFC000  }
0x1d: {  	[bflag:$0x0] =	sbarrier.arrive $0xFFFF  }
0x1e: {  	[hbm:s9], [sflag:s18] =	dma.local [spmem:s19], $0x2700  }
0x1f: {  	s28 =	sadd.s32 $0x1, s28;
	_ =	swait.ge [sflag:s17], $0x2700  }
0x20: {  	p1 =	sne.s32 s28, s11;
	[sflag:s17] =	ssyncset.done $0x0  }
.Ltmp1:
0x21: {  	s1 =	simm.s32 @!p0 $0x5;
	[sflag:s17] =	ssyncadd.s32 $0xFFFFD900;
	(pc) =	sbr.rel @!p1 .LBB2_5-.Ltmp1, $4  }
0x22: {  	[hbm:s10], [sflag:s18] =	dma.local @!p0 [spmem:s29], $0x200  }
0x23: {  	_ =	swait.ge @!p0 [sflag:s1], $0x200  }
0x24: {  	[sflag:s1] =	ssyncset.done @!p0 $0x0  }
0x25: {  	[sflag:s1] =	ssyncadd.s32 @!p0 $0xFFFFFE00  }
.LBB2_1:
0x26: {  	[tilespmem:s16], [sflag:$0x1] =	stream.linear.gather [hbm4b:s4+s3], $0x4000, $0x38;
	[tilespmem:$0x1CD00] =	vst v63  }
0x27: {  	_ = 	snop  }
0x28: {  	[tilespmem:s3], [sflag:$0x5] =	stream.linear.gather [hbm4b:s5+s3], $0x1400, $0x38;
	[tilespmem:$0x1CD00] =	vst v63  }
0x29: {  	_ =	swait.ge [sflag:s17], $0x1400  }
0x2a: {  	[sflag:s17] =	ssyncset.done $0x0  }
0x2b: {  	[sflag:s17] =	ssyncadd.s32 $0xFFFFEC00  }
0x2c: {  	[spmem:s19], [sflag:s18] =	dma.local [hbm:s6], $0x2700  }
0x2d: {  	_ =	swait.ge [sflag:s17], $0x2700  }
0x2e: {  	[sflag:s17] =	ssyncset.done $0x0  }
0x2f: {  	s29 =	sshrl.u32 @!p0 s7, $0x3;
	s30 =	simm.s32 @!p0 $0x5;
	[sflag:s17] =	ssyncadd.s32 $0xFFFFD900  }
0x30: {  	[spmem:s29], [sflag:s18] =	dma.local @!p0 [hbm:s8], $0x200  }
0x31: {  	_ =	swait.ge @!p0 [sflag:s30], $0x200  }
0x32: {  	[sflag:s30] =	ssyncset.done @!p0 $0x0  }
0x33: {  	[sflag:s30] =	ssyncadd.s32 @!p0 $0xFFFFFE00  }
0x34: {  	[bflag:$0x0] =	sbarrier.arrive $0xFFFF  }
0x35: {  	_ =	swait.ge [sflag:s20], $0x4000  }
0x36: {  	[sflag:s20] =	ssyncset.done $0x0  }
0x37: {  	[sflag:s20] =	ssyncadd.s32 $0xFFFFC000  }
0x38: {  	[tilespmem:s21], [sflag:$0x2] =	stream.linear.gather [hbm4b:s12+s3], $0x4000, $0x38;
	[tilespmem:$0x1CD00] =	vst v63  }
0x39: {  	_ = 	snop  }
0x3a: {  	[spmem:s2] =	stream.indirect.scatter.add.f32 [tilespmem:s16], [sflag:$0x3], $0x80, s3, s22, $0xb8;
	[tilespmem:$0x1CD00] =	vst v63  }
0x3b: {  	_ =	swait.ge [sflag:s23], $0x4000  }
0x3c: {  	[sflag:s23] =	ssyncset.done $0x0  }
0x3d: {  	[sflag:s23] =	ssyncadd.s32 $0xFFFFC000  }
0x3e: {  	_ =	swait.ge [sflag:s24], $0x4000  }
0x3f: {  	[sflag:s24] =	ssyncset.done $0x0  }
0x40: {  	[sflag:s24] =	ssyncadd.s32 $0xFFFFC000  }
0x41: {  	[tilespmem:s16], [sflag:$0x1] =	stream.linear.gather [hbm4b:s13+s3], $0x4000, $0x38;
	[tilespmem:$0x1CD00] =	vst v63  }
0x42: {  	s31 =	simm.s32 $0x0;
	s30 =	simm.s32 $0x100  }
0x43: {  	[spmem:s2] =	stream.indirect.scatter.add.f32 [tilespmem:s21], [sflag:$0x4], $0x80, s22, s22, $0xb8;
	[tilespmem:$0x1CD00] =	vst v63  }
.LBB2_2:
0x44: {  	_ =	swait.ge [sflag:s20], $0x4000  }
0x45: {  	[sflag:s20] =	ssyncset.done $0x0  }
0x46: {  	[sflag:s20] =	ssyncadd.s32 $0xFFFFC000  }
0x47: {  	_ =	swait.ge [sflag:s25], $0x4000  }
0x48: {  	[sflag:s25] =	ssyncset.done $0x0  }
0x49: {  	s1 =	sadd.s32 s31, s15;
	[sflag:s25] =	ssyncadd.s32 $0xFFFFC000  }
0x4a: {  	[tilespmem:s21], [sflag:$0x2] =	stream.linear.gather [hbm4b:s1+s3], $0x4000, $0x38;
	[tilespmem:$0x1CD00] =	vst v63  }
0x4b: {  	_ = 	snop  }
0x4c: {  	[spmem:s2] =	stream.indirect.scatter.add.f32 [tilespmem:s16], [sflag:$0x3], $0x80, s30, s22, $0xb8;
	[tilespmem:$0x1CD00] =	vst v63  }
0x4d: {  	p1 =	seq.s32 s31, $0x12000;
	_ =	swait.ge [sflag:s23], $0x4000  }
.Ltmp2:
0x4e: {  	[sflag:s23] =	ssyncset.done $0x0;
	(pc) =	sbr.rel @p1 .LBB2_4-.Ltmp2, $4  }
0x4f: {  	[sflag:s23] =	ssyncadd.s32 $0xFFFFC000  }
0x50: {  	_ =	swait.ge [sflag:s24], $0x4000  }
0x51: {  	[sflag:s24] =	ssyncset.done $0x0  }
0x52: {  	[sflag:s24] =	ssyncadd.s32 $0xFFFFC000  }
.Ltmp3:
0x53: {  	(pc) =	sbr.rel .LBB2_2-.Ltmp3, $4  }
0x54: {  	s1 =	sadd.s32 s31, s14  }
0x55: {  	[tilespmem:s16], [sflag:$0x1] =	stream.linear.gather [hbm4b:s1+s3], $0x4000, $0x38;
	[tilespmem:$0x1CD00] =	vst v63  }
0x56: {  	s31 =	sadd.s32 $0x1000, s31;
	s1 =	sadd.s32 $0x80, s30;
	s30 =	sadd.s32 $0x100, s30  }
0x57: {  	[spmem:s2] =	stream.indirect.scatter.add.f32 [tilespmem:s21], [sflag:$0x4], $0x80, s1, s22, $0xb8;
	[tilespmem:$0x1CD00] =	vst v63  }
.LBB2_5:
0x58: {  	_ =	sfence.sel $0x180000  }
0x59: {  	[bflag:$0x0] =	sbarrier.arrive $0xFFFF  }
0x5a: {  	_ =	strace $0x90000050  }
0x5b: {  	[bflag:$0x2] =	sbarrier.arrive $0xFFFF  }
0x5c: {  	p0 =	sne.s32 s0, $0x0;
	s0 =	rddreg [dreg:$0x2]  }
0x5d: {  	s0 =	sadd.s32 @!p0 $0x100000, s0  }
0x5e: {  	[sflag:s0] =	ssyncadd.tile.s32 @!p0 $0x1;
	_ =	shalt  }
.Lfunc_end2:
_tile_overlayer_lowered:
.L_overlay_start_2:
0x5f: {  	(tag) =	ssettag $0x2  }
0x60: {  	s0 =	rddreg [dreg:$0x0];
	s2 =	stileid.u32  }
0x61: {  	s1 =	rddreg [dreg:$0x1];
	p0 =	sne.s32 s2, $0x0  }
0x62: {  	s3 =	rddreg [dreg:$0x2];
	[bflag:$0x3] =	sbarrier.arrive $0xFFFF;
	s2 =	simm.s32 @!p0 $0x1C05  }
0x63: {  	[timem:s3], [sflag:s2] =	dma.local @!p0 [hbm:s0], s1  }
0x64: {  	s0 =	simm.s32 @!p0 $0x5  }
0x65: {  	_ =	swait.ge @!p0 [sflag:s0], s1  }
0x66: {  	s1 =	ssub.s32 @!p0 $0x0, s1;
	[sflag:s0] =	ssyncset.done @!p0 $0x0  }
0x67: {  	[sflag:s0] =	ssyncadd.s32 @!p0 s1  }
0x68: {  	[bflag:$0x3] =	sbarrier.arrive $0xFFFF  }
0x69: {  	_ =	shalt  }

// kernel: kernel.31.cloned.1.call-start
scs
__scs_entry_jumppad:
0x0: {  	(pc) =	sbr.rel $0x88, $3  }
0x1: {  	(tag) =	ssettag $0x0;
	lr =	simm.s32 $0x1  }
0x2: {  	[smem:$0x3F74] =	sst lr;
	_ =	strace $0xD0000000  }
0x3: {  	_ = 	snop  }
0x4: {  	_ = 	snop  }
0x5: {  	_ = 	snop  }
0x6: {  	_ = 	snop  }
0x7: {  	_ = 	snop  }
__scs_overlays_trampoline_lowered:
0x8: {  	[smem:$0x3F83] =	sst s0  }
0x9: {  	[smem:$0x3F84] =	sst s1  }
0xa: {  	[smem:$0x3F85] =	sst s2  }
0xb: {  	[smem:$0x3F86] =	sst s3  }
0xc: {  	[smem:$0x3F87] =	sst s4  }
0xd: {  	[smem:$0x3F88] =	sst s5  }
0xe: {  	[smem:$0x3F89] =	sst s6  }
0xf: {  	[smem:$0x3F8A] =	sst s7  }
0x10: {  	[smem:$0x3F8B] =	sst s8  }
0x11: {  	[smem:$0x3F8C] =	sst s9;
	s0 =	simm.s32 @!p0 $0x0  }
0x12: {  	s1 =	sld [smem:$0x3F72];
	s0 =	simm.s32 @p0 $0x1  }
0x13: {  	[smem:$0x3F8D] =	sst s0;
	s0 =	simm.s32 @!p1 $0x0  }
0x14: {  	s2 =	sld [smem:$0x3F71];
	s0 =	simm.s32 @p1 $0x1  }
0x15: {  	[smem:$0x3F8E] =	sst s0;
	s0 =	simm.s32 @!p2 $0x0  }
0x16: {  	s3 =	sld [smem:$0x3FDB];
	s0 =	simm.s32 @p2 $0x1  }
0x17: {  	s4 =	simm.s32 $0x1BF5;
	[smem:$0x3F90] =	sst s0  }
0x18: {  	s0 =	sld [smem:$0x3F73];
	_ =	swait.ge [sflag:s4], $0x0  }
0x19: {  	s7 =	sld [smem:$0x3F74]  }
0x1a: {  	s8 =	sadd.s32 $0xFFFFE003, lr  }
0x1b: {  	s9 =	sadd.s32 $0xFFFFFEF7, lr;
	s5 =	simm.s32 $0xFFFFFFFF;
	p2 =	slt.u32 s8, $0xFFFFF086  }
0x1c: {  	p1 =	slt.u32 s9, $0xF7A;
	s5 =	simm.s32 @!p2 $0x0  }
0x1d: {  	s5 =	simm.s32 @p1 $0x1;
	p0 =	seq.s32 s7, s2  }
0x1e: {  	s7 =	smul.u32 @!p0 $0xF7A, s2;
	p2 =	seq.s32 @!p0 s5, $0x0  }
0x1f: {  	s9 =	smul.u32 $0xF7A, s1;
	s8 =	simm.s32 @!p0 $0x1BF5;
	p2 =	por !p2, p0  }
0x20: {  	[sflag:s8] =	ssyncset.s32 @!p0 $0xFFFFF086;
	s6 =	sadd.s32 @!p0 s3, s7;
	s7 =	simm.s32 @!p0 $0x108  }
0x21: {  	s3 =	sadd.s32 s3, s9;
	s6 =	sadd.s32 @!p0 $0x88, s6;
	s7 =	simm.s32 @p2 $0x1082  }
0x22: {  	[simem:s7], [sflag:s8] =	dma.local @!p0 [hbm:s6], $0xF7A  }
0x23: {  	s9 =	sor.u32 $0xD0000000, s2;
	s6 =	simm.s32 $0x108;
	_ =	swait.ge @!p0 [sflag:s8], $0x0  }
0x24: {  	s3 =	sadd.s32 $0x88, s3;
	s6 =	simm.s32 @!p1 $0x1082;
	[sflag:s4] =	ssyncset.s32 $0xFFFFF086  }
0x25: {  	[simem:s6], [sflag:s4] =	dma.local [hbm:s3], $0xF7A  }
0x26: {  	[smem:$0x3F74] =	sst s1;
	(tag) =	ssettag s2;
	_ =	strace s9  }
0x27: {  	s1 =	sld [smem:$0x3F84]  }
0x28: {  	s2 =	sld [smem:$0x3F85]  }
0x29: {  	s4 =	sld [smem:$0x3F87]  }
0x2a: {  	p0 =	seq.s32 s5, $0x0;
	s5 =	sld [smem:$0x3F88]  }
0x2b: {  	s6 =	sld [smem:$0x3F89]  }
0x2c: {  	s7 =	sld [smem:$0x3F8A]  }
0x2d: {  	s3 =	simm.s32 $0x108;
	s8 =	sld [smem:$0x3F8B]  }
0x2e: {  	s3 =	simm.s32 @!p0 $0x1082;
	s9 =	sld [smem:$0x3F8C]  }
0x2f: {  	lr =	sadd.s32 s0, s3;
	s0 =	sld [smem:$0x3F83]  }
0x30: {  	s3 =	sld [smem:$0x3F86]  }
0x31: {  	[smem:$0x3F8F] =	sst s10  }
0x32: {  	s10 =	sld [smem:$0x3F8D];
	_ =	sdelay $0x3  }
0x33: {  	p0 =	seq.s32 s10, $0x1;
	s10 =	sld [smem:$0x3F8F];
	_ =	sdelay $0x3  }
0x34: {  	[smem:$0x3F8F] =	sst s10  }
0x35: {  	s10 =	sld [smem:$0x3F8E];
	_ =	sdelay $0x3  }
0x36: {  	p1 =	seq.s32 s10, $0x1;
	s10 =	sld [smem:$0x3F8F];
	_ =	sdelay $0x3  }
0x37: {  	[smem:$0x3F8F] =	sst s10  }
0x38: {  	s10 =	sld [smem:$0x3F90]  }
0x39: {  	_ = 	snop;
	(pc) =	sbr.ind lr, $3  }
0x3a: {  	_ = 	snop  }
0x3b: {  	_ = 	snop  }
0x3c: {  	p2 =	seq.s32 s10, $0x1;
	s10 =	sld [smem:$0x3F8F]  }
0x3d: {  	_ =	shalt  }
0x3e: {  	_ =	shalt  }
0x3f: {  	_ =	shalt  }
0x40: {  	_ =	shalt  }
0x41: {  	_ =	shalt  }
0x42: {  	_ =	shalt  }
0x43: {  	_ =	shalt  }
0x44: {  	_ =	shalt  }
0x45: {  	_ =	shalt  }
0x46: {  	_ =	shalt  }
0x47: {  	_ =	shalt  }
0x48: {  	_ =	shalt  }
0x49: {  	_ =	shalt  }
0x4a: {  	_ =	shalt  }
0x4b: {  	_ =	shalt  }
0x4c: {  	_ =	shalt  }
0x4d: {  	_ =	shalt  }
0x4e: {  	_ =	shalt  }
0x4f: {  	_ =	shalt  }
0x50: {  	_ =	shalt  }
0x51: {  	_ =	shalt  }
0x52: {  	_ =	shalt  }
0x53: {  	_ =	shalt  }
0x54: {  	_ =	shalt  }
0x55: {  	_ =	shalt  }
0x56: {  	_ =	shalt  }
0x57: {  	_ =	shalt  }
0x58: {  	_ =	shalt  }
0x59: {  	_ =	shalt  }
0x5a: {  	_ =	shalt  }
0x5b: {  	_ =	shalt  }
0x5c: {  	_ =	shalt  }
0x5d: {  	_ =	shalt  }
0x5e: {  	_ =	shalt  }
0x5f: {  	_ =	shalt  }
0x60: {  	_ =	shalt  }
0x61: {  	_ =	shalt  }
0x62: {  	_ =	shalt  }
0x63: {  	_ =	shalt  }
0x64: {  	_ =	shalt  }
0x65: {  	_ =	shalt  }
0x66: {  	_ =	shalt  }
0x67: {  	_ =	shalt  }
0x68: {  	_ =	shalt  }
0x69: {  	_ =	shalt  }
0x6a: {  	_ =	shalt  }
0x6b: {  	_ =	shalt  }
0x6c: {  	_ =	shalt  }
0x6d: {  	_ =	shalt  }
0x6e: {  	_ =	shalt  }
0x6f: {  	_ =	shalt  }
0x70: {  	_ =	shalt  }
0x71: {  	_ =	shalt  }
0x72: {  	_ =	shalt  }
0x73: {  	_ =	shalt  }
0x74: {  	_ =	shalt  }
0x75: {  	_ =	shalt  }
0x76: {  	_ =	shalt  }
0x77: {  	_ =	shalt  }
0x78: {  	_ =	shalt  }
0x79: {  	_ =	shalt  }
0x7a: {  	_ =	shalt  }
0x7b: {  	_ =	shalt  }
0x7c: {  	_ =	shalt  }
0x7d: {  	_ =	shalt  }
0x7e: {  	_ =	shalt  }
0x7f: {  	_ =	shalt  }
0x80: {  	_ =	shalt  }
0x81: {  	_ =	shalt  }
0x82: {  	_ =	shalt  }
0x83: {  	_ =	shalt  }
0x84: {  	_ =	shalt  }
0x85: {  	_ =	shalt  }
0x86: {  	_ =	shalt  }
0x87: {  	_ =	shalt  }
.Lfunc_end0:
.L_simem_size_0:
called_computation.4_lowered:
.L_overlay_start_0:
0x88: {  	s2 =	sld [smem:$0x3FD9]  }
0x89: {  	s3 =	sld [smem:$0x3FFE];
	_ =	sdelay $0x1  }
0x8a: {  	s1 =	srdreg.scid  }
0x8b: {  	s0 =	sand.u32 $0x1, s1  }
0x8c: {  	s16 =	sshll.u32 s0, $0xA;
	s2 =	sadd.s32 s3, s2  }
0x8d: {  	s2 =	sadd.s32 s2, s16  }
0x8e: {  	[smem:$0x3F9B] =	sst s2  }
0x8f: {  	_ = 	snop  }
0x90: {  	(tm) =	ssettm $0x1  }
0x91: {  	s17 =	sld [smem:$0x3FFB];
	_ =	sdelay $0x3  }
0x92: {  	_ =	strace s17  }
0x93: {  	s2 =	sld [smem:$0x3FFC];
	_ =	sdelay $0x3  }
0x94: {  	_ =	strace s2  }
0x95: {  	s2 =	sld [smem:$0x3FFD];
	_ =	sdelay $0x3  }
0x96: {  	_ =	strace s2  }
0x97: {  	_ =	strace $0x8FFFFFFF  }
0x98: {  	s18 =	sld [smem:$0x3FDB];
	_ =	sdelay $0x1  }
0x99: {  	s19 =	simm.s32 $_scs_section_size  }
0x9a: {  	s4 =	simm.s32 $_size__tile_overlayer_lowered;
	s5 =	simm.s32 $_tile_overlayer_lowered  }
0x9b: {  	s22 =	simm.s32 $0x1BFF;
	s21 =	sshll.u32 s5, $0x1;
	s2 =	sadd.s32 s19, s18  }
0x9c: {  	s6 =	simm.s32 $0x0;
	s20 =	sshll.u32 s4, $0x1;
	s4 =	sadd.s32 s21, s2  }
0x9d: {  	[timem:s6], [sflag:s22] =	dma.local [hbm:s4], s20  }
0x9e: {  	_ =	swait.ge [sflag:s22], s20  }
0x9f: {  	s3 =	ssub.s32 $0x0, s20;
	[sflag:s22] =	ssyncset.done $0x0  }
0xa0: {  	[sflag:s22] =	ssyncadd.s32 s3;
	_ =	sdelay $0x1  }
0xa1: {  	s23 =	simm.s32 $0x1B8B  }
0xa2: {  	_ =	swait.ge [sflag:s23], $0x1  }
0xa3: {  	[sflag:s23] =	ssyncset.done $0x0  }
0xa4: {  	s25 =	simm.s32 $0x1B8E;
	s24 =	sld [smem:$0x3FFE];
	[sflag:s23] =	ssyncadd.s32 $0xFFFFFFFF  }
0xa5: {  	s26 =	simm.s32 $execute0_lowered;
	[smem:$0x3FD2] =	sst s25  }
0xa6: {  	s4 =	sshll.u32 s26, $0x1;
	_ =	strace $0x80000052;
	[dreg:$0x1] =	wrdreg $0xFFFFFFFF  }
0xa7: {  	s28 =	simm.s32 $_size_execute0_lowered;
	s2 =	sadd.s32 s2, s4;
	[dreg:$0x0] =	wrdreg $0x0  }
0xa8: {  	s4 =	sshll.u32 s28, $0x1;
	[dreg:$0x2] =	wrdreg s2  }
0xa9: {  	[dreg:$0x3] =	wrdreg s4  }
0xaa: {  	[dreg:$0x4] =	wrdreg $0xC0  }
0xab: {  	_ =	task [dreg:s6], $0x5FFFF  }
0xac: {  	[dreg:$0x1] =	wrdreg $0xFFFFFFFF  }
0xad: {  	[dreg:$0x0] =	wrdreg $0x60  }
0xae: {  	[dreg:$0x2] =	wrdreg s24  }
0xaf: {  	[dreg:$0x3] =	wrdreg $0xA  }
0xb0: {  	_ =	task.clear_ibuf [dreg:s6], $0x4FFFF;
	_ =	strace $0x90000052  }
0xb1: {  	s29 =	simm.s32 $0xA;
	_ =	strace $0x80000054  }
0xb2: {  	_ =	swait.ge [sflag:s29], $0x1  }
0xb3: {  	[sflag:s29] =	ssyncadd.s32 $0xFFFFFFFF  }
0xb4: {  	_ =	strace $0x90000054  }
0xb5: {  	_ =	sfence  }
0xb6: {  	s30 =	sld [smem:$0x0];
	_ =	sdelay $0x2  }
0xb7: {  	s31 =	sshll.u32 s1, $0xD;
	s1 =	sshrl.u32 s1, $0x2  }
0xb8: {  	s3 =	sand.u32 $0x4000, s31;
	s1 =	sadd.s32 s1, s30  }
0xb9: {  	s0 =	sor.u32 s3, s0;
	s1 =	sshll.u32 s1, $0x11  }
0xba: {  	s0 =	sor.u32 s1, s0  }
0xbb: {  	s0 =	sadd.s32 $0x8F2B, s0  }
0xbc: {  	[sflag:s0] =	ssyncadd.remote.s32 $0x1  }
0xbd: {  	_ =	sfence.sel $0xFFFF  }
0xbe: {  	[dreg:$0x0] =	wrdreg $0xFFFFFFFF;
	(pc) =	sbr.abs _section_cstart, $3  }
0xbf: {  	[dreg:$0x1] =	wrdreg $0xFFFFFFFF  }
0xc0: {  	_ =	task.clear_ibuf [dreg:s6], $0x2FFFF;
	_ =	strace $0x9FFFFFFF  }
0xc1: {  	(tm) =	ssettm $0x7FFFFFFF  }
tec
execute0_lowered:
.L_overlay_start_1:
0x0: {  	(tag) =	ssettag $0x1  }
0x1: {  	s5 =	rddreg [dreg:$0x0]  }
0x2: {  	s0 =	rddreg [dreg:$0x1];
	s3 =	srdreg.scid  }
0x3: {  	s1 =	stileid.u32;
	s2 =	simm.s32 $0x0;
	s11 =	simm.s32 $0x1400  }
0x4: {  	s12 =	simm.s32 $0x80;
	s13 =	simm.s32 $0x2800;
	s14 =	simm.s32 $0xA800  }
0x5: {  	s15 =	simm.s32 $0x1;
	s16 =	simm.s32 $0x6800;
	s17 =	simm.s32 $0xE800  }
0x6: {  	s18 =	simm.s32 $0x12800;
	s19 =	simm.s32 $0x2;
	s20 =	simm.s32 $0x16800  }
0x7: {  	s21 =	simm.s32 $0x3;
	s22 =	simm.s32 $0x4;
	s23 =	simm.s32 $0x0  }
0x8: {  	s3 =	sand.u32 $0x1, s3;
	s4 =	sshll.u32 s1, $0x1;
	[smem:$0x7FF] =	sst s2  }
0x9: {  	s8 =	sor.u32 s3, s4;
	_ =	strace $0x80000053;
	s7 =	ssub.s32 $0x2, s3  }
0xa: {  	s3 =	sadd.s32 $0x31EC00, s5;
	s6 =	smul.u32 $0x280, s8;
	s9 =	sshrl.u32 s7, $0x1  }
0xb: {  	s4 =	sadd.s32 $0x345E00, s5;
	s8 =	smul.u32 $0xA0000, s8;
	s9 =	ssub.s32 s7, s9  }
0xc: {  	s10 =	sadd.s32 s6, s5;
	s5 =	sadd.s32 $0x15600, s5;
	s9 =	smax.u32 s9, $0x1  }
0xd: {  	s6 =	sadd.s32 $0x10600, s10;
	s7 =	sadd.s32 $0xB600, s10;
	s10 =	simm.s32 $0x5  }
.LBB2_1:
0xe: {  	[tilespmem:s2], [sflag:$0x5] =	stream.linear.gather [hbm4b:s6+s2], $0x1400, $0x38;
	[tilespmem:$0x1A800] =	vst v63  }
0xf: {  	_ =	swait.ge [sflag:s10], $0x1400  }
0x10: {  	[sflag:s10] =	ssyncset.done $0x0  }
0x11: {  	[sflag:s10] =	ssyncadd.s32 $0xFFFFEC00  }
0x12: {  	[tilespmem:s11], [sflag:$0x5] =	stream.linear.gather [hbm4b:s7+s2], $0x1400, $0x38;
	[tilespmem:$0x1A800] =	vst v63  }
0x13: {  	_ =	swait.ge [sflag:s10], $0x1400  }
0x14: {  	[sflag:s10] =	ssyncset.done $0x0  }
0x15: {  	[sflag:s10] =	ssyncadd.s32 $0xFFFFEC00  }
0x16: {  	[tilespmem:s13], [sflag:$0x1] =	stream.indirect.gather [hbm4b:s3+s12], $0x80, s2, s12, $0xb8;
	[tilespmem:$0x1A800] =	vst v63  }
0x17: {  	s24 =	simm.s32 $0x0  }
0x18: {  	[tilespmem:s14], [sflag:$0x1] =	stream.indirect.gather [hbm4b:s4+s12], $0x80, s11, s12, $0xb8;
	[tilespmem:$0x1A800] =	vst v63  }
.LBB2_2:
0x19: {  	_ =	swait.ge [sflag:s15], $0x4000  }
0x1a: {  	[sflag:s15] =	ssyncset.done $0x0  }
0x1b: {  	[sflag:s15] =	ssyncadd.s32 $0xFFFFC000  }
0x1c: {  	_ =	swait.ge [sflag:s15], $0x4000  }
0x1d: {  	s25 =	sshllo.u32 s24, $0x1;
	[sflag:s15] =	ssyncset.done $0x0  }
0x1e: {  	s26 =	sshll.u32 s25, $0x7;
	[sflag:s15] =	ssyncadd.s32 $0xFFFFC000  }
0x1f: {  	[tilespmem:s16], [sflag:$0x2] =	stream.indirect.gather [hbm4b:s3+s12], $0x80, s26, s12, $0xb8;
	[tilespmem:$0x1A800] =	vst v63  }
0x20: {  	p0 =	seq.s32 s24, $0x0;
	s26 =	sadd.s32 $0x1400, s26  }
0x21: {  	[tilespmem:s17], [sflag:$0x2] =	stream.indirect.gather [hbm4b:s4+s12], $0x80, s26, s12, $0xb8;
	[tilespmem:$0x1A800] =	vst v63  }
0x22: {  	s26 =	simm.s32 @!p0 $0x3  }
0x23: {  	_ =	swait.ge @!p0 [sflag:s26], $0x4000  }
0x24: {  	[sflag:s26] =	ssyncset.done @!p0 $0x0  }
0x25: {  	[sflag:s26] =	ssyncadd.s32 @!p0 $0xFFFFC000;
	s26 =	simm.s32 $0x0  }
0x26: {  	v0 =	vld [tilespmem:s26+$0x2870]  }
0x27: {  	v1 =	vld [tilespmem:s26+$0xA870]  }
0x28: {  	v2 =	vld [tilespmem:s26+$0x2800]  }
0x29: {  	v3 =	vld [tilespmem:s26+$0xA800]  }
0x2a: {  	v4 =	vld [tilespmem:s26+$0x2810]  }
0x2b: {  	v5 =	vld [tilespmem:s26+$0xA810]  }
0x2c: {  	v6 =	vld [tilespmem:s26+$0x2820]  }
0x2d: {  	v7 =	vld [tilespmem:s26+$0x2830]  }
0x2e: {  	v0 =	vadd.f32 v1, v0;
	v1 =	vld [tilespmem:s26+$0xA820]  }
0x2f: {  	v8 =	vld [tilespmem:s26+$0xA830]  }
0x30: {  	v9 =	vld [tilespmem:s26+$0xA840];
	v2 =	vadd.f32 v3, v2  }
0x31: {  	[tilespmem:s26+$0x12870] =	vst v0;
	v0 =	vadd.f32 v5, v4;
	v5 =	vld [tilespmem:s26+$0x2840]  }
0x32: {  	v3 =	vld [tilespmem:s26+$0xA850];
	[tilespmem:s26+$0x12800] =	vst v2  }
0x33: {  	v2 =	vld [tilespmem:s26+$0x2850];
	[tilespmem:s26+$0x12810] =	vst v0;
	v0 =	vadd.f32 v1, v6  }
0x34: {  	v4 =	vld [tilespmem:s26+$0xA860];
	v6 =	vadd.f32 v8, v7  }
0x35: {  	s28 =	simm.s32 $0x80;
	[tilespmem:s26+$0x12820] =	vst v0;
	v0 =	vld [tilespmem:s26+$0x2860]  }
0x36: {  	s29 =	simm.s32 $0x400;
	v5 =	vadd.f32 v9, v5;
	v1 =	vld [tilespmem:s28+$0x2870];
	[tilespmem:s26+$0x12830] =	vst v6  }
.LBB2_3:
0x37: {  	p0 =	sne.s32 s29, $0xFE00;
	v6 =	vld [tilespmem:s28+$0xA870]  }
0x38: {  	v7 =	vld [tilespmem:s28+$0x2800];
	[tilespmem:s26+$0x12840] =	vst v5;
	v2 =	vadd.f32 v3, v2  }
0x39: {  	v3 =	vld [tilespmem:s28+$0xA800]  }
0x3a: {  	v5 =	vld [tilespmem:s28+$0x2810];
	[tilespmem:s26+$0x12850] =	vst v2;
	v0 =	vadd.f32 v4, v0  }
0x3b: {  	v2 =	vld [tilespmem:s28+$0xA810]  }
0x3c: {  	v4 =	vld [tilespmem:s28+$0x2820];
	v1 =	vadd.f32 v6, v1;
	[tilespmem:s26+$0x12860] =	vst v0;
	s26 =	smov.u32 s28  }
0x3d: {  	v0 =	vld [tilespmem:s26+$0xA820]  }
0x3e: {  	v3 =	vadd.f32 v3, v7;
	v6 =	vld [tilespmem:s26+$0x2830];
	[tilespmem:s26+$0x12870] =	vst v1  }
0x3f: {  	v1 =	vld [tilespmem:s26+$0xA830]  }
0x40: {  	[tilespmem:s26+$0x12800] =	vst v3;
	v2 =	vadd.f32 v2, v5;
	v5 =	vld [tilespmem:s26+$0x2840]  }
0x41: {  	v7 =	vld [tilespmem:s26+$0xA840]  }
.Ltmp0:
0x42: {  	[tilespmem:s26+$0x12810] =	vst v2;
	v0 =	vadd.f32 v0, v4;
	v2 =	vld [tilespmem:s26+$0x2850];
	(pc) =	sbr.rel @p0 .LBB2_3-.Ltmp0, $4  }
0x43: {  	v3 =	vld [tilespmem:s26+$0xA850]  }
0x44: {  	[tilespmem:s26+$0x12820] =	vst v0;
	v6 =	vadd.f32 v1, v6;
	v0 =	vld [tilespmem:s26+$0x2860]  }
0x45: {  	s28 =	sshra.s32 s29, $0x2;
	v4 =	vld [tilespmem:s26+$0xA860]  }
0x46: {  	s29 =	sadd.s32 $0x200, s29;
	v1 =	vld [tilespmem:s28+$0x2870];
	[tilespmem:s26+$0x12830] =	vst v6;
	v5 =	vadd.f32 v7, v5  }
0x47: {  	v6 =	vld [tilespmem:s28+$0xA870]  }
0x48: {  	v7 =	vld [tilespmem:s28+$0x2800];
	[tilespmem:s26+$0x12840] =	vst v5;
	v2 =	vadd.f32 v3, v2  }
0x49: {  	v3 =	vld [tilespmem:s28+$0xA800]  }
0x4a: {  	v5 =	vld [tilespmem:s28+$0x2810];
	[tilespmem:s26+$0x12850] =	vst v2;
	v0 =	vadd.f32 v4, v0  }
0x4b: {  	v2 =	vld [tilespmem:s28+$0xA810]  }
0x4c: {  	v4 =	vld [tilespmem:s28+$0x2820];
	[tilespmem:s26+$0x12860] =	vst v0  }
0x4d: {  	v0 =	vadd.f32 v6, v1;
	v1 =	vld [tilespmem:s28+$0xA820]  }
0x4e: {  	v6 =	vld [tilespmem:s28+$0x2830]  }
0x4f: {  	v3 =	vadd.f32 v3, v7;
	[tilespmem:s28+$0x12870] =	vst v0;
	v0 =	vld [tilespmem:s28+$0xA830]  }
0x50: {  	v7 =	vld [tilespmem:s28+$0xA860]  }
0x51: {  	[tilespmem:s28+$0x12800] =	vst v3;
	v2 =	vadd.f32 v2, v5;
	v3 =	vld [tilespmem:s28+$0x2840]  }
0x52: {  	v5 =	vld [tilespmem:s28+$0xA840]  }
0x53: {  	[tilespmem:s28+$0x12810] =	vst v2;
	v1 =	vadd.f32 v1, v4;
	v2 =	vld [tilespmem:s28+$0x2850]  }
0x54: {  	v4 =	vld [tilespmem:s28+$0xA850]  }
0x55: {  	[tilespmem:s28+$0x12820] =	vst v1;
	v1 =	vld [tilespmem:s28+$0x2860];
	_ =	sdelay $0x1  }
0x56: {  	v0 =	vadd.f32 v0, v6  }
0x57: {  	v3 =	vadd.f32 v5, v3  }
0x58: {  	s31 =	sshll.u32 s24, $0xF;
	[tilespmem:s28+$0x12830] =	vst v0;
	v0 =	vadd.f32 v4, v2  }
0x59: {  	s26 =	sadd.s32 s8, s31;
	[tilespmem:s28+$0x12840] =	vst v3;
	v1 =	vadd.f32 v7, v1  }
0x5a: {  	s26 =	sshrl.u32 s26, $0x3;
	[tilespmem:s28+$0x12850] =	vst v0  }
0x5b: {  	s26 =	sadd.s32 s5, s26;
	[tilespmem:s28+$0x12860] =	vst v1  }
0x5c: {  	[hbm4b:s26+s2] =	stream.linear.scatter [tilespmem:s18], [sflag:$0x3], $0x4000, $0x38;
	[tilespmem:$0x1A800] =	vst v63  }
0x5d: {  	_ =	swait.ge [sflag:s19], $0x4000  }
0x5e: {  	[sflag:s19] =	ssyncset.done $0x0  }
0x5f: {  	[sflag:s19] =	ssyncadd.s32 $0xFFFFC000  }
0x60: {  	p0 =	seq.s32 s24, $0x13;
	_ =	swait.ge [sflag:s19], $0x4000  }
0x61: {  	s29 =	simm.s32 @!p0 $0x80;
	s26 =	sshll.u32 @!p0 s24, $0x8;
	[sflag:s19] =	ssyncset.done $0x0  }
0x62: {  	s30 =	simm.s32 @!p0 $0x2800;
	s28 =	sadd.s32 @!p0 $0x100, s26;
	[sflag:s19] =	ssyncadd.s32 $0xFFFFC000  }
0x63: {  	[tilespmem:s30], [sflag:$0x1] =	stream.indirect.gather @!p0 [hbm4b:s3+s29], $0x80, s28, s29, $0xb8;
	[tilespmem:$0x1A800] =	vst v63  }
0x64: {  	p1 =	seq.s32 @!p0 s24, $0x0;
	s26 =	sadd.s32 @!p0 $0x1500, s26;
	s28 =	simm.s32 @!p0 $0xA800  }
0x65: {  	[tilespmem:s28], [sflag:$0x1] =	stream.indirect.gather @!p0 [hbm4b:s4+s29], $0x80, s26, s29, $0xb8;
	[tilespmem:$0x1A800] =	vst v63  }
0x66: {  	p0 =	por p0, !p1  }
0x67: {  	_ =	swait.ge @p0 [sflag:s22], $0x4000  }
0x68: {  	[sflag:s22] =	ssyncset.done @p0 $0x0  }
0x69: {  	s26 =	simm.s32 $0x0;
	[sflag:s22] =	ssyncadd.s32 @p0 $0xFFFFC000  }
0x6a: {  	v0 =	vld [tilespmem:s26+$0x6870]  }
0x6b: {  	v1 =	vld [tilespmem:s26+$0xE870]  }
0x6c: {  	v2 =	vld [tilespmem:s26+$0x6800]  }
0x6d: {  	v3 =	vld [tilespmem:s26+$0xE800]  }
0x6e: {  	v4 =	vld [tilespmem:s26+$0x6810]  }
0x6f: {  	v5 =	vld [tilespmem:s26+$0xE810]  }
0x70: {  	v6 =	vld [tilespmem:s26+$0x6820]  }
0x71: {  	v7 =	vld [tilespmem:s26+$0x6830]  }
0x72: {  	v0 =	vadd.f32 v1, v0;
	v1 =	vld [tilespmem:s26+$0xE820]  }
0x73: {  	v8 =	vld [tilespmem:s26+$0xE830]  }
0x74: {  	v9 =	vld [tilespmem:s26+$0xE840];
	v2 =	vadd.f32 v3, v2  }
0x75: {  	[tilespmem:s26+$0x16870] =	vst v0;
	v0 =	vadd.f32 v5, v4;
	v5 =	vld [tilespmem:s26+$0x6840]  }
0x76: {  	v3 =	vld [tilespmem:s26+$0xE850];
	[tilespmem:s26+$0x16800] =	vst v2  }
0x77: {  	v2 =	vld [tilespmem:s26+$0x6850];
	[tilespmem:s26+$0x16810] =	vst v0;
	v0 =	vadd.f32 v1, v6  }
0x78: {  	v4 =	vld [tilespmem:s26+$0xE860];
	v6 =	vadd.f32 v8, v7  }
0x79: {  	s28 =	simm.s32 $0x80;
	[tilespmem:s26+$0x16820] =	vst v0;
	v0 =	vld [tilespmem:s26+$0x6860]  }
0x7a: {  	s29 =	simm.s32 $0x400;
	v5 =	vadd.f32 v9, v5;
	v1 =	vld [tilespmem:s28+$0x6870];
	[tilespmem:s26+$0x16830] =	vst v6  }
.LBB2_5:
0x7b: {  	p0 =	sne.s32 s29, $0xFE00;
	v6 =	vld [tilespmem:s28+$0xE870]  }
0x7c: {  	v7 =	vld [tilespmem:s28+$0x6800];
	[tilespmem:s26+$0x16840] =	vst v5;
	v2 =	vadd.f32 v3, v2  }
0x7d: {  	v3 =	vld [tilespmem:s28+$0xE800]  }
0x7e: {  	v5 =	vld [tilespmem:s28+$0x6810];
	[tilespmem:s26+$0x16850] =	vst v2;
	v0 =	vadd.f32 v4, v0  }
0x7f: {  	v2 =	vld [tilespmem:s28+$0xE810]  }
0x80: {  	v4 =	vld [tilespmem:s28+$0x6820];
	v1 =	vadd.f32 v6, v1;
	[tilespmem:s26+$0x16860] =	vst v0;
	s26 =	smov.u32 s28  }
0x81: {  	v0 =	vld [tilespmem:s26+$0xE820]  }
0x82: {  	v3 =	vadd.f32 v3, v7;
	v6 =	vld [tilespmem:s26+$0x6830];
	[tilespmem:s26+$0x16870] =	vst v1  }
0x83: {  	v1 =	vld [tilespmem:s26+$0xE830]  }
0x84: {  	[tilespmem:s26+$0x16800] =	vst v3;
	v2 =	vadd.f32 v2, v5;
	v5 =	vld [tilespmem:s26+$0x6840]  }
0x85: {  	v7 =	vld [tilespmem:s26+$0xE840]  }
.Ltmp1:
0x86: {  	[tilespmem:s26+$0x16810] =	vst v2;
	v0 =	vadd.f32 v0, v4;
	v2 =	vld [tilespmem:s26+$0x6850];
	(pc) =	sbr.rel @p0 .LBB2_5-.Ltmp1, $4  }
0x87: {  	v3 =	vld [tilespmem:s26+$0xE850]  }
0x88: {  	[tilespmem:s26+$0x16820] =	vst v0;
	v6 =	vadd.f32 v1, v6;
	v0 =	vld [tilespmem:s26+$0x6860]  }
0x89: {  	s28 =	sshra.s32 s29, $0x2;
	v4 =	vld [tilespmem:s26+$0xE860]  }
0x8a: {  	s29 =	sadd.s32 $0x200, s29;
	v1 =	vld [tilespmem:s28+$0x6870];
	[tilespmem:s26+$0x16830] =	vst v6;
	v5 =	vadd.f32 v7, v5  }
0x8b: {  	v6 =	vld [tilespmem:s28+$0xE870]  }
0x8c: {  	v7 =	vld [tilespmem:s28+$0x6800];
	[tilespmem:s26+$0x16840] =	vst v5;
	v2 =	vadd.f32 v3, v2  }
0x8d: {  	v51 =	vld [tilespmem:s28+$0xE800]  }
0x8e: {  	v5 =	vld [tilespmem:s28+$0x6810];
	[tilespmem:s26+$0x16850] =	vst v2;
	v0 =	vadd.f32 v4, v0  }
0x8f: {  	v2 =	vld [tilespmem:s28+$0xE810]  }
0x90: {  	v52 =	vld [tilespmem:s28+$0x6820];
	[tilespmem:s26+$0x16860] =	vst v0  }
0x91: {  	v54 =	vld [tilespmem:s28+$0xE820]  }
0x92: {  	v55 =	vld [tilespmem:s28+$0x6830]  }
0x93: {  	v56 =	vld [tilespmem:s28+$0xE830]  }
0x94: {  	v57 =	vld [tilespmem:s28+$0x6840]  }
0x95: {  	v58 =	vld [tilespmem:s28+$0xE840]  }
0x96: {  	v59 =	vld [tilespmem:s28+$0x6850]  }
0x97: {  	v53 =	vadd.f32 v6, v1;
	v60 =	vld [tilespmem:s28+$0xE850]  }
0x98: {  	v61 =	vld [tilespmem:s28+$0x6860];
	v3 =	vadd.f32 v51, v7  }
0x99: {  	v62 =	vld [tilespmem:s28+$0xE860];
	[tilespmem:s28+$0x16870] =	vst v53;
	v2 =	vadd.f32 v2, v5  }
0x9a: {  	[tilespmem:s28+$0x16800] =	vst v3;
	v1 =	vadd.f32 v54, v52  }
0x9b: {  	s24 =	sadd.s32 $0x1, s24;
	[tilespmem:s28+$0x16810] =	vst v2;
	v0 =	vadd.f32 v56, v55  }
0x9c: {  	p0 =	sne.s32 s24, $0x14;
	v3 =	vadd.f32 v58, v57;
	[tilespmem:s28+$0x16820] =	vst v1  }
.Ltmp2:
0x9d: {  	s25 =	sshll.u32 s25, $0xE;
	v63 =	vadd.f32 v60, v59;
	[tilespmem:s28+$0x16830] =	vst v0;
	(pc) =	sbr.rel @p0 .LBB2_2-.Ltmp2, $4  }
0x9e: {  	s25 =	sadd.s32 s8, s25;
	[tilespmem:s28+$0x16840] =	vst v3;
	v1 =	vadd.f32 v62, v61  }
0x9f: {  	s25 =	sshrl.u32 s25, $0x3;
	[tilespmem:s28+$0x16850] =	vst v63  }
0xa0: {  	s25 =	sadd.s32 s5, s25;
	[tilespmem:s28+$0x16860] =	vst v1  }
0xa1: {  	[hbm4b:s25+s2] =	stream.linear.scatter [tilespmem:s20], [sflag:$0x4], $0x4000, $0x38;
	[tilespmem:$0x1A800] =	vst v63  }
0xa2: {  	s23 =	sadd.s32 $0x1, s23  }
0xa3: {  	_ =	swait.ge [sflag:s21], $0x4000;
	p0 =	sne.s32 s23, s9  }
.Ltmp3:
0xa4: {  	[sflag:s21] =	ssyncset.done $0x0;
	(pc) =	sbr.rel @p0 .LBB2_1-.Ltmp3, $4  }
0xa5: {  	[sflag:s21] =	ssyncadd.s32 $0xFFFFC000  }
0xa6: {  	_ =	swait.ge [sflag:s22], $0x4000  }
0xa7: {  	[sflag:s22] =	ssyncset.done $0x0  }
0xa8: {  	[sflag:s22] =	ssyncadd.s32 $0xFFFFC000  }
0xa9: {  	_ =	sfence.sel $0x180000  }
0xaa: {  	[bflag:$0x0] =	sbarrier.arrive $0xFFFF  }
0xab: {  	p0 =	sne.s32 s1, $0x0;
	_ =	strace $0x90000053  }
0xac: {  	s0 =	sadd.s32 @!p0 $0x100000, s0;
	[bflag:$0x2] =	sbarrier.arrive $0xFFFF  }
0xad: {  	[sflag:s0] =	ssyncadd.tile.s32 @!p0 $0x1;
	_ =	shalt  }
.Lfunc_end2:
_tile_overlayer_lowered:
.L_overlay_start_2:
0xae: {  	(tag) =	ssettag $0x2  }
0xaf: {  	s0 =	rddreg [dreg:$0x0];
	s2 =	stileid.u32  }
0xb0: {  	s1 =	rddreg [dreg:$0x1];
	p0 =	sne.s32 s2, $0x0  }
0xb1: {  	s3 =	rddreg [dreg:$0x2];
	[bflag:$0x3] =	sbarrier.arrive $0xFFFF;
	s2 =	simm.s32 @!p0 $0x1C05  }
0xb2: {  	[timem:s3], [sflag:s2] =	dma.local @!p0 [hbm:s0], s1  }
0xb3: {  	s0 =	simm.s32 @!p0 $0x5  }
0xb4: {  	_ =	swait.ge @!p0 [sflag:s0], s1  }
0xb5: {  	s1 =	ssub.s32 @!p0 $0x0, s1;
	[sflag:s0] =	ssyncset.done @!p0 $0x0  }
0xb6: {  	[sflag:s0] =	ssyncadd.s32 @!p0 s1  }
0xb7: {  	[bflag:$0x3] =	sbarrier.arrive $0xFFFF  }
0xb8: {  	_ =	shalt  }

// kernel: kernel.34.cloned.1.call-start
scs
__scs_entry_jumppad:
0x0: {  	(pc) =	sbr.rel $0x88, $3  }
0x1: {  	(tag) =	ssettag $0x0;
	lr =	simm.s32 $0x1  }
0x2: {  	[smem:$0x3F74] =	sst lr;
	_ =	strace $0xD0000000  }
0x3: {  	_ = 	snop  }
0x4: {  	_ = 	snop  }
0x5: {  	_ = 	snop  }
0x6: {  	_ = 	snop  }
0x7: {  	_ = 	snop  }
__scs_overlays_trampoline_lowered:
0x8: {  	[smem:$0x3F83] =	sst s0  }
0x9: {  	[smem:$0x3F84] =	sst s1  }
0xa: {  	[smem:$0x3F85] =	sst s2  }
0xb: {  	[smem:$0x3F86] =	sst s3  }
0xc: {  	[smem:$0x3F87] =	sst s4  }
0xd: {  	[smem:$0x3F88] =	sst s5  }
0xe: {  	[smem:$0x3F89] =	sst s6  }
0xf: {  	[smem:$0x3F8A] =	sst s7  }
0x10: {  	[smem:$0x3F8B] =	sst s8  }
0x11: {  	[smem:$0x3F8C] =	sst s9;
	s0 =	simm.s32 @!p0 $0x0  }
0x12: {  	s1 =	sld [smem:$0x3F72];
	s0 =	simm.s32 @p0 $0x1  }
0x13: {  	[smem:$0x3F8D] =	sst s0;
	s0 =	simm.s32 @!p1 $0x0  }
0x14: {  	s2 =	sld [smem:$0x3F71];
	s0 =	simm.s32 @p1 $0x1  }
0x15: {  	[smem:$0x3F8E] =	sst s0;
	s0 =	simm.s32 @!p2 $0x0  }
0x16: {  	s3 =	sld [smem:$0x3FDB];
	s0 =	simm.s32 @p2 $0x1  }
0x17: {  	s4 =	simm.s32 $0x1BF5;
	[smem:$0x3F90] =	sst s0  }
0x18: {  	s0 =	sld [smem:$0x3F73];
	_ =	swait.ge [sflag:s4], $0x0  }
0x19: {  	s7 =	sld [smem:$0x3F74]  }
0x1a: {  	s8 =	sadd.s32 $0xFFFFE003, lr  }
0x1b: {  	s9 =	sadd.s32 $0xFFFFFEF7, lr;
	s5 =	simm.s32 $0xFFFFFFFF;
	p2 =	slt.u32 s8, $0xFFFFF086  }
0x1c: {  	p1 =	slt.u32 s9, $0xF7A;
	s5 =	simm.s32 @!p2 $0x0  }
0x1d: {  	s5 =	simm.s32 @p1 $0x1;
	p0 =	seq.s32 s7, s2  }
0x1e: {  	s7 =	smul.u32 @!p0 $0xF7A, s2;
	p2 =	seq.s32 @!p0 s5, $0x0  }
0x1f: {  	s9 =	smul.u32 $0xF7A, s1;
	s8 =	simm.s32 @!p0 $0x1BF5;
	p2 =	por !p2, p0  }
0x20: {  	[sflag:s8] =	ssyncset.s32 @!p0 $0xFFFFF086;
	s6 =	sadd.s32 @!p0 s3, s7;
	s7 =	simm.s32 @!p0 $0x108  }
0x21: {  	s3 =	sadd.s32 s3, s9;
	s6 =	sadd.s32 @!p0 $0x88, s6;
	s7 =	simm.s32 @p2 $0x1082  }
0x22: {  	[simem:s7], [sflag:s8] =	dma.local @!p0 [hbm:s6], $0xF7A  }
0x23: {  	s9 =	sor.u32 $0xD0000000, s2;
	s6 =	simm.s32 $0x108;
	_ =	swait.ge @!p0 [sflag:s8], $0x0  }
0x24: {  	s3 =	sadd.s32 $0x88, s3;
	s6 =	simm.s32 @!p1 $0x1082;
	[sflag:s4] =	ssyncset.s32 $0xFFFFF086  }
0x25: {  	[simem:s6], [sflag:s4] =	dma.local [hbm:s3], $0xF7A  }
0x26: {  	[smem:$0x3F74] =	sst s1;
	(tag) =	ssettag s2;
	_ =	strace s9  }
0x27: {  	s1 =	sld [smem:$0x3F84]  }
0x28: {  	s2 =	sld [smem:$0x3F85]  }
0x29: {  	s4 =	sld [smem:$0x3F87]  }
0x2a: {  	p0 =	seq.s32 s5, $0x0;
	s5 =	sld [smem:$0x3F88]  }
0x2b: {  	s6 =	sld [smem:$0x3F89]  }
0x2c: {  	s7 =	sld [smem:$0x3F8A]  }
0x2d: {  	s3 =	simm.s32 $0x108;
	s8 =	sld [smem:$0x3F8B]  }
0x2e: {  	s3 =	simm.s32 @!p0 $0x1082;
	s9 =	sld [smem:$0x3F8C]  }
0x2f: {  	lr =	sadd.s32 s0, s3;
	s0 =	sld [smem:$0x3F83]  }
0x30: {  	s3 =	sld [smem:$0x3F86]  }
0x31: {  	[smem:$0x3F8F] =	sst s10  }
0x32: {  	s10 =	sld [smem:$0x3F8D];
	_ =	sdelay $0x3  }
0x33: {  	p0 =	seq.s32 s10, $0x1;
	s10 =	sld [smem:$0x3F8F];
	_ =	sdelay $0x3  }
0x34: {  	[smem:$0x3F8F] =	sst s10  }
0x35: {  	s10 =	sld [smem:$0x3F8E];
	_ =	sdelay $0x3  }
0x36: {  	p1 =	seq.s32 s10, $0x1;
	s10 =	sld [smem:$0x3F8F];
	_ =	sdelay $0x3  }
0x37: {  	[smem:$0x3F8F] =	sst s10  }
0x38: {  	s10 =	sld [smem:$0x3F90]  }
0x39: {  	_ = 	snop;
	(pc) =	sbr.ind lr, $3  }
0x3a: {  	_ = 	snop  }
0x3b: {  	_ = 	snop  }
0x3c: {  	p2 =	seq.s32 s10, $0x1;
	s10 =	sld [smem:$0x3F8F]  }
0x3d: {  	_ =	shalt  }
0x3e: {  	_ =	shalt  }
0x3f: {  	_ =	shalt  }
0x40: {  	_ =	shalt  }
0x41: {  	_ =	shalt  }
0x42: {  	_ =	shalt  }
0x43: {  	_ =	shalt  }
0x44: {  	_ =	shalt  }
0x45: {  	_ =	shalt  }
0x46: {  	_ =	shalt  }
0x47: {  	_ =	shalt  }
0x48: {  	_ =	shalt  }
0x49: {  	_ =	shalt  }
0x4a: {  	_ =	shalt  }
0x4b: {  	_ =	shalt  }
0x4c: {  	_ =	shalt  }
0x4d: {  	_ =	shalt  }
0x4e: {  	_ =	shalt  }
0x4f: {  	_ =	shalt  }
0x50: {  	_ =	shalt  }
0x51: {  	_ =	shalt  }
0x52: {  	_ =	shalt  }
0x53: {  	_ =	shalt  }
0x54: {  	_ =	shalt  }
0x55: {  	_ =	shalt  }
0x56: {  	_ =	shalt  }
0x57: {  	_ =	shalt  }
0x58: {  	_ =	shalt  }
0x59: {  	_ =	shalt  }
0x5a: {  	_ =	shalt  }
0x5b: {  	_ =	shalt  }
0x5c: {  	_ =	shalt  }
0x5d: {  	_ =	shalt  }
0x5e: {  	_ =	shalt  }
0x5f: {  	_ =	shalt  }
0x60: {  	_ =	shalt  }
0x61: {  	_ =	shalt  }
0x62: {  	_ =	shalt  }
0x63: {  	_ =	shalt  }
0x64: {  	_ =	shalt  }
0x65: {  	_ =	shalt  }
0x66: {  	_ =	shalt  }
0x67: {  	_ =	shalt  }
0x68: {  	_ =	shalt  }
0x69: {  	_ =	shalt  }
0x6a: {  	_ =	shalt  }
0x6b: {  	_ =	shalt  }
0x6c: {  	_ =	shalt  }
0x6d: {  	_ =	shalt  }
0x6e: {  	_ =	shalt  }
0x6f: {  	_ =	shalt  }
0x70: {  	_ =	shalt  }
0x71: {  	_ =	shalt  }
0x72: {  	_ =	shalt  }
0x73: {  	_ =	shalt  }
0x74: {  	_ =	shalt  }
0x75: {  	_ =	shalt  }
0x76: {  	_ =	shalt  }
0x77: {  	_ =	shalt  }
0x78: {  	_ =	shalt  }
0x79: {  	_ =	shalt  }
0x7a: {  	_ =	shalt  }
0x7b: {  	_ =	shalt  }
0x7c: {  	_ =	shalt  }
0x7d: {  	_ =	shalt  }
0x7e: {  	_ =	shalt  }
0x7f: {  	_ =	shalt  }
0x80: {  	_ =	shalt  }
0x81: {  	_ =	shalt  }
0x82: {  	_ =	shalt  }
0x83: {  	_ =	shalt  }
0x84: {  	_ =	shalt  }
0x85: {  	_ =	shalt  }
0x86: {  	_ =	shalt  }
0x87: {  	_ =	shalt  }
.Lfunc_end0:
.L_simem_size_0:
called_computation.5_lowered:
.L_overlay_start_0:
0x88: {  	s2 =	sld [smem:$0x3FD9]  }
0x89: {  	s3 =	sld [smem:$0x3FFE];
	_ =	sdelay $0x1  }
0x8a: {  	s1 =	srdreg.scid  }
0x8b: {  	s0 =	sand.u32 $0x1, s1  }
0x8c: {  	s17 =	sshll.u32 s0, $0xA;
	s2 =	sadd.s32 s3, s2  }
0x8d: {  	s2 =	sadd.s32 s2, s17  }
0x8e: {  	[smem:$0x3F9B] =	sst s2  }
0x8f: {  	_ = 	snop  }
0x90: {  	(tm) =	ssettm $0x1  }
0x91: {  	s18 =	sld [smem:$0x3FFB];
	_ =	sdelay $0x3  }
0x92: {  	_ =	strace s18  }
0x93: {  	s2 =	sld [smem:$0x3FFC];
	_ =	sdelay $0x3  }
0x94: {  	_ =	strace s2  }
0x95: {  	s2 =	sld [smem:$0x3FFD];
	_ =	sdelay $0x3  }
0x96: {  	_ =	strace s2  }
0x97: {  	_ =	strace $0x8FFFFFFF  }
0x98: {  	s19 =	sld [smem:$0x3FDB];
	_ =	sdelay $0x1  }
0x99: {  	s20 =	simm.s32 $_scs_section_size  }
0x9a: {  	s4 =	simm.s32 $_size__tile_overlayer_lowered;
	s5 =	simm.s32 $_tile_overlayer_lowered  }
0x9b: {  	s6 =	simm.s32 $0x1BFF;
	s21 =	sshll.u32 s5, $0x1;
	s3 =	sadd.s32 s20, s19  }
0x9c: {  	s22 =	simm.s32 $0x0;
	s4 =	sshll.u32 s4, $0x1;
	s5 =	sadd.s32 s21, s3  }
0x9d: {  	[timem:s22], [sflag:s6] =	dma.local [hbm:s5], s4  }
0x9e: {  	_ =	swait.ge [sflag:s6], s4  }
0x9f: {  	s4 =	ssub.s32 $0x0, s4;
	[sflag:s6] =	ssyncset.done $0x0  }
0xa0: {  	[sflag:s6] =	ssyncadd.s32 s4;
	_ =	sdelay $0x1  }
0xa1: {  	s23 =	simm.s32 $0x1B8B  }
0xa2: {  	_ =	swait.ge [sflag:s23], $0x1  }
0xa3: {  	[sflag:s23] =	ssyncset.done $0x0  }
0xa4: {  	[sflag:s23] =	ssyncadd.s32 $0xFFFFFFFF  }
0xa5: {  	s4 =	sld [smem:$0x0]  }
0xa6: {  	s5 =	sand.u32 $0xFFFFFFFE, s1  }
0xa7: {  	p0 =	sne.s32 s1, s5  }
0xa8: {  	s5 =	sshll.u32 @p0 s5, $0xE  }
0xa9: {  	s5 =	sadd.s32 @p0 $0x11B8D, s5;
	s6 =	sshll.u32 @p0 s4, $0x11  }
0xaa: {  	s5 =	sor.u32 @p0 s6, s5  }
0xab: {  	[sflag:s5] =	ssyncadd.remote.s32 @p0 $0x1;
	_ =	sdelay $0x1  }
0xac: {  	s5 =	simm.s32 @p0 $0x1B8D  }
0xad: {  	_ =	swait.eq @p0 [sflag:s5], $0x1  }
0xae: {  	[sflag:s5] =	ssyncadd.s32 @p0 $0xFFFFFFFF  }
0xaf: {  	s6 =	sshll.u32 @!p0 s1, $0xE  }
0xb0: {  	s6 =	sor.u32 @!p0 $0x4000, s6;
	s5 =	simm.s32 @!p0 $0x1B8D  }
0xb1: {  	s4 =	sshll.u32 @!p0 s4, $0x11;
	s6 =	sadd.s32 @!p0 $0x11B8D, s6;
	_ =	swait.eq @!p0 [sflag:s5], $0x1  }
0xb2: {  	s4 =	sor.u32 @!p0 s4, s6;
	[sflag:s5] =	ssyncadd.s32 @!p0 $0xFFFFFFFF  }
0xb3: {  	s25 =	simm.s32 $0x1B8E;
	s24 =	sld [smem:$0x3FFE];
	[sflag:s4] =	ssyncadd.remote.s32 @!p0 $0x1  }
0xb4: {  	s26 =	simm.s32 $execute0_lowered;
	[smem:$0x3FD2] =	sst s25  }
0xb5: {  	s5 =	sshll.u32 s26, $0x1;
	_ =	strace $0x80000055;
	[dreg:$0x1] =	wrdreg $0xFFFFFFFF  }
0xb6: {  	s28 =	simm.s32 $_size_execute0_lowered;
	s3 =	sadd.s32 s3, s5;
	[dreg:$0x0] =	wrdreg $0x0  }
0xb7: {  	s5 =	sshll.u32 s28, $0x1;
	[dreg:$0x2] =	wrdreg s3  }
0xb8: {  	[dreg:$0x3] =	wrdreg s5  }
0xb9: {  	[dreg:$0x4] =	wrdreg $0xC0  }
0xba: {  	_ =	task [dreg:s22], $0x5FFFF  }
0xbb: {  	[dreg:$0x1] =	wrdreg $0xFFFFFFFF  }
0xbc: {  	[dreg:$0x0] =	wrdreg $0x60  }
0xbd: {  	[dreg:$0x2] =	wrdreg s24  }
0xbe: {  	[dreg:$0x3] =	wrdreg $0x9  }
0xbf: {  	_ =	task.clear_ibuf [dreg:s22], $0x4FFFF;
	_ =	strace $0x90000055  }
0xc0: {  	s29 =	simm.s32 $0x9;
	_ =	strace $0x80000057  }
0xc1: {  	_ =	swait.ge [sflag:s29], $0x1  }
0xc2: {  	[sflag:s29] =	ssyncadd.s32 $0xFFFFFFFF  }
0xc3: {  	_ =	strace $0x90000057  }
0xc4: {  	_ =	sfence  }
0xc5: {  	s30 =	sld [smem:$0x0];
	_ =	sdelay $0x2  }
0xc6: {  	s31 =	sshll.u32 s1, $0xD;
	s1 =	sshrl.u32 s1, $0x2  }
0xc7: {  	s4 =	sand.u32 $0x4000, s31;
	s1 =	sadd.s32 s1, s30  }
0xc8: {  	s0 =	sor.u32 s4, s0;
	s1 =	sshll.u32 s1, $0x11  }
0xc9: {  	s0 =	sor.u32 s1, s0  }
0xca: {  	s0 =	sadd.s32 $0x8F2B, s0  }
0xcb: {  	[sflag:s0] =	ssyncadd.remote.s32 $0x1  }
0xcc: {  	_ =	sfence.sel $0xFFFF  }
0xcd: {  	[dreg:$0x0] =	wrdreg $0xFFFFFFFF;
	(pc) =	sbr.abs _section_cstart, $3  }
0xce: {  	[dreg:$0x1] =	wrdreg $0xFFFFFFFF  }
0xcf: {  	_ =	task.clear_ibuf [dreg:s22], $0x2FFFF;
	_ =	strace $0x9FFFFFFF  }
0xd0: {  	(tm) =	ssettm $0x7FFFFFFF  }
0xd1: {  	_ =	shalt  }
tec
execute0_lowered:
.L_overlay_start_1:
0x0: {  	(tag) =	ssettag $0x1  }
0x1: {  	s1 =	srdreg.scid  }
0x2: {  	s0 =	stileid.u32;
	s5 =	rddreg [dreg:$0x0]  }
0x3: {  	s2 =	simm.s32 $0x0;
	s11 =	simm.s32 $0x1400;
	s12 =	simm.s32 $0x80  }
0x4: {  	s13 =	simm.s32 $0x2800;
	s14 =	simm.s32 $0xA800;
	s15 =	simm.s32 $0x1  }
0x5: {  	s16 =	simm.s32 $0x6800;
	s17 =	simm.s32 $0xE800;
	s18 =	simm.s32 $0x12800  }
0x6: {  	s19 =	simm.s32 $0x2;
	s20 =	simm.s32 $0x16800;
	s21 =	simm.s32 $0x3  }
0x7: {  	s22 =	simm.s32 $0x4;
	s6 =	sand.u32 $0x1, s1;
	s1 =	rddreg [dreg:$0x1]  }
0x8: {  	s23 =	simm.s32 $0x0;
	s3 =	sshll.u32 s0, $0x1;
	[smem:$0x7FF] =	sst s2  }
0x9: {  	s4 =	sadd.s32 $0x345E00, s5;
	s8 =	sor.u32 s6, s3;
	s9 =	ssub.s32 $0x2, s6  }
0xa: {  	_ =	strace $0x80000056;
	s7 =	smul.u32 $0x280, s8;
	s10 =	sshrl.u32 s9, $0x1  }
0xb: {  	s3 =	sadd.s32 $0x31EC00, s5;
	s8 =	smul.u32 $0xA0000, s8;
	s9 =	ssub.s32 s9, s10  }
0xc: {  	s10 =	simm.s32 $0x5;
	s7 =	sadd.s32 s7, s5;
	s5 =	sadd.s32 $0xAC5E00, s5  }
0xd: {  	s9 =	smax.u32 s9, $0x1;
	s6 =	sadd.s32 $0x314C00, s7;
	s7 =	sadd.s32 $0x319C00, s7  }
.LBB2_1:
0xe: {  	[tilespmem:s2], [sflag:$0x5] =	stream.linear.gather [hbm4b:s6+s2], $0x1400, $0x38;
	[tilespmem:$0x1A800] =	vst v63  }
0xf: {  	_ =	swait.ge [sflag:s10], $0x1400  }
0x10: {  	[sflag:s10] =	ssyncset.done $0x0  }
0x11: {  	[sflag:s10] =	ssyncadd.s32 $0xFFFFEC00  }
0x12: {  	[tilespmem:s11], [sflag:$0x5] =	stream.linear.gather [hbm4b:s7+s2], $0x1400, $0x38;
	[tilespmem:$0x1A800] =	vst v63  }
0x13: {  	_ =	swait.ge [sflag:s10], $0x1400  }
0x14: {  	[sflag:s10] =	ssyncset.done $0x0  }
0x15: {  	[sflag:s10] =	ssyncadd.s32 $0xFFFFEC00  }
0x16: {  	[tilespmem:s13], [sflag:$0x1] =	stream.indirect.gather [hbm4b:s3+s12], $0x80, s2, s12, $0xb8;
	[tilespmem:$0x1A800] =	vst v63  }
0x17: {  	s24 =	simm.s32 $0x0  }
0x18: {  	[tilespmem:s14], [sflag:$0x1] =	stream.indirect.gather [hbm4b:s4+s12], $0x80, s11, s12, $0xb8;
	[tilespmem:$0x1A800] =	vst v63  }
.LBB2_2:
0x19: {  	_ =	swait.ge [sflag:s15], $0x4000  }
0x1a: {  	[sflag:s15] =	ssyncset.done $0x0  }
0x1b: {  	[sflag:s15] =	ssyncadd.s32 $0xFFFFC000  }
0x1c: {  	_ =	swait.ge [sflag:s15], $0x4000  }
0x1d: {  	s25 =	sshllo.u32 s24, $0x1;
	[sflag:s15] =	ssyncset.done $0x0  }
0x1e: {  	s26 =	sshll.u32 s25, $0x7;
	[sflag:s15] =	ssyncadd.s32 $0xFFFFC000  }
0x1f: {  	[tilespmem:s16], [sflag:$0x2] =	stream.indirect.gather [hbm4b:s3+s12], $0x80, s26, s12, $0xb8;
	[tilespmem:$0x1A800] =	vst v63  }
0x20: {  	p0 =	seq.s32 s24, $0x0;
	s26 =	sadd.s32 $0x1400, s26  }
0x21: {  	[tilespmem:s17], [sflag:$0x2] =	stream.indirect.gather [hbm4b:s4+s12], $0x80, s26, s12, $0xb8;
	[tilespmem:$0x1A800] =	vst v63  }
0x22: {  	s26 =	simm.s32 @!p0 $0x3  }
0x23: {  	_ =	swait.ge @!p0 [sflag:s26], $0x4000  }
0x24: {  	[sflag:s26] =	ssyncset.done @!p0 $0x0  }
0x25: {  	[sflag:s26] =	ssyncadd.s32 @!p0 $0xFFFFC000;
	s26 =	simm.s32 $0x0  }
0x26: {  	v0 =	vld [tilespmem:s26+$0x2870]  }
0x27: {  	v1 =	vld [tilespmem:s26+$0xA870]  }
0x28: {  	v2 =	vld [tilespmem:s26+$0x2800]  }
0x29: {  	v3 =	vld [tilespmem:s26+$0xA800]  }
0x2a: {  	v4 =	vld [tilespmem:s26+$0x2810]  }
0x2b: {  	v5 =	vld [tilespmem:s26+$0xA810]  }
0x2c: {  	v6 =	vld [tilespmem:s26+$0x2820]  }
0x2d: {  	v7 =	vld [tilespmem:s26+$0x2830]  }
0x2e: {  	v0 =	vadd.f32 v1, v0;
	v1 =	vld [tilespmem:s26+$0xA820]  }
0x2f: {  	v8 =	vld [tilespmem:s26+$0xA830]  }
0x30: {  	v9 =	vld [tilespmem:s26+$0xA840];
	v2 =	vadd.f32 v3, v2  }
0x31: {  	[tilespmem:s26+$0x12870] =	vst v0;
	v0 =	vadd.f32 v5, v4;
	v5 =	vld [tilespmem:s26+$0x2840]  }
0x32: {  	v3 =	vld [tilespmem:s26+$0xA850];
	[tilespmem:s26+$0x12800] =	vst v2  }
0x33: {  	v2 =	vld [tilespmem:s26+$0x2850];
	[tilespmem:s26+$0x12810] =	vst v0;
	v0 =	vadd.f32 v1, v6  }
0x34: {  	v4 =	vld [tilespmem:s26+$0xA860];
	v6 =	vadd.f32 v8, v7  }
0x35: {  	s28 =	simm.s32 $0x80;
	[tilespmem:s26+$0x12820] =	vst v0;
	v0 =	vld [tilespmem:s26+$0x2860]  }
0x36: {  	s29 =	simm.s32 $0x400;
	v5 =	vadd.f32 v9, v5;
	v1 =	vld [tilespmem:s28+$0x2870];
	[tilespmem:s26+$0x12830] =	vst v6  }
.LBB2_3:
0x37: {  	p0 =	sne.s32 s29, $0xFE00;
	v6 =	vld [tilespmem:s28+$0xA870]  }
0x38: {  	v7 =	vld [tilespmem:s28+$0x2800];
	[tilespmem:s26+$0x12840] =	vst v5;
	v2 =	vadd.f32 v3, v2  }
0x39: {  	v3 =	vld [tilespmem:s28+$0xA800]  }
0x3a: {  	v5 =	vld [tilespmem:s28+$0x2810];
	[tilespmem:s26+$0x12850] =	vst v2;
	v0 =	vadd.f32 v4, v0  }
0x3b: {  	v2 =	vld [tilespmem:s28+$0xA810]  }
0x3c: {  	v4 =	vld [tilespmem:s28+$0x2820];
	v1 =	vadd.f32 v6, v1;
	[tilespmem:s26+$0x12860] =	vst v0;
	s26 =	smov.u32 s28  }
0x3d: {  	v0 =	vld [tilespmem:s26+$0xA820]  }
0x3e: {  	v3 =	vadd.f32 v3, v7;
	v6 =	vld [tilespmem:s26+$0x2830];
	[tilespmem:s26+$0x12870] =	vst v1  }
0x3f: {  	v1 =	vld [tilespmem:s26+$0xA830]  }
0x40: {  	[tilespmem:s26+$0x12800] =	vst v3;
	v2 =	vadd.f32 v2, v5;
	v5 =	vld [tilespmem:s26+$0x2840]  }
0x41: {  	v7 =	vld [tilespmem:s26+$0xA840]  }
.Ltmp0:
0x42: {  	[tilespmem:s26+$0x12810] =	vst v2;
	v0 =	vadd.f32 v0, v4;
	v2 =	vld [tilespmem:s26+$0x2850];
	(pc) =	sbr.rel @p0 .LBB2_3-.Ltmp0, $4  }
0x43: {  	v3 =	vld [tilespmem:s26+$0xA850]  }
0x44: {  	[tilespmem:s26+$0x12820] =	vst v0;
	v6 =	vadd.f32 v1, v6;
	v0 =	vld [tilespmem:s26+$0x2860]  }
0x45: {  	s28 =	sshra.s32 s29, $0x2;
	v4 =	vld [tilespmem:s26+$0xA860]  }
0x46: {  	s29 =	sadd.s32 $0x200, s29;
	v1 =	vld [tilespmem:s28+$0x2870];
	[tilespmem:s26+$0x12830] =	vst v6;
	v5 =	vadd.f32 v7, v5  }
0x47: {  	v6 =	vld [tilespmem:s28+$0xA870]  }
0x48: {  	v7 =	vld [tilespmem:s28+$0x2800];
	[tilespmem:s26+$0x12840] =	vst v5;
	v2 =	vadd.f32 v3, v2  }
0x49: {  	v3 =	vld [tilespmem:s28+$0xA800]  }
0x4a: {  	v5 =	vld [tilespmem:s28+$0x2810];
	[tilespmem:s26+$0x12850] =	vst v2;
	v0 =	vadd.f32 v4, v0  }
0x4b: {  	v2 =	vld [tilespmem:s28+$0xA810]  }
0x4c: {  	v4 =	vld [tilespmem:s28+$0x2820];
	[tilespmem:s26+$0x12860] =	vst v0  }
0x4d: {  	v0 =	vadd.f32 v6, v1;
	v1 =	vld [tilespmem:s28+$0xA820]  }
0x4e: {  	v6 =	vld [tilespmem:s28+$0x2830]  }
0x4f: {  	v3 =	vadd.f32 v3, v7;
	[tilespmem:s28+$0x12870] =	vst v0;
	v0 =	vld [tilespmem:s28+$0xA830]  }
0x50: {  	v7 =	vld [tilespmem:s28+$0xA860]  }
0x51: {  	[tilespmem:s28+$0x12800] =	vst v3;
	v2 =	vadd.f32 v2, v5;
	v3 =	vld [tilespmem:s28+$0x2840]  }
0x52: {  	v5 =	vld [tilespmem:s28+$0xA840]  }
0x53: {  	[tilespmem:s28+$0x12810] =	vst v2;
	v1 =	vadd.f32 v1, v4;
	v2 =	vld [tilespmem:s28+$0x2850]  }
0x54: {  	v4 =	vld [tilespmem:s28+$0xA850]  }
0x55: {  	[tilespmem:s28+$0x12820] =	vst v1;
	v1 =	vld [tilespmem:s28+$0x2860];
	_ =	sdelay $0x1  }
0x56: {  	v0 =	vadd.f32 v0, v6  }
0x57: {  	v3 =	vadd.f32 v5, v3  }
0x58: {  	s31 =	sshll.u32 s24, $0xF;
	[tilespmem:s28+$0x12830] =	vst v0;
	v0 =	vadd.f32 v4, v2  }
0x59: {  	s26 =	sadd.s32 s8, s31;
	[tilespmem:s28+$0x12840] =	vst v3;
	v1 =	vadd.f32 v7, v1  }
0x5a: {  	s26 =	sshrl.u32 s26, $0x3;
	[tilespmem:s28+$0x12850] =	vst v0  }
0x5b: {  	s26 =	sadd.s32 s5, s26;
	[tilespmem:s28+$0x12860] =	vst v1  }
0x5c: {  	[hbm4b:s26+s2] =	stream.linear.scatter [tilespmem:s18], [sflag:$0x3], $0x4000, $0x38;
	[tilespmem:$0x1A800] =	vst v63  }
0x5d: {  	_ =	swait.ge [sflag:s19], $0x4000  }
0x5e: {  	[sflag:s19] =	ssyncset.done $0x0  }
0x5f: {  	[sflag:s19] =	ssyncadd.s32 $0xFFFFC000  }
0x60: {  	p0 =	seq.s32 s24, $0x13;
	_ =	swait.ge [sflag:s19], $0x4000  }
0x61: {  	s29 =	simm.s32 @!p0 $0x80;
	s26 =	sshll.u32 @!p0 s24, $0x8;
	[sflag:s19] =	ssyncset.done $0x0  }
0x62: {  	s30 =	simm.s32 @!p0 $0x2800;
	s28 =	sadd.s32 @!p0 $0x100, s26;
	[sflag:s19] =	ssyncadd.s32 $0xFFFFC000  }
0x63: {  	[tilespmem:s30], [sflag:$0x1] =	stream.indirect.gather @!p0 [hbm4b:s3+s29], $0x80, s28, s29, $0xb8;
	[tilespmem:$0x1A800] =	vst v63  }
0x64: {  	p1 =	seq.s32 @!p0 s24, $0x0;
	s26 =	sadd.s32 @!p0 $0x1500, s26;
	s28 =	simm.s32 @!p0 $0xA800  }
0x65: {  	[tilespmem:s28], [sflag:$0x1] =	stream.indirect.gather @!p0 [hbm4b:s4+s29], $0x80, s26, s29, $0xb8;
	[tilespmem:$0x1A800] =	vst v63  }
0x66: {  	p0 =	por p0, !p1  }
0x67: {  	_ =	swait.ge @p0 [sflag:s22], $0x4000  }
0x68: {  	[sflag:s22] =	ssyncset.done @p0 $0x0  }
0x69: {  	s26 =	simm.s32 $0x0;
	[sflag:s22] =	ssyncadd.s32 @p0 $0xFFFFC000  }
0x6a: {  	v0 =	vld [tilespmem:s26+$0x6870]  }
0x6b: {  	v1 =	vld [tilespmem:s26+$0xE870]  }
0x6c: {  	v2 =	vld [tilespmem:s26+$0x6800]  }
0x6d: {  	v3 =	vld [tilespmem:s26+$0xE800]  }
0x6e: {  	v4 =	vld [tilespmem:s26+$0x6810]  }
0x6f: {  	v5 =	vld [tilespmem:s26+$0xE810]  }
0x70: {  	v6 =	vld [tilespmem:s26+$0x6820]  }
0x71: {  	v7 =	vld [tilespmem:s26+$0x6830]  }
0x72: {  	v0 =	vadd.f32 v1, v0;
	v1 =	vld [tilespmem:s26+$0xE820]  }
0x73: {  	v8 =	vld [tilespmem:s26+$0xE830]  }
0x74: {  	v9 =	vld [tilespmem:s26+$0xE840];
	v2 =	vadd.f32 v3, v2  }
0x75: {  	[tilespmem:s26+$0x16870] =	vst v0;
	v0 =	vadd.f32 v5, v4;
	v5 =	vld [tilespmem:s26+$0x6840]  }
0x76: {  	v3 =	vld [tilespmem:s26+$0xE850];
	[tilespmem:s26+$0x16800] =	vst v2  }
0x77: {  	v2 =	vld [tilespmem:s26+$0x6850];
	[tilespmem:s26+$0x16810] =	vst v0;
	v0 =	vadd.f32 v1, v6  }
0x78: {  	v4 =	vld [tilespmem:s26+$0xE860];
	v6 =	vadd.f32 v8, v7  }
0x79: {  	s28 =	simm.s32 $0x80;
	[tilespmem:s26+$0x16820] =	vst v0;
	v0 =	vld [tilespmem:s26+$0x6860]  }
0x7a: {  	s29 =	simm.s32 $0x400;
	v5 =	vadd.f32 v9, v5;
	v1 =	vld [tilespmem:s28+$0x6870];
	[tilespmem:s26+$0x16830] =	vst v6  }
.LBB2_5:
0x7b: {  	p0 =	sne.s32 s29, $0xFE00;
	v6 =	vld [tilespmem:s28+$0xE870]  }
0x7c: {  	v7 =	vld [tilespmem:s28+$0x6800];
	[tilespmem:s26+$0x16840] =	vst v5;
	v2 =	vadd.f32 v3, v2  }
0x7d: {  	v3 =	vld [tilespmem:s28+$0xE800]  }
0x7e: {  	v5 =	vld [tilespmem:s28+$0x6810];
	[tilespmem:s26+$0x16850] =	vst v2;
	v0 =	vadd.f32 v4, v0  }
0x7f: {  	v2 =	vld [tilespmem:s28+$0xE810]  }
0x80: {  	v4 =	vld [tilespmem:s28+$0x6820];
	v1 =	vadd.f32 v6, v1;
	[tilespmem:s26+$0x16860] =	vst v0;
	s26 =	smov.u32 s28  }
0x81: {  	v0 =	vld [tilespmem:s26+$0xE820]  }
0x82: {  	v3 =	vadd.f32 v3, v7;
	v6 =	vld [tilespmem:s26+$0x6830];
	[tilespmem:s26+$0x16870] =	vst v1  }
0x83: {  	v1 =	vld [tilespmem:s26+$0xE830]  }
0x84: {  	[tilespmem:s26+$0x16800] =	vst v3;
	v2 =	vadd.f32 v2, v5;
	v5 =	vld [tilespmem:s26+$0x6840]  }
0x85: {  	v7 =	vld [tilespmem:s26+$0xE840]  }
.Ltmp1:
0x86: {  	[tilespmem:s26+$0x16810] =	vst v2;
	v0 =	vadd.f32 v0, v4;
	v2 =	vld [tilespmem:s26+$0x6850];
	(pc) =	sbr.rel @p0 .LBB2_5-.Ltmp1, $4  }
0x87: {  	v3 =	vld [tilespmem:s26+$0xE850]  }
0x88: {  	[tilespmem:s26+$0x16820] =	vst v0;
	v6 =	vadd.f32 v1, v6;
	v0 =	vld [tilespmem:s26+$0x6860]  }
0x89: {  	s28 =	sshra.s32 s29, $0x2;
	v4 =	vld [tilespmem:s26+$0xE860]  }
0x8a: {  	s29 =	sadd.s32 $0x200, s29;
	v1 =	vld [tilespmem:s28+$0x6870];
	[tilespmem:s26+$0x16830] =	vst v6;
	v5 =	vadd.f32 v7, v5  }
0x8b: {  	v6 =	vld [tilespmem:s28+$0xE870]  }
0x8c: {  	v7 =	vld [tilespmem:s28+$0x6800];
	[tilespmem:s26+$0x16840] =	vst v5;
	v2 =	vadd.f32 v3, v2  }
0x8d: {  	v51 =	vld [tilespmem:s28+$0xE800]  }
0x8e: {  	v5 =	vld [tilespmem:s28+$0x6810];
	[tilespmem:s26+$0x16850] =	vst v2;
	v0 =	vadd.f32 v4, v0  }
0x8f: {  	v2 =	vld [tilespmem:s28+$0xE810]  }
0x90: {  	v52 =	vld [tilespmem:s28+$0x6820];
	[tilespmem:s26+$0x16860] =	vst v0  }
0x91: {  	v54 =	vld [tilespmem:s28+$0xE820]  }
0x92: {  	v55 =	vld [tilespmem:s28+$0x6830]  }
0x93: {  	v56 =	vld [tilespmem:s28+$0xE830]  }
0x94: {  	v57 =	vld [tilespmem:s28+$0x6840]  }
0x95: {  	v58 =	vld [tilespmem:s28+$0xE840]  }
0x96: {  	v59 =	vld [tilespmem:s28+$0x6850]  }
0x97: {  	v53 =	vadd.f32 v6, v1;
	v60 =	vld [tilespmem:s28+$0xE850]  }
0x98: {  	v61 =	vld [tilespmem:s28+$0x6860];
	v3 =	vadd.f32 v51, v7  }
0x99: {  	v62 =	vld [tilespmem:s28+$0xE860];
	[tilespmem:s28+$0x16870] =	vst v53;
	v2 =	vadd.f32 v2, v5  }
0x9a: {  	[tilespmem:s28+$0x16800] =	vst v3;
	v1 =	vadd.f32 v54, v52  }
0x9b: {  	s24 =	sadd.s32 $0x1, s24;
	[tilespmem:s28+$0x16810] =	vst v2;
	v0 =	vadd.f32 v56, v55  }
0x9c: {  	p0 =	sne.s32 s24, $0x14;
	v3 =	vadd.f32 v58, v57;
	[tilespmem:s28+$0x16820] =	vst v1  }
.Ltmp2:
0x9d: {  	s25 =	sshll.u32 s25, $0xE;
	v63 =	vadd.f32 v60, v59;
	[tilespmem:s28+$0x16830] =	vst v0;
	(pc) =	sbr.rel @p0 .LBB2_2-.Ltmp2, $4  }
0x9e: {  	s25 =	sadd.s32 s8, s25;
	[tilespmem:s28+$0x16840] =	vst v3;
	v1 =	vadd.f32 v62, v61  }
0x9f: {  	s25 =	sshrl.u32 s25, $0x3;
	[tilespmem:s28+$0x16850] =	vst v63  }
0xa0: {  	s25 =	sadd.s32 s5, s25;
	[tilespmem:s28+$0x16860] =	vst v1  }
0xa1: {  	[hbm4b:s25+s2] =	stream.linear.scatter [tilespmem:s20], [sflag:$0x4], $0x4000, $0x38;
	[tilespmem:$0x1A800] =	vst v63  }
0xa2: {  	s23 =	sadd.s32 $0x1, s23  }
0xa3: {  	_ =	swait.ge [sflag:s21], $0x4000;
	p0 =	sne.s32 s23, s9  }
.Ltmp3:
0xa4: {  	[sflag:s21] =	ssyncset.done $0x0;
	(pc) =	sbr.rel @p0 .LBB2_1-.Ltmp3, $4  }
0xa5: {  	[sflag:s21] =	ssyncadd.s32 $0xFFFFC000  }
0xa6: {  	_ =	swait.ge [sflag:s22], $0x4000  }
0xa7: {  	[sflag:s22] =	ssyncset.done $0x0  }
0xa8: {  	[sflag:s22] =	ssyncadd.s32 $0xFFFFC000  }
0xa9: {  	_ =	sfence.sel $0x180000  }
0xaa: {  	[bflag:$0x0] =	sbarrier.arrive $0xFFFF  }
0xab: {  	p0 =	sne.s32 s0, $0x0;
	_ =	strace $0x90000056  }
0xac: {  	s0 =	sadd.s32 @!p0 $0x100000, s1;
	[bflag:$0x2] =	sbarrier.arrive $0xFFFF  }
0xad: {  	[sflag:s0] =	ssyncadd.tile.s32 @!p0 $0x1;
	_ =	shalt  }
.Lfunc_end2:
_tile_overlayer_lowered:
.L_overlay_start_2:
0xae: {  	(tag) =	ssettag $0x2  }
0xaf: {  	s0 =	rddreg [dreg:$0x0];
	s2 =	stileid.u32  }
0xb0: {  	s1 =	rddreg [dreg:$0x1];
	p0 =	sne.s32 s2, $0x0  }
0xb1: {  	s3 =	rddreg [dreg:$0x2];
	[bflag:$0x3] =	sbarrier.arrive $0xFFFF;
	s2 =	simm.s32 @!p0 $0x1C05  }
0xb2: {  	[timem:s3], [sflag:s2] =	dma.local @!p0 [hbm:s0], s1  }
0xb3: {  	s0 =	simm.s32 @!p0 $0x5  }
0xb4: {  	_ =	swait.ge @!p0 [sflag:s0], s1  }
0xb5: {  	s1 =	ssub.s32 @!p0 $0x0, s1;
	[sflag:s0] =	ssyncset.done @!p0 $0x0  }
0xb6: {  	[sflag:s0] =	ssyncadd.s32 @!p0 s1  }
0xb7: {  	[bflag:$0x3] =	sbarrier.arrive $0xFFFF  }
0xb8: {  	_ =	shalt  }

// kernel: kernel.37.cloned.1.call-start
scs
__scs_entry_jumppad:
0x0: {  	(pc) =	sbr.rel $0x88, $3  }
0x1: {  	(tag) =	ssettag $0x0;
	lr =	simm.s32 $0x1  }
0x2: {  	[smem:$0x3F74] =	sst lr;
	_ =	strace $0xD0000000  }
0x3: {  	_ = 	snop  }
0x4: {  	_ = 	snop  }
0x5: {  	_ = 	snop  }
0x6: {  	_ = 	snop  }
0x7: {  	_ = 	snop  }
__scs_overlays_trampoline_lowered:
0x8: {  	[smem:$0x3F83] =	sst s0  }
0x9: {  	[smem:$0x3F84] =	sst s1  }
0xa: {  	[smem:$0x3F85] =	sst s2  }
0xb: {  	[smem:$0x3F86] =	sst s3  }
0xc: {  	[smem:$0x3F87] =	sst s4  }
0xd: {  	[smem:$0x3F88] =	sst s5  }
0xe: {  	[smem:$0x3F89] =	sst s6  }
0xf: {  	[smem:$0x3F8A] =	sst s7  }
0x10: {  	[smem:$0x3F8B] =	sst s8  }
0x11: {  	[smem:$0x3F8C] =	sst s9;
	s0 =	simm.s32 @!p0 $0x0  }
0x12: {  	s1 =	sld [smem:$0x3F72];
	s0 =	simm.s32 @p0 $0x1  }
0x13: {  	[smem:$0x3F8D] =	sst s0;
	s0 =	simm.s32 @!p1 $0x0  }
0x14: {  	s2 =	sld [smem:$0x3F71];
	s0 =	simm.s32 @p1 $0x1  }
0x15: {  	[smem:$0x3F8E] =	sst s0;
	s0 =	simm.s32 @!p2 $0x0  }
0x16: {  	s3 =	sld [smem:$0x3FDB];
	s0 =	simm.s32 @p2 $0x1  }
0x17: {  	s4 =	simm.s32 $0x1BF5;
	[smem:$0x3F90] =	sst s0  }
0x18: {  	s0 =	sld [smem:$0x3F73];
	_ =	swait.ge [sflag:s4], $0x0  }
0x19: {  	s7 =	sld [smem:$0x3F74]  }
0x1a: {  	s8 =	sadd.s32 $0xFFFFE003, lr  }
0x1b: {  	s9 =	sadd.s32 $0xFFFFFEF7, lr;
	s5 =	simm.s32 $0xFFFFFFFF;
	p2 =	slt.u32 s8, $0xFFFFF086  }
0x1c: {  	p1 =	slt.u32 s9, $0xF7A;
	s5 =	simm.s32 @!p2 $0x0  }
0x1d: {  	s5 =	simm.s32 @p1 $0x1;
	p0 =	seq.s32 s7, s2  }
0x1e: {  	s7 =	smul.u32 @!p0 $0xF7A, s2;
	p2 =	seq.s32 @!p0 s5, $0x0  }
0x1f: {  	s9 =	smul.u32 $0xF7A, s1;
	s8 =	simm.s32 @!p0 $0x1BF5;
	p2 =	por !p2, p0  }
0x20: {  	[sflag:s8] =	ssyncset.s32 @!p0 $0xFFFFF086;
	s6 =	sadd.s32 @!p0 s3, s7;
	s7 =	simm.s32 @!p0 $0x108  }
0x21: {  	s3 =	sadd.s32 s3, s9;
	s6 =	sadd.s32 @!p0 $0x88, s6;
	s7 =	simm.s32 @p2 $0x1082  }
0x22: {  	[simem:s7], [sflag:s8] =	dma.local @!p0 [hbm:s6], $0xF7A  }
0x23: {  	s9 =	sor.u32 $0xD0000000, s2;
	s6 =	simm.s32 $0x108;
	_ =	swait.ge @!p0 [sflag:s8], $0x0  }
0x24: {  	s3 =	sadd.s32 $0x88, s3;
	s6 =	simm.s32 @!p1 $0x1082;
	[sflag:s4] =	ssyncset.s32 $0xFFFFF086  }
0x25: {  	[simem:s6], [sflag:s4] =	dma.local [hbm:s3], $0xF7A  }
0x26: {  	[smem:$0x3F74] =	sst s1;
	(tag) =	ssettag s2;
	_ =	strace s9  }
0x27: {  	s1 =	sld [smem:$0x3F84]  }
0x28: {  	s2 =	sld [smem:$0x3F85]  }
0x29: {  	s4 =	sld [smem:$0x3F87]  }
0x2a: {  	p0 =	seq.s32 s5, $0x0;
	s5 =	sld [smem:$0x3F88]  }
0x2b: {  	s6 =	sld [smem:$0x3F89]  }
0x2c: {  	s7 =	sld [smem:$0x3F8A]  }
0x2d: {  	s3 =	simm.s32 $0x108;
	s8 =	sld [smem:$0x3F8B]  }
0x2e: {  	s3 =	simm.s32 @!p0 $0x1082;
	s9 =	sld [smem:$0x3F8C]  }
0x2f: {  	lr =	sadd.s32 s0, s3;
	s0 =	sld [smem:$0x3F83]  }
0x30: {  	s3 =	sld [smem:$0x3F86]  }
0x31: {  	[smem:$0x3F8F] =	sst s10  }
0x32: {  	s10 =	sld [smem:$0x3F8D];
	_ =	sdelay $0x3  }
0x33: {  	p0 =	seq.s32 s10, $0x1;
	s10 =	sld [smem:$0x3F8F];
	_ =	sdelay $0x3  }
0x34: {  	[smem:$0x3F8F] =	sst s10  }
0x35: {  	s10 =	sld [smem:$0x3F8E];
	_ =	sdelay $0x3  }
0x36: {  	p1 =	seq.s32 s10, $0x1;
	s10 =	sld [smem:$0x3F8F];
	_ =	sdelay $0x3  }
0x37: {  	[smem:$0x3F8F] =	sst s10  }
0x38: {  	s10 =	sld [smem:$0x3F90]  }
0x39: {  	_ = 	snop;
	(pc) =	sbr.ind lr, $3  }
0x3a: {  	_ = 	snop  }
0x3b: {  	_ = 	snop  }
0x3c: {  	p2 =	seq.s32 s10, $0x1;
	s10 =	sld [smem:$0x3F8F]  }
0x3d: {  	_ =	shalt  }
0x3e: {  	_ =	shalt  }
0x3f: {  	_ =	shalt  }
0x40: {  	_ =	shalt  }
0x41: {  	_ =	shalt  }
0x42: {  	_ =	shalt  }
0x43: {  	_ =	shalt  }
0x44: {  	_ =	shalt  }
0x45: {  	_ =	shalt  }
0x46: {  	_ =	shalt  }
0x47: {  	_ =	shalt  }
0x48: {  	_ =	shalt  }
0x49: {  	_ =	shalt  }
0x4a: {  	_ =	shalt  }
0x4b: {  	_ =	shalt  }
0x4c: {  	_ =	shalt  }
0x4d: {  	_ =	shalt  }
0x4e: {  	_ =	shalt  }
0x4f: {  	_ =	shalt  }
0x50: {  	_ =	shalt  }
0x51: {  	_ =	shalt  }
0x52: {  	_ =	shalt  }
0x53: {  	_ =	shalt  }
0x54: {  	_ =	shalt  }
0x55: {  	_ =	shalt  }
0x56: {  	_ =	shalt  }
0x57: {  	_ =	shalt  }
0x58: {  	_ =	shalt  }
0x59: {  	_ =	shalt  }
0x5a: {  	_ =	shalt  }
0x5b: {  	_ =	shalt  }
0x5c: {  	_ =	shalt  }
0x5d: {  	_ =	shalt  }
0x5e: {  	_ =	shalt  }
0x5f: {  	_ =	shalt  }
0x60: {  	_ =	shalt  }
0x61: {  	_ =	shalt  }
0x62: {  	_ =	shalt  }
0x63: {  	_ =	shalt  }
0x64: {  	_ =	shalt  }
0x65: {  	_ =	shalt  }
0x66: {  	_ =	shalt  }
0x67: {  	_ =	shalt  }
0x68: {  	_ =	shalt  }
0x69: {  	_ =	shalt  }
0x6a: {  	_ =	shalt  }
0x6b: {  	_ =	shalt  }
0x6c: {  	_ =	shalt  }
0x6d: {  	_ =	shalt  }
0x6e: {  	_ =	shalt  }
0x6f: {  	_ =	shalt  }
0x70: {  	_ =	shalt  }
0x71: {  	_ =	shalt  }
0x72: {  	_ =	shalt  }
0x73: {  	_ =	shalt  }
0x74: {  	_ =	shalt  }
0x75: {  	_ =	shalt  }
0x76: {  	_ =	shalt  }
0x77: {  	_ =	shalt  }
0x78: {  	_ =	shalt  }
0x79: {  	_ =	shalt  }
0x7a: {  	_ =	shalt  }
0x7b: {  	_ =	shalt  }
0x7c: {  	_ =	shalt  }
0x7d: {  	_ =	shalt  }
0x7e: {  	_ =	shalt  }
0x7f: {  	_ =	shalt  }
0x80: {  	_ =	shalt  }
0x81: {  	_ =	shalt  }
0x82: {  	_ =	shalt  }
0x83: {  	_ =	shalt  }
0x84: {  	_ =	shalt  }
0x85: {  	_ =	shalt  }
0x86: {  	_ =	shalt  }
0x87: {  	_ =	shalt  }
.Lfunc_end0:
.L_simem_size_0:
called_computation.6_lowered:
.L_overlay_start_0:
0x88: {  	s2 =	sld [smem:$0x3FD9]  }
0x89: {  	s3 =	sld [smem:$0x3FFE];
	_ =	sdelay $0x1  }
0x8a: {  	s1 =	srdreg.scid  }
0x8b: {  	s0 =	sand.u32 $0x1, s1  }
0x8c: {  	s17 =	sshll.u32 s0, $0xA;
	s2 =	sadd.s32 s3, s2  }
0x8d: {  	s2 =	sadd.s32 s2, s17  }
0x8e: {  	[smem:$0x3F9B] =	sst s2  }
0x8f: {  	_ = 	snop  }
0x90: {  	(tm) =	ssettm $0x1  }
0x91: {  	s18 =	sld [smem:$0x3FFB];
	_ =	sdelay $0x3  }
0x92: {  	_ =	strace s18  }
0x93: {  	s2 =	sld [smem:$0x3FFC];
	_ =	sdelay $0x3  }
0x94: {  	_ =	strace s2  }
0x95: {  	s2 =	sld [smem:$0x3FFD];
	_ =	sdelay $0x3  }
0x96: {  	_ =	strace s2  }
0x97: {  	_ =	strace $0x8FFFFFFF  }
0x98: {  	s19 =	sld [smem:$0x3FDB];
	_ =	sdelay $0x1  }
0x99: {  	s20 =	simm.s32 $_scs_section_size  }
0x9a: {  	s4 =	simm.s32 $_size__tile_overlayer_lowered;
	s5 =	simm.s32 $_tile_overlayer_lowered  }
0x9b: {  	s6 =	simm.s32 $0x1BFF;
	s21 =	sshll.u32 s5, $0x1;
	s3 =	sadd.s32 s20, s19  }
0x9c: {  	s22 =	simm.s32 $0x0;
	s4 =	sshll.u32 s4, $0x1;
	s5 =	sadd.s32 s21, s3  }
0x9d: {  	[timem:s22], [sflag:s6] =	dma.local [hbm:s5], s4  }
0x9e: {  	_ =	swait.ge [sflag:s6], s4  }
0x9f: {  	s4 =	ssub.s32 $0x0, s4;
	[sflag:s6] =	ssyncset.done $0x0  }
0xa0: {  	[sflag:s6] =	ssyncadd.s32 s4;
	_ =	sdelay $0x1  }
0xa1: {  	s23 =	simm.s32 $0x1B8B  }
0xa2: {  	_ =	swait.ge [sflag:s23], $0x1  }
0xa3: {  	[sflag:s23] =	ssyncset.done $0x0  }
0xa4: {  	[sflag:s23] =	ssyncadd.s32 $0xFFFFFFFF  }
0xa5: {  	s4 =	sld [smem:$0x0]  }
0xa6: {  	s5 =	sand.u32 $0xFFFFFFFE, s1  }
0xa7: {  	p0 =	sne.s32 s1, s5  }
0xa8: {  	s5 =	sshll.u32 @p0 s5, $0xE  }
0xa9: {  	s5 =	sadd.s32 @p0 $0x11B8D, s5;
	s6 =	sshll.u32 @p0 s4, $0x11  }
0xaa: {  	s5 =	sor.u32 @p0 s6, s5  }
0xab: {  	[sflag:s5] =	ssyncadd.remote.s32 @p0 $0x1;
	_ =	sdelay $0x1  }
0xac: {  	s5 =	simm.s32 @p0 $0x1B8D  }
0xad: {  	_ =	swait.eq @p0 [sflag:s5], $0x1  }
0xae: {  	[sflag:s5] =	ssyncadd.s32 @p0 $0xFFFFFFFF  }
0xaf: {  	s6 =	sshll.u32 @!p0 s1, $0xE  }
0xb0: {  	s6 =	sor.u32 @!p0 $0x4000, s6;
	s5 =	simm.s32 @!p0 $0x1B8D  }
0xb1: {  	s4 =	sshll.u32 @!p0 s4, $0x11;
	s6 =	sadd.s32 @!p0 $0x11B8D, s6;
	_ =	swait.eq @!p0 [sflag:s5], $0x1  }
0xb2: {  	s4 =	sor.u32 @!p0 s4, s6;
	[sflag:s5] =	ssyncadd.s32 @!p0 $0xFFFFFFFF  }
0xb3: {  	s25 =	simm.s32 $0x1B8E;
	s24 =	sld [smem:$0x3FFE];
	[sflag:s4] =	ssyncadd.remote.s32 @!p0 $0x1  }
0xb4: {  	s26 =	simm.s32 $execute0_lowered;
	[smem:$0x3FD2] =	sst s25  }
0xb5: {  	s5 =	sshll.u32 s26, $0x1;
	_ =	strace $0x80000058;
	[dreg:$0x1] =	wrdreg $0xFFFFFFFF  }
0xb6: {  	s28 =	simm.s32 $_size_execute0_lowered;
	s3 =	sadd.s32 s3, s5;
	[dreg:$0x0] =	wrdreg $0x0  }
0xb7: {  	s5 =	sshll.u32 s28, $0x1;
	[dreg:$0x2] =	wrdreg s3  }
0xb8: {  	[dreg:$0x3] =	wrdreg s5  }
0xb9: {  	[dreg:$0x4] =	wrdreg $0xC0  }
0xba: {  	_ =	task [dreg:s22], $0x5FFFF  }
0xbb: {  	[dreg:$0x1] =	wrdreg $0xFFFFFFFF  }
0xbc: {  	[dreg:$0x0] =	wrdreg $0x60  }
0xbd: {  	[dreg:$0x2] =	wrdreg s24  }
0xbe: {  	[dreg:$0x3] =	wrdreg $0x94000  }
0xbf: {  	[dreg:$0x4] =	wrdreg $0xA  }
0xc0: {  	_ =	task.clear_ibuf [dreg:s22], $0x5FFFF;
	_ =	strace $0x90000058  }
0xc1: {  	s29 =	simm.s32 $0xA;
	_ =	strace $0x8000005A  }
0xc2: {  	_ =	swait.ge [sflag:s29], $0x1  }
0xc3: {  	[sflag:s29] =	ssyncadd.s32 $0xFFFFFFFF  }
0xc4: {  	_ =	strace $0x9000005A  }
0xc5: {  	_ =	sfence  }
0xc6: {  	s30 =	sld [smem:$0x0];
	_ =	sdelay $0x2  }
0xc7: {  	s31 =	sshll.u32 s1, $0xD;
	s1 =	sshrl.u32 s1, $0x2  }
0xc8: {  	s4 =	sand.u32 $0x4000, s31;
	s1 =	sadd.s32 s1, s30  }
0xc9: {  	s0 =	sor.u32 s4, s0;
	s1 =	sshll.u32 s1, $0x11  }
0xca: {  	s0 =	sor.u32 s1, s0  }
0xcb: {  	s0 =	sadd.s32 $0x8F2B, s0  }
0xcc: {  	[sflag:s0] =	ssyncadd.remote.s32 $0x1  }
0xcd: {  	_ =	sfence.sel $0xFFFF  }
0xce: {  	[dreg:$0x0] =	wrdreg $0xFFFFFFFF;
	(pc) =	sbr.abs _section_cstart, $3  }
0xcf: {  	[dreg:$0x1] =	wrdreg $0xFFFFFFFF  }
0xd0: {  	_ =	task.clear_ibuf [dreg:s22], $0x2FFFF;
	_ =	strace $0x9FFFFFFF  }
0xd1: {  	(tm) =	ssettm $0x7FFFFFFF  }
tec
execute0_lowered:
.L_overlay_start_1:
0x0: {  	(tag) =	ssettag $0x1  }
0x1: {  	s1 =	srdreg.scid  }
0x2: {  	s0 =	stileid.u32;
	s8 =	rddreg [dreg:$0x0]  }
0x3: {  	s2 =	rddreg [dreg:$0x1];
	s10 =	smul.u32 $0x13800, s0  }
0x4: {  	s3 =	simm.s32 $0x0;
	s28 =	simm.s32 $0x0;
	s21 =	smul.u32 $0x4E000, s0  }
0x5: {  	s9 =	sand.u32 $0x1, s1;
	s18 =	sshll.u32 s0, $0x1;
	s17 =	smul.u32 $0x140000, s0  }
0x6: {  	[smem:$0x7FF] =	sst s3;
	s15 =	sadd.s32 $0xD45E00, s8;
	s23 =	smul.u32 $0x139000, s9  }
0x7: {  	s13 =	sadd.s32 $0x394200, s8;
	s6 =	sor.u32 s9, s18;
	s18 =	smul.u32 $0xA0000, s9  }
0x8: {  	p0 =	sne.s32 s0, $0xF;
	s31 =	sshll.u32 s0, $0x6;
	s4 =	smul.u32 $0x280, s6  }
0x9: {  	_ =	strace $0x80000059;
	s7 =	ssub.s32 $0x2, s9;
	s12 =	smul.u32 $0x14000, s6  }
0xa: {  	s19 =	sshrl.u32 s10, $0x3;
	s20 =	sshrl.u32 s7, $0x1;
	s22 =	smul.u32 $0xA0000, s6  }
0xb: {  	s11 =	sadd.s32 s19, s8;
	s14 =	ssub.s32 s7, s20;
	s7 =	sshrl.u32 s21, $0x2  }
0xc: {  	s10 =	sadd.s32 s10, s23;
	s26 =	sadd.s32 s18, s17;
	s18 =	sor.u32 $0x1C05, s31  }
0xd: {  	s20 =	simm.s32 $0x1;
	s21 =	simm.s32 $0x5400;
	s5 =	sadd.s32 s4, s8  }
0xe: {  	s4 =	sadd.s32 s15, s12;
	s6 =	sadd.s32 $0xA9EC00, s11;
	s19 =	sadd.s32 s7, s2  }
0xf: {  	s7 =	sadd.s32 $0x138000, s2;
	s8 =	sadd.s32 $0xAC5C00, s8;
	s16 =	sor.u32 $0x8000, s22  }
0x10: {  	s10 =	sshrl.u32 s10, $0x3;
	s11 =	sshrl.u32 s23, $0x3;
	s25 =	sshrl.u32 s22, $0x3  }
0x11: {  	s29 =	sor.u32 $0x10000, s26;
	s17 =	sor.u32 $0xC000, s26;
	s22 =	simm.s32 $0x80  }
0x12: {  	s23 =	simm.s32 $0x2;
	s26 =	simm.s32 $0x1380;
	s5 =	sadd.s32 $0x10600, s5  }
0x13: {  	s9 =	sadd.s32 s13, s10;
	s24 =	sadd.s32 s13, s11;
	s12 =	sadd.s32 s25, s15  }
.Ltmp0:
0x14: {  	s11 =	smax.u32 s14, $0x1;
	s16 =	sshrl.u32 s16, $0x3;
	(pc) =	sbr.rel .LBB2_1-.Ltmp0, $4  }
0x15: {  	s14 =	sshrl.u32 s29, $0x3;
	s30 =	sshrl.u32 s17, $0x3;
	s17 =	simm.s32 $0x5  }
0x16: {  	s19 =	sshrl.u32 s19, $0x3;
	s25 =	simm.s32 $0x4;
	s10 =	sadd.s32 $0x27000, s24  }
0x17: {  	s12 =	sadd.s32 $0x800, s12;
	s13 =	sadd.s32 s15, s16;
	s14 =	sadd.s32 s14, s15  }
0x18: {  	s15 =	sadd.s32 s30, s15;
	s16 =	simm.s32 $0x1400;
	s24 =	simm.s32 $0x3  }
.LBB2_4:
0x19: {  	[spmem:s2] =	stream.indirect.scatter.add.f32 [tilespmem:s21], [sflag:$0x4], $0x80, s26, s22, $0xb8;
	[tilespmem:$0x1CD00] =	vst v63  }
0x1a: {  	_ =	swait.ge [sflag:s25], $0x4000  }
0x1b: {  	[sflag:s25] =	ssyncset.done $0x0  }
0x1c: {  	[sflag:s25] =	ssyncadd.s32 $0xFFFFC000  }
0x1d: {  	[bflag:$0x0] =	sbarrier.arrive $0xFFFF  }
0x1e: {  	[hbm:s9], [sflag:s18] =	dma.local [spmem:s19], $0x2700  }
0x1f: {  	s28 =	sadd.s32 $0x1, s28;
	_ =	swait.ge [sflag:s17], $0x2700  }
0x20: {  	p1 =	sne.s32 s28, s11;
	[sflag:s17] =	ssyncset.done $0x0  }
.Ltmp1:
0x21: {  	s1 =	simm.s32 @!p0 $0x5;
	[sflag:s17] =	ssyncadd.s32 $0xFFFFD900;
	(pc) =	sbr.rel @!p1 .LBB2_5-.Ltmp1, $4  }
0x22: {  	[hbm:s10], [sflag:s18] =	dma.local @!p0 [spmem:s29], $0x200  }
0x23: {  	_ =	swait.ge @!p0 [sflag:s1], $0x200  }
0x24: {  	[sflag:s1] =	ssyncset.done @!p0 $0x0  }
0x25: {  	[sflag:s1] =	ssyncadd.s32 @!p0 $0xFFFFFE00  }
.LBB2_1:
0x26: {  	[tilespmem:s16], [sflag:$0x1] =	stream.linear.gather [hbm4b:s4+s3], $0x4000, $0x38;
	[tilespmem:$0x1CD00] =	vst v63  }
0x27: {  	_ = 	snop  }
0x28: {  	[tilespmem:s3], [sflag:$0x5] =	stream.linear.gather [hbm4b:s5+s3], $0x1400, $0x38;
	[tilespmem:$0x1CD00] =	vst v63  }
0x29: {  	_ =	swait.ge [sflag:s17], $0x1400  }
0x2a: {  	[sflag:s17] =	ssyncset.done $0x0  }
0x2b: {  	[sflag:s17] =	ssyncadd.s32 $0xFFFFEC00  }
0x2c: {  	[spmem:s19], [sflag:s18] =	dma.local [hbm:s6], $0x2700  }
0x2d: {  	_ =	swait.ge [sflag:s17], $0x2700  }
0x2e: {  	[sflag:s17] =	ssyncset.done $0x0  }
0x2f: {  	s29 =	sshrl.u32 @!p0 s7, $0x3;
	s30 =	simm.s32 @!p0 $0x5;
	[sflag:s17] =	ssyncadd.s32 $0xFFFFD900  }
0x30: {  	[spmem:s29], [sflag:s18] =	dma.local @!p0 [hbm:s8], $0x200  }
0x31: {  	_ =	swait.ge @!p0 [sflag:s30], $0x200  }
0x32: {  	[sflag:s30] =	ssyncset.done @!p0 $0x0  }
0x33: {  	[sflag:s30] =	ssyncadd.s32 @!p0 $0xFFFFFE00  }
0x34: {  	[bflag:$0x0] =	sbarrier.arrive $0xFFFF  }
0x35: {  	_ =	swait.ge [sflag:s20], $0x4000  }
0x36: {  	[sflag:s20] =	ssyncset.done $0x0  }
0x37: {  	[sflag:s20] =	ssyncadd.s32 $0xFFFFC000  }
0x38: {  	[tilespmem:s21], [sflag:$0x2] =	stream.linear.gather [hbm4b:s12+s3], $0x4000, $0x38;
	[tilespmem:$0x1CD00] =	vst v63  }
0x39: {  	_ = 	snop  }
0x3a: {  	[spmem:s2] =	stream.indirect.scatter.add.f32 [tilespmem:s16], [sflag:$0x3], $0x80, s3, s22, $0xb8;
	[tilespmem:$0x1CD00] =	vst v63  }
0x3b: {  	_ =	swait.ge [sflag:s23], $0x4000  }
0x3c: {  	[sflag:s23] =	ssyncset.done $0x0  }
0x3d: {  	[sflag:s23] =	ssyncadd.s32 $0xFFFFC000  }
0x3e: {  	_ =	swait.ge [sflag:s24], $0x4000  }
0x3f: {  	[sflag:s24] =	ssyncset.done $0x0  }
0x40: {  	[sflag:s24] =	ssyncadd.s32 $0xFFFFC000  }
0x41: {  	[tilespmem:s16], [sflag:$0x1] =	stream.linear.gather [hbm4b:s13+s3], $0x4000, $0x38;
	[tilespmem:$0x1CD00] =	vst v63  }
0x42: {  	s31 =	simm.s32 $0x0;
	s30 =	simm.s32 $0x100  }
0x43: {  	[spmem:s2] =	stream.indirect.scatter.add.f32 [tilespmem:s21], [sflag:$0x4], $0x80, s22, s22, $0xb8;
	[tilespmem:$0x1CD00] =	vst v63  }
.LBB2_2:
0x44: {  	_ =	swait.ge [sflag:s20], $0x4000  }
0x45: {  	[sflag:s20] =	ssyncset.done $0x0  }
0x46: {  	[sflag:s20] =	ssyncadd.s32 $0xFFFFC000  }
0x47: {  	_ =	swait.ge [sflag:s25], $0x4000  }
0x48: {  	[sflag:s25] =	ssyncset.done $0x0  }
0x49: {  	s1 =	sadd.s32 s31, s15;
	[sflag:s25] =	ssyncadd.s32 $0xFFFFC000  }
0x4a: {  	[tilespmem:s21], [sflag:$0x2] =	stream.linear.gather [hbm4b:s1+s3], $0x4000, $0x38;
	[tilespmem:$0x1CD00] =	vst v63  }
0x4b: {  	_ = 	snop  }
0x4c: {  	[spmem:s2] =	stream.indirect.scatter.add.f32 [tilespmem:s16], [sflag:$0x3], $0x80, s30, s22, $0xb8;
	[tilespmem:$0x1CD00] =	vst v63  }
0x4d: {  	p1 =	seq.s32 s31, $0x12000;
	_ =	swait.ge [sflag:s23], $0x4000  }
.Ltmp2:
0x4e: {  	[sflag:s23] =	ssyncset.done $0x0;
	(pc) =	sbr.rel @p1 .LBB2_4-.Ltmp2, $4  }
0x4f: {  	[sflag:s23] =	ssyncadd.s32 $0xFFFFC000  }
0x50: {  	_ =	swait.ge [sflag:s24], $0x4000  }
0x51: {  	[sflag:s24] =	ssyncset.done $0x0  }
0x52: {  	[sflag:s24] =	ssyncadd.s32 $0xFFFFC000  }
.Ltmp3:
0x53: {  	(pc) =	sbr.rel .LBB2_2-.Ltmp3, $4  }
0x54: {  	s1 =	sadd.s32 s31, s14  }
0x55: {  	[tilespmem:s16], [sflag:$0x1] =	stream.linear.gather [hbm4b:s1+s3], $0x4000, $0x38;
	[tilespmem:$0x1CD00] =	vst v63  }
0x56: {  	s31 =	sadd.s32 $0x1000, s31;
	s1 =	sadd.s32 $0x80, s30;
	s30 =	sadd.s32 $0x100, s30  }
0x57: {  	[spmem:s2] =	stream.indirect.scatter.add.f32 [tilespmem:s21], [sflag:$0x4], $0x80, s1, s22, $0xb8;
	[tilespmem:$0x1CD00] =	vst v63  }
.LBB2_5:
0x58: {  	_ =	sfence.sel $0x180000  }
0x59: {  	[bflag:$0x0] =	sbarrier.arrive $0xFFFF  }
0x5a: {  	_ =	strace $0x90000059  }
0x5b: {  	[bflag:$0x2] =	sbarrier.arrive $0xFFFF  }
0x5c: {  	p0 =	sne.s32 s0, $0x0;
	s0 =	rddreg [dreg:$0x2]  }
0x5d: {  	s0 =	sadd.s32 @!p0 $0x100000, s0  }
0x5e: {  	[sflag:s0] =	ssyncadd.tile.s32 @!p0 $0x1;
	_ =	shalt  }
.Lfunc_end2:
_tile_overlayer_lowered:
.L_overlay_start_2:
0x5f: {  	(tag) =	ssettag $0x2  }
0x60: {  	s0 =	rddreg [dreg:$0x0];
	s2 =	stileid.u32  }
0x61: {  	s1 =	rddreg [dreg:$0x1];
	p0 =	sne.s32 s2, $0x0  }
0x62: {  	s3 =	rddreg [dreg:$0x2];
	[bflag:$0x3] =	sbarrier.arrive $0xFFFF;
	s2 =	simm.s32 @!p0 $0x1C05  }
0x63: {  	[timem:s3], [sflag:s2] =	dma.local @!p0 [hbm:s0], s1  }
0x64: {  	s0 =	simm.s32 @!p0 $0x5  }
0x65: {  	_ =	swait.ge @!p0 [sflag:s0], s1  }
0x66: {  	s1 =	ssub.s32 @!p0 $0x0, s1;
	[sflag:s0] =	ssyncset.done @!p0 $0x0  }
0x67: {  	[sflag:s0] =	ssyncadd.s32 @!p0 s1  }
0x68: {  	[bflag:$0x3] =	sbarrier.arrive $0xFFFF  }
0x69: {  	_ =	shalt  }

// kernel: kernel.40.cloned.1.call-start
scs
__scs_entry_jumppad:
0x0: {  	(pc) =	sbr.rel $0x88, $3  }
0x1: {  	(tag) =	ssettag $0x0;
	lr =	simm.s32 $0x1  }
0x2: {  	[smem:$0x3F74] =	sst lr;
	_ =	strace $0xD0000000  }
0x3: {  	_ = 	snop  }
0x4: {  	_ = 	snop  }
0x5: {  	_ = 	snop  }
0x6: {  	_ = 	snop  }
0x7: {  	_ = 	snop  }
__scs_overlays_trampoline_lowered:
0x8: {  	[smem:$0x3F83] =	sst s0  }
0x9: {  	[smem:$0x3F84] =	sst s1  }
0xa: {  	[smem:$0x3F85] =	sst s2  }
0xb: {  	[smem:$0x3F86] =	sst s3  }
0xc: {  	[smem:$0x3F87] =	sst s4  }
0xd: {  	[smem:$0x3F88] =	sst s5  }
0xe: {  	[smem:$0x3F89] =	sst s6  }
0xf: {  	[smem:$0x3F8A] =	sst s7  }
0x10: {  	[smem:$0x3F8B] =	sst s8  }
0x11: {  	[smem:$0x3F8C] =	sst s9;
	s0 =	simm.s32 @!p0 $0x0  }
0x12: {  	s1 =	sld [smem:$0x3F72];
	s0 =	simm.s32 @p0 $0x1  }
0x13: {  	[smem:$0x3F8D] =	sst s0;
	s0 =	simm.s32 @!p1 $0x0  }
0x14: {  	s2 =	sld [smem:$0x3F71];
	s0 =	simm.s32 @p1 $0x1  }
0x15: {  	[smem:$0x3F8E] =	sst s0;
	s0 =	simm.s32 @!p2 $0x0  }
0x16: {  	s3 =	sld [smem:$0x3FDB];
	s0 =	simm.s32 @p2 $0x1  }
0x17: {  	s4 =	simm.s32 $0x1BF5;
	[smem:$0x3F90] =	sst s0  }
0x18: {  	s0 =	sld [smem:$0x3F73];
	_ =	swait.ge [sflag:s4], $0x0  }
0x19: {  	s7 =	sld [smem:$0x3F74]  }
0x1a: {  	s8 =	sadd.s32 $0xFFFFE003, lr  }
0x1b: {  	s9 =	sadd.s32 $0xFFFFFEF7, lr;
	s5 =	simm.s32 $0xFFFFFFFF;
	p2 =	slt.u32 s8, $0xFFFFF086  }
0x1c: {  	p1 =	slt.u32 s9, $0xF7A;
	s5 =	simm.s32 @!p2 $0x0  }
0x1d: {  	s5 =	simm.s32 @p1 $0x1;
	p0 =	seq.s32 s7, s2  }
0x1e: {  	s7 =	smul.u32 @!p0 $0xF7A, s2;
	p2 =	seq.s32 @!p0 s5, $0x0  }
0x1f: {  	s9 =	smul.u32 $0xF7A, s1;
	s8 =	simm.s32 @!p0 $0x1BF5;
	p2 =	por !p2, p0  }
0x20: {  	[sflag:s8] =	ssyncset.s32 @!p0 $0xFFFFF086;
	s6 =	sadd.s32 @!p0 s3, s7;
	s7 =	simm.s32 @!p0 $0x108  }
0x21: {  	s3 =	sadd.s32 s3, s9;
	s6 =	sadd.s32 @!p0 $0x88, s6;
	s7 =	simm.s32 @p2 $0x1082  }
0x22: {  	[simem:s7], [sflag:s8] =	dma.local @!p0 [hbm:s6], $0xF7A  }
0x23: {  	s9 =	sor.u32 $0xD0000000, s2;
	s6 =	simm.s32 $0x108;
	_ =	swait.ge @!p0 [sflag:s8], $0x0  }
0x24: {  	s3 =	sadd.s32 $0x88, s3;
	s6 =	simm.s32 @!p1 $0x1082;
	[sflag:s4] =	ssyncset.s32 $0xFFFFF086  }
0x25: {  	[simem:s6], [sflag:s4] =	dma.local [hbm:s3], $0xF7A  }
0x26: {  	[smem:$0x3F74] =	sst s1;
	(tag) =	ssettag s2;
	_ =	strace s9  }
0x27: {  	s1 =	sld [smem:$0x3F84]  }
0x28: {  	s2 =	sld [smem:$0x3F85]  }
0x29: {  	s4 =	sld [smem:$0x3F87]  }
0x2a: {  	p0 =	seq.s32 s5, $0x0;
	s5 =	sld [smem:$0x3F88]  }
0x2b: {  	s6 =	sld [smem:$0x3F89]  }
0x2c: {  	s7 =	sld [smem:$0x3F8A]  }
0x2d: {  	s3 =	simm.s32 $0x108;
	s8 =	sld [smem:$0x3F8B]  }
0x2e: {  	s3 =	simm.s32 @!p0 $0x1082;
	s9 =	sld [smem:$0x3F8C]  }
0x2f: {  	lr =	sadd.s32 s0, s3;
	s0 =	sld [smem:$0x3F83]  }
0x30: {  	s3 =	sld [smem:$0x3F86]  }
0x31: {  	[smem:$0x3F8F] =	sst s10  }
0x32: {  	s10 =	sld [smem:$0x3F8D];
	_ =	sdelay $0x3  }
0x33: {  	p0 =	seq.s32 s10, $0x1;
	s10 =	sld [smem:$0x3F8F];
	_ =	sdelay $0x3  }
0x34: {  	[smem:$0x3F8F] =	sst s10  }
0x35: {  	s10 =	sld [smem:$0x3F8E];
	_ =	sdelay $0x3  }
0x36: {  	p1 =	seq.s32 s10, $0x1;
	s10 =	sld [smem:$0x3F8F];
	_ =	sdelay $0x3  }
0x37: {  	[smem:$0x3F8F] =	sst s10  }
0x38: {  	s10 =	sld [smem:$0x3F90]  }
0x39: {  	_ = 	snop;
	(pc) =	sbr.ind lr, $3  }
0x3a: {  	_ = 	snop  }
0x3b: {  	_ = 	snop  }
0x3c: {  	p2 =	seq.s32 s10, $0x1;
	s10 =	sld [smem:$0x3F8F]  }
0x3d: {  	_ =	shalt  }
0x3e: {  	_ =	shalt  }
0x3f: {  	_ =	shalt  }
0x40: {  	_ =	shalt  }
0x41: {  	_ =	shalt  }
0x42: {  	_ =	shalt  }
0x43: {  	_ =	shalt  }
0x44: {  	_ =	shalt  }
0x45: {  	_ =	shalt  }
0x46: {  	_ =	shalt  }
0x47: {  	_ =	shalt  }
0x48: {  	_ =	shalt  }
0x49: {  	_ =	shalt  }
0x4a: {  	_ =	shalt  }
0x4b: {  	_ =	shalt  }
0x4c: {  	_ =	shalt  }
0x4d: {  	_ =	shalt  }
0x4e: {  	_ =	shalt  }
0x4f: {  	_ =	shalt  }
0x50: {  	_ =	shalt  }
0x51: {  	_ =	shalt  }
0x52: {  	_ =	shalt  }
0x53: {  	_ =	shalt  }
0x54: {  	_ =	shalt  }
0x55: {  	_ =	shalt  }
0x56: {  	_ =	shalt  }
0x57: {  	_ =	shalt  }
0x58: {  	_ =	shalt  }
0x59: {  	_ =	shalt  }
0x5a: {  	_ =	shalt  }
0x5b: {  	_ =	shalt  }
0x5c: {  	_ =	shalt  }
0x5d: {  	_ =	shalt  }
0x5e: {  	_ =	shalt  }
0x5f: {  	_ =	shalt  }
0x60: {  	_ =	shalt  }
0x61: {  	_ =	shalt  }
0x62: {  	_ =	shalt  }
0x63: {  	_ =	shalt  }
0x64: {  	_ =	shalt  }
0x65: {  	_ =	shalt  }
0x66: {  	_ =	shalt  }
0x67: {  	_ =	shalt  }
0x68: {  	_ =	shalt  }
0x69: {  	_ =	shalt  }
0x6a: {  	_ =	shalt  }
0x6b: {  	_ =	shalt  }
0x6c: {  	_ =	shalt  }
0x6d: {  	_ =	shalt  }
0x6e: {  	_ =	shalt  }
0x6f: {  	_ =	shalt  }
0x70: {  	_ =	shalt  }
0x71: {  	_ =	shalt  }
0x72: {  	_ =	shalt  }
0x73: {  	_ =	shalt  }
0x74: {  	_ =	shalt  }
0x75: {  	_ =	shalt  }
0x76: {  	_ =	shalt  }
0x77: {  	_ =	shalt  }
0x78: {  	_ =	shalt  }
0x79: {  	_ =	shalt  }
0x7a: {  	_ =	shalt  }
0x7b: {  	_ =	shalt  }
0x7c: {  	_ =	shalt  }
0x7d: {  	_ =	shalt  }
0x7e: {  	_ =	shalt  }
0x7f: {  	_ =	shalt  }
0x80: {  	_ =	shalt  }
0x81: {  	_ =	shalt  }
0x82: {  	_ =	shalt  }
0x83: {  	_ =	shalt  }
0x84: {  	_ =	shalt  }
0x85: {  	_ =	shalt  }
0x86: {  	_ =	shalt  }
0x87: {  	_ =	shalt  }
.Lfunc_end0:
.L_simem_size_0:
called_computation.7_lowered:
.L_overlay_start_0:
0x88: {  	s2 =	sld [smem:$0x3FD9]  }
0x89: {  	s3 =	sld [smem:$0x3FFE];
	_ =	sdelay $0x1  }
0x8a: {  	s1 =	srdreg.scid  }
0x8b: {  	s0 =	sand.u32 $0x1, s1  }
0x8c: {  	s17 =	sshll.u32 s0, $0xA;
	s2 =	sadd.s32 s3, s2  }
0x8d: {  	s2 =	sadd.s32 s2, s17  }
0x8e: {  	[smem:$0x3F9B] =	sst s2  }
0x8f: {  	_ = 	snop  }
0x90: {  	(tm) =	ssettm $0x1  }
0x91: {  	s18 =	sld [smem:$0x3FFB];
	_ =	sdelay $0x3  }
0x92: {  	_ =	strace s18  }
0x93: {  	s2 =	sld [smem:$0x3FFC];
	_ =	sdelay $0x3  }
0x94: {  	_ =	strace s2  }
0x95: {  	s2 =	sld [smem:$0x3FFD];
	_ =	sdelay $0x3  }
0x96: {  	_ =	strace s2  }
0x97: {  	_ =	strace $0x8FFFFFFF  }
0x98: {  	s19 =	sld [smem:$0x3FDB];
	_ =	sdelay $0x1  }
0x99: {  	s20 =	simm.s32 $_scs_section_size  }
0x9a: {  	s4 =	simm.s32 $_size__tile_overlayer_lowered;
	s5 =	simm.s32 $_tile_overlayer_lowered  }
0x9b: {  	s6 =	simm.s32 $0x1BFF;
	s21 =	sshll.u32 s5, $0x1;
	s3 =	sadd.s32 s20, s19  }
0x9c: {  	s22 =	simm.s32 $0x0;
	s4 =	sshll.u32 s4, $0x1;
	s5 =	sadd.s32 s21, s3  }
0x9d: {  	[timem:s22], [sflag:s6] =	dma.local [hbm:s5], s4  }
0x9e: {  	_ =	swait.ge [sflag:s6], s4  }
0x9f: {  	s4 =	ssub.s32 $0x0, s4;
	[sflag:s6] =	ssyncset.done $0x0  }
0xa0: {  	[sflag:s6] =	ssyncadd.s32 s4;
	_ =	sdelay $0x1  }
0xa1: {  	s23 =	simm.s32 $0x1B8B  }
0xa2: {  	_ =	swait.ge [sflag:s23], $0x1  }
0xa3: {  	[sflag:s23] =	ssyncset.done $0x0  }
0xa4: {  	[sflag:s23] =	ssyncadd.s32 $0xFFFFFFFF  }
0xa5: {  	s4 =	sld [smem:$0x0]  }
0xa6: {  	s5 =	sand.u32 $0xFFFFFFFE, s1  }
0xa7: {  	p0 =	sne.s32 s1, s5  }
0xa8: {  	s5 =	sshll.u32 @p0 s5, $0xE  }
0xa9: {  	s5 =	sadd.s32 @p0 $0x11B8D, s5;
	s6 =	sshll.u32 @p0 s4, $0x11  }
0xaa: {  	s5 =	sor.u32 @p0 s6, s5  }
0xab: {  	[sflag:s5] =	ssyncadd.remote.s32 @p0 $0x1;
	_ =	sdelay $0x1  }
0xac: {  	s5 =	simm.s32 @p0 $0x1B8D  }
0xad: {  	_ =	swait.eq @p0 [sflag:s5], $0x1  }
0xae: {  	[sflag:s5] =	ssyncadd.s32 @p0 $0xFFFFFFFF  }
0xaf: {  	s6 =	sshll.u32 @!p0 s1, $0xE  }
0xb0: {  	s6 =	sor.u32 @!p0 $0x4000, s6;
	s5 =	simm.s32 @!p0 $0x1B8D  }
0xb1: {  	s4 =	sshll.u32 @!p0 s4, $0x11;
	s6 =	sadd.s32 @!p0 $0x11B8D, s6;
	_ =	swait.eq @!p0 [sflag:s5], $0x1  }
0xb2: {  	s4 =	sor.u32 @!p0 s4, s6;
	[sflag:s5] =	ssyncadd.s32 @!p0 $0xFFFFFFFF  }
0xb3: {  	s25 =	simm.s32 $0x1B8E;
	s24 =	sld [smem:$0x3FFE];
	[sflag:s4] =	ssyncadd.remote.s32 @!p0 $0x1  }
0xb4: {  	s26 =	simm.s32 $execute0_lowered;
	[smem:$0x3FD2] =	sst s25  }
0xb5: {  	s5 =	sshll.u32 s26, $0x1;
	_ =	strace $0x8000005B;
	[dreg:$0x1] =	wrdreg $0xFFFFFFFF  }
0xb6: {  	s28 =	simm.s32 $_size_execute0_lowered;
	s3 =	sadd.s32 s3, s5;
	[dreg:$0x0] =	wrdreg $0x0  }
0xb7: {  	s5 =	sshll.u32 s28, $0x1;
	[dreg:$0x2] =	wrdreg s3  }
0xb8: {  	[dreg:$0x3] =	wrdreg s5  }
0xb9: {  	[dreg:$0x4] =	wrdreg $0xC0  }
0xba: {  	_ =	task [dreg:s22], $0x5FFFF  }
0xbb: {  	[dreg:$0x1] =	wrdreg $0xFFFFFFFF  }
0xbc: {  	[dreg:$0x0] =	wrdreg $0x60  }
0xbd: {  	[dreg:$0x2] =	wrdreg s24  }
0xbe: {  	[dreg:$0x3] =	wrdreg $0x94000  }
0xbf: {  	[dreg:$0x4] =	wrdreg $0x9  }
0xc0: {  	_ =	task.clear_ibuf [dreg:s22], $0x5FFFF;
	_ =	strace $0x9000005B  }
0xc1: {  	s29 =	simm.s32 $0x9;
	_ =	strace $0x8000005D  }
0xc2: {  	_ =	swait.ge [sflag:s29], $0x1  }
0xc3: {  	[sflag:s29] =	ssyncadd.s32 $0xFFFFFFFF  }
0xc4: {  	_ =	strace $0x9000005D  }
0xc5: {  	_ =	sfence  }
0xc6: {  	s30 =	sld [smem:$0x0];
	_ =	sdelay $0x2  }
0xc7: {  	s31 =	sshll.u32 s1, $0xD;
	s1 =	sshrl.u32 s1, $0x2  }
0xc8: {  	s4 =	sand.u32 $0x4000, s31;
	s1 =	sadd.s32 s1, s30  }
0xc9: {  	s0 =	sor.u32 s4, s0;
	s1 =	sshll.u32 s1, $0x11  }
0xca: {  	s0 =	sor.u32 s1, s0  }
0xcb: {  	s0 =	sadd.s32 $0x8F2B, s0  }
0xcc: {  	[sflag:s0] =	ssyncadd.remote.s32 $0x1  }
0xcd: {  	_ =	sfence.sel $0xFFFF  }
0xce: {  	[dreg:$0x0] =	wrdreg $0xFFFFFFFF;
	(pc) =	sbr.abs _section_cstart, $3  }
0xcf: {  	[dreg:$0x1] =	wrdreg $0xFFFFFFFF  }
0xd0: {  	_ =	task.clear_ibuf [dreg:s22], $0x2FFFF;
	_ =	strace $0x9FFFFFFF  }
0xd1: {  	(tm) =	ssettm $0x7FFFFFFF  }
tec
execute0_lowered:
.L_overlay_start_1:
0x0: {  	(tag) =	ssettag $0x1  }
0x1: {  	s1 =	srdreg.scid  }
0x2: {  	s0 =	stileid.u32;
	s8 =	rddreg [dreg:$0x0]  }
0x3: {  	s2 =	rddreg [dreg:$0x1];
	s10 =	smul.u32 $0x13800, s0  }
0x4: {  	s3 =	simm.s32 $0x0;
	s28 =	simm.s32 $0x0;
	s21 =	smul.u32 $0x4E000, s0  }
0x5: {  	s9 =	sand.u32 $0x1, s1;
	s18 =	sshll.u32 s0, $0x1;
	s17 =	smul.u32 $0x140000, s0  }
0x6: {  	[smem:$0x7FF] =	sst s3;
	s15 =	sadd.s32 $0x81EC00, s8;
	s23 =	smul.u32 $0x139000, s9  }
0x7: {  	s13 =	sadd.s32 $0x30FC00, s8;
	s6 =	sor.u32 s9, s18;
	s18 =	smul.u32 $0xA0000, s9  }
0x8: {  	p0 =	sne.s32 s0, $0xF;
	s31 =	sshll.u32 s0, $0x6;
	s4 =	smul.u32 $0x280, s6  }
0x9: {  	_ =	strace $0x8000005C;
	s7 =	ssub.s32 $0x2, s9;
	s12 =	smul.u32 $0x14000, s6  }
0xa: {  	s19 =	sshrl.u32 s10, $0x3;
	s20 =	sshrl.u32 s7, $0x1;
	s22 =	smul.u32 $0xA0000, s6  }
0xb: {  	s11 =	sadd.s32 s19, s8;
	s14 =	ssub.s32 s7, s20;
	s7 =	sshrl.u32 s21, $0x2  }
0xc: {  	s10 =	sadd.s32 s10, s23;
	s26 =	sadd.s32 s18, s17;
	s18 =	sor.u32 $0x1C05, s31  }
0xd: {  	s20 =	simm.s32 $0x1;
	s21 =	simm.s32 $0x5400;
	s5 =	sadd.s32 s4, s8  }
0xe: {  	s4 =	sadd.s32 s15, s12;
	s6 =	sadd.s32 $0xA9EC00, s11;
	s19 =	sadd.s32 s7, s2  }
0xf: {  	s7 =	sadd.s32 $0x138000, s2;
	s8 =	sadd.s32 $0xAC5C00, s8;
	s16 =	sor.u32 $0x8000, s22  }
0x10: {  	s10 =	sshrl.u32 s10, $0x3;
	s11 =	sshrl.u32 s23, $0x3;
	s25 =	sshrl.u32 s22, $0x3  }
0x11: {  	s29 =	sor.u32 $0x10000, s26;
	s17 =	sor.u32 $0xC000, s26;
	s22 =	simm.s32 $0x80  }
0x12: {  	s23 =	simm.s32 $0x2;
	s26 =	simm.s32 $0x1380;
	s5 =	sadd.s32 $0x30AC00, s5  }
0x13: {  	s9 =	sadd.s32 s13, s10;
	s24 =	sadd.s32 s13, s11;
	s12 =	sadd.s32 s25, s15  }
.Ltmp0:
0x14: {  	s11 =	smax.u32 s14, $0x1;
	s16 =	sshrl.u32 s16, $0x3;
	(pc) =	sbr.rel .LBB2_1-.Ltmp0, $4  }
0x15: {  	s14 =	sshrl.u32 s29, $0x3;
	s30 =	sshrl.u32 s17, $0x3;
	s17 =	simm.s32 $0x5  }
0x16: {  	s19 =	sshrl.u32 s19, $0x3;
	s25 =	simm.s32 $0x4;
	s10 =	sadd.s32 $0x27000, s24  }
0x17: {  	s12 =	sadd.s32 $0x800, s12;
	s13 =	sadd.s32 s15, s16;
	s14 =	sadd.s32 s14, s15  }
0x18: {  	s15 =	sadd.s32 s30, s15;
	s16 =	simm.s32 $0x1400;
	s24 =	simm.s32 $0x3  }
.LBB2_4:
0x19: {  	[spmem:s2] =	stream.indirect.scatter.add.f32 [tilespmem:s21], [sflag:$0x4], $0x80, s26, s22, $0xb8;
	[tilespmem:$0x1CD00] =	vst v63  }
0x1a: {  	_ =	swait.ge [sflag:s25], $0x4000  }
0x1b: {  	[sflag:s25] =	ssyncset.done $0x0  }
0x1c: {  	[sflag:s25] =	ssyncadd.s32 $0xFFFFC000  }
0x1d: {  	[bflag:$0x0] =	sbarrier.arrive $0xFFFF  }
0x1e: {  	[hbm:s9], [sflag:s18] =	dma.local [spmem:s19], $0x2700  }
0x1f: {  	s28 =	sadd.s32 $0x1, s28;
	_ =	swait.ge [sflag:s17], $0x2700  }
0x20: {  	p1 =	sne.s32 s28, s11;
	[sflag:s17] =	ssyncset.done $0x0  }
.Ltmp1:
0x21: {  	s1 =	simm.s32 @!p0 $0x5;
	[sflag:s17] =	ssyncadd.s32 $0xFFFFD900;
	(pc) =	sbr.rel @!p1 .LBB2_5-.Ltmp1, $4  }
0x22: {  	[hbm:s10], [sflag:s18] =	dma.local @!p0 [spmem:s29], $0x200  }
0x23: {  	_ =	swait.ge @!p0 [sflag:s1], $0x200  }
0x24: {  	[sflag:s1] =	ssyncset.done @!p0 $0x0  }
0x25: {  	[sflag:s1] =	ssyncadd.s32 @!p0 $0xFFFFFE00  }
.LBB2_1:
0x26: {  	[tilespmem:s16], [sflag:$0x1] =	stream.linear.gather [hbm4b:s4+s3], $0x4000, $0x38;
	[tilespmem:$0x1CD00] =	vst v63  }
0x27: {  	_ = 	snop  }
0x28: {  	[tilespmem:s3], [sflag:$0x5] =	stream.linear.gather [hbm4b:s5+s3], $0x1400, $0x38;
	[tilespmem:$0x1CD00] =	vst v63  }
0x29: {  	_ =	swait.ge [sflag:s17], $0x1400  }
0x2a: {  	[sflag:s17] =	ssyncset.done $0x0  }
0x2b: {  	[sflag:s17] =	ssyncadd.s32 $0xFFFFEC00  }
0x2c: {  	[spmem:s19], [sflag:s18] =	dma.local [hbm:s6], $0x2700  }
0x2d: {  	_ =	swait.ge [sflag:s17], $0x2700  }
0x2e: {  	[sflag:s17] =	ssyncset.done $0x0  }
0x2f: {  	s29 =	sshrl.u32 @!p0 s7, $0x3;
	s30 =	simm.s32 @!p0 $0x5;
	[sflag:s17] =	ssyncadd.s32 $0xFFFFD900  }
0x30: {  	[spmem:s29], [sflag:s18] =	dma.local @!p0 [hbm:s8], $0x200  }
0x31: {  	_ =	swait.ge @!p0 [sflag:s30], $0x200  }
0x32: {  	[sflag:s30] =	ssyncset.done @!p0 $0x0  }
0x33: {  	[sflag:s30] =	ssyncadd.s32 @!p0 $0xFFFFFE00  }
0x34: {  	[bflag:$0x0] =	sbarrier.arrive $0xFFFF  }
0x35: {  	_ =	swait.ge [sflag:s20], $0x4000  }
0x36: {  	[sflag:s20] =	ssyncset.done $0x0  }
0x37: {  	[sflag:s20] =	ssyncadd.s32 $0xFFFFC000  }
0x38: {  	[tilespmem:s21], [sflag:$0x2] =	stream.linear.gather [hbm4b:s12+s3], $0x4000, $0x38;
	[tilespmem:$0x1CD00] =	vst v63  }
0x39: {  	_ = 	snop  }
0x3a: {  	[spmem:s2] =	stream.indirect.scatter.add.f32 [tilespmem:s16], [sflag:$0x3], $0x80, s3, s22, $0xb8;
	[tilespmem:$0x1CD00] =	vst v63  }
0x3b: {  	_ =	swait.ge [sflag:s23], $0x4000  }
0x3c: {  	[sflag:s23] =	ssyncset.done $0x0  }
0x3d: {  	[sflag:s23] =	ssyncadd.s32 $0xFFFFC000  }
0x3e: {  	_ =	swait.ge [sflag:s24], $0x4000  }
0x3f: {  	[sflag:s24] =	ssyncset.done $0x0  }
0x40: {  	[sflag:s24] =	ssyncadd.s32 $0xFFFFC000  }
0x41: {  	[tilespmem:s16], [sflag:$0x1] =	stream.linear.gather [hbm4b:s13+s3], $0x4000, $0x38;
	[tilespmem:$0x1CD00] =	vst v63  }
0x42: {  	s31 =	simm.s32 $0x0;
	s30 =	simm.s32 $0x100  }
0x43: {  	[spmem:s2] =	stream.indirect.scatter.add.f32 [tilespmem:s21], [sflag:$0x4], $0x80, s22, s22, $0xb8;
	[tilespmem:$0x1CD00] =	vst v63  }
.LBB2_2:
0x44: {  	_ =	swait.ge [sflag:s20], $0x4000  }
0x45: {  	[sflag:s20] =	ssyncset.done $0x0  }
0x46: {  	[sflag:s20] =	ssyncadd.s32 $0xFFFFC000  }
0x47: {  	_ =	swait.ge [sflag:s25], $0x4000  }
0x48: {  	[sflag:s25] =	ssyncset.done $0x0  }
0x49: {  	s1 =	sadd.s32 s31, s15;
	[sflag:s25] =	ssyncadd.s32 $0xFFFFC000  }
0x4a: {  	[tilespmem:s21], [sflag:$0x2] =	stream.linear.gather [hbm4b:s1+s3], $0x4000, $0x38;
	[tilespmem:$0x1CD00] =	vst v63  }
0x4b: {  	_ = 	snop  }
0x4c: {  	[spmem:s2] =	stream.indirect.scatter.add.f32 [tilespmem:s16], [sflag:$0x3], $0x80, s30, s22, $0xb8;
	[tilespmem:$0x1CD00] =	vst v63  }
0x4d: {  	p1 =	seq.s32 s31, $0x12000;
	_ =	swait.ge [sflag:s23], $0x4000  }
.Ltmp2:
0x4e: {  	[sflag:s23] =	ssyncset.done $0x0;
	(pc) =	sbr.rel @p1 .LBB2_4-.Ltmp2, $4  }
0x4f: {  	[sflag:s23] =	ssyncadd.s32 $0xFFFFC000  }
0x50: {  	_ =	swait.ge [sflag:s24], $0x4000  }
0x51: {  	[sflag:s24] =	ssyncset.done $0x0  }
0x52: {  	[sflag:s24] =	ssyncadd.s32 $0xFFFFC000  }
.Ltmp3:
0x53: {  	(pc) =	sbr.rel .LBB2_2-.Ltmp3, $4  }
0x54: {  	s1 =	sadd.s32 s31, s14  }
0x55: {  	[tilespmem:s16], [sflag:$0x1] =	stream.linear.gather [hbm4b:s1+s3], $0x4000, $0x38;
	[tilespmem:$0x1CD00] =	vst v63  }
0x56: {  	s31 =	sadd.s32 $0x1000, s31;
	s1 =	sadd.s32 $0x80, s30;
	s30 =	sadd.s32 $0x100, s30  }
0x57: {  	[spmem:s2] =	stream.indirect.scatter.add.f32 [tilespmem:s21], [sflag:$0x4], $0x80, s1, s22, $0xb8;
	[tilespmem:$0x1CD00] =	vst v63  }
.LBB2_5:
0x58: {  	_ =	sfence.sel $0x180000  }
0x59: {  	[bflag:$0x0] =	sbarrier.arrive $0xFFFF  }
0x5a: {  	_ =	strace $0x9000005C  }
0x5b: {  	[bflag:$0x2] =	sbarrier.arrive $0xFFFF  }
0x5c: {  	p0 =	sne.s32 s0, $0x0;
	s0 =	rddreg [dreg:$0x2]  }
0x5d: {  	s0 =	sadd.s32 @!p0 $0x100000, s0  }
0x5e: {  	[sflag:s0] =	ssyncadd.tile.s32 @!p0 $0x1;
	_ =	shalt  }
.Lfunc_end2:
_tile_overlayer_lowered:
.L_overlay_start_2:
0x5f: {  	(tag) =	ssettag $0x2  }
0x60: {  	s0 =	rddreg [dreg:$0x0];
	s2 =	stileid.u32  }
0x61: {  	s1 =	rddreg [dreg:$0x1];
	p0 =	sne.s32 s2, $0x0  }
0x62: {  	s3 =	rddreg [dreg:$0x2];
	[bflag:$0x3] =	sbarrier.arrive $0xFFFF;
	s2 =	simm.s32 @!p0 $0x1C05  }
0x63: {  	[timem:s3], [sflag:s2] =	dma.local @!p0 [hbm:s0], s1  }
0x64: {  	s0 =	simm.s32 @!p0 $0x5  }
0x65: {  	_ =	swait.ge @!p0 [sflag:s0], s1  }
0x66: {  	s1 =	ssub.s32 @!p0 $0x0, s1;
	[sflag:s0] =	ssyncset.done @!p0 $0x0  }
0x67: {  	[sflag:s0] =	ssyncadd.s32 @!p0 s1  }
0x68: {  	[bflag:$0x3] =	sbarrier.arrive $0xFFFF  }
0x69: {  	_ =	shalt  }

</sc_bundles>
